<compile_context>
chip_gen: v7x
topology: tpu7x:2x2x1
jax: 0.10.2.dev20260603
libtpu: 0.0.44.dev20260713+nightly
codegen_flags: <defaults>
</compile_context>

<pallas_src>
import functools

import jax
import jax.numpy as jnp
from jax import lax
from jax.experimental import pallas as pl
from jax.experimental.pallas import tpu as pltpu
from jax.experimental.pallas import tpu_sc as plsc

D_MODEL = 64
SCALE = 8.0
LANES = 16

NUM_CORES = 2
NUM_SUBCORES = 16
NUM_WORKERS = NUM_CORES * NUM_SUBCORES

CHUNK = 128
NBUF = 4


def _make_sc_embed(batch: int):
  assert batch % (NUM_WORKERS * CHUNK * NBUF) == 0
  b_per_w = batch // NUM_WORKERS
  n_chunks = b_per_w // CHUNK
  n_outer = n_chunks // NBUF

  mesh = plsc.VectorSubcoreMesh(
      core_axis_name="c", subcore_axis_name="s",
      num_cores=NUM_CORES, num_subcores=NUM_SUBCORES)

  @functools.partial(
      pl.kernel,
      mesh=mesh,
      compiler_params=pltpu.CompilerParams(use_tc_tiling_on_sc=False),
      out_type=jax.ShapeDtypeStruct((batch, D_MODEL), jnp.float32),
      scratch_types=[
          pltpu.VMEM((n_chunks, CHUNK), jnp.int32),
          [pltpu.VMEM((CHUNK, D_MODEL), jnp.float32)] * NBUF,
          [pltpu.VMEM((CHUNK, D_MODEL), jnp.float32)] * NBUF,
          [pltpu.SemaphoreType.DMA] * NBUF,
          [pltpu.SemaphoreType.DMA] * NBUF,
      ],
  )
  def embed(idx_hbm, table_hbm, out_hbm, idx_v, bufs_in, bufs_out,
            gsems, osems):
    wid = lax.axis_index("s") * NUM_CORES + lax.axis_index("c")
    base = wid * b_per_w

    pltpu.sync_copy(idx_hbm.at[pl.ds(wid * n_chunks, n_chunks)], idx_v)

    def issue_gather(g, b):
      pltpu.async_copy(table_hbm.at[idx_v.at[g]], bufs_in[b], gsems[b])

    def wait_gather(b):
      pltpu.make_async_copy(
          table_hbm.at[idx_v.at[0]], bufs_in[b], gsems[b]).wait()

    def issue_out(g, b):
      pltpu.async_copy(
          bufs_out[b], out_hbm.at[pl.ds(base + g * CHUNK, CHUNK)], osems[b])

    def wait_out(b):
      pltpu.make_async_copy(
          bufs_out[b], out_hbm.at[pl.ds(0, CHUNK)], osems[b]).wait()

    def scale(b):
      src, dst = bufs_in[b], bufs_out[b]

      def rows4(r4, _):
        r = r4 * 4
        for dr in range(4):
          for j in range(D_MODEL // LANES):
            sl = pl.ds(j * LANES, LANES)
            dst[r + dr, sl] = src[r + dr, sl] * SCALE
        return _

      lax.fori_loop(0, CHUNK // 4, rows4, None)

    def process(g, b, first, last):
      wait_gather(b)
      if not first:
        wait_out(b)
      scale(b)
      issue_out(g, b)
      if not last:
        issue_gather(g + NBUF, b)

    for b in range(NBUF):
      issue_gather(b, b)
    for b in range(NBUF):
      process(b, b, first=True, last=False)

    def outer(t, _):
      for b in range(NBUF):
        process(t * NBUF + b, b, first=False, last=False)
      return _

    lax.fori_loop(1, n_outer - 1, outer, None)

    for b in range(NBUF):
      process((n_outer - 1) * NBUF + b, b, first=False, last=True)
    for b in range(NBUF):
      wait_out(b)

  return embed


def kernel(x, table):
  batch = x.shape[0] * x.shape[1]
  flat_idx = x.reshape(batch // CHUNK, CHUNK).astype(jnp.int32)
  out = _make_sc_embed(batch)(flat_idx, table)
  return out.reshape(x.shape[0], x.shape[1], D_MODEL)

# --- scband reference (transcript-rebuilt; emitter-appended) ---
"""Pipeline reference for scband-embedding-21234318311471 (READ-ONLY COPY).

The authoritative reference and input builder live on the scoring server;
editing this copy changes nothing except your own understanding.
"""

import jax, jax.numpy as jnp
import numpy as np
import math

VOCAB = 1000000
D_MODEL = 64

def setup_inputs(seed: int = 0) -> dict:
    key = jax.random.key(seed)
    k1, k2 = jax.random.split(key)
    x = jax.random.randint(k1, (4096, 200), 0, VOCAB, dtype=jnp.int64) if jax.config.jax_enable_x64 else jax.random.randint(k1, (4096, 200), 0, VOCAB, dtype=jnp.int32)
    table = jax.random.normal(k2, (VOCAB, D_MODEL), dtype=jnp.float32)
    return {"x": x, "table": table}

def reference(x, table):
    # Embedding lookup scaled by sqrt(d_model)
    emb = jnp.take(table, x, axis=0)  # (B, L, d_model)
    return emb * math.sqrt(D_MODEL)

if __name__ == "__main__":
    import jax
    _d = setup_inputs()
    print(jax.jit(kernel)(*tuple(_d.values())))

</pallas_src>

<mosaic_0001>
#map = affine_map<(d0, d1) -> (0, 0)>
module attributes {stable_mosaic.version = 14 : i64} {
  func.func @embed(%arg0: i32, %arg1: i32, %arg2: memref<6400x128xi32, #tpu.memory_space<hbm>>, %arg3: memref<1000000x64xf32, #tpu.memory_space<hbm>>, %arg4: memref<819200x64xf32, #tpu.memory_space<hbm>>, %arg5: memref<200x128xi32, #tpu.memory_space<vmem>>, %arg6: memref<128x64xf32, #tpu.memory_space<vmem>>, %arg7: memref<128x64xf32, #tpu.memory_space<vmem>>, %arg8: memref<128x64xf32, #tpu.memory_space<vmem>>, %arg9: memref<128x64xf32, #tpu.memory_space<vmem>>, %arg10: memref<128x64xf32, #tpu.memory_space<vmem>>, %arg11: memref<128x64xf32, #tpu.memory_space<vmem>>, %arg12: memref<128x64xf32, #tpu.memory_space<vmem>>, %arg13: memref<128x64xf32, #tpu.memory_space<vmem>>, %arg14: memref<!tpu.dma_semaphore, #tpu.memory_space<semaphore_mem>>, %arg15: memref<!tpu.dma_semaphore, #tpu.memory_space<semaphore_mem>>, %arg16: memref<!tpu.dma_semaphore, #tpu.memory_space<semaphore_mem>>, %arg17: memref<!tpu.dma_semaphore, #tpu.memory_space<semaphore_mem>>, %arg18: memref<!tpu.dma_semaphore, #tpu.memory_space<semaphore_mem>>, %arg19: memref<!tpu.dma_semaphore, #tpu.memory_space<semaphore_mem>>, %arg20: memref<!tpu.dma_semaphore, #tpu.memory_space<semaphore_mem>>, %arg21: memref<!tpu.dma_semaphore, #tpu.memory_space<semaphore_mem>>) attributes {dimension_semantics = [#tpu.dimension_semantics<core_parallel>, #tpu.dimension_semantics<subcore_parallel>], iteration_bounds = array<i64: 2, 16>, scalar_prefetch = 0 : i64, scratch_operands = 17 : i64, tpu.core_type = #tpu.core_type<sc_vector_subcore>, window_params = [{transform_indices = #map}, {transform_indices = #map}, {transform_indices = #map}]} {
    %mul3A = arith.constant 2 : i32
    %mul3A_0 = arith.muli %arg1, %mul3A : i32
    %add3A = arith.addi %mul3A_0, %arg0 : i32
    %mul3A_1 = arith.constant 25600 : i32
    %mul3A_2 = arith.muli %add3A, %mul3A_1 : i32
    %mul3A_3 = arith.constant 200 : i32
    %mul3A_4 = arith.muli %add3A, %mul3A_3 : i32
    "tpu.region"() ({
      %run_scoped3A = tpu.sem_alloc : memref<!tpu.dma_semaphore, #tpu.memory_space<semaphore_mem>>
      %dma_start3A_255 = arith.constant 0 : i32
      %dma_start3A_256 = tpu.memref_slice %arg2[%mul3A_4, %dma_start3A_255] : memref<6400x128xi32, #tpu.memory_space<hbm>> -> memref<200x128xi32, #tpu.memory_space<hbm>>
      %dma_start3A_257 = arith.constant 0 : i32
      %dma_start3A_258 = tpu.memref_slice %arg2[%mul3A_4, %dma_start3A_257] : memref<6400x128xi32, #tpu.memory_space<hbm>> -> memref<200x128xi32, #tpu.memory_space<hbm>>
      tpu.enqueue_dma source(%dma_start3A_258 : memref<200x128xi32, #tpu.memory_space<hbm>>) target(%arg5 : memref<200x128xi32, #tpu.memory_space<vmem>>) target_semaphore(%run_scoped3A : memref<!tpu.dma_semaphore, #tpu.memory_space<semaphore_mem>>)
      %dma_wait3A_259 = arith.constant 0 : i32
      %dma_wait3A_260 = tpu.memref_slice %arg2[%mul3A_4, %dma_wait3A_259] : memref<6400x128xi32, #tpu.memory_space<hbm>> -> memref<200x128xi32, #tpu.memory_space<hbm>>
      %dma_wait3A_261 = arith.constant 0 : i32
      %dma_wait3A_262 = tpu.memref_slice %arg2[%mul3A_4, %dma_wait3A_261] : memref<6400x128xi32, #tpu.memory_space<hbm>> -> memref<200x128xi32, #tpu.memory_space<hbm>>
      tpu.wait_dma2 semaphore(%run_scoped3A : memref<!tpu.dma_semaphore, #tpu.memory_space<semaphore_mem>>) src(%dma_wait3A_262 : memref<200x128xi32, #tpu.memory_space<hbm>>) dst(%arg5 : memref<200x128xi32, #tpu.memory_space<vmem>>)
      tpu.yield
    }) : () -> ()
    %dma_start3A = arith.constant 0 : i32
    %dma_start3A_5 = arith.constant 0 : i32
    %dma_start3A_6 = tpu.memref_slice %arg5[%dma_start3A, %dma_start3A_5] : memref<200x128xi32, #tpu.memory_space<vmem>> -> memref<1x128xi32, #tpu.memory_space<vmem>>
    %dma_start3A_7 = tpu.memref_squeeze %dma_start3A_6 : memref<1x128xi32, #tpu.memory_space<vmem>> -> memref<128xi32, #tpu.memory_space<vmem>>
    %dma_start3A_8 = arith.constant 0 : i32
    %dma_start3A_9 = arith.constant 0 : i32
    %dma_start3A_10 = tpu.memref_slice %arg3[%dma_start3A_8, %dma_start3A_9] : memref<1000000x64xf32, #tpu.memory_space<hbm>> -> memref<1000000x64xf32, #tpu.memory_space<hbm>>
    tpu.enqueue_indirect_dma source(%dma_start3A_10 : memref<1000000x64xf32, #tpu.memory_space<hbm>>) target(%arg6 : memref<128x64xf32, #tpu.memory_space<vmem>>) offsets(%dma_start3A_7 : memref<128xi32, #tpu.memory_space<vmem>>) semaphore(%arg14 : memref<!tpu.dma_semaphore, #tpu.memory_space<semaphore_mem>>)
    %dma_start3A_11 = arith.constant 1 : i32
    %dma_start3A_12 = arith.constant 0 : i32
    %dma_start3A_13 = tpu.memref_slice %arg5[%dma_start3A_11, %dma_start3A_12] : memref<200x128xi32, #tpu.memory_space<vmem>> -> memref<1x128xi32, #tpu.memory_space<vmem>>
    %dma_start3A_14 = tpu.memref_squeeze %dma_start3A_13 : memref<1x128xi32, #tpu.memory_space<vmem>> -> memref<128xi32, #tpu.memory_space<vmem>>
    %dma_start3A_15 = arith.constant 0 : i32
    %dma_start3A_16 = arith.constant 0 : i32
    %dma_start3A_17 = tpu.memref_slice %arg3[%dma_start3A_15, %dma_start3A_16] : memref<1000000x64xf32, #tpu.memory_space<hbm>> -> memref<1000000x64xf32, #tpu.memory_space<hbm>>
    tpu.enqueue_indirect_dma source(%dma_start3A_17 : memref<1000000x64xf32, #tpu.memory_space<hbm>>) target(%arg7 : memref<128x64xf32, #tpu.memory_space<vmem>>) offsets(%dma_start3A_14 : memref<128xi32, #tpu.memory_space<vmem>>) semaphore(%arg15 : memref<!tpu.dma_semaphore, #tpu.memory_space<semaphore_mem>>)
    %dma_start3A_18 = arith.constant 2 : i32
    %dma_start3A_19 = arith.constant 0 : i32
    %dma_start3A_20 = tpu.memref_slice %arg5[%dma_start3A_18, %dma_start3A_19] : memref<200x128xi32, #tpu.memory_space<vmem>> -> memref<1x128xi32, #tpu.memory_space<vmem>>
    %dma_start3A_21 = tpu.memref_squeeze %dma_start3A_20 : memref<1x128xi32, #tpu.memory_space<vmem>> -> memref<128xi32, #tpu.memory_space<vmem>>
    %dma_start3A_22 = arith.constant 0 : i32
    %dma_start3A_23 = arith.constant 0 : i32
    %dma_start3A_24 = tpu.memref_slice %arg3[%dma_start3A_22, %dma_start3A_23] : memref<1000000x64xf32, #tpu.memory_space<hbm>> -> memref<1000000x64xf32, #tpu.memory_space<hbm>>
    tpu.enqueue_indirect_dma source(%dma_start3A_24 : memref<1000000x64xf32, #tpu.memory_space<hbm>>) target(%arg8 : memref<128x64xf32, #tpu.memory_space<vmem>>) offsets(%dma_start3A_21 : memref<128xi32, #tpu.memory_space<vmem>>) semaphore(%arg16 : memref<!tpu.dma_semaphore, #tpu.memory_space<semaphore_mem>>)
    %dma_start3A_25 = arith.constant 3 : i32
    %dma_start3A_26 = arith.constant 0 : i32
    %dma_start3A_27 = tpu.memref_slice %arg5[%dma_start3A_25, %dma_start3A_26] : memref<200x128xi32, #tpu.memory_space<vmem>> -> memref<1x128xi32, #tpu.memory_space<vmem>>
    %dma_start3A_28 = tpu.memref_squeeze %dma_start3A_27 : memref<1x128xi32, #tpu.memory_space<vmem>> -> memref<128xi32, #tpu.memory_space<vmem>>
    %dma_start3A_29 = arith.constant 0 : i32
    %dma_start3A_30 = arith.constant 0 : i32
    %dma_start3A_31 = tpu.memref_slice %arg3[%dma_start3A_29, %dma_start3A_30] : memref<1000000x64xf32, #tpu.memory_space<hbm>> -> memref<1000000x64xf32, #tpu.memory_space<hbm>>
    tpu.enqueue_indirect_dma source(%dma_start3A_31 : memref<1000000x64xf32, #tpu.memory_space<hbm>>) target(%arg9 : memref<128x64xf32, #tpu.memory_space<vmem>>) offsets(%dma_start3A_28 : memref<128xi32, #tpu.memory_space<vmem>>) semaphore(%arg17 : memref<!tpu.dma_semaphore, #tpu.memory_space<semaphore_mem>>)
    %dma_wait3A = arith.constant 0 : i32
    %dma_wait3A_32 = arith.constant 0 : i32
    %dma_wait3A_33 = tpu.memref_slice %arg5[%dma_wait3A, %dma_wait3A_32] : memref<200x128xi32, #tpu.memory_space<vmem>> -> memref<1x128xi32, #tpu.memory_space<vmem>>
    %dma_wait3A_34 = tpu.memref_squeeze %dma_wait3A_33 : memref<1x128xi32, #tpu.memory_space<vmem>> -> memref<128xi32, #tpu.memory_space<vmem>>
    %dma_wait3A_35 = arith.constant 0 : i32
    %dma_wait3A_36 = arith.constant 0 : i32
    %dma_wait3A_37 = tpu.memref_slice %arg3[%dma_wait3A_35, %dma_wait3A_36] : memref<1000000x64xf32, #tpu.memory_space<hbm>> -> memref<1000000x64xf32, #tpu.memory_space<hbm>>
    tpu.wait_indirect_dma semaphore(%arg14 : memref<!tpu.dma_semaphore, #tpu.memory_space<semaphore_mem>>) src(%dma_wait3A_37 : memref<1000000x64xf32, #tpu.memory_space<hbm>>) dst(%arg6 : memref<128x64xf32, #tpu.memory_space<vmem>>)
    %scan3A = arith.constant 0 : i32
    %scan3A_38 = arith.constant 32 : i32
    %scan3A_39 = arith.addi %scan3A, %scan3A_38 : i32
    %scan3A_40 = arith.constant 1 : i32
    scf.for %scan3A_255 = %scan3A to %scan3A_39 step %scan3A_40  : i32 {
      %mul3A_256 = arith.constant 4 : i32
      %mul3A_257 = arith.muli %scan3A_255, %mul3A_256 : i32
      %add3A_258 = arith.constant 0 : i32
      %add3A_259 = arith.addi %mul3A_257, %add3A_258 : i32
      %get3A = arith.index_cast %add3A_259 : i32 to index
      %get3A_260 = arith.constant 0 : index
      %get3A_261 = tpu.vector_load %arg6[%get3A, %get3A_260] {strides = array<i32>} : memref<128x64xf32, #tpu.memory_space<vmem>>, vector<1x16xf32>,
      %get3A_262 = vector.shape_cast %get3A_261 : vector<1x16xf32> to vector<16xf32>
      %mul3A_263 = arith.constant 8.000000e+00 : f32
      %mul3A_264 = vector.broadcast %mul3A_263 : f32 to vector<16xf32>
      %mul3A_265 = arith.mulf %get3A_262, %mul3A_264 : vector<16xf32>
      %add3A_266 = arith.constant 0 : i32
      %add3A_267 = arith.addi %mul3A_257, %add3A_266 : i32
      %swap3A = arith.index_cast %add3A_267 : i32 to index
      %swap3A_268 = arith.constant 0 : index
      %swap3A_269 = tpu.vector_load %arg10[%swap3A, %swap3A_268] {strides = array<i32>} : memref<128x64xf32, #tpu.memory_space<vmem>>, vector<1x16xf32>,
      %swap3A_270 = vector.shape_cast %swap3A_269 : vector<1x16xf32> to vector<16xf32>
      %swap3A_271 = vector.shape_cast %mul3A_265 : vector<16xf32> to vector<1x16xf32>
      tpu.vector_store %arg10[%swap3A, %swap3A_268], %swap3A_271 {strides = array<i32>} : memref<128x64xf32, #tpu.memory_space<vmem>>, vector<1x16xf32>,
      %add3A_272 = arith.constant 0 : i32
      %add3A_273 = arith.addi %mul3A_257, %add3A_272 : i32
      %get3A_274 = arith.index_cast %add3A_273 : i32 to index
      %get3A_275 = arith.constant 16 : index
      %get3A_276 = tpu.vector_load %arg6[%get3A_274, %get3A_275] {strides = array<i32>} : memref<128x64xf32, #tpu.memory_space<vmem>>, vector<1x16xf32>,
      %get3A_277 = vector.shape_cast %get3A_276 : vector<1x16xf32> to vector<16xf32>
      %mul3A_278 = arith.constant 8.000000e+00 : f32
      %mul3A_279 = vector.broadcast %mul3A_278 : f32 to vector<16xf32>
      %mul3A_280 = arith.mulf %get3A_277, %mul3A_279 : vector<16xf32>
      %add3A_281 = arith.constant 0 : i32
      %add3A_282 = arith.addi %mul3A_257, %add3A_281 : i32
      %swap3A_283 = arith.index_cast %add3A_282 : i32 to index
      %swap3A_284 = arith.constant 16 : index
      %swap3A_285 = tpu.vector_load %arg10[%swap3A_283, %swap3A_284] {strides = array<i32>} : memref<128x64xf32, #tpu.memory_space<vmem>>, vector<1x16xf32>,
      %swap3A_286 = vector.shape_cast %swap3A_285 : vector<1x16xf32> to vector<16xf32>
      %swap3A_287 = vector.shape_cast %mul3A_280 : vector<16xf32> to vector<1x16xf32>
      tpu.vector_store %arg10[%swap3A_283, %swap3A_284], %swap3A_287 {strides = array<i32>} : memref<128x64xf32, #tpu.memory_space<vmem>>, vector<1x16xf32>,
      %add3A_288 = arith.constant 0 : i32
      %add3A_289 = arith.addi %mul3A_257, %add3A_288 : i32
      %get3A_290 = arith.index_cast %add3A_289 : i32 to index
      %get3A_291 = arith.constant 32 : index
      %get3A_292 = tpu.vector_load %arg6[%get3A_290, %get3A_291] {strides = array<i32>} : memref<128x64xf32, #tpu.memory_space<vmem>>, vector<1x16xf32>,
      %get3A_293 = vector.shape_cast %get3A_292 : vector<1x16xf32> to vector<16xf32>
      %mul3A_294 = arith.constant 8.000000e+00 : f32
      %mul3A_295 = vector.broadcast %mul3A_294 : f32 to vector<16xf32>
      %mul3A_296 = arith.mulf %get3A_293, %mul3A_295 : vector<16xf32>
      %add3A_297 = arith.constant 0 : i32
      %add3A_298 = arith.addi %mul3A_257, %add3A_297 : i32
      %swap3A_299 = arith.index_cast %add3A_298 : i32 to index
      %swap3A_300 = arith.constant 32 : index
      %swap3A_301 = tpu.vector_load %arg10[%swap3A_299, %swap3A_300] {strides = array<i32>} : memref<128x64xf32, #tpu.memory_space<vmem>>, vector<1x16xf32>,
      %swap3A_302 = vector.shape_cast %swap3A_301 : vector<1x16xf32> to vector<16xf32>
      %swap3A_303 = vector.shape_cast %mul3A_296 : vector<16xf32> to vector<1x16xf32>
      tpu.vector_store %arg10[%swap3A_299, %swap3A_300], %swap3A_303 {strides = array<i32>} : memref<128x64xf32, #tpu.memory_space<vmem>>, vector<1x16xf32>,
      %add3A_304 = arith.constant 0 : i32
      %add3A_305 = arith.addi %mul3A_257, %add3A_304 : i32
      %get3A_306 = arith.index_cast %add3A_305 : i32 to index
      %get3A_307 = arith.constant 48 : index
      %get3A_308 = tpu.vector_load %arg6[%get3A_306, %get3A_307] {strides = array<i32>} : memref<128x64xf32, #tpu.memory_space<vmem>>, vector<1x16xf32>,
      %get3A_309 = vector.shape_cast %get3A_308 : vector<1x16xf32> to vector<16xf32>
      %mul3A_310 = arith.constant 8.000000e+00 : f32
      %mul3A_311 = vector.broadcast %mul3A_310 : f32 to vector<16xf32>
      %mul3A_312 = arith.mulf %get3A_309, %mul3A_311 : vector<16xf32>
      %add3A_313 = arith.constant 0 : i32
      %add3A_314 = arith.addi %mul3A_257, %add3A_313 : i32
      %swap3A_315 = arith.index_cast %add3A_314 : i32 to index
      %swap3A_316 = arith.constant 48 : index
      %swap3A_317 = tpu.vector_load %arg10[%swap3A_315, %swap3A_316] {strides = array<i32>} : memref<128x64xf32, #tpu.memory_space<vmem>>, vector<1x16xf32>,
      %swap3A_318 = vector.shape_cast %swap3A_317 : vector<1x16xf32> to vector<16xf32>
      %swap3A_319 = vector.shape_cast %mul3A_312 : vector<16xf32> to vector<1x16xf32>
      tpu.vector_store %arg10[%swap3A_315, %swap3A_316], %swap3A_319 {strides = array<i32>} : memref<128x64xf32, #tpu.memory_space<vmem>>, vector<1x16xf32>,
      %add3A_320 = arith.constant 1 : i32
      %add3A_321 = arith.addi %mul3A_257, %add3A_320 : i32
      %get3A_322 = arith.index_cast %add3A_321 : i32 to index
      %get3A_323 = arith.constant 0 : index
      %get3A_324 = tpu.vector_load %arg6[%get3A_322, %get3A_323] {strides = array<i32>} : memref<128x64xf32, #tpu.memory_space<vmem>>, vector<1x16xf32>,
      %get3A_325 = vector.shape_cast %get3A_324 : vector<1x16xf32> to vector<16xf32>
      %mul3A_326 = arith.constant 8.000000e+00 : f32
      %mul3A_327 = vector.broadcast %mul3A_326 : f32 to vector<16xf32>
      %mul3A_328 = arith.mulf %get3A_325, %mul3A_327 : vector<16xf32>
      %add3A_329 = arith.constant 1 : i32
      %add3A_330 = arith.addi %mul3A_257, %add3A_329 : i32
      %swap3A_331 = arith.index_cast %add3A_330 : i32 to index
      %swap3A_332 = arith.constant 0 : index
      %swap3A_333 = tpu.vector_load %arg10[%swap3A_331, %swap3A_332] {strides = array<i32>} : memref<128x64xf32, #tpu.memory_space<vmem>>, vector<1x16xf32>,
      %swap3A_334 = vector.shape_cast %swap3A_333 : vector<1x16xf32> to vector<16xf32>
      %swap3A_335 = vector.shape_cast %mul3A_328 : vector<16xf32> to vector<1x16xf32>
      tpu.vector_store %arg10[%swap3A_331, %swap3A_332], %swap3A_335 {strides = array<i32>} : memref<128x64xf32, #tpu.memory_space<vmem>>, vector<1x16xf32>,
      %add3A_336 = arith.constant 1 : i32
      %add3A_337 = arith.addi %mul3A_257, %add3A_336 : i32
      %get3A_338 = arith.index_cast %add3A_337 : i32 to index
      %get3A_339 = arith.constant 16 : index
      %get3A_340 = tpu.vector_load %arg6[%get3A_338, %get3A_339] {strides = array<i32>} : memref<128x64xf32, #tpu.memory_space<vmem>>, vector<1x16xf32>,
      %get3A_341 = vector.shape_cast %get3A_340 : vector<1x16xf32> to vector<16xf32>
      %mul3A_342 = arith.constant 8.000000e+00 : f32
      %mul3A_343 = vector.broadcast %mul3A_342 : f32 to vector<16xf32>
      %mul3A_344 = arith.mulf %get3A_341, %mul3A_343 : vector<16xf32>
      %add3A_345 = arith.constant 1 : i32
      %add3A_346 = arith.addi %mul3A_257, %add3A_345 : i32
      %swap3A_347 = arith.index_cast %add3A_346 : i32 to index
      %swap3A_348 = arith.constant 16 : index
      %swap3A_349 = tpu.vector_load %arg10[%swap3A_347, %swap3A_348] {strides = array<i32>} : memref<128x64xf32, #tpu.memory_space<vmem>>, vector<1x16xf32>,
      %swap3A_350 = vector.shape_cast %swap3A_349 : vector<1x16xf32> to vector<16xf32>
      %swap3A_351 = vector.shape_cast %mul3A_344 : vector<16xf32> to vector<1x16xf32>
      tpu.vector_store %arg10[%swap3A_347, %swap3A_348], %swap3A_351 {strides = array<i32>} : memref<128x64xf32, #tpu.memory_space<vmem>>, vector<1x16xf32>,
      %add3A_352 = arith.constant 1 : i32
      %add3A_353 = arith.addi %mul3A_257, %add3A_352 : i32
      %get3A_354 = arith.index_cast %add3A_353 : i32 to index
      %get3A_355 = arith.constant 32 : index
      %get3A_356 = tpu.vector_load %arg6[%get3A_354, %get3A_355] {strides = array<i32>} : memref<128x64xf32, #tpu.memory_space<vmem>>, vector<1x16xf32>,
      %get3A_357 = vector.shape_cast %get3A_356 : vector<1x16xf32> to vector<16xf32>
      %mul3A_358 = arith.constant 8.000000e+00 : f32
      %mul3A_359 = vector.broadcast %mul3A_358 : f32 to vector<16xf32>
      %mul3A_360 = arith.mulf %get3A_357, %mul3A_359 : vector<16xf32>
      %add3A_361 = arith.constant 1 : i32
      %add3A_362 = arith.addi %mul3A_257, %add3A_361 : i32
      %swap3A_363 = arith.index_cast %add3A_362 : i32 to index
      %swap3A_364 = arith.constant 32 : index
      %swap3A_365 = tpu.vector_load %arg10[%swap3A_363, %swap3A_364] {strides = array<i32>} : memref<128x64xf32, #tpu.memory_space<vmem>>, vector<1x16xf32>,
      %swap3A_366 = vector.shape_cast %swap3A_365 : vector<1x16xf32> to vector<16xf32>
      %swap3A_367 = vector.shape_cast %mul3A_360 : vector<16xf32> to vector<1x16xf32>
      tpu.vector_store %arg10[%swap3A_363, %swap3A_364], %swap3A_367 {strides = array<i32>} : memref<128x64xf32, #tpu.memory_space<vmem>>, vector<1x16xf32>,
      %add3A_368 = arith.constant 1 : i32
      %add3A_369 = arith.addi %mul3A_257, %add3A_368 : i32
      %get3A_370 = arith.index_cast %add3A_369 : i32 to index
      %get3A_371 = arith.constant 48 : index
      %get3A_372 = tpu.vector_load %arg6[%get3A_370, %get3A_371] {strides = array<i32>} : memref<128x64xf32, #tpu.memory_space<vmem>>, vector<1x16xf32>,
      %get3A_373 = vector.shape_cast %get3A_372 : vector<1x16xf32> to vector<16xf32>
      %mul3A_374 = arith.constant 8.000000e+00 : f32
      %mul3A_375 = vector.broadcast %mul3A_374 : f32 to vector<16xf32>
      %mul3A_376 = arith.mulf %get3A_373, %mul3A_375 : vector<16xf32>
      %add3A_377 = arith.constant 1 : i32
      %add3A_378 = arith.addi %mul3A_257, %add3A_377 : i32
      %swap3A_379 = arith.index_cast %add3A_378 : i32 to index
      %swap3A_380 = arith.constant 48 : index
      %swap3A_381 = tpu.vector_load %arg10[%swap3A_379, %swap3A_380] {strides = array<i32>} : memref<128x64xf32, #tpu.memory_space<vmem>>, vector<1x16xf32>,
      %swap3A_382 = vector.shape_cast %swap3A_381 : vector<1x16xf32> to vector<16xf32>
      %swap3A_383 = vector.shape_cast %mul3A_376 : vector<16xf32> to vector<1x16xf32>
      tpu.vector_store %arg10[%swap3A_379, %swap3A_380], %swap3A_383 {strides = array<i32>} : memref<128x64xf32, #tpu.memory_space<vmem>>, vector<1x16xf32>,
      %add3A_384 = arith.constant 2 : i32
      %add3A_385 = arith.addi %mul3A_257, %add3A_384 : i32
      %get3A_386 = arith.index_cast %add3A_385 : i32 to index
      %get3A_387 = arith.constant 0 : index
      %get3A_388 = tpu.vector_load %arg6[%get3A_386, %get3A_387] {strides = array<i32>} : memref<128x64xf32, #tpu.memory_space<vmem>>, vector<1x16xf32>,
      %get3A_389 = vector.shape_cast %get3A_388 : vector<1x16xf32> to vector<16xf32>
      %mul3A_390 = arith.constant 8.000000e+00 : f32
      %mul3A_391 = vector.broadcast %mul3A_390 : f32 to vector<16xf32>
      %mul3A_392 = arith.mulf %get3A_389, %mul3A_391 : vector<16xf32>
      %add3A_393 = arith.constant 2 : i32
      %add3A_394 = arith.addi %mul3A_257, %add3A_393 : i32
      %swap3A_395 = arith.index_cast %add3A_394 : i32 to index
      %swap3A_396 = arith.constant 0 : index
      %swap3A_397 = tpu.vector_load %arg10[%swap3A_395, %swap3A_396] {strides = array<i32>} : memref<128x64xf32, #tpu.memory_space<vmem>>, vector<1x16xf32>,
      %swap3A_398 = vector.shape_cast %swap3A_397 : vector<1x16xf32> to vector<16xf32>
      %swap3A_399 = vector.shape_cast %mul3A_392 : vector<16xf32> to vector<1x16xf32>
      tpu.vector_store %arg10[%swap3A_395, %swap3A_396], %swap3A_399 {strides = array<i32>} : memref<128x64xf32, #tpu.memory_space<vmem>>, vector<1x16xf32>,
      %add3A_400 = arith.constant 2 : i32
      %add3A_401 = arith.addi %mul3A_257, %add3A_400 : i32
      %get3A_402 = arith.index_cast %add3A_401 : i32 to index
      %get3A_403 = arith.constant 16 : index
      %get3A_404 = tpu.vector_load %arg6[%get3A_402, %get3A_403] {strides = array<i32>} : memref<128x64xf32, #tpu.memory_space<vmem>>, vector<1x16xf32>,
      %get3A_405 = vector.shape_cast %get3A_404 : vector<1x16xf32> to vector<16xf32>
      %mul3A_406 = arith.constant 8.000000e+00 : f32
      %mul3A_407 = vector.broadcast %mul3A_406 : f32 to vector<16xf32>
      %mul3A_408 = arith.mulf %get3A_405, %mul3A_407 : vector<16xf32>
      %add3A_409 = arith.constant 2 : i32
      %add3A_410 = arith.addi %mul3A_257, %add3A_409 : i32
      %swap3A_411 = arith.index_cast %add3A_410 : i32 to index
      %swap3A_412 = arith.constant 16 : index
      %swap3A_413 = tpu.vector_load %arg10[%swap3A_411, %swap3A_412] {strides = array<i32>} : memref<128x64xf32, #tpu.memory_space<vmem>>, vector<1x16xf32>,
      %swap3A_414 = vector.shape_cast %swap3A_413 : vector<1x16xf32> to vector<16xf32>
      %swap3A_415 = vector.shape_cast %mul3A_408 : vector<16xf32> to vector<1x16xf32>
      tpu.vector_store %arg10[%swap3A_411, %swap3A_412], %swap3A_415 {strides = array<i32>} : memref<128x64xf32, #tpu.memory_space<vmem>>, vector<1x16xf32>,
      %add3A_416 = arith.constant 2 : i32
      %add3A_417 = arith.addi %mul3A_257, %add3A_416 : i32
      %get3A_418 = arith.index_cast %add3A_417 : i32 to index
      %get3A_419 = arith.constant 32 : index
      %get3A_420 = tpu.vector_load %arg6[%get3A_418, %get3A_419] {strides = array<i32>} : memref<128x64xf32, #tpu.memory_space<vmem>>, vector<1x16xf32>,
      %get3A_421 = vector.shape_cast %get3A_420 : vector<1x16xf32> to vector<16xf32>
      %mul3A_422 = arith.constant 8.000000e+00 : f32
      %mul3A_423 = vector.broadcast %mul3A_422 : f32 to vector<16xf32>
      %mul3A_424 = arith.mulf %get3A_421, %mul3A_423 : vector<16xf32>
      %add3A_425 = arith.constant 2 : i32
      %add3A_426 = arith.addi %mul3A_257, %add3A_425 : i32
      %swap3A_427 = arith.index_cast %add3A_426 : i32 to index
      %swap3A_428 = arith.constant 32 : index
      %swap3A_429 = tpu.vector_load %arg10[%swap3A_427, %swap3A_428] {strides = array<i32>} : memref<128x64xf32, #tpu.memory_space<vmem>>, vector<1x16xf32>,
      %swap3A_430 = vector.shape_cast %swap3A_429 : vector<1x16xf32> to vector<16xf32>
      %swap3A_431 = vector.shape_cast %mul3A_424 : vector<16xf32> to vector<1x16xf32>
      tpu.vector_store %arg10[%swap3A_427, %swap3A_428], %swap3A_431 {strides = array<i32>} : memref<128x64xf32, #tpu.memory_space<vmem>>, vector<1x16xf32>,
      %add3A_432 = arith.constant 2 : i32
      %add3A_433 = arith.addi %mul3A_257, %add3A_432 : i32
      %get3A_434 = arith.index_cast %add3A_433 : i32 to index
      %get3A_435 = arith.constant 48 : index
      %get3A_436 = tpu.vector_load %arg6[%get3A_434, %get3A_435] {strides = array<i32>} : memref<128x64xf32, #tpu.memory_space<vmem>>, vector<1x16xf32>,
      %get3A_437 = vector.shape_cast %get3A_436 : vector<1x16xf32> to vector<16xf32>
      %mul3A_438 = arith.constant 8.000000e+00 : f32
      %mul3A_439 = vector.broadcast %mul3A_438 : f32 to vector<16xf32>
      %mul3A_440 = arith.mulf %get3A_437, %mul3A_439 : vector<16xf32>
      %add3A_441 = arith.constant 2 : i32
      %add3A_442 = arith.addi %mul3A_257, %add3A_441 : i32
      %swap3A_443 = arith.index_cast %add3A_442 : i32 to index
      %swap3A_444 = arith.constant 48 : index
      %swap3A_445 = tpu.vector_load %arg10[%swap3A_443, %swap3A_444] {strides = array<i32>} : memref<128x64xf32, #tpu.memory_space<vmem>>, vector<1x16xf32>,
      %swap3A_446 = vector.shape_cast %swap3A_445 : vector<1x16xf32> to vector<16xf32>
      %swap3A_447 = vector.shape_cast %mul3A_440 : vector<16xf32> to vector<1x16xf32>
      tpu.vector_store %arg10[%swap3A_443, %swap3A_444], %swap3A_447 {strides = array<i32>} : memref<128x64xf32, #tpu.memory_space<vmem>>, vector<1x16xf32>,
      %add3A_448 = arith.constant 3 : i32
      %add3A_449 = arith.addi %mul3A_257, %add3A_448 : i32
      %get3A_450 = arith.index_cast %add3A_449 : i32 to index
      %get3A_451 = arith.constant 0 : index
      %get3A_452 = tpu.vector_load %arg6[%get3A_450, %get3A_451] {strides = array<i32>} : memref<128x64xf32, #tpu.memory_space<vmem>>, vector<1x16xf32>,
      %get3A_453 = vector.shape_cast %get3A_452 : vector<1x16xf32> to vector<16xf32>
      %mul3A_454 = arith.constant 8.000000e+00 : f32
      %mul3A_455 = vector.broadcast %mul3A_454 : f32 to vector<16xf32>
      %mul3A_456 = arith.mulf %get3A_453, %mul3A_455 : vector<16xf32>
      %add3A_457 = arith.constant 3 : i32
      %add3A_458 = arith.addi %mul3A_257, %add3A_457 : i32
      %swap3A_459 = arith.index_cast %add3A_458 : i32 to index
      %swap3A_460 = arith.constant 0 : index
      %swap3A_461 = tpu.vector_load %arg10[%swap3A_459, %swap3A_460] {strides = array<i32>} : memref<128x64xf32, #tpu.memory_space<vmem>>, vector<1x16xf32>,
      %swap3A_462 = vector.shape_cast %swap3A_461 : vector<1x16xf32> to vector<16xf32>
      %swap3A_463 = vector.shape_cast %mul3A_456 : vector<16xf32> to vector<1x16xf32>
      tpu.vector_store %arg10[%swap3A_459, %swap3A_460], %swap3A_463 {strides = array<i32>} : memref<128x64xf32, #tpu.memory_space<vmem>>, vector<1x16xf32>,
      %add3A_464 = arith.constant 3 : i32
      %add3A_465 = arith.addi %mul3A_257, %add3A_464 : i32
      %get3A_466 = arith.index_cast %add3A_465 : i32 to index
      %get3A_467 = arith.constant 16 : index
      %get3A_468 = tpu.vector_load %arg6[%get3A_466, %get3A_467] {strides = array<i32>} : memref<128x64xf32, #tpu.memory_space<vmem>>, vector<1x16xf32>,
      %get3A_469 = vector.shape_cast %get3A_468 : vector<1x16xf32> to vector<16xf32>
      %mul3A_470 = arith.constant 8.000000e+00 : f32
      %mul3A_471 = vector.broadcast %mul3A_470 : f32 to vector<16xf32>
      %mul3A_472 = arith.mulf %get3A_469, %mul3A_471 : vector<16xf32>
      %add3A_473 = arith.constant 3 : i32
      %add3A_474 = arith.addi %mul3A_257, %add3A_473 : i32
      %swap3A_475 = arith.index_cast %add3A_474 : i32 to index
      %swap3A_476 = arith.constant 16 : index
      %swap3A_477 = tpu.vector_load %arg10[%swap3A_475, %swap3A_476] {strides = array<i32>} : memref<128x64xf32, #tpu.memory_space<vmem>>, vector<1x16xf32>,
      %swap3A_478 = vector.shape_cast %swap3A_477 : vector<1x16xf32> to vector<16xf32>
      %swap3A_479 = vector.shape_cast %mul3A_472 : vector<16xf32> to vector<1x16xf32>
      tpu.vector_store %arg10[%swap3A_475, %swap3A_476], %swap3A_479 {strides = array<i32>} : memref<128x64xf32, #tpu.memory_space<vmem>>, vector<1x16xf32>,
      %add3A_480 = arith.constant 3 : i32
      %add3A_481 = arith.addi %mul3A_257, %add3A_480 : i32
      %get3A_482 = arith.index_cast %add3A_481 : i32 to index
      %get3A_483 = arith.constant 32 : index
      %get3A_484 = tpu.vector_load %arg6[%get3A_482, %get3A_483] {strides = array<i32>} : memref<128x64xf32, #tpu.memory_space<vmem>>, vector<1x16xf32>,
      %get3A_485 = vector.shape_cast %get3A_484 : vector<1x16xf32> to vector<16xf32>
      %mul3A_486 = arith.constant 8.000000e+00 : f32
      %mul3A_487 = vector.broadcast %mul3A_486 : f32 to vector<16xf32>
      %mul3A_488 = arith.mulf %get3A_485, %mul3A_487 : vector<16xf32>
      %add3A_489 = arith.constant 3 : i32
      %add3A_490 = arith.addi %mul3A_257, %add3A_489 : i32
      %swap3A_491 = arith.index_cast %add3A_490 : i32 to index
      %swap3A_492 = arith.constant 32 : index
      %swap3A_493 = tpu.vector_load %arg10[%swap3A_491, %swap3A_492] {strides = array<i32>} : memref<128x64xf32, #tpu.memory_space<vmem>>, vector<1x16xf32>,
      %swap3A_494 = vector.shape_cast %swap3A_493 : vector<1x16xf32> to vector<16xf32>
      %swap3A_495 = vector.shape_cast %mul3A_488 : vector<16xf32> to vector<1x16xf32>
      tpu.vector_store %arg10[%swap3A_491, %swap3A_492], %swap3A_495 {strides = array<i32>} : memref<128x64xf32, #tpu.memory_space<vmem>>, vector<1x16xf32>,
      %add3A_496 = arith.constant 3 : i32
      %add3A_497 = arith.addi %mul3A_257, %add3A_496 : i32
      %get3A_498 = arith.index_cast %add3A_497 : i32 to index
      %get3A_499 = arith.constant 48 : index
      %get3A_500 = tpu.vector_load %arg6[%get3A_498, %get3A_499] {strides = array<i32>} : memref<128x64xf32, #tpu.memory_space<vmem>>, vector<1x16xf32>,
      %get3A_501 = vector.shape_cast %get3A_500 : vector<1x16xf32> to vector<16xf32>
      %mul3A_502 = arith.constant 8.000000e+00 : f32
      %mul3A_503 = vector.broadcast %mul3A_502 : f32 to vector<16xf32>
      %mul3A_504 = arith.mulf %get3A_501, %mul3A_503 : vector<16xf32>
      %add3A_505 = arith.constant 3 : i32
      %add3A_506 = arith.addi %mul3A_257, %add3A_505 : i32
      %swap3A_507 = arith.index_cast %add3A_506 : i32 to index
      %swap3A_508 = arith.constant 48 : index
      %swap3A_509 = tpu.vector_load %arg10[%swap3A_507, %swap3A_508] {strides = array<i32>} : memref<128x64xf32, #tpu.memory_space<vmem>>, vector<1x16xf32>,
      %swap3A_510 = vector.shape_cast %swap3A_509 : vector<1x16xf32> to vector<16xf32>
      %swap3A_511 = vector.shape_cast %mul3A_504 : vector<16xf32> to vector<1x16xf32>
      tpu.vector_store %arg10[%swap3A_507, %swap3A_508], %swap3A_511 {strides = array<i32>} : memref<128x64xf32, #tpu.memory_space<vmem>>, vector<1x16xf32>,
    }
    %scan3A_41 = arith.constant 32 : i32
    %add3A_42 = arith.constant 0 : i32
    %add3A_43 = arith.addi %mul3A_2, %add3A_42 : i32
    %dma_start3A_44 = arith.constant 0 : i32
    %dma_start3A_45 = tpu.memref_slice %arg4[%add3A_43, %dma_start3A_44] : memref<819200x64xf32, #tpu.memory_space<hbm>> -> memref<128x64xf32, #tpu.memory_space<hbm>>
    %dma_start3A_46 = arith.constant 0 : i32
    %dma_start3A_47 = tpu.memref_slice %arg4[%add3A_43, %dma_start3A_46] : memref<819200x64xf32, #tpu.memory_space<hbm>> -> memref<128x64xf32, #tpu.memory_space<hbm>>
    tpu.enqueue_dma source(%arg10 : memref<128x64xf32, #tpu.memory_space<vmem>>) target(%dma_start3A_47 : memref<128x64xf32, #tpu.memory_space<hbm>>) target_semaphore(%arg18 : memref<!tpu.dma_semaphore, #tpu.memory_space<semaphore_mem>>)
    %dma_start3A_48 = arith.constant 4 : i32
    %dma_start3A_49 = arith.constant 0 : i32
    %dma_start3A_50 = tpu.memref_slice %arg5[%dma_start3A_48, %dma_start3A_49] : memref<200x128xi32, #tpu.memory_space<vmem>> -> memref<1x128xi32, #tpu.memory_space<vmem>>
    %dma_start3A_51 = tpu.memref_squeeze %dma_start3A_50 : memref<1x128xi32, #tpu.memory_space<vmem>> -> memref<128xi32, #tpu.memory_space<vmem>>
    %dma_start3A_52 = arith.constant 0 : i32
    %dma_start3A_53 = arith.constant 0 : i32
    %dma_start3A_54 = tpu.memref_slice %arg3[%dma_start3A_52, %dma_start3A_53] : memref<1000000x64xf32, #tpu.memory_space<hbm>> -> memref<1000000x64xf32, #tpu.memory_space<hbm>>
    tpu.enqueue_indirect_dma source(%dma_start3A_54 : memref<1000000x64xf32, #tpu.memory_space<hbm>>) target(%arg6 : memref<128x64xf32, #tpu.memory_space<vmem>>) offsets(%dma_start3A_51 : memref<128xi32, #tpu.memory_space<vmem>>) semaphore(%arg14 : memref<!tpu.dma_semaphore, #tpu.memory_space<semaphore_mem>>)
    %dma_wait3A_55 = arith.constant 0 : i32
    %dma_wait3A_56 = arith.constant 0 : i32
    %dma_wait3A_57 = tpu.memref_slice %arg5[%dma_wait3A_55, %dma_wait3A_56] : memref<200x128xi32, #tpu.memory_space<vmem>> -> memref<1x128xi32, #tpu.memory_space<vmem>>
    %dma_wait3A_58 = tpu.memref_squeeze %dma_wait3A_57 : memref<1x128xi32, #tpu.memory_space<vmem>> -> memref<128xi32, #tpu.memory_space<vmem>>
    %dma_wait3A_59 = arith.constant 0 : i32
    %dma_wait3A_60 = arith.constant 0 : i32
    %dma_wait3A_61 = tpu.memref_slice %arg3[%dma_wait3A_59, %dma_wait3A_60] : memref<1000000x64xf32, #tpu.memory_space<hbm>> -> memref<1000000x64xf32, #tpu.memory_space<hbm>>
    tpu.wait_indirect_dma semaphore(%arg15 : memref<!tpu.dma_semaphore, #tpu.memory_space<semaphore_mem>>) src(%dma_wait3A_61 : memref<1000000x64xf32, #tpu.memory_space<hbm>>) dst(%arg7 : memref<128x64xf32, #tpu.memory_space<vmem>>)
    %scan3A_62 = arith.constant 0 : i32
    %scan3A_63 = arith.constant 32 : i32
    %scan3A_64 = arith.addi %scan3A_62, %scan3A_63 : i32
    %scan3A_65 = arith.constant 1 : i32
    scf.for %scan3A_255 = %scan3A_62 to %scan3A_64 step %scan3A_65  : i32 {
      %mul3A_256 = arith.constant 4 : i32
      %mul3A_257 = arith.muli %scan3A_255, %mul3A_256 : i32
      %add3A_258 = arith.constant 0 : i32
      %add3A_259 = arith.addi %mul3A_257, %add3A_258 : i32
      %get3A = arith.index_cast %add3A_259 : i32 to index
      %get3A_260 = arith.constant 0 : index
      %get3A_261 = tpu.vector_load %arg7[%get3A, %get3A_260] {strides = array<i32>} : memref<128x64xf32, #tpu.memory_space<vmem>>, vector<1x16xf32>,
      %get3A_262 = vector.shape_cast %get3A_261 : vector<1x16xf32> to vector<16xf32>
      %mul3A_263 = arith.constant 8.000000e+00 : f32
      %mul3A_264 = vector.broadcast %mul3A_263 : f32 to vector<16xf32>
      %mul3A_265 = arith.mulf %get3A_262, %mul3A_264 : vector<16xf32>
      %add3A_266 = arith.constant 0 : i32
      %add3A_267 = arith.addi %mul3A_257, %add3A_266 : i32
      %swap3A = arith.index_cast %add3A_267 : i32 to index
      %swap3A_268 = arith.constant 0 : index
      %swap3A_269 = tpu.vector_load %arg11[%swap3A, %swap3A_268] {strides = array<i32>} : memref<128x64xf32, #tpu.memory_space<vmem>>, vector<1x16xf32>,
      %swap3A_270 = vector.shape_cast %swap3A_269 : vector<1x16xf32> to vector<16xf32>
      %swap3A_271 = vector.shape_cast %mul3A_265 : vector<16xf32> to vector<1x16xf32>
      tpu.vector_store %arg11[%swap3A, %swap3A_268], %swap3A_271 {strides = array<i32>} : memref<128x64xf32, #tpu.memory_space<vmem>>, vector<1x16xf32>,
      %add3A_272 = arith.constant 0 : i32
      %add3A_273 = arith.addi %mul3A_257, %add3A_272 : i32
      %get3A_274 = arith.index_cast %add3A_273 : i32 to index
      %get3A_275 = arith.constant 16 : index
      %get3A_276 = tpu.vector_load %arg7[%get3A_274, %get3A_275] {strides = array<i32>} : memref<128x64xf32, #tpu.memory_space<vmem>>, vector<1x16xf32>,
      %get3A_277 = vector.shape_cast %get3A_276 : vector<1x16xf32> to vector<16xf32>
      %mul3A_278 = arith.constant 8.000000e+00 : f32
      %mul3A_279 = vector.broadcast %mul3A_278 : f32 to vector<16xf32>
      %mul3A_280 = arith.mulf %get3A_277, %mul3A_279 : vector<16xf32>
      %add3A_281 = arith.constant 0 : i32
      %add3A_282 = arith.addi %mul3A_257, %add3A_281 : i32
      %swap3A_283 = arith.index_cast %add3A_282 : i32 to index
      %swap3A_284 = arith.constant 16 : index
      %swap3A_285 = tpu.vector_load %arg11[%swap3A_283, %swap3A_284] {strides = array<i32>} : memref<128x64xf32, #tpu.memory_space<vmem>>, vector<1x16xf32>,
      %swap3A_286 = vector.shape_cast %swap3A_285 : vector<1x16xf32> to vector<16xf32>
      %swap3A_287 = vector.shape_cast %mul3A_280 : vector<16xf32> to vector<1x16xf32>
      tpu.vector_store %arg11[%swap3A_283, %swap3A_284], %swap3A_287 {strides = array<i32>} : memref<128x64xf32, #tpu.memory_space<vmem>>, vector<1x16xf32>,
      %add3A_288 = arith.constant 0 : i32
      %add3A_289 = arith.addi %mul3A_257, %add3A_288 : i32
      %get3A_290 = arith.index_cast %add3A_289 : i32 to index
      %get3A_291 = arith.constant 32 : index
      %get3A_292 = tpu.vector_load %arg7[%get3A_290, %get3A_291] {strides = array<i32>} : memref<128x64xf32, #tpu.memory_space<vmem>>, vector<1x16xf32>,
      %get3A_293 = vector.shape_cast %get3A_292 : vector<1x16xf32> to vector<16xf32>
      %mul3A_294 = arith.constant 8.000000e+00 : f32
      %mul3A_295 = vector.broadcast %mul3A_294 : f32 to vector<16xf32>
      %mul3A_296 = arith.mulf %get3A_293, %mul3A_295 : vector<16xf32>
      %add3A_297 = arith.constant 0 : i32
      %add3A_298 = arith.addi %mul3A_257, %add3A_297 : i32
      %swap3A_299 = arith.index_cast %add3A_298 : i32 to index
      %swap3A_300 = arith.constant 32 : index
      %swap3A_301 = tpu.vector_load %arg11[%swap3A_299, %swap3A_300] {strides = array<i32>} : memref<128x64xf32, #tpu.memory_space<vmem>>, vector<1x16xf32>,
      %swap3A_302 = vector.shape_cast %swap3A_301 : vector<1x16xf32> to vector<16xf32>
      %swap3A_303 = vector.shape_cast %mul3A_296 : vector<16xf32> to vector<1x16xf32>
      tpu.vector_store %arg11[%swap3A_299, %swap3A_300], %swap3A_303 {strides = array<i32>} : memref<128x64xf32, #tpu.memory_space<vmem>>, vector<1x16xf32>,
      %add3A_304 = arith.constant 0 : i32
      %add3A_305 = arith.addi %mul3A_257, %add3A_304 : i32
      %get3A_306 = arith.index_cast %add3A_305 : i32 to index
      %get3A_307 = arith.constant 48 : index
      %get3A_308 = tpu.vector_load %arg7[%get3A_306, %get3A_307] {strides = array<i32>} : memref<128x64xf32, #tpu.memory_space<vmem>>, vector<1x16xf32>,
      %get3A_309 = vector.shape_cast %get3A_308 : vector<1x16xf32> to vector<16xf32>
      %mul3A_310 = arith.constant 8.000000e+00 : f32
      %mul3A_311 = vector.broadcast %mul3A_310 : f32 to vector<16xf32>
      %mul3A_312 = arith.mulf %get3A_309, %mul3A_311 : vector<16xf32>
      %add3A_313 = arith.constant 0 : i32
      %add3A_314 = arith.addi %mul3A_257, %add3A_313 : i32
      %swap3A_315 = arith.index_cast %add3A_314 : i32 to index
      %swap3A_316 = arith.constant 48 : index
      %swap3A_317 = tpu.vector_load %arg11[%swap3A_315, %swap3A_316] {strides = array<i32>} : memref<128x64xf32, #tpu.memory_space<vmem>>, vector<1x16xf32>,
      %swap3A_318 = vector.shape_cast %swap3A_317 : vector<1x16xf32> to vector<16xf32>
      %swap3A_319 = vector.shape_cast %mul3A_312 : vector<16xf32> to vector<1x16xf32>
      tpu.vector_store %arg11[%swap3A_315, %swap3A_316], %swap3A_319 {strides = array<i32>} : memref<128x64xf32, #tpu.memory_space<vmem>>, vector<1x16xf32>,
      %add3A_320 = arith.constant 1 : i32
      %add3A_321 = arith.addi %mul3A_257, %add3A_320 : i32
      %get3A_322 = arith.index_cast %add3A_321 : i32 to index
      %get3A_323 = arith.constant 0 : index
      %get3A_324 = tpu.vector_load %arg7[%get3A_322, %get3A_323] {strides = array<i32>} : memref<128x64xf32, #tpu.memory_space<vmem>>, vector<1x16xf32>,
      %get3A_325 = vector.shape_cast %get3A_324 : vector<1x16xf32> to vector<16xf32>
      %mul3A_326 = arith.constant 8.000000e+00 : f32
      %mul3A_327 = vector.broadcast %mul3A_326 : f32 to vector<16xf32>
      %mul3A_328 = arith.mulf %get3A_325, %mul3A_327 : vector<16xf32>
      %add3A_329 = arith.constant 1 : i32
      %add3A_330 = arith.addi %mul3A_257, %add3A_329 : i32
      %swap3A_331 = arith.index_cast %add3A_330 : i32 to index
      %swap3A_332 = arith.constant 0 : index
      %swap3A_333 = tpu.vector_load %arg11[%swap3A_331, %swap3A_332] {strides = array<i32>} : memref<128x64xf32, #tpu.memory_space<vmem>>, vector<1x16xf32>,
      %swap3A_334 = vector.shape_cast %swap3A_333 : vector<1x16xf32> to vector<16xf32>
      %swap3A_335 = vector.shape_cast %mul3A_328 : vector<16xf32> to vector<1x16xf32>
      tpu.vector_store %arg11[%swap3A_331, %swap3A_332], %swap3A_335 {strides = array<i32>} : memref<128x64xf32, #tpu.memory_space<vmem>>, vector<1x16xf32>,
      %add3A_336 = arith.constant 1 : i32
      %add3A_337 = arith.addi %mul3A_257, %add3A_336 : i32
      %get3A_338 = arith.index_cast %add3A_337 : i32 to index
      %get3A_339 = arith.constant 16 : index
      %get3A_340 = tpu.vector_load %arg7[%get3A_338, %get3A_339] {strides = array<i32>} : memref<128x64xf32, #tpu.memory_space<vmem>>, vector<1x16xf32>,
      %get3A_341 = vector.shape_cast %get3A_340 : vector<1x16xf32> to vector<16xf32>
      %mul3A_342 = arith.constant 8.000000e+00 : f32
      %mul3A_343 = vector.broadcast %mul3A_342 : f32 to vector<16xf32>
      %mul3A_344 = arith.mulf %get3A_341, %mul3A_343 : vector<16xf32>
      %add3A_345 = arith.constant 1 : i32
      %add3A_346 = arith.addi %mul3A_257, %add3A_345 : i32
      %swap3A_347 = arith.index_cast %add3A_346 : i32 to index
      %swap3A_348 = arith.constant 16 : index
      %swap3A_349 = tpu.vector_load %arg11[%swap3A_347, %swap3A_348] {strides = array<i32>} : memref<128x64xf32, #tpu.memory_space<vmem>>, vector<1x16xf32>,
      %swap3A_350 = vector.shape_cast %swap3A_349 : vector<1x16xf32> to vector<16xf32>
      %swap3A_351 = vector.shape_cast %mul3A_344 : vector<16xf32> to vector<1x16xf32>
      tpu.vector_store %arg11[%swap3A_347, %swap3A_348], %swap3A_351 {strides = array<i32>} : memref<128x64xf32, #tpu.memory_space<vmem>>, vector<1x16xf32>,
      %add3A_352 = arith.constant 1 : i32
      %add3A_353 = arith.addi %mul3A_257, %add3A_352 : i32
      %get3A_354 = arith.index_cast %add3A_353 : i32 to index
      %get3A_355 = arith.constant 32 : index
      %get3A_356 = tpu.vector_load %arg7[%get3A_354, %get3A_355] {strides = array<i32>} : memref<128x64xf32, #tpu.memory_space<vmem>>, vector<1x16xf32>,
      %get3A_357 = vector.shape_cast %get3A_356 : vector<1x16xf32> to vector<16xf32>
      %mul3A_358 = arith.constant 8.000000e+00 : f32
      %mul3A_359 = vector.broadcast %mul3A_358 : f32 to vector<16xf32>
      %mul3A_360 = arith.mulf %get3A_357, %mul3A_359 : vector<16xf32>
      %add3A_361 = arith.constant 1 : i32
      %add3A_362 = arith.addi %mul3A_257, %add3A_361 : i32
      %swap3A_363 = arith.index_cast %add3A_362 : i32 to index
      %swap3A_364 = arith.constant 32 : index
      %swap3A_365 = tpu.vector_load %arg11[%swap3A_363, %swap3A_364] {strides = array<i32>} : memref<128x64xf32, #tpu.memory_space<vmem>>, vector<1x16xf32>,
      %swap3A_366 = vector.shape_cast %swap3A_365 : vector<1x16xf32> to vector<16xf32>
      %swap3A_367 = vector.shape_cast %mul3A_360 : vector<16xf32> to vector<1x16xf32>
      tpu.vector_store %arg11[%swap3A_363, %swap3A_364], %swap3A_367 {strides = array<i32>} : memref<128x64xf32, #tpu.memory_space<vmem>>, vector<1x16xf32>,
      %add3A_368 = arith.constant 1 : i32
      %add3A_369 = arith.addi %mul3A_257, %add3A_368 : i32
      %get3A_370 = arith.index_cast %add3A_369 : i32 to index
      %get3A_371 = arith.constant 48 : index
      %get3A_372 = tpu.vector_load %arg7[%get3A_370, %get3A_371] {strides = array<i32>} : memref<128x64xf32, #tpu.memory_space<vmem>>, vector<1x16xf32>,
      %get3A_373 = vector.shape_cast %get3A_372 : vector<1x16xf32> to vector<16xf32>
      %mul3A_374 = arith.constant 8.000000e+00 : f32
      %mul3A_375 = vector.broadcast %mul3A_374 : f32 to vector<16xf32>
      %mul3A_376 = arith.mulf %get3A_373, %mul3A_375 : vector<16xf32>
      %add3A_377 = arith.constant 1 : i32
      %add3A_378 = arith.addi %mul3A_257, %add3A_377 : i32
      %swap3A_379 = arith.index_cast %add3A_378 : i32 to index
      %swap3A_380 = arith.constant 48 : index
      %swap3A_381 = tpu.vector_load %arg11[%swap3A_379, %swap3A_380] {strides = array<i32>} : memref<128x64xf32, #tpu.memory_space<vmem>>, vector<1x16xf32>,
      %swap3A_382 = vector.shape_cast %swap3A_381 : vector<1x16xf32> to vector<16xf32>
      %swap3A_383 = vector.shape_cast %mul3A_376 : vector<16xf32> to vector<1x16xf32>
      tpu.vector_store %arg11[%swap3A_379, %swap3A_380], %swap3A_383 {strides = array<i32>} : memref<128x64xf32, #tpu.memory_space<vmem>>, vector<1x16xf32>,
      %add3A_384 = arith.constant 2 : i32
      %add3A_385 = arith.addi %mul3A_257, %add3A_384 : i32
      %get3A_386 = arith.index_cast %add3A_385 : i32 to index
      %get3A_387 = arith.constant 0 : index
      %get3A_388 = tpu.vector_load %arg7[%get3A_386, %get3A_387] {strides = array<i32>} : memref<128x64xf32, #tpu.memory_space<vmem>>, vector<1x16xf32>,
      %get3A_389 = vector.shape_cast %get3A_388 : vector<1x16xf32> to vector<16xf32>
      %mul3A_390 = arith.constant 8.000000e+00 : f32
      %mul3A_391 = vector.broadcast %mul3A_390 : f32 to vector<16xf32>
      %mul3A_392 = arith.mulf %get3A_389, %mul3A_391 : vector<16xf32>
      %add3A_393 = arith.constant 2 : i32
      %add3A_394 = arith.addi %mul3A_257, %add3A_393 : i32
      %swap3A_395 = arith.index_cast %add3A_394 : i32 to index
      %swap3A_396 = arith.constant 0 : index
      %swap3A_397 = tpu.vector_load %arg11[%swap3A_395, %swap3A_396] {strides = array<i32>} : memref<128x64xf32, #tpu.memory_space<vmem>>, vector<1x16xf32>,
      %swap3A_398 = vector.shape_cast %swap3A_397 : vector<1x16xf32> to vector<16xf32>
      %swap3A_399 = vector.shape_cast %mul3A_392 : vector<16xf32> to vector<1x16xf32>
      tpu.vector_store %arg11[%swap3A_395, %swap3A_396], %swap3A_399 {strides = array<i32>} : memref<128x64xf32, #tpu.memory_space<vmem>>, vector<1x16xf32>,
      %add3A_400 = arith.constant 2 : i32
      %add3A_401 = arith.addi %mul3A_257, %add3A_400 : i32
      %get3A_402 = arith.index_cast %add3A_401 : i32 to index
      %get3A_403 = arith.constant 16 : index
      %get3A_404 = tpu.vector_load %arg7[%get3A_402, %get3A_403] {strides = array<i32>} : memref<128x64xf32, #tpu.memory_space<vmem>>, vector<1x16xf32>,
      %get3A_405 = vector.shape_cast %get3A_404 : vector<1x16xf32> to vector<16xf32>
      %mul3A_406 = arith.constant 8.000000e+00 : f32
      %mul3A_407 = vector.broadcast %mul3A_406 : f32 to vector<16xf32>
      %mul3A_408 = arith.mulf %get3A_405, %mul3A_407 : vector<16xf32>
      %add3A_409 = arith.constant 2 : i32
      %add3A_410 = arith.addi %mul3A_257, %add3A_409 : i32
      %swap3A_411 = arith.index_cast %add3A_410 : i32 to index
      %swap3A_412 = arith.constant 16 : index
      %swap3A_413 = tpu.vector_load %arg11[%swap3A_411, %swap3A_412] {strides = array<i32>} : memref<128x64xf32, #tpu.memory_space<vmem>>, vector<1x16xf32>,
      %swap3A_414 = vector.shape_cast %swap3A_413 : vector<1x16xf32> to vector<16xf32>
      %swap3A_415 = vector.shape_cast %mul3A_408 : vector<16xf32> to vector<1x16xf32>
      tpu.vector_store %arg11[%swap3A_411, %swap3A_412], %swap3A_415 {strides = array<i32>} : memref<128x64xf32, #tpu.memory_space<vmem>>, vector<1x16xf32>,
      %add3A_416 = arith.constant 2 : i32
      %add3A_417 = arith.addi %mul3A_257, %add3A_416 : i32
      %get3A_418 = arith.index_cast %add3A_417 : i32 to index
      %get3A_419 = arith.constant 32 : index
      %get3A_420 = tpu.vector_load %arg7[%get3A_418, %get3A_419] {strides = array<i32>} : memref<128x64xf32, #tpu.memory_space<vmem>>, vector<1x16xf32>,
      %get3A_421 = vector.shape_cast %get3A_420 : vector<1x16xf32> to vector<16xf32>
      %mul3A_422 = arith.constant 8.000000e+00 : f32
      %mul3A_423 = vector.broadcast %mul3A_422 : f32 to vector<16xf32>
      %mul3A_424 = arith.mulf %get3A_421, %mul3A_423 : vector<16xf32>
      %add3A_425 = arith.constant 2 : i32
      %add3A_426 = arith.addi %mul3A_257, %add3A_425 : i32
      %swap3A_427 = arith.index_cast %add3A_426 : i32 to index
      %swap3A_428 = arith.constant 32 : index
      %swap3A_429 = tpu.vector_load %arg11[%swap3A_427, %swap3A_428] {strides = array<i32>} : memref<128x64xf32, #tpu.memory_space<vmem>>, vector<1x16xf32>,
      %swap3A_430 = vector.shape_cast %swap3A_429 : vector<1x16xf32> to vector<16xf32>
      %swap3A_431 = vector.shape_cast %mul3A_424 : vector<16xf32> to vector<1x16xf32>
      tpu.vector_store %arg11[%swap3A_427, %swap3A_428], %swap3A_431 {strides = array<i32>} : memref<128x64xf32, #tpu.memory_space<vmem>>, vector<1x16xf32>,
      %add3A_432 = arith.constant 2 : i32
      %add3A_433 = arith.addi %mul3A_257, %add3A_432 : i32
      %get3A_434 = arith.index_cast %add3A_433 : i32 to index
      %get3A_435 = arith.constant 48 : index
      %get3A_436 = tpu.vector_load %arg7[%get3A_434, %get3A_435] {strides = array<i32>} : memref<128x64xf32, #tpu.memory_space<vmem>>, vector<1x16xf32>,
      %get3A_437 = vector.shape_cast %get3A_436 : vector<1x16xf32> to vector<16xf32>
      %mul3A_438 = arith.constant 8.000000e+00 : f32
      %mul3A_439 = vector.broadcast %mul3A_438 : f32 to vector<16xf32>
      %mul3A_440 = arith.mulf %get3A_437, %mul3A_439 : vector<16xf32>
      %add3A_441 = arith.constant 2 : i32
      %add3A_442 = arith.addi %mul3A_257, %add3A_441 : i32
      %swap3A_443 = arith.index_cast %add3A_442 : i32 to index
      %swap3A_444 = arith.constant 48 : index
      %swap3A_445 = tpu.vector_load %arg11[%swap3A_443, %swap3A_444] {strides = array<i32>} : memref<128x64xf32, #tpu.memory_space<vmem>>, vector<1x16xf32>,
      %swap3A_446 = vector.shape_cast %swap3A_445 : vector<1x16xf32> to vector<16xf32>
      %swap3A_447 = vector.shape_cast %mul3A_440 : vector<16xf32> to vector<1x16xf32>
      tpu.vector_store %arg11[%swap3A_443, %swap3A_444], %swap3A_447 {strides = array<i32>} : memref<128x64xf32, #tpu.memory_space<vmem>>, vector<1x16xf32>,
      %add3A_448 = arith.constant 3 : i32
      %add3A_449 = arith.addi %mul3A_257, %add3A_448 : i32
      %get3A_450 = arith.index_cast %add3A_449 : i32 to index
      %get3A_451 = arith.constant 0 : index
      %get3A_452 = tpu.vector_load %arg7[%get3A_450, %get3A_451] {strides = array<i32>} : memref<128x64xf32, #tpu.memory_space<vmem>>, vector<1x16xf32>,
      %get3A_453 = vector.shape_cast %get3A_452 : vector<1x16xf32> to vector<16xf32>
      %mul3A_454 = arith.constant 8.000000e+00 : f32
      %mul3A_455 = vector.broadcast %mul3A_454 : f32 to vector<16xf32>
      %mul3A_456 = arith.mulf %get3A_453, %mul3A_455 : vector<16xf32>
      %add3A_457 = arith.constant 3 : i32
      %add3A_458 = arith.addi %mul3A_257, %add3A_457 : i32
      %swap3A_459 = arith.index_cast %add3A_458 : i32 to index
      %swap3A_460 = arith.constant 0 : index
      %swap3A_461 = tpu.vector_load %arg11[%swap3A_459, %swap3A_460] {strides = array<i32>} : memref<128x64xf32, #tpu.memory_space<vmem>>, vector<1x16xf32>,
      %swap3A_462 = vector.shape_cast %swap3A_461 : vector<1x16xf32> to vector<16xf32>
      %swap3A_463 = vector.shape_cast %mul3A_456 : vector<16xf32> to vector<1x16xf32>
      tpu.vector_store %arg11[%swap3A_459, %swap3A_460], %swap3A_463 {strides = array<i32>} : memref<128x64xf32, #tpu.memory_space<vmem>>, vector<1x16xf32>,
      %add3A_464 = arith.constant 3 : i32
      %add3A_465 = arith.addi %mul3A_257, %add3A_464 : i32
      %get3A_466 = arith.index_cast %add3A_465 : i32 to index
      %get3A_467 = arith.constant 16 : index
      %get3A_468 = tpu.vector_load %arg7[%get3A_466, %get3A_467] {strides = array<i32>} : memref<128x64xf32, #tpu.memory_space<vmem>>, vector<1x16xf32>,
      %get3A_469 = vector.shape_cast %get3A_468 : vector<1x16xf32> to vector<16xf32>
      %mul3A_470 = arith.constant 8.000000e+00 : f32
      %mul3A_471 = vector.broadcast %mul3A_470 : f32 to vector<16xf32>
      %mul3A_472 = arith.mulf %get3A_469, %mul3A_471 : vector<16xf32>
      %add3A_473 = arith.constant 3 : i32
      %add3A_474 = arith.addi %mul3A_257, %add3A_473 : i32
      %swap3A_475 = arith.index_cast %add3A_474 : i32 to index
      %swap3A_476 = arith.constant 16 : index
      %swap3A_477 = tpu.vector_load %arg11[%swap3A_475, %swap3A_476] {strides = array<i32>} : memref<128x64xf32, #tpu.memory_space<vmem>>, vector<1x16xf32>,
      %swap3A_478 = vector.shape_cast %swap3A_477 : vector<1x16xf32> to vector<16xf32>
      %swap3A_479 = vector.shape_cast %mul3A_472 : vector<16xf32> to vector<1x16xf32>
      tpu.vector_store %arg11[%swap3A_475, %swap3A_476], %swap3A_479 {strides = array<i32>} : memref<128x64xf32, #tpu.memory_space<vmem>>, vector<1x16xf32>,
      %add3A_480 = arith.constant 3 : i32
      %add3A_481 = arith.addi %mul3A_257, %add3A_480 : i32
      %get3A_482 = arith.index_cast %add3A_481 : i32 to index
      %get3A_483 = arith.constant 32 : index
      %get3A_484 = tpu.vector_load %arg7[%get3A_482, %get3A_483] {strides = array<i32>} : memref<128x64xf32, #tpu.memory_space<vmem>>, vector<1x16xf32>,
      %get3A_485 = vector.shape_cast %get3A_484 : vector<1x16xf32> to vector<16xf32>
      %mul3A_486 = arith.constant 8.000000e+00 : f32
      %mul3A_487 = vector.broadcast %mul3A_486 : f32 to vector<16xf32>
      %mul3A_488 = arith.mulf %get3A_485, %mul3A_487 : vector<16xf32>
      %add3A_489 = arith.constant 3 : i32
      %add3A_490 = arith.addi %mul3A_257, %add3A_489 : i32
      %swap3A_491 = arith.index_cast %add3A_490 : i32 to index
      %swap3A_492 = arith.constant 32 : index
      %swap3A_493 = tpu.vector_load %arg11[%swap3A_491, %swap3A_492] {strides = array<i32>} : memref<128x64xf32, #tpu.memory_space<vmem>>, vector<1x16xf32>,
      %swap3A_494 = vector.shape_cast %swap3A_493 : vector<1x16xf32> to vector<16xf32>
      %swap3A_495 = vector.shape_cast %mul3A_488 : vector<16xf32> to vector<1x16xf32>
      tpu.vector_store %arg11[%swap3A_491, %swap3A_492], %swap3A_495 {strides = array<i32>} : memref<128x64xf32, #tpu.memory_space<vmem>>, vector<1x16xf32>,
      %add3A_496 = arith.constant 3 : i32
      %add3A_497 = arith.addi %mul3A_257, %add3A_496 : i32
      %get3A_498 = arith.index_cast %add3A_497 : i32 to index
      %get3A_499 = arith.constant 48 : index
      %get3A_500 = tpu.vector_load %arg7[%get3A_498, %get3A_499] {strides = array<i32>} : memref<128x64xf32, #tpu.memory_space<vmem>>, vector<1x16xf32>,
      %get3A_501 = vector.shape_cast %get3A_500 : vector<1x16xf32> to vector<16xf32>
      %mul3A_502 = arith.constant 8.000000e+00 : f32
      %mul3A_503 = vector.broadcast %mul3A_502 : f32 to vector<16xf32>
      %mul3A_504 = arith.mulf %get3A_501, %mul3A_503 : vector<16xf32>
      %add3A_505 = arith.constant 3 : i32
      %add3A_506 = arith.addi %mul3A_257, %add3A_505 : i32
      %swap3A_507 = arith.index_cast %add3A_506 : i32 to index
      %swap3A_508 = arith.constant 48 : index
      %swap3A_509 = tpu.vector_load %arg11[%swap3A_507, %swap3A_508] {strides = array<i32>} : memref<128x64xf32, #tpu.memory_space<vmem>>, vector<1x16xf32>,
      %swap3A_510 = vector.shape_cast %swap3A_509 : vector<1x16xf32> to vector<16xf32>
      %swap3A_511 = vector.shape_cast %mul3A_504 : vector<16xf32> to vector<1x16xf32>
      tpu.vector_store %arg11[%swap3A_507, %swap3A_508], %swap3A_511 {strides = array<i32>} : memref<128x64xf32, #tpu.memory_space<vmem>>, vector<1x16xf32>,
    }
    %scan3A_66 = arith.constant 32 : i32
    %add3A_67 = arith.constant 128 : i32
    %add3A_68 = arith.addi %mul3A_2, %add3A_67 : i32
    %dma_start3A_69 = arith.constant 0 : i32
    %dma_start3A_70 = tpu.memref_slice %arg4[%add3A_68, %dma_start3A_69] : memref<819200x64xf32, #tpu.memory_space<hbm>> -> memref<128x64xf32, #tpu.memory_space<hbm>>
    %dma_start3A_71 = arith.constant 0 : i32
    %dma_start3A_72 = tpu.memref_slice %arg4[%add3A_68, %dma_start3A_71] : memref<819200x64xf32, #tpu.memory_space<hbm>> -> memref<128x64xf32, #tpu.memory_space<hbm>>
    tpu.enqueue_dma source(%arg11 : memref<128x64xf32, #tpu.memory_space<vmem>>) target(%dma_start3A_72 : memref<128x64xf32, #tpu.memory_space<hbm>>) target_semaphore(%arg19 : memref<!tpu.dma_semaphore, #tpu.memory_space<semaphore_mem>>)
    %dma_start3A_73 = arith.constant 5 : i32
    %dma_start3A_74 = arith.constant 0 : i32
    %dma_start3A_75 = tpu.memref_slice %arg5[%dma_start3A_73, %dma_start3A_74] : memref<200x128xi32, #tpu.memory_space<vmem>> -> memref<1x128xi32, #tpu.memory_space<vmem>>
    %dma_start3A_76 = tpu.memref_squeeze %dma_start3A_75 : memref<1x128xi32, #tpu.memory_space<vmem>> -> memref<128xi32, #tpu.memory_space<vmem>>
    %dma_start3A_77 = arith.constant 0 : i32
    %dma_start3A_78 = arith.constant 0 : i32
    %dma_start3A_79 = tpu.memref_slice %arg3[%dma_start3A_77, %dma_start3A_78] : memref<1000000x64xf32, #tpu.memory_space<hbm>> -> memref<1000000x64xf32, #tpu.memory_space<hbm>>
    tpu.enqueue_indirect_dma source(%dma_start3A_79 : memref<1000000x64xf32, #tpu.memory_space<hbm>>) target(%arg7 : memref<128x64xf32, #tpu.memory_space<vmem>>) offsets(%dma_start3A_76 : memref<128xi32, #tpu.memory_space<vmem>>) semaphore(%arg15 : memref<!tpu.dma_semaphore, #tpu.memory_space<semaphore_mem>>)
    %dma_wait3A_80 = arith.constant 0 : i32
    %dma_wait3A_81 = arith.constant 0 : i32
    %dma_wait3A_82 = tpu.memref_slice %arg5[%dma_wait3A_80, %dma_wait3A_81] : memref<200x128xi32, #tpu.memory_space<vmem>> -> memref<1x128xi32, #tpu.memory_space<vmem>>
    %dma_wait3A_83 = tpu.memref_squeeze %dma_wait3A_82 : memref<1x128xi32, #tpu.memory_space<vmem>> -> memref<128xi32, #tpu.memory_space<vmem>>
    %dma_wait3A_84 = arith.constant 0 : i32
    %dma_wait3A_85 = arith.constant 0 : i32
    %dma_wait3A_86 = tpu.memref_slice %arg3[%dma_wait3A_84, %dma_wait3A_85] : memref<1000000x64xf32, #tpu.memory_space<hbm>> -> memref<1000000x64xf32, #tpu.memory_space<hbm>>
    tpu.wait_indirect_dma semaphore(%arg16 : memref<!tpu.dma_semaphore, #tpu.memory_space<semaphore_mem>>) src(%dma_wait3A_86 : memref<1000000x64xf32, #tpu.memory_space<hbm>>) dst(%arg8 : memref<128x64xf32, #tpu.memory_space<vmem>>)
    %scan3A_87 = arith.constant 0 : i32
    %scan3A_88 = arith.constant 32 : i32
    %scan3A_89 = arith.addi %scan3A_87, %scan3A_88 : i32
    %scan3A_90 = arith.constant 1 : i32
    scf.for %scan3A_255 = %scan3A_87 to %scan3A_89 step %scan3A_90  : i32 {
      %mul3A_256 = arith.constant 4 : i32
      %mul3A_257 = arith.muli %scan3A_255, %mul3A_256 : i32
      %add3A_258 = arith.constant 0 : i32
      %add3A_259 = arith.addi %mul3A_257, %add3A_258 : i32
      %get3A = arith.index_cast %add3A_259 : i32 to index
      %get3A_260 = arith.constant 0 : index
      %get3A_261 = tpu.vector_load %arg8[%get3A, %get3A_260] {strides = array<i32>} : memref<128x64xf32, #tpu.memory_space<vmem>>, vector<1x16xf32>,
      %get3A_262 = vector.shape_cast %get3A_261 : vector<1x16xf32> to vector<16xf32>
      %mul3A_263 = arith.constant 8.000000e+00 : f32
      %mul3A_264 = vector.broadcast %mul3A_263 : f32 to vector<16xf32>
      %mul3A_265 = arith.mulf %get3A_262, %mul3A_264 : vector<16xf32>
      %add3A_266 = arith.constant 0 : i32
      %add3A_267 = arith.addi %mul3A_257, %add3A_266 : i32
      %swap3A = arith.index_cast %add3A_267 : i32 to index
      %swap3A_268 = arith.constant 0 : index
      %swap3A_269 = tpu.vector_load %arg12[%swap3A, %swap3A_268] {strides = array<i32>} : memref<128x64xf32, #tpu.memory_space<vmem>>, vector<1x16xf32>,
      %swap3A_270 = vector.shape_cast %swap3A_269 : vector<1x16xf32> to vector<16xf32>
      %swap3A_271 = vector.shape_cast %mul3A_265 : vector<16xf32> to vector<1x16xf32>
      tpu.vector_store %arg12[%swap3A, %swap3A_268], %swap3A_271 {strides = array<i32>} : memref<128x64xf32, #tpu.memory_space<vmem>>, vector<1x16xf32>,
      %add3A_272 = arith.constant 0 : i32
      %add3A_273 = arith.addi %mul3A_257, %add3A_272 : i32
      %get3A_274 = arith.index_cast %add3A_273 : i32 to index
      %get3A_275 = arith.constant 16 : index
      %get3A_276 = tpu.vector_load %arg8[%get3A_274, %get3A_275] {strides = array<i32>} : memref<128x64xf32, #tpu.memory_space<vmem>>, vector<1x16xf32>,
      %get3A_277 = vector.shape_cast %get3A_276 : vector<1x16xf32> to vector<16xf32>
      %mul3A_278 = arith.constant 8.000000e+00 : f32
      %mul3A_279 = vector.broadcast %mul3A_278 : f32 to vector<16xf32>
      %mul3A_280 = arith.mulf %get3A_277, %mul3A_279 : vector<16xf32>
      %add3A_281 = arith.constant 0 : i32
      %add3A_282 = arith.addi %mul3A_257, %add3A_281 : i32
      %swap3A_283 = arith.index_cast %add3A_282 : i32 to index
      %swap3A_284 = arith.constant 16 : index
      %swap3A_285 = tpu.vector_load %arg12[%swap3A_283, %swap3A_284] {strides = array<i32>} : memref<128x64xf32, #tpu.memory_space<vmem>>, vector<1x16xf32>,
      %swap3A_286 = vector.shape_cast %swap3A_285 : vector<1x16xf32> to vector<16xf32>
      %swap3A_287 = vector.shape_cast %mul3A_280 : vector<16xf32> to vector<1x16xf32>
      tpu.vector_store %arg12[%swap3A_283, %swap3A_284], %swap3A_287 {strides = array<i32>} : memref<128x64xf32, #tpu.memory_space<vmem>>, vector<1x16xf32>,
      %add3A_288 = arith.constant 0 : i32
      %add3A_289 = arith.addi %mul3A_257, %add3A_288 : i32
      %get3A_290 = arith.index_cast %add3A_289 : i32 to index
      %get3A_291 = arith.constant 32 : index
      %get3A_292 = tpu.vector_load %arg8[%get3A_290, %get3A_291] {strides = array<i32>} : memref<128x64xf32, #tpu.memory_space<vmem>>, vector<1x16xf32>,
      %get3A_293 = vector.shape_cast %get3A_292 : vector<1x16xf32> to vector<16xf32>
      %mul3A_294 = arith.constant 8.000000e+00 : f32
      %mul3A_295 = vector.broadcast %mul3A_294 : f32 to vector<16xf32>
      %mul3A_296 = arith.mulf %get3A_293, %mul3A_295 : vector<16xf32>
      %add3A_297 = arith.constant 0 : i32
      %add3A_298 = arith.addi %mul3A_257, %add3A_297 : i32
      %swap3A_299 = arith.index_cast %add3A_298 : i32 to index
      %swap3A_300 = arith.constant 32 : index
      %swap3A_301 = tpu.vector_load %arg12[%swap3A_299, %swap3A_300] {strides = array<i32>} : memref<128x64xf32, #tpu.memory_space<vmem>>, vector<1x16xf32>,
      %swap3A_302 = vector.shape_cast %swap3A_301 : vector<1x16xf32> to vector<16xf32>
      %swap3A_303 = vector.shape_cast %mul3A_296 : vector<16xf32> to vector<1x16xf32>
      tpu.vector_store %arg12[%swap3A_299, %swap3A_300], %swap3A_303 {strides = array<i32>} : memref<128x64xf32, #tpu.memory_space<vmem>>, vector<1x16xf32>,
      %add3A_304 = arith.constant 0 : i32
      %add3A_305 = arith.addi %mul3A_257, %add3A_304 : i32
      %get3A_306 = arith.index_cast %add3A_305 : i32 to index
      %get3A_307 = arith.constant 48 : index
      %get3A_308 = tpu.vector_load %arg8[%get3A_306, %get3A_307] {strides = array<i32>} : memref<128x64xf32, #tpu.memory_space<vmem>>, vector<1x16xf32>,
      %get3A_309 = vector.shape_cast %get3A_308 : vector<1x16xf32> to vector<16xf32>
      %mul3A_310 = arith.constant 8.000000e+00 : f32
      %mul3A_311 = vector.broadcast %mul3A_310 : f32 to vector<16xf32>
      %mul3A_312 = arith.mulf %get3A_309, %mul3A_311 : vector<16xf32>
      %add3A_313 = arith.constant 0 : i32
      %add3A_314 = arith.addi %mul3A_257, %add3A_313 : i32
      %swap3A_315 = arith.index_cast %add3A_314 : i32 to index
      %swap3A_316 = arith.constant 48 : index
      %swap3A_317 = tpu.vector_load %arg12[%swap3A_315, %swap3A_316] {strides = array<i32>} : memref<128x64xf32, #tpu.memory_space<vmem>>, vector<1x16xf32>,
      %swap3A_318 = vector.shape_cast %swap3A_317 : vector<1x16xf32> to vector<16xf32>
      %swap3A_319 = vector.shape_cast %mul3A_312 : vector<16xf32> to vector<1x16xf32>
      tpu.vector_store %arg12[%swap3A_315, %swap3A_316], %swap3A_319 {strides = array<i32>} : memref<128x64xf32, #tpu.memory_space<vmem>>, vector<1x16xf32>,
      %add3A_320 = arith.constant 1 : i32
      %add3A_321 = arith.addi %mul3A_257, %add3A_320 : i32
      %get3A_322 = arith.index_cast %add3A_321 : i32 to index
      %get3A_323 = arith.constant 0 : index
      %get3A_324 = tpu.vector_load %arg8[%get3A_322, %get3A_323] {strides = array<i32>} : memref<128x64xf32, #tpu.memory_space<vmem>>, vector<1x16xf32>,
      %get3A_325 = vector.shape_cast %get3A_324 : vector<1x16xf32> to vector<16xf32>
      %mul3A_326 = arith.constant 8.000000e+00 : f32
      %mul3A_327 = vector.broadcast %mul3A_326 : f32 to vector<16xf32>
      %mul3A_328 = arith.mulf %get3A_325, %mul3A_327 : vector<16xf32>
      %add3A_329 = arith.constant 1 : i32
      %add3A_330 = arith.addi %mul3A_257, %add3A_329 : i32
      %swap3A_331 = arith.index_cast %add3A_330 : i32 to index
      %swap3A_332 = arith.constant 0 : index
      %swap3A_333 = tpu.vector_load %arg12[%swap3A_331, %swap3A_332] {strides = array<i32>} : memref<128x64xf32, #tpu.memory_space<vmem>>, vector<1x16xf32>,
      %swap3A_334 = vector.shape_cast %swap3A_333 : vector<1x16xf32> to vector<16xf32>
      %swap3A_335 = vector.shape_cast %mul3A_328 : vector<16xf32> to vector<1x16xf32>
      tpu.vector_store %arg12[%swap3A_331, %swap3A_332], %swap3A_335 {strides = array<i32>} : memref<128x64xf32, #tpu.memory_space<vmem>>, vector<1x16xf32>,
      %add3A_336 = arith.constant 1 : i32
      %add3A_337 = arith.addi %mul3A_257, %add3A_336 : i32
      %get3A_338 = arith.index_cast %add3A_337 : i32 to index
      %get3A_339 = arith.constant 16 : index
      %get3A_340 = tpu.vector_load %arg8[%get3A_338, %get3A_339] {strides = array<i32>} : memref<128x64xf32, #tpu.memory_space<vmem>>, vector<1x16xf32>,
      %get3A_341 = vector.shape_cast %get3A_340 : vector<1x16xf32> to vector<16xf32>
      %mul3A_342 = arith.constant 8.000000e+00 : f32
      %mul3A_343 = vector.broadcast %mul3A_342 : f32 to vector<16xf32>
      %mul3A_344 = arith.mulf %get3A_341, %mul3A_343 : vector<16xf32>
      %add3A_345 = arith.constant 1 : i32
      %add3A_346 = arith.addi %mul3A_257, %add3A_345 : i32
      %swap3A_347 = arith.index_cast %add3A_346 : i32 to index
      %swap3A_348 = arith.constant 16 : index
      %swap3A_349 = tpu.vector_load %arg12[%swap3A_347, %swap3A_348] {strides = array<i32>} : memref<128x64xf32, #tpu.memory_space<vmem>>, vector<1x16xf32>,
      %swap3A_350 = vector.shape_cast %swap3A_349 : vector<1x16xf32> to vector<16xf32>
      %swap3A_351 = vector.shape_cast %mul3A_344 : vector<16xf32> to vector<1x16xf32>
      tpu.vector_store %arg12[%swap3A_347, %swap3A_348], %swap3A_351 {strides = array<i32>} : memref<128x64xf32, #tpu.memory_space<vmem>>, vector<1x16xf32>,
      %add3A_352 = arith.constant 1 : i32
      %add3A_353 = arith.addi %mul3A_257, %add3A_352 : i32
      %get3A_354 = arith.index_cast %add3A_353 : i32 to index
      %get3A_355 = arith.constant 32 : index
      %get3A_356 = tpu.vector_load %arg8[%get3A_354, %get3A_355] {strides = array<i32>} : memref<128x64xf32, #tpu.memory_space<vmem>>, vector<1x16xf32>,
      %get3A_357 = vector.shape_cast %get3A_356 : vector<1x16xf32> to vector<16xf32>
      %mul3A_358 = arith.constant 8.000000e+00 : f32
      %mul3A_359 = vector.broadcast %mul3A_358 : f32 to vector<16xf32>
      %mul3A_360 = arith.mulf %get3A_357, %mul3A_359 : vector<16xf32>
      %add3A_361 = arith.constant 1 : i32
      %add3A_362 = arith.addi %mul3A_257, %add3A_361 : i32
      %swap3A_363 = arith.index_cast %add3A_362 : i32 to index
      %swap3A_364 = arith.constant 32 : index
      %swap3A_365 = tpu.vector_load %arg12[%swap3A_363, %swap3A_364] {strides = array<i32>} : memref<128x64xf32, #tpu.memory_space<vmem>>, vector<1x16xf32>,
      %swap3A_366 = vector.shape_cast %swap3A_365 : vector<1x16xf32> to vector<16xf32>
      %swap3A_367 = vector.shape_cast %mul3A_360 : vector<16xf32> to vector<1x16xf32>
      tpu.vector_store %arg12[%swap3A_363, %swap3A_364], %swap3A_367 {strides = array<i32>} : memref<128x64xf32, #tpu.memory_space<vmem>>, vector<1x16xf32>,
      %add3A_368 = arith.constant 1 : i32
      %add3A_369 = arith.addi %mul3A_257, %add3A_368 : i32
      %get3A_370 = arith.index_cast %add3A_369 : i32 to index
      %get3A_371 = arith.constant 48 : index
      %get3A_372 = tpu.vector_load %arg8[%get3A_370, %get3A_371] {strides = array<i32>} : memref<128x64xf32, #tpu.memory_space<vmem>>, vector<1x16xf32>,
      %get3A_373 = vector.shape_cast %get3A_372 : vector<1x16xf32> to vector<16xf32>
      %mul3A_374 = arith.constant 8.000000e+00 : f32
      %mul3A_375 = vector.broadcast %mul3A_374 : f32 to vector<16xf32>
      %mul3A_376 = arith.mulf %get3A_373, %mul3A_375 : vector<16xf32>
      %add3A_377 = arith.constant 1 : i32
      %add3A_378 = arith.addi %mul3A_257, %add3A_377 : i32
      %swap3A_379 = arith.index_cast %add3A_378 : i32 to index
      %swap3A_380 = arith.constant 48 : index
      %swap3A_381 = tpu.vector_load %arg12[%swap3A_379, %swap3A_380] {strides = array<i32>} : memref<128x64xf32, #tpu.memory_space<vmem>>, vector<1x16xf32>,
      %swap3A_382 = vector.shape_cast %swap3A_381 : vector<1x16xf32> to vector<16xf32>
      %swap3A_383 = vector.shape_cast %mul3A_376 : vector<16xf32> to vector<1x16xf32>
      tpu.vector_store %arg12[%swap3A_379, %swap3A_380], %swap3A_383 {strides = array<i32>} : memref<128x64xf32, #tpu.memory_space<vmem>>, vector<1x16xf32>,
      %add3A_384 = arith.constant 2 : i32
      %add3A_385 = arith.addi %mul3A_257, %add3A_384 : i32
      %get3A_386 = arith.index_cast %add3A_385 : i32 to index
      %get3A_387 = arith.constant 0 : index
      %get3A_388 = tpu.vector_load %arg8[%get3A_386, %get3A_387] {strides = array<i32>} : memref<128x64xf32, #tpu.memory_space<vmem>>, vector<1x16xf32>,
      %get3A_389 = vector.shape_cast %get3A_388 : vector<1x16xf32> to vector<16xf32>
      %mul3A_390 = arith.constant 8.000000e+00 : f32
      %mul3A_391 = vector.broadcast %mul3A_390 : f32 to vector<16xf32>
      %mul3A_392 = arith.mulf %get3A_389, %mul3A_391 : vector<16xf32>
      %add3A_393 = arith.constant 2 : i32
      %add3A_394 = arith.addi %mul3A_257, %add3A_393 : i32
      %swap3A_395 = arith.index_cast %add3A_394 : i32 to index
      %swap3A_396 = arith.constant 0 : index
      %swap3A_397 = tpu.vector_load %arg12[%swap3A_395, %swap3A_396] {strides = array<i32>} : memref<128x64xf32, #tpu.memory_space<vmem>>, vector<1x16xf32>,
      %swap3A_398 = vector.shape_cast %swap3A_397 : vector<1x16xf32> to vector<16xf32>
      %swap3A_399 = vector.shape_cast %mul3A_392 : vector<16xf32> to vector<1x16xf32>
      tpu.vector_store %arg12[%swap3A_395, %swap3A_396], %swap3A_399 {strides = array<i32>} : memref<128x64xf32, #tpu.memory_space<vmem>>, vector<1x16xf32>,
      %add3A_400 = arith.constant 2 : i32
      %add3A_401 = arith.addi %mul3A_257, %add3A_400 : i32
      %get3A_402 = arith.index_cast %add3A_401 : i32 to index
      %get3A_403 = arith.constant 16 : index
      %get3A_404 = tpu.vector_load %arg8[%get3A_402, %get3A_403] {strides = array<i32>} : memref<128x64xf32, #tpu.memory_space<vmem>>, vector<1x16xf32>,
      %get3A_405 = vector.shape_cast %get3A_404 : vector<1x16xf32> to vector<16xf32>
      %mul3A_406 = arith.constant 8.000000e+00 : f32
      %mul3A_407 = vector.broadcast %mul3A_406 : f32 to vector<16xf32>
      %mul3A_408 = arith.mulf %get3A_405, %mul3A_407 : vector<16xf32>
      %add3A_409 = arith.constant 2 : i32
      %add3A_410 = arith.addi %mul3A_257, %add3A_409 : i32
      %swap3A_411 = arith.index_cast %add3A_410 : i32 to index
      %swap3A_412 = arith.constant 16 : index
      %swap3A_413 = tpu.vector_load %arg12[%swap3A_411, %swap3A_412] {strides = array<i32>} : memref<128x64xf32, #tpu.memory_space<vmem>>, vector<1x16xf32>,
      %swap3A_414 = vector.shape_cast %swap3A_413 : vector<1x16xf32> to vector<16xf32>
      %swap3A_415 = vector.shape_cast %mul3A_408 : vector<16xf32> to vector<1x16xf32>
      tpu.vector_store %arg12[%swap3A_411, %swap3A_412], %swap3A_415 {strides = array<i32>} : memref<128x64xf32, #tpu.memory_space<vmem>>, vector<1x16xf32>,
      %add3A_416 = arith.constant 2 : i32
      %add3A_417 = arith.addi %mul3A_257, %add3A_416 : i32
      %get3A_418 = arith.index_cast %add3A_417 : i32 to index
      %get3A_419 = arith.constant 32 : index
      %get3A_420 = tpu.vector_load %arg8[%get3A_418, %get3A_419] {strides = array<i32>} : memref<128x64xf32, #tpu.memory_space<vmem>>, vector<1x16xf32>,
      %get3A_421 = vector.shape_cast %get3A_420 : vector<1x16xf32> to vector<16xf32>
      %mul3A_422 = arith.constant 8.000000e+00 : f32
      %mul3A_423 = vector.broadcast %mul3A_422 : f32 to vector<16xf32>
      %mul3A_424 = arith.mulf %get3A_421, %mul3A_423 : vector<16xf32>
      %add3A_425 = arith.constant 2 : i32
      %add3A_426 = arith.addi %mul3A_257, %add3A_425 : i32
      %swap3A_427 = arith.index_cast %add3A_426 : i32 to index
      %swap3A_428 = arith.constant 32 : index
      %swap3A_429 = tpu.vector_load %arg12[%swap3A_427, %swap3A_428] {strides = array<i32>} : memref<128x64xf32, #tpu.memory_space<vmem>>, vector<1x16xf32>,
      %swap3A_430 = vector.shape_cast %swap3A_429 : vector<1x16xf32> to vector<16xf32>
      %swap3A_431 = vector.shape_cast %mul3A_424 : vector<16xf32> to vector<1x16xf32>
      tpu.vector_store %arg12[%swap3A_427, %swap3A_428], %swap3A_431 {strides = array<i32>} : memref<128x64xf32, #tpu.memory_space<vmem>>, vector<1x16xf32>,
      %add3A_432 = arith.constant 2 : i32
      %add3A_433 = arith.addi %mul3A_257, %add3A_432 : i32
      %get3A_434 = arith.index_cast %add3A_433 : i32 to index
      %get3A_435 = arith.constant 48 : index
      %get3A_436 = tpu.vector_load %arg8[%get3A_434, %get3A_435] {strides = array<i32>} : memref<128x64xf32, #tpu.memory_space<vmem>>, vector<1x16xf32>,
      %get3A_437 = vector.shape_cast %get3A_436 : vector<1x16xf32> to vector<16xf32>
      %mul3A_438 = arith.constant 8.000000e+00 : f32
      %mul3A_439 = vector.broadcast %mul3A_438 : f32 to vector<16xf32>
      %mul3A_440 = arith.mulf %get3A_437, %mul3A_439 : vector<16xf32>
      %add3A_441 = arith.constant 2 : i32
      %add3A_442 = arith.addi %mul3A_257, %add3A_441 : i32
      %swap3A_443 = arith.index_cast %add3A_442 : i32 to index
      %swap3A_444 = arith.constant 48 : index
      %swap3A_445 = tpu.vector_load %arg12[%swap3A_443, %swap3A_444] {strides = array<i32>} : memref<128x64xf32, #tpu.memory_space<vmem>>, vector<1x16xf32>,
      %swap3A_446 = vector.shape_cast %swap3A_445 : vector<1x16xf32> to vector<16xf32>
      %swap3A_447 = vector.shape_cast %mul3A_440 : vector<16xf32> to vector<1x16xf32>
      tpu.vector_store %arg12[%swap3A_443, %swap3A_444], %swap3A_447 {strides = array<i32>} : memref<128x64xf32, #tpu.memory_space<vmem>>, vector<1x16xf32>,
      %add3A_448 = arith.constant 3 : i32
      %add3A_449 = arith.addi %mul3A_257, %add3A_448 : i32
      %get3A_450 = arith.index_cast %add3A_449 : i32 to index
      %get3A_451 = arith.constant 0 : index
      %get3A_452 = tpu.vector_load %arg8[%get3A_450, %get3A_451] {strides = array<i32>} : memref<128x64xf32, #tpu.memory_space<vmem>>, vector<1x16xf32>,
      %get3A_453 = vector.shape_cast %get3A_452 : vector<1x16xf32> to vector<16xf32>
      %mul3A_454 = arith.constant 8.000000e+00 : f32
      %mul3A_455 = vector.broadcast %mul3A_454 : f32 to vector<16xf32>
      %mul3A_456 = arith.mulf %get3A_453, %mul3A_455 : vector<16xf32>
      %add3A_457 = arith.constant 3 : i32
      %add3A_458 = arith.addi %mul3A_257, %add3A_457 : i32
      %swap3A_459 = arith.index_cast %add3A_458 : i32 to index
      %swap3A_460 = arith.constant 0 : index
      %swap3A_461 = tpu.vector_load %arg12[%swap3A_459, %swap3A_460] {strides = array<i32>} : memref<128x64xf32, #tpu.memory_space<vmem>>, vector<1x16xf32>,
      %swap3A_462 = vector.shape_cast %swap3A_461 : vector<1x16xf32> to vector<16xf32>
      %swap3A_463 = vector.shape_cast %mul3A_456 : vector<16xf32> to vector<1x16xf32>
      tpu.vector_store %arg12[%swap3A_459, %swap3A_460], %swap3A_463 {strides = array<i32>} : memref<128x64xf32, #tpu.memory_space<vmem>>, vector<1x16xf32>,
      %add3A_464 = arith.constant 3 : i32
      %add3A_465 = arith.addi %mul3A_257, %add3A_464 : i32
      %get3A_466 = arith.index_cast %add3A_465 : i32 to index
      %get3A_467 = arith.constant 16 : index
      %get3A_468 = tpu.vector_load %arg8[%get3A_466, %get3A_467] {strides = array<i32>} : memref<128x64xf32, #tpu.memory_space<vmem>>, vector<1x16xf32>,
      %get3A_469 = vector.shape_cast %get3A_468 : vector<1x16xf32> to vector<16xf32>
      %mul3A_470 = arith.constant 8.000000e+00 : f32
      %mul3A_471 = vector.broadcast %mul3A_470 : f32 to vector<16xf32>
      %mul3A_472 = arith.mulf %get3A_469, %mul3A_471 : vector<16xf32>
      %add3A_473 = arith.constant 3 : i32
      %add3A_474 = arith.addi %mul3A_257, %add3A_473 : i32
      %swap3A_475 = arith.index_cast %add3A_474 : i32 to index
      %swap3A_476 = arith.constant 16 : index
      %swap3A_477 = tpu.vector_load %arg12[%swap3A_475, %swap3A_476] {strides = array<i32>} : memref<128x64xf32, #tpu.memory_space<vmem>>, vector<1x16xf32>,
      %swap3A_478 = vector.shape_cast %swap3A_477 : vector<1x16xf32> to vector<16xf32>
      %swap3A_479 = vector.shape_cast %mul3A_472 : vector<16xf32> to vector<1x16xf32>
      tpu.vector_store %arg12[%swap3A_475, %swap3A_476], %swap3A_479 {strides = array<i32>} : memref<128x64xf32, #tpu.memory_space<vmem>>, vector<1x16xf32>,
      %add3A_480 = arith.constant 3 : i32
      %add3A_481 = arith.addi %mul3A_257, %add3A_480 : i32
      %get3A_482 = arith.index_cast %add3A_481 : i32 to index
      %get3A_483 = arith.constant 32 : index
      %get3A_484 = tpu.vector_load %arg8[%get3A_482, %get3A_483] {strides = array<i32>} : memref<128x64xf32, #tpu.memory_space<vmem>>, vector<1x16xf32>,
      %get3A_485 = vector.shape_cast %get3A_484 : vector<1x16xf32> to vector<16xf32>
      %mul3A_486 = arith.constant 8.000000e+00 : f32
      %mul3A_487 = vector.broadcast %mul3A_486 : f32 to vector<16xf32>
      %mul3A_488 = arith.mulf %get3A_485, %mul3A_487 : vector<16xf32>
      %add3A_489 = arith.constant 3 : i32
      %add3A_490 = arith.addi %mul3A_257, %add3A_489 : i32
      %swap3A_491 = arith.index_cast %add3A_490 : i32 to index
      %swap3A_492 = arith.constant 32 : index
      %swap3A_493 = tpu.vector_load %arg12[%swap3A_491, %swap3A_492] {strides = array<i32>} : memref<128x64xf32, #tpu.memory_space<vmem>>, vector<1x16xf32>,
      %swap3A_494 = vector.shape_cast %swap3A_493 : vector<1x16xf32> to vector<16xf32>
      %swap3A_495 = vector.shape_cast %mul3A_488 : vector<16xf32> to vector<1x16xf32>
      tpu.vector_store %arg12[%swap3A_491, %swap3A_492], %swap3A_495 {strides = array<i32>} : memref<128x64xf32, #tpu.memory_space<vmem>>, vector<1x16xf32>,
      %add3A_496 = arith.constant 3 : i32
      %add3A_497 = arith.addi %mul3A_257, %add3A_496 : i32
      %get3A_498 = arith.index_cast %add3A_497 : i32 to index
      %get3A_499 = arith.constant 48 : index
      %get3A_500 = tpu.vector_load %arg8[%get3A_498, %get3A_499] {strides = array<i32>} : memref<128x64xf32, #tpu.memory_space<vmem>>, vector<1x16xf32>,
      %get3A_501 = vector.shape_cast %get3A_500 : vector<1x16xf32> to vector<16xf32>
      %mul3A_502 = arith.constant 8.000000e+00 : f32
      %mul3A_503 = vector.broadcast %mul3A_502 : f32 to vector<16xf32>
      %mul3A_504 = arith.mulf %get3A_501, %mul3A_503 : vector<16xf32>
      %add3A_505 = arith.constant 3 : i32
      %add3A_506 = arith.addi %mul3A_257, %add3A_505 : i32
      %swap3A_507 = arith.index_cast %add3A_506 : i32 to index
      %swap3A_508 = arith.constant 48 : index
      %swap3A_509 = tpu.vector_load %arg12[%swap3A_507, %swap3A_508] {strides = array<i32>} : memref<128x64xf32, #tpu.memory_space<vmem>>, vector<1x16xf32>,
      %swap3A_510 = vector.shape_cast %swap3A_509 : vector<1x16xf32> to vector<16xf32>
      %swap3A_511 = vector.shape_cast %mul3A_504 : vector<16xf32> to vector<1x16xf32>
      tpu.vector_store %arg12[%swap3A_507, %swap3A_508], %swap3A_511 {strides = array<i32>} : memref<128x64xf32, #tpu.memory_space<vmem>>, vector<1x16xf32>,
    }
    %scan3A_91 = arith.constant 32 : i32
    %add3A_92 = arith.constant 256 : i32
    %add3A_93 = arith.addi %mul3A_2, %add3A_92 : i32
    %dma_start3A_94 = arith.constant 0 : i32
    %dma_start3A_95 = tpu.memref_slice %arg4[%add3A_93, %dma_start3A_94] : memref<819200x64xf32, #tpu.memory_space<hbm>> -> memref<128x64xf32, #tpu.memory_space<hbm>>
    %dma_start3A_96 = arith.constant 0 : i32
    %dma_start3A_97 = tpu.memref_slice %arg4[%add3A_93, %dma_start3A_96] : memref<819200x64xf32, #tpu.memory_space<hbm>> -> memref<128x64xf32, #tpu.memory_space<hbm>>
    tpu.enqueue_dma source(%arg12 : memref<128x64xf32, #tpu.memory_space<vmem>>) target(%dma_start3A_97 : memref<128x64xf32, #tpu.memory_space<hbm>>) target_semaphore(%arg20 : memref<!tpu.dma_semaphore, #tpu.memory_space<semaphore_mem>>)
    %dma_start3A_98 = arith.constant 6 : i32
    %dma_start3A_99 = arith.constant 0 : i32
    %dma_start3A_100 = tpu.memref_slice %arg5[%dma_start3A_98, %dma_start3A_99] : memref<200x128xi32, #tpu.memory_space<vmem>> -> memref<1x128xi32, #tpu.memory_space<vmem>>
    %dma_start3A_101 = tpu.memref_squeeze %dma_start3A_100 : memref<1x128xi32, #tpu.memory_space<vmem>> -> memref<128xi32, #tpu.memory_space<vmem>>
    %dma_start3A_102 = arith.constant 0 : i32
    %dma_start3A_103 = arith.constant 0 : i32
    %dma_start3A_104 = tpu.memref_slice %arg3[%dma_start3A_102, %dma_start3A_103] : memref<1000000x64xf32, #tpu.memory_space<hbm>> -> memref<1000000x64xf32, #tpu.memory_space<hbm>>
    tpu.enqueue_indirect_dma source(%dma_start3A_104 : memref<1000000x64xf32, #tpu.memory_space<hbm>>) target(%arg8 : memref<128x64xf32, #tpu.memory_space<vmem>>) offsets(%dma_start3A_101 : memref<128xi32, #tpu.memory_space<vmem>>) semaphore(%arg16 : memref<!tpu.dma_semaphore, #tpu.memory_space<semaphore_mem>>)
    %dma_wait3A_105 = arith.constant 0 : i32
    %dma_wait3A_106 = arith.constant 0 : i32
    %dma_wait3A_107 = tpu.memref_slice %arg5[%dma_wait3A_105, %dma_wait3A_106] : memref<200x128xi32, #tpu.memory_space<vmem>> -> memref<1x128xi32, #tpu.memory_space<vmem>>
    %dma_wait3A_108 = tpu.memref_squeeze %dma_wait3A_107 : memref<1x128xi32, #tpu.memory_space<vmem>> -> memref<128xi32, #tpu.memory_space<vmem>>
    %dma_wait3A_109 = arith.constant 0 : i32
    %dma_wait3A_110 = arith.constant 0 : i32
    %dma_wait3A_111 = tpu.memref_slice %arg3[%dma_wait3A_109, %dma_wait3A_110] : memref<1000000x64xf32, #tpu.memory_space<hbm>> -> memref<1000000x64xf32, #tpu.memory_space<hbm>>
    tpu.wait_indirect_dma semaphore(%arg17 : memref<!tpu.dma_semaphore, #tpu.memory_space<semaphore_mem>>) src(%dma_wait3A_111 : memref<1000000x64xf32, #tpu.memory_space<hbm>>) dst(%arg9 : memref<128x64xf32, #tpu.memory_space<vmem>>)
    %scan3A_112 = arith.constant 0 : i32
    %scan3A_113 = arith.constant 32 : i32
    %scan3A_114 = arith.addi %scan3A_112, %scan3A_113 : i32
    %scan3A_115 = arith.constant 1 : i32
    scf.for %scan3A_255 = %scan3A_112 to %scan3A_114 step %scan3A_115  : i32 {
      %mul3A_256 = arith.constant 4 : i32
      %mul3A_257 = arith.muli %scan3A_255, %mul3A_256 : i32
      %add3A_258 = arith.constant 0 : i32
      %add3A_259 = arith.addi %mul3A_257, %add3A_258 : i32
      %get3A = arith.index_cast %add3A_259 : i32 to index
      %get3A_260 = arith.constant 0 : index
      %get3A_261 = tpu.vector_load %arg9[%get3A, %get3A_260] {strides = array<i32>} : memref<128x64xf32, #tpu.memory_space<vmem>>, vector<1x16xf32>,
      %get3A_262 = vector.shape_cast %get3A_261 : vector<1x16xf32> to vector<16xf32>
      %mul3A_263 = arith.constant 8.000000e+00 : f32
      %mul3A_264 = vector.broadcast %mul3A_263 : f32 to vector<16xf32>
      %mul3A_265 = arith.mulf %get3A_262, %mul3A_264 : vector<16xf32>
      %add3A_266 = arith.constant 0 : i32
      %add3A_267 = arith.addi %mul3A_257, %add3A_266 : i32
      %swap3A = arith.index_cast %add3A_267 : i32 to index
      %swap3A_268 = arith.constant 0 : index
      %swap3A_269 = tpu.vector_load %arg13[%swap3A, %swap3A_268] {strides = array<i32>} : memref<128x64xf32, #tpu.memory_space<vmem>>, vector<1x16xf32>,
      %swap3A_270 = vector.shape_cast %swap3A_269 : vector<1x16xf32> to vector<16xf32>
      %swap3A_271 = vector.shape_cast %mul3A_265 : vector<16xf32> to vector<1x16xf32>
      tpu.vector_store %arg13[%swap3A, %swap3A_268], %swap3A_271 {strides = array<i32>} : memref<128x64xf32, #tpu.memory_space<vmem>>, vector<1x16xf32>,
      %add3A_272 = arith.constant 0 : i32
      %add3A_273 = arith.addi %mul3A_257, %add3A_272 : i32
      %get3A_274 = arith.index_cast %add3A_273 : i32 to index
      %get3A_275 = arith.constant 16 : index
      %get3A_276 = tpu.vector_load %arg9[%get3A_274, %get3A_275] {strides = array<i32>} : memref<128x64xf32, #tpu.memory_space<vmem>>, vector<1x16xf32>,
      %get3A_277 = vector.shape_cast %get3A_276 : vector<1x16xf32> to vector<16xf32>
      %mul3A_278 = arith.constant 8.000000e+00 : f32
      %mul3A_279 = vector.broadcast %mul3A_278 : f32 to vector<16xf32>
      %mul3A_280 = arith.mulf %get3A_277, %mul3A_279 : vector<16xf32>
      %add3A_281 = arith.constant 0 : i32
      %add3A_282 = arith.addi %mul3A_257, %add3A_281 : i32
      %swap3A_283 = arith.index_cast %add3A_282 : i32 to index
      %swap3A_284 = arith.constant 16 : index
      %swap3A_285 = tpu.vector_load %arg13[%swap3A_283, %swap3A_284] {strides = array<i32>} : memref<128x64xf32, #tpu.memory_space<vmem>>, vector<1x16xf32>,
      %swap3A_286 = vector.shape_cast %swap3A_285 : vector<1x16xf32> to vector<16xf32>
      %swap3A_287 = vector.shape_cast %mul3A_280 : vector<16xf32> to vector<1x16xf32>
      tpu.vector_store %arg13[%swap3A_283, %swap3A_284], %swap3A_287 {strides = array<i32>} : memref<128x64xf32, #tpu.memory_space<vmem>>, vector<1x16xf32>,
      %add3A_288 = arith.constant 0 : i32
      %add3A_289 = arith.addi %mul3A_257, %add3A_288 : i32
      %get3A_290 = arith.index_cast %add3A_289 : i32 to index
      %get3A_291 = arith.constant 32 : index
      %get3A_292 = tpu.vector_load %arg9[%get3A_290, %get3A_291] {strides = array<i32>} : memref<128x64xf32, #tpu.memory_space<vmem>>, vector<1x16xf32>,
      %get3A_293 = vector.shape_cast %get3A_292 : vector<1x16xf32> to vector<16xf32>
      %mul3A_294 = arith.constant 8.000000e+00 : f32
      %mul3A_295 = vector.broadcast %mul3A_294 : f32 to vector<16xf32>
      %mul3A_296 = arith.mulf %get3A_293, %mul3A_295 : vector<16xf32>
      %add3A_297 = arith.constant 0 : i32
      %add3A_298 = arith.addi %mul3A_257, %add3A_297 : i32
      %swap3A_299 = arith.index_cast %add3A_298 : i32 to index
      %swap3A_300 = arith.constant 32 : index
      %swap3A_301 = tpu.vector_load %arg13[%swap3A_299, %swap3A_300] {strides = array<i32>} : memref<128x64xf32, #tpu.memory_space<vmem>>, vector<1x16xf32>,
      %swap3A_302 = vector.shape_cast %swap3A_301 : vector<1x16xf32> to vector<16xf32>
      %swap3A_303 = vector.shape_cast %mul3A_296 : vector<16xf32> to vector<1x16xf32>
      tpu.vector_store %arg13[%swap3A_299, %swap3A_300], %swap3A_303 {strides = array<i32>} : memref<128x64xf32, #tpu.memory_space<vmem>>, vector<1x16xf32>,
      %add3A_304 = arith.constant 0 : i32
      %add3A_305 = arith.addi %mul3A_257, %add3A_304 : i32
      %get3A_306 = arith.index_cast %add3A_305 : i32 to index
      %get3A_307 = arith.constant 48 : index
      %get3A_308 = tpu.vector_load %arg9[%get3A_306, %get3A_307] {strides = array<i32>} : memref<128x64xf32, #tpu.memory_space<vmem>>, vector<1x16xf32>,
      %get3A_309 = vector.shape_cast %get3A_308 : vector<1x16xf32> to vector<16xf32>
      %mul3A_310 = arith.constant 8.000000e+00 : f32
      %mul3A_311 = vector.broadcast %mul3A_310 : f32 to vector<16xf32>
      %mul3A_312 = arith.mulf %get3A_309, %mul3A_311 : vector<16xf32>
      %add3A_313 = arith.constant 0 : i32
      %add3A_314 = arith.addi %mul3A_257, %add3A_313 : i32
      %swap3A_315 = arith.index_cast %add3A_314 : i32 to index
      %swap3A_316 = arith.constant 48 : index
      %swap3A_317 = tpu.vector_load %arg13[%swap3A_315, %swap3A_316] {strides = array<i32>} : memref<128x64xf32, #tpu.memory_space<vmem>>, vector<1x16xf32>,
      %swap3A_318 = vector.shape_cast %swap3A_317 : vector<1x16xf32> to vector<16xf32>
      %swap3A_319 = vector.shape_cast %mul3A_312 : vector<16xf32> to vector<1x16xf32>
      tpu.vector_store %arg13[%swap3A_315, %swap3A_316], %swap3A_319 {strides = array<i32>} : memref<128x64xf32, #tpu.memory_space<vmem>>, vector<1x16xf32>,
      %add3A_320 = arith.constant 1 : i32
      %add3A_321 = arith.addi %mul3A_257, %add3A_320 : i32
      %get3A_322 = arith.index_cast %add3A_321 : i32 to index
      %get3A_323 = arith.constant 0 : index
      %get3A_324 = tpu.vector_load %arg9[%get3A_322, %get3A_323] {strides = array<i32>} : memref<128x64xf32, #tpu.memory_space<vmem>>, vector<1x16xf32>,
      %get3A_325 = vector.shape_cast %get3A_324 : vector<1x16xf32> to vector<16xf32>
      %mul3A_326 = arith.constant 8.000000e+00 : f32
      %mul3A_327 = vector.broadcast %mul3A_326 : f32 to vector<16xf32>
      %mul3A_328 = arith.mulf %get3A_325, %mul3A_327 : vector<16xf32>
      %add3A_329 = arith.constant 1 : i32
      %add3A_330 = arith.addi %mul3A_257, %add3A_329 : i32
      %swap3A_331 = arith.index_cast %add3A_330 : i32 to index
      %swap3A_332 = arith.constant 0 : index
      %swap3A_333 = tpu.vector_load %arg13[%swap3A_331, %swap3A_332] {strides = array<i32>} : memref<128x64xf32, #tpu.memory_space<vmem>>, vector<1x16xf32>,
      %swap3A_334 = vector.shape_cast %swap3A_333 : vector<1x16xf32> to vector<16xf32>
      %swap3A_335 = vector.shape_cast %mul3A_328 : vector<16xf32> to vector<1x16xf32>
      tpu.vector_store %arg13[%swap3A_331, %swap3A_332], %swap3A_335 {strides = array<i32>} : memref<128x64xf32, #tpu.memory_space<vmem>>, vector<1x16xf32>,
      %add3A_336 = arith.constant 1 : i32
      %add3A_337 = arith.addi %mul3A_257, %add3A_336 : i32
      %get3A_338 = arith.index_cast %add3A_337 : i32 to index
      %get3A_339 = arith.constant 16 : index
      %get3A_340 = tpu.vector_load %arg9[%get3A_338, %get3A_339] {strides = array<i32>} : memref<128x64xf32, #tpu.memory_space<vmem>>, vector<1x16xf32>,
      %get3A_341 = vector.shape_cast %get3A_340 : vector<1x16xf32> to vector<16xf32>
      %mul3A_342 = arith.constant 8.000000e+00 : f32
      %mul3A_343 = vector.broadcast %mul3A_342 : f32 to vector<16xf32>
      %mul3A_344 = arith.mulf %get3A_341, %mul3A_343 : vector<16xf32>
      %add3A_345 = arith.constant 1 : i32
      %add3A_346 = arith.addi %mul3A_257, %add3A_345 : i32
      %swap3A_347 = arith.index_cast %add3A_346 : i32 to index
      %swap3A_348 = arith.constant 16 : index
      %swap3A_349 = tpu.vector_load %arg13[%swap3A_347, %swap3A_348] {strides = array<i32>} : memref<128x64xf32, #tpu.memory_space<vmem>>, vector<1x16xf32>,
      %swap3A_350 = vector.shape_cast %swap3A_349 : vector<1x16xf32> to vector<16xf32>
      %swap3A_351 = vector.shape_cast %mul3A_344 : vector<16xf32> to vector<1x16xf32>
      tpu.vector_store %arg13[%swap3A_347, %swap3A_348], %swap3A_351 {strides = array<i32>} : memref<128x64xf32, #tpu.memory_space<vmem>>, vector<1x16xf32>,
      %add3A_352 = arith.constant 1 : i32
      %add3A_353 = arith.addi %mul3A_257, %add3A_352 : i32
      %get3A_354 = arith.index_cast %add3A_353 : i32 to index
      %get3A_355 = arith.constant 32 : index
      %get3A_356 = tpu.vector_load %arg9[%get3A_354, %get3A_355] {strides = array<i32>} : memref<128x64xf32, #tpu.memory_space<vmem>>, vector<1x16xf32>,
      %get3A_357 = vector.shape_cast %get3A_356 : vector<1x16xf32> to vector<16xf32>
      %mul3A_358 = arith.constant 8.000000e+00 : f32
      %mul3A_359 = vector.broadcast %mul3A_358 : f32 to vector<16xf32>
      %mul3A_360 = arith.mulf %get3A_357, %mul3A_359 : vector<16xf32>
      %add3A_361 = arith.constant 1 : i32
      %add3A_362 = arith.addi %mul3A_257, %add3A_361 : i32
      %swap3A_363 = arith.index_cast %add3A_362 : i32 to index
      %swap3A_364 = arith.constant 32 : index
      %swap3A_365 = tpu.vector_load %arg13[%swap3A_363, %swap3A_364] {strides = array<i32>} : memref<128x64xf32, #tpu.memory_space<vmem>>, vector<1x16xf32>,
      %swap3A_366 = vector.shape_cast %swap3A_365 : vector<1x16xf32> to vector<16xf32>
      %swap3A_367 = vector.shape_cast %mul3A_360 : vector<16xf32> to vector<1x16xf32>
      tpu.vector_store %arg13[%swap3A_363, %swap3A_364], %swap3A_367 {strides = array<i32>} : memref<128x64xf32, #tpu.memory_space<vmem>>, vector<1x16xf32>,
      %add3A_368 = arith.constant 1 : i32
      %add3A_369 = arith.addi %mul3A_257, %add3A_368 : i32
      %get3A_370 = arith.index_cast %add3A_369 : i32 to index
      %get3A_371 = arith.constant 48 : index
      %get3A_372 = tpu.vector_load %arg9[%get3A_370, %get3A_371] {strides = array<i32>} : memref<128x64xf32, #tpu.memory_space<vmem>>, vector<1x16xf32>,
      %get3A_373 = vector.shape_cast %get3A_372 : vector<1x16xf32> to vector<16xf32>
      %mul3A_374 = arith.constant 8.000000e+00 : f32
      %mul3A_375 = vector.broadcast %mul3A_374 : f32 to vector<16xf32>
      %mul3A_376 = arith.mulf %get3A_373, %mul3A_375 : vector<16xf32>
      %add3A_377 = arith.constant 1 : i32
      %add3A_378 = arith.addi %mul3A_257, %add3A_377 : i32
      %swap3A_379 = arith.index_cast %add3A_378 : i32 to index
      %swap3A_380 = arith.constant 48 : index
      %swap3A_381 = tpu.vector_load %arg13[%swap3A_379, %swap3A_380] {strides = array<i32>} : memref<128x64xf32, #tpu.memory_space<vmem>>, vector<1x16xf32>,
      %swap3A_382 = vector.shape_cast %swap3A_381 : vector<1x16xf32> to vector<16xf32>
      %swap3A_383 = vector.shape_cast %mul3A_376 : vector<16xf32> to vector<1x16xf32>
      tpu.vector_store %arg13[%swap3A_379, %swap3A_380], %swap3A_383 {strides = array<i32>} : memref<128x64xf32, #tpu.memory_space<vmem>>, vector<1x16xf32>,
      %add3A_384 = arith.constant 2 : i32
      %add3A_385 = arith.addi %mul3A_257, %add3A_384 : i32
      %get3A_386 = arith.index_cast %add3A_385 : i32 to index
      %get3A_387 = arith.constant 0 : index
      %get3A_388 = tpu.vector_load %arg9[%get3A_386, %get3A_387] {strides = array<i32>} : memref<128x64xf32, #tpu.memory_space<vmem>>, vector<1x16xf32>,
      %get3A_389 = vector.shape_cast %get3A_388 : vector<1x16xf32> to vector<16xf32>
      %mul3A_390 = arith.constant 8.000000e+00 : f32
      %mul3A_391 = vector.broadcast %mul3A_390 : f32 to vector<16xf32>
      %mul3A_392 = arith.mulf %get3A_389, %mul3A_391 : vector<16xf32>
      %add3A_393 = arith.constant 2 : i32
      %add3A_394 = arith.addi %mul3A_257, %add3A_393 : i32
      %swap3A_395 = arith.index_cast %add3A_394 : i32 to index
      %swap3A_396 = arith.constant 0 : index
      %swap3A_397 = tpu.vector_load %arg13[%swap3A_395, %swap3A_396] {strides = array<i32>} : memref<128x64xf32, #tpu.memory_space<vmem>>, vector<1x16xf32>,
      %swap3A_398 = vector.shape_cast %swap3A_397 : vector<1x16xf32> to vector<16xf32>
      %swap3A_399 = vector.shape_cast %mul3A_392 : vector<16xf32> to vector<1x16xf32>
      tpu.vector_store %arg13[%swap3A_395, %swap3A_396], %swap3A_399 {strides = array<i32>} : memref<128x64xf32, #tpu.memory_space<vmem>>, vector<1x16xf32>,
      %add3A_400 = arith.constant 2 : i32
      %add3A_401 = arith.addi %mul3A_257, %add3A_400 : i32
      %get3A_402 = arith.index_cast %add3A_401 : i32 to index
      %get3A_403 = arith.constant 16 : index
      %get3A_404 = tpu.vector_load %arg9[%get3A_402, %get3A_403] {strides = array<i32>} : memref<128x64xf32, #tpu.memory_space<vmem>>, vector<1x16xf32>,
      %get3A_405 = vector.shape_cast %get3A_404 : vector<1x16xf32> to vector<16xf32>
      %mul3A_406 = arith.constant 8.000000e+00 : f32
      %mul3A_407 = vector.broadcast %mul3A_406 : f32 to vector<16xf32>
      %mul3A_408 = arith.mulf %get3A_405, %mul3A_407 : vector<16xf32>
      %add3A_409 = arith.constant 2 : i32
      %add3A_410 = arith.addi %mul3A_257, %add3A_409 : i32
      %swap3A_411 = arith.index_cast %add3A_410 : i32 to index
      %swap3A_412 = arith.constant 16 : index
      %swap3A_413 = tpu.vector_load %arg13[%swap3A_411, %swap3A_412] {strides = array<i32>} : memref<128x64xf32, #tpu.memory_space<vmem>>, vector<1x16xf32>,
      %swap3A_414 = vector.shape_cast %swap3A_413 : vector<1x16xf32> to vector<16xf32>
      %swap3A_415 = vector.shape_cast %mul3A_408 : vector<16xf32> to vector<1x16xf32>
      tpu.vector_store %arg13[%swap3A_411, %swap3A_412], %swap3A_415 {strides = array<i32>} : memref<128x64xf32, #tpu.memory_space<vmem>>, vector<1x16xf32>,
      %add3A_416 = arith.constant 2 : i32
      %add3A_417 = arith.addi %mul3A_257, %add3A_416 : i32
      %get3A_418 = arith.index_cast %add3A_417 : i32 to index
      %get3A_419 = arith.constant 32 : index
      %get3A_420 = tpu.vector_load %arg9[%get3A_418, %get3A_419] {strides = array<i32>} : memref<128x64xf32, #tpu.memory_space<vmem>>, vector<1x16xf32>,
      %get3A_421 = vector.shape_cast %get3A_420 : vector<1x16xf32> to vector<16xf32>
      %mul3A_422 = arith.constant 8.000000e+00 : f32
      %mul3A_423 = vector.broadcast %mul3A_422 : f32 to vector<16xf32>
      %mul3A_424 = arith.mulf %get3A_421, %mul3A_423 : vector<16xf32>
      %add3A_425 = arith.constant 2 : i32
      %add3A_426 = arith.addi %mul3A_257, %add3A_425 : i32
      %swap3A_427 = arith.index_cast %add3A_426 : i32 to index
      %swap3A_428 = arith.constant 32 : index
      %swap3A_429 = tpu.vector_load %arg13[%swap3A_427, %swap3A_428] {strides = array<i32>} : memref<128x64xf32, #tpu.memory_space<vmem>>, vector<1x16xf32>,
      %swap3A_430 = vector.shape_cast %swap3A_429 : vector<1x16xf32> to vector<16xf32>
      %swap3A_431 = vector.shape_cast %mul3A_424 : vector<16xf32> to vector<1x16xf32>
      tpu.vector_store %arg13[%swap3A_427, %swap3A_428], %swap3A_431 {strides = array<i32>} : memref<128x64xf32, #tpu.memory_space<vmem>>, vector<1x16xf32>,
      %add3A_432 = arith.constant 2 : i32
      %add3A_433 = arith.addi %mul3A_257, %add3A_432 : i32
      %get3A_434 = arith.index_cast %add3A_433 : i32 to index
      %get3A_435 = arith.constant 48 : index
      %get3A_436 = tpu.vector_load %arg9[%get3A_434, %get3A_435] {strides = array<i32>} : memref<128x64xf32, #tpu.memory_space<vmem>>, vector<1x16xf32>,
      %get3A_437 = vector.shape_cast %get3A_436 : vector<1x16xf32> to vector<16xf32>
      %mul3A_438 = arith.constant 8.000000e+00 : f32
      %mul3A_439 = vector.broadcast %mul3A_438 : f32 to vector<16xf32>
      %mul3A_440 = arith.mulf %get3A_437, %mul3A_439 : vector<16xf32>
      %add3A_441 = arith.constant 2 : i32
      %add3A_442 = arith.addi %mul3A_257, %add3A_441 : i32
      %swap3A_443 = arith.index_cast %add3A_442 : i32 to index
      %swap3A_444 = arith.constant 48 : index
      %swap3A_445 = tpu.vector_load %arg13[%swap3A_443, %swap3A_444] {strides = array<i32>} : memref<128x64xf32, #tpu.memory_space<vmem>>, vector<1x16xf32>,
      %swap3A_446 = vector.shape_cast %swap3A_445 : vector<1x16xf32> to vector<16xf32>
      %swap3A_447 = vector.shape_cast %mul3A_440 : vector<16xf32> to vector<1x16xf32>
      tpu.vector_store %arg13[%swap3A_443, %swap3A_444], %swap3A_447 {strides = array<i32>} : memref<128x64xf32, #tpu.memory_space<vmem>>, vector<1x16xf32>,
      %add3A_448 = arith.constant 3 : i32
      %add3A_449 = arith.addi %mul3A_257, %add3A_448 : i32
      %get3A_450 = arith.index_cast %add3A_449 : i32 to index
      %get3A_451 = arith.constant 0 : index
      %get3A_452 = tpu.vector_load %arg9[%get3A_450, %get3A_451] {strides = array<i32>} : memref<128x64xf32, #tpu.memory_space<vmem>>, vector<1x16xf32>,
      %get3A_453 = vector.shape_cast %get3A_452 : vector<1x16xf32> to vector<16xf32>
      %mul3A_454 = arith.constant 8.000000e+00 : f32
      %mul3A_455 = vector.broadcast %mul3A_454 : f32 to vector<16xf32>
      %mul3A_456 = arith.mulf %get3A_453, %mul3A_455 : vector<16xf32>
      %add3A_457 = arith.constant 3 : i32
      %add3A_458 = arith.addi %mul3A_257, %add3A_457 : i32
      %swap3A_459 = arith.index_cast %add3A_458 : i32 to index
      %swap3A_460 = arith.constant 0 : index
      %swap3A_461 = tpu.vector_load %arg13[%swap3A_459, %swap3A_460] {strides = array<i32>} : memref<128x64xf32, #tpu.memory_space<vmem>>, vector<1x16xf32>,
      %swap3A_462 = vector.shape_cast %swap3A_461 : vector<1x16xf32> to vector<16xf32>
      %swap3A_463 = vector.shape_cast %mul3A_456 : vector<16xf32> to vector<1x16xf32>
      tpu.vector_store %arg13[%swap3A_459, %swap3A_460], %swap3A_463 {strides = array<i32>} : memref<128x64xf32, #tpu.memory_space<vmem>>, vector<1x16xf32>,
      %add3A_464 = arith.constant 3 : i32
      %add3A_465 = arith.addi %mul3A_257, %add3A_464 : i32
      %get3A_466 = arith.index_cast %add3A_465 : i32 to index
      %get3A_467 = arith.constant 16 : index
      %get3A_468 = tpu.vector_load %arg9[%get3A_466, %get3A_467] {strides = array<i32>} : memref<128x64xf32, #tpu.memory_space<vmem>>, vector<1x16xf32>,
      %get3A_469 = vector.shape_cast %get3A_468 : vector<1x16xf32> to vector<16xf32>
      %mul3A_470 = arith.constant 8.000000e+00 : f32
      %mul3A_471 = vector.broadcast %mul3A_470 : f32 to vector<16xf32>
      %mul3A_472 = arith.mulf %get3A_469, %mul3A_471 : vector<16xf32>
      %add3A_473 = arith.constant 3 : i32
      %add3A_474 = arith.addi %mul3A_257, %add3A_473 : i32
      %swap3A_475 = arith.index_cast %add3A_474 : i32 to index
      %swap3A_476 = arith.constant 16 : index
      %swap3A_477 = tpu.vector_load %arg13[%swap3A_475, %swap3A_476] {strides = array<i32>} : memref<128x64xf32, #tpu.memory_space<vmem>>, vector<1x16xf32>,
      %swap3A_478 = vector.shape_cast %swap3A_477 : vector<1x16xf32> to vector<16xf32>
      %swap3A_479 = vector.shape_cast %mul3A_472 : vector<16xf32> to vector<1x16xf32>
      tpu.vector_store %arg13[%swap3A_475, %swap3A_476], %swap3A_479 {strides = array<i32>} : memref<128x64xf32, #tpu.memory_space<vmem>>, vector<1x16xf32>,
      %add3A_480 = arith.constant 3 : i32
      %add3A_481 = arith.addi %mul3A_257, %add3A_480 : i32
      %get3A_482 = arith.index_cast %add3A_481 : i32 to index
      %get3A_483 = arith.constant 32 : index
      %get3A_484 = tpu.vector_load %arg9[%get3A_482, %get3A_483] {strides = array<i32>} : memref<128x64xf32, #tpu.memory_space<vmem>>, vector<1x16xf32>,
      %get3A_485 = vector.shape_cast %get3A_484 : vector<1x16xf32> to vector<16xf32>
      %mul3A_486 = arith.constant 8.000000e+00 : f32
      %mul3A_487 = vector.broadcast %mul3A_486 : f32 to vector<16xf32>
      %mul3A_488 = arith.mulf %get3A_485, %mul3A_487 : vector<16xf32>
      %add3A_489 = arith.constant 3 : i32
      %add3A_490 = arith.addi %mul3A_257, %add3A_489 : i32
      %swap3A_491 = arith.index_cast %add3A_490 : i32 to index
      %swap3A_492 = arith.constant 32 : index
      %swap3A_493 = tpu.vector_load %arg13[%swap3A_491, %swap3A_492] {strides = array<i32>} : memref<128x64xf32, #tpu.memory_space<vmem>>, vector<1x16xf32>,
      %swap3A_494 = vector.shape_cast %swap3A_493 : vector<1x16xf32> to vector<16xf32>
      %swap3A_495 = vector.shape_cast %mul3A_488 : vector<16xf32> to vector<1x16xf32>
      tpu.vector_store %arg13[%swap3A_491, %swap3A_492], %swap3A_495 {strides = array<i32>} : memref<128x64xf32, #tpu.memory_space<vmem>>, vector<1x16xf32>,
      %add3A_496 = arith.constant 3 : i32
      %add3A_497 = arith.addi %mul3A_257, %add3A_496 : i32
      %get3A_498 = arith.index_cast %add3A_497 : i32 to index
      %get3A_499 = arith.constant 48 : index
      %get3A_500 = tpu.vector_load %arg9[%get3A_498, %get3A_499] {strides = array<i32>} : memref<128x64xf32, #tpu.memory_space<vmem>>, vector<1x16xf32>,
      %get3A_501 = vector.shape_cast %get3A_500 : vector<1x16xf32> to vector<16xf32>
      %mul3A_502 = arith.constant 8.000000e+00 : f32
      %mul3A_503 = vector.broadcast %mul3A_502 : f32 to vector<16xf32>
      %mul3A_504 = arith.mulf %get3A_501, %mul3A_503 : vector<16xf32>
      %add3A_505 = arith.constant 3 : i32
      %add3A_506 = arith.addi %mul3A_257, %add3A_505 : i32
      %swap3A_507 = arith.index_cast %add3A_506 : i32 to index
      %swap3A_508 = arith.constant 48 : index
      %swap3A_509 = tpu.vector_load %arg13[%swap3A_507, %swap3A_508] {strides = array<i32>} : memref<128x64xf32, #tpu.memory_space<vmem>>, vector<1x16xf32>,
      %swap3A_510 = vector.shape_cast %swap3A_509 : vector<1x16xf32> to vector<16xf32>
      %swap3A_511 = vector.shape_cast %mul3A_504 : vector<16xf32> to vector<1x16xf32>
      tpu.vector_store %arg13[%swap3A_507, %swap3A_508], %swap3A_511 {strides = array<i32>} : memref<128x64xf32, #tpu.memory_space<vmem>>, vector<1x16xf32>,
    }
    %scan3A_116 = arith.constant 32 : i32
    %add3A_117 = arith.constant 384 : i32
    %add3A_118 = arith.addi %mul3A_2, %add3A_117 : i32
    %dma_start3A_119 = arith.constant 0 : i32
    %dma_start3A_120 = tpu.memref_slice %arg4[%add3A_118, %dma_start3A_119] : memref<819200x64xf32, #tpu.memory_space<hbm>> -> memref<128x64xf32, #tpu.memory_space<hbm>>
    %dma_start3A_121 = arith.constant 0 : i32
    %dma_start3A_122 = tpu.memref_slice %arg4[%add3A_118, %dma_start3A_121] : memref<819200x64xf32, #tpu.memory_space<hbm>> -> memref<128x64xf32, #tpu.memory_space<hbm>>
    tpu.enqueue_dma source(%arg13 : memref<128x64xf32, #tpu.memory_space<vmem>>) target(%dma_start3A_122 : memref<128x64xf32, #tpu.memory_space<hbm>>) target_semaphore(%arg21 : memref<!tpu.dma_semaphore, #tpu.memory_space<semaphore_mem>>)
    %dma_start3A_123 = arith.constant 7 : i32
    %dma_start3A_124 = arith.constant 0 : i32
    %dma_start3A_125 = tpu.memref_slice %arg5[%dma_start3A_123, %dma_start3A_124] : memref<200x128xi32, #tpu.memory_space<vmem>> -> memref<1x128xi32, #tpu.memory_space<vmem>>
    %dma_start3A_126 = tpu.memref_squeeze %dma_start3A_125 : memref<1x128xi32, #tpu.memory_space<vmem>> -> memref<128xi32, #tpu.memory_space<vmem>>
    %dma_start3A_127 = arith.constant 0 : i32
    %dma_start3A_128 = arith.constant 0 : i32
    %dma_start3A_129 = tpu.memref_slice %arg3[%dma_start3A_127, %dma_start3A_128] : memref<1000000x64xf32, #tpu.memory_space<hbm>> -> memref<1000000x64xf32, #tpu.memory_space<hbm>>
    tpu.enqueue_indirect_dma source(%dma_start3A_129 : memref<1000000x64xf32, #tpu.memory_space<hbm>>) target(%arg9 : memref<128x64xf32, #tpu.memory_space<vmem>>) offsets(%dma_start3A_126 : memref<128xi32, #tpu.memory_space<vmem>>) semaphore(%arg17 : memref<!tpu.dma_semaphore, #tpu.memory_space<semaphore_mem>>)
    %scan3A_130 = arith.constant 1 : i32
    %scan3A_131 = arith.constant 48 : i32
    %scan3A_132 = arith.addi %scan3A_130, %scan3A_131 : i32
    %scan3A_133 = arith.constant 1 : i32
    scf.for %scan3A_255 = %scan3A_130 to %scan3A_132 step %scan3A_133  : i32 {
      %mul3A_256 = arith.constant 4 : i32
      %mul3A_257 = arith.muli %scan3A_255, %mul3A_256 : i32
      %add3A_258 = arith.constant 0 : i32
      %add3A_259 = arith.addi %mul3A_257, %add3A_258 : i32
      %dma_wait3A_260 = arith.constant 0 : i32
      %dma_wait3A_261 = arith.constant 0 : i32
      %dma_wait3A_262 = tpu.memref_slice %arg5[%dma_wait3A_260, %dma_wait3A_261] : memref<200x128xi32, #tpu.memory_space<vmem>> -> memref<1x128xi32, #tpu.memory_space<vmem>>
      %dma_wait3A_263 = tpu.memref_squeeze %dma_wait3A_262 : memref<1x128xi32, #tpu.memory_space<vmem>> -> memref<128xi32, #tpu.memory_space<vmem>>
      %dma_wait3A_264 = arith.constant 0 : i32
      %dma_wait3A_265 = arith.constant 0 : i32
      %dma_wait3A_266 = tpu.memref_slice %arg3[%dma_wait3A_264, %dma_wait3A_265] : memref<1000000x64xf32, #tpu.memory_space<hbm>> -> memref<1000000x64xf32, #tpu.memory_space<hbm>>
      tpu.wait_indirect_dma semaphore(%arg14 : memref<!tpu.dma_semaphore, #tpu.memory_space<semaphore_mem>>) src(%dma_wait3A_266 : memref<1000000x64xf32, #tpu.memory_space<hbm>>) dst(%arg6 : memref<128x64xf32, #tpu.memory_space<vmem>>)
      %dma_wait3A_267 = arith.constant 0 : i32
      %dma_wait3A_268 = arith.constant 0 : i32
      %dma_wait3A_269 = tpu.memref_slice %arg4[%dma_wait3A_267, %dma_wait3A_268] : memref<819200x64xf32, #tpu.memory_space<hbm>> -> memref<128x64xf32, #tpu.memory_space<hbm>>
      %dma_wait3A_270 = arith.constant 0 : i32
      %dma_wait3A_271 = arith.constant 0 : i32
      %dma_wait3A_272 = tpu.memref_slice %arg4[%dma_wait3A_270, %dma_wait3A_271] : memref<819200x64xf32, #tpu.memory_space<hbm>> -> memref<128x64xf32, #tpu.memory_space<hbm>>
      tpu.wait_dma2 semaphore(%arg18 : memref<!tpu.dma_semaphore, #tpu.memory_space<semaphore_mem>>) src(%arg10 : memref<128x64xf32, #tpu.memory_space<vmem>>) dst(%dma_wait3A_272 : memref<128x64xf32, #tpu.memory_space<hbm>>)
      %scan3A_273 = arith.constant 0 : i32
      %scan3A_274 = arith.constant 32 : i32
      %scan3A_275 = arith.addi %scan3A_273, %scan3A_274 : i32
      %scan3A_276 = arith.constant 1 : i32
      scf.for %scan3A_404 = %scan3A_273 to %scan3A_275 step %scan3A_276  : i32 {
        %mul3A_405 = arith.constant 4 : i32
        %mul3A_406 = arith.muli %scan3A_404, %mul3A_405 : i32
        %add3A_407 = arith.constant 0 : i32
        %add3A_408 = arith.addi %mul3A_406, %add3A_407 : i32
        %get3A = arith.index_cast %add3A_408 : i32 to index
        %get3A_409 = arith.constant 0 : index
        %get3A_410 = tpu.vector_load %arg6[%get3A, %get3A_409] {strides = array<i32>} : memref<128x64xf32, #tpu.memory_space<vmem>>, vector<1x16xf32>,
        %get3A_411 = vector.shape_cast %get3A_410 : vector<1x16xf32> to vector<16xf32>
        %mul3A_412 = arith.constant 8.000000e+00 : f32
        %mul3A_413 = vector.broadcast %mul3A_412 : f32 to vector<16xf32>
        %mul3A_414 = arith.mulf %get3A_411, %mul3A_413 : vector<16xf32>
        %add3A_415 = arith.constant 0 : i32
        %add3A_416 = arith.addi %mul3A_406, %add3A_415 : i32
        %swap3A = arith.index_cast %add3A_416 : i32 to index
        %swap3A_417 = arith.constant 0 : index
        %swap3A_418 = tpu.vector_load %arg10[%swap3A, %swap3A_417] {strides = array<i32>} : memref<128x64xf32, #tpu.memory_space<vmem>>, vector<1x16xf32>,
        %swap3A_419 = vector.shape_cast %swap3A_418 : vector<1x16xf32> to vector<16xf32>
        %swap3A_420 = vector.shape_cast %mul3A_414 : vector<16xf32> to vector<1x16xf32>
        tpu.vector_store %arg10[%swap3A, %swap3A_417], %swap3A_420 {strides = array<i32>} : memref<128x64xf32, #tpu.memory_space<vmem>>, vector<1x16xf32>,
        %add3A_421 = arith.constant 0 : i32
        %add3A_422 = arith.addi %mul3A_406, %add3A_421 : i32
        %get3A_423 = arith.index_cast %add3A_422 : i32 to index
        %get3A_424 = arith.constant 16 : index
        %get3A_425 = tpu.vector_load %arg6[%get3A_423, %get3A_424] {strides = array<i32>} : memref<128x64xf32, #tpu.memory_space<vmem>>, vector<1x16xf32>,
        %get3A_426 = vector.shape_cast %get3A_425 : vector<1x16xf32> to vector<16xf32>
        %mul3A_427 = arith.constant 8.000000e+00 : f32
        %mul3A_428 = vector.broadcast %mul3A_427 : f32 to vector<16xf32>
        %mul3A_429 = arith.mulf %get3A_426, %mul3A_428 : vector<16xf32>
        %add3A_430 = arith.constant 0 : i32
        %add3A_431 = arith.addi %mul3A_406, %add3A_430 : i32
        %swap3A_432 = arith.index_cast %add3A_431 : i32 to index
        %swap3A_433 = arith.constant 16 : index
        %swap3A_434 = tpu.vector_load %arg10[%swap3A_432, %swap3A_433] {strides = array<i32>} : memref<128x64xf32, #tpu.memory_space<vmem>>, vector<1x16xf32>,
        %swap3A_435 = vector.shape_cast %swap3A_434 : vector<1x16xf32> to vector<16xf32>
        %swap3A_436 = vector.shape_cast %mul3A_429 : vector<16xf32> to vector<1x16xf32>
        tpu.vector_store %arg10[%swap3A_432, %swap3A_433], %swap3A_436 {strides = array<i32>} : memref<128x64xf32, #tpu.memory_space<vmem>>, vector<1x16xf32>,
        %add3A_437 = arith.constant 0 : i32
        %add3A_438 = arith.addi %mul3A_406, %add3A_437 : i32
        %get3A_439 = arith.index_cast %add3A_438 : i32 to index
        %get3A_440 = arith.constant 32 : index
        %get3A_441 = tpu.vector_load %arg6[%get3A_439, %get3A_440] {strides = array<i32>} : memref<128x64xf32, #tpu.memory_space<vmem>>, vector<1x16xf32>,
        %get3A_442 = vector.shape_cast %get3A_441 : vector<1x16xf32> to vector<16xf32>
        %mul3A_443 = arith.constant 8.000000e+00 : f32
        %mul3A_444 = vector.broadcast %mul3A_443 : f32 to vector<16xf32>
        %mul3A_445 = arith.mulf %get3A_442, %mul3A_444 : vector<16xf32>
        %add3A_446 = arith.constant 0 : i32
        %add3A_447 = arith.addi %mul3A_406, %add3A_446 : i32
        %swap3A_448 = arith.index_cast %add3A_447 : i32 to index
        %swap3A_449 = arith.constant 32 : index
        %swap3A_450 = tpu.vector_load %arg10[%swap3A_448, %swap3A_449] {strides = array<i32>} : memref<128x64xf32, #tpu.memory_space<vmem>>, vector<1x16xf32>,
        %swap3A_451 = vector.shape_cast %swap3A_450 : vector<1x16xf32> to vector<16xf32>
        %swap3A_452 = vector.shape_cast %mul3A_445 : vector<16xf32> to vector<1x16xf32>
        tpu.vector_store %arg10[%swap3A_448, %swap3A_449], %swap3A_452 {strides = array<i32>} : memref<128x64xf32, #tpu.memory_space<vmem>>, vector<1x16xf32>,
        %add3A_453 = arith.constant 0 : i32
        %add3A_454 = arith.addi %mul3A_406, %add3A_453 : i32
        %get3A_455 = arith.index_cast %add3A_454 : i32 to index
        %get3A_456 = arith.constant 48 : index
        %get3A_457 = tpu.vector_load %arg6[%get3A_455, %get3A_456] {strides = array<i32>} : memref<128x64xf32, #tpu.memory_space<vmem>>, vector<1x16xf32>,
        %get3A_458 = vector.shape_cast %get3A_457 : vector<1x16xf32> to vector<16xf32>
        %mul3A_459 = arith.constant 8.000000e+00 : f32
        %mul3A_460 = vector.broadcast %mul3A_459 : f32 to vector<16xf32>
        %mul3A_461 = arith.mulf %get3A_458, %mul3A_460 : vector<16xf32>
        %add3A_462 = arith.constant 0 : i32
        %add3A_463 = arith.addi %mul3A_406, %add3A_462 : i32
        %swap3A_464 = arith.index_cast %add3A_463 : i32 to index
        %swap3A_465 = arith.constant 48 : index
        %swap3A_466 = tpu.vector_load %arg10[%swap3A_464, %swap3A_465] {strides = array<i32>} : memref<128x64xf32, #tpu.memory_space<vmem>>, vector<1x16xf32>,
        %swap3A_467 = vector.shape_cast %swap3A_466 : vector<1x16xf32> to vector<16xf32>
        %swap3A_468 = vector.shape_cast %mul3A_461 : vector<16xf32> to vector<1x16xf32>
        tpu.vector_store %arg10[%swap3A_464, %swap3A_465], %swap3A_468 {strides = array<i32>} : memref<128x64xf32, #tpu.memory_space<vmem>>, vector<1x16xf32>,
        %add3A_469 = arith.constant 1 : i32
        %add3A_470 = arith.addi %mul3A_406, %add3A_469 : i32
        %get3A_471 = arith.index_cast %add3A_470 : i32 to index
        %get3A_472 = arith.constant 0 : index
        %get3A_473 = tpu.vector_load %arg6[%get3A_471, %get3A_472] {strides = array<i32>} : memref<128x64xf32, #tpu.memory_space<vmem>>, vector<1x16xf32>,
        %get3A_474 = vector.shape_cast %get3A_473 : vector<1x16xf32> to vector<16xf32>
        %mul3A_475 = arith.constant 8.000000e+00 : f32
        %mul3A_476 = vector.broadcast %mul3A_475 : f32 to vector<16xf32>
        %mul3A_477 = arith.mulf %get3A_474, %mul3A_476 : vector<16xf32>
        %add3A_478 = arith.constant 1 : i32
        %add3A_479 = arith.addi %mul3A_406, %add3A_478 : i32
        %swap3A_480 = arith.index_cast %add3A_479 : i32 to index
        %swap3A_481 = arith.constant 0 : index
        %swap3A_482 = tpu.vector_load %arg10[%swap3A_480, %swap3A_481] {strides = array<i32>} : memref<128x64xf32, #tpu.memory_space<vmem>>, vector<1x16xf32>,
        %swap3A_483 = vector.shape_cast %swap3A_482 : vector<1x16xf32> to vector<16xf32>
        %swap3A_484 = vector.shape_cast %mul3A_477 : vector<16xf32> to vector<1x16xf32>
        tpu.vector_store %arg10[%swap3A_480, %swap3A_481], %swap3A_484 {strides = array<i32>} : memref<128x64xf32, #tpu.memory_space<vmem>>, vector<1x16xf32>,
        %add3A_485 = arith.constant 1 : i32
        %add3A_486 = arith.addi %mul3A_406, %add3A_485 : i32
        %get3A_487 = arith.index_cast %add3A_486 : i32 to index
        %get3A_488 = arith.constant 16 : index
        %get3A_489 = tpu.vector_load %arg6[%get3A_487, %get3A_488] {strides = array<i32>} : memref<128x64xf32, #tpu.memory_space<vmem>>, vector<1x16xf32>,
        %get3A_490 = vector.shape_cast %get3A_489 : vector<1x16xf32> to vector<16xf32>
        %mul3A_491 = arith.constant 8.000000e+00 : f32
        %mul3A_492 = vector.broadcast %mul3A_491 : f32 to vector<16xf32>
        %mul3A_493 = arith.mulf %get3A_490, %mul3A_492 : vector<16xf32>
        %add3A_494 = arith.constant 1 : i32
        %add3A_495 = arith.addi %mul3A_406, %add3A_494 : i32
        %swap3A_496 = arith.index_cast %add3A_495 : i32 to index
        %swap3A_497 = arith.constant 16 : index
        %swap3A_498 = tpu.vector_load %arg10[%swap3A_496, %swap3A_497] {strides = array<i32>} : memref<128x64xf32, #tpu.memory_space<vmem>>, vector<1x16xf32>,
        %swap3A_499 = vector.shape_cast %swap3A_498 : vector<1x16xf32> to vector<16xf32>
        %swap3A_500 = vector.shape_cast %mul3A_493 : vector<16xf32> to vector<1x16xf32>
        tpu.vector_store %arg10[%swap3A_496, %swap3A_497], %swap3A_500 {strides = array<i32>} : memref<128x64xf32, #tpu.memory_space<vmem>>, vector<1x16xf32>,
        %add3A_501 = arith.constant 1 : i32
        %add3A_502 = arith.addi %mul3A_406, %add3A_501 : i32
        %get3A_503 = arith.index_cast %add3A_502 : i32 to index
        %get3A_504 = arith.constant 32 : index
        %get3A_505 = tpu.vector_load %arg6[%get3A_503, %get3A_504] {strides = array<i32>} : memref<128x64xf32, #tpu.memory_space<vmem>>, vector<1x16xf32>,
        %get3A_506 = vector.shape_cast %get3A_505 : vector<1x16xf32> to vector<16xf32>
        %mul3A_507 = arith.constant 8.000000e+00 : f32
        %mul3A_508 = vector.broadcast %mul3A_507 : f32 to vector<16xf32>
        %mul3A_509 = arith.mulf %get3A_506, %mul3A_508 : vector<16xf32>
        %add3A_510 = arith.constant 1 : i32
        %add3A_511 = arith.addi %mul3A_406, %add3A_510 : i32
        %swap3A_512 = arith.index_cast %add3A_511 : i32 to index
        %swap3A_513 = arith.constant 32 : index
        %swap3A_514 = tpu.vector_load %arg10[%swap3A_512, %swap3A_513] {strides = array<i32>} : memref<128x64xf32, #tpu.memory_space<vmem>>, vector<1x16xf32>,
        %swap3A_515 = vector.shape_cast %swap3A_514 : vector<1x16xf32> to vector<16xf32>
        %swap3A_516 = vector.shape_cast %mul3A_509 : vector<16xf32> to vector<1x16xf32>
        tpu.vector_store %arg10[%swap3A_512, %swap3A_513], %swap3A_516 {strides = array<i32>} : memref<128x64xf32, #tpu.memory_space<vmem>>, vector<1x16xf32>,
        %add3A_517 = arith.constant 1 : i32
        %add3A_518 = arith.addi %mul3A_406, %add3A_517 : i32
        %get3A_519 = arith.index_cast %add3A_518 : i32 to index
        %get3A_520 = arith.constant 48 : index
        %get3A_521 = tpu.vector_load %arg6[%get3A_519, %get3A_520] {strides = array<i32>} : memref<128x64xf32, #tpu.memory_space<vmem>>, vector<1x16xf32>,
        %get3A_522 = vector.shape_cast %get3A_521 : vector<1x16xf32> to vector<16xf32>
        %mul3A_523 = arith.constant 8.000000e+00 : f32
        %mul3A_524 = vector.broadcast %mul3A_523 : f32 to vector<16xf32>
        %mul3A_525 = arith.mulf %get3A_522, %mul3A_524 : vector<16xf32>
        %add3A_526 = arith.constant 1 : i32
        %add3A_527 = arith.addi %mul3A_406, %add3A_526 : i32
        %swap3A_528 = arith.index_cast %add3A_527 : i32 to index
        %swap3A_529 = arith.constant 48 : index
        %swap3A_530 = tpu.vector_load %arg10[%swap3A_528, %swap3A_529] {strides = array<i32>} : memref<128x64xf32, #tpu.memory_space<vmem>>, vector<1x16xf32>,
        %swap3A_531 = vector.shape_cast %swap3A_530 : vector<1x16xf32> to vector<16xf32>
        %swap3A_532 = vector.shape_cast %mul3A_525 : vector<16xf32> to vector<1x16xf32>
        tpu.vector_store %arg10[%swap3A_528, %swap3A_529], %swap3A_532 {strides = array<i32>} : memref<128x64xf32, #tpu.memory_space<vmem>>, vector<1x16xf32>,
        %add3A_533 = arith.constant 2 : i32
        %add3A_534 = arith.addi %mul3A_406, %add3A_533 : i32
        %get3A_535 = arith.index_cast %add3A_534 : i32 to index
        %get3A_536 = arith.constant 0 : index
        %get3A_537 = tpu.vector_load %arg6[%get3A_535, %get3A_536] {strides = array<i32>} : memref<128x64xf32, #tpu.memory_space<vmem>>, vector<1x16xf32>,
        %get3A_538 = vector.shape_cast %get3A_537 : vector<1x16xf32> to vector<16xf32>
        %mul3A_539 = arith.constant 8.000000e+00 : f32
        %mul3A_540 = vector.broadcast %mul3A_539 : f32 to vector<16xf32>
        %mul3A_541 = arith.mulf %get3A_538, %mul3A_540 : vector<16xf32>
        %add3A_542 = arith.constant 2 : i32
        %add3A_543 = arith.addi %mul3A_406, %add3A_542 : i32
        %swap3A_544 = arith.index_cast %add3A_543 : i32 to index
        %swap3A_545 = arith.constant 0 : index
        %swap3A_546 = tpu.vector_load %arg10[%swap3A_544, %swap3A_545] {strides = array<i32>} : memref<128x64xf32, #tpu.memory_space<vmem>>, vector<1x16xf32>,
        %swap3A_547 = vector.shape_cast %swap3A_546 : vector<1x16xf32> to vector<16xf32>
        %swap3A_548 = vector.shape_cast %mul3A_541 : vector<16xf32> to vector<1x16xf32>
        tpu.vector_store %arg10[%swap3A_544, %swap3A_545], %swap3A_548 {strides = array<i32>} : memref<128x64xf32, #tpu.memory_space<vmem>>, vector<1x16xf32>,
        %add3A_549 = arith.constant 2 : i32
        %add3A_550 = arith.addi %mul3A_406, %add3A_549 : i32
        %get3A_551 = arith.index_cast %add3A_550 : i32 to index
        %get3A_552 = arith.constant 16 : index
        %get3A_553 = tpu.vector_load %arg6[%get3A_551, %get3A_552] {strides = array<i32>} : memref<128x64xf32, #tpu.memory_space<vmem>>, vector<1x16xf32>,
        %get3A_554 = vector.shape_cast %get3A_553 : vector<1x16xf32> to vector<16xf32>
        %mul3A_555 = arith.constant 8.000000e+00 : f32
        %mul3A_556 = vector.broadcast %mul3A_555 : f32 to vector<16xf32>
        %mul3A_557 = arith.mulf %get3A_554, %mul3A_556 : vector<16xf32>
        %add3A_558 = arith.constant 2 : i32
        %add3A_559 = arith.addi %mul3A_406, %add3A_558 : i32
        %swap3A_560 = arith.index_cast %add3A_559 : i32 to index
        %swap3A_561 = arith.constant 16 : index
        %swap3A_562 = tpu.vector_load %arg10[%swap3A_560, %swap3A_561] {strides = array<i32>} : memref<128x64xf32, #tpu.memory_space<vmem>>, vector<1x16xf32>,
        %swap3A_563 = vector.shape_cast %swap3A_562 : vector<1x16xf32> to vector<16xf32>
        %swap3A_564 = vector.shape_cast %mul3A_557 : vector<16xf32> to vector<1x16xf32>
        tpu.vector_store %arg10[%swap3A_560, %swap3A_561], %swap3A_564 {strides = array<i32>} : memref<128x64xf32, #tpu.memory_space<vmem>>, vector<1x16xf32>,
        %add3A_565 = arith.constant 2 : i32
        %add3A_566 = arith.addi %mul3A_406, %add3A_565 : i32
        %get3A_567 = arith.index_cast %add3A_566 : i32 to index
        %get3A_568 = arith.constant 32 : index
        %get3A_569 = tpu.vector_load %arg6[%get3A_567, %get3A_568] {strides = array<i32>} : memref<128x64xf32, #tpu.memory_space<vmem>>, vector<1x16xf32>,
        %get3A_570 = vector.shape_cast %get3A_569 : vector<1x16xf32> to vector<16xf32>
        %mul3A_571 = arith.constant 8.000000e+00 : f32
        %mul3A_572 = vector.broadcast %mul3A_571 : f32 to vector<16xf32>
        %mul3A_573 = arith.mulf %get3A_570, %mul3A_572 : vector<16xf32>
        %add3A_574 = arith.constant 2 : i32
        %add3A_575 = arith.addi %mul3A_406, %add3A_574 : i32
        %swap3A_576 = arith.index_cast %add3A_575 : i32 to index
        %swap3A_577 = arith.constant 32 : index
        %swap3A_578 = tpu.vector_load %arg10[%swap3A_576, %swap3A_577] {strides = array<i32>} : memref<128x64xf32, #tpu.memory_space<vmem>>, vector<1x16xf32>,
        %swap3A_579 = vector.shape_cast %swap3A_578 : vector<1x16xf32> to vector<16xf32>
        %swap3A_580 = vector.shape_cast %mul3A_573 : vector<16xf32> to vector<1x16xf32>
        tpu.vector_store %arg10[%swap3A_576, %swap3A_577], %swap3A_580 {strides = array<i32>} : memref<128x64xf32, #tpu.memory_space<vmem>>, vector<1x16xf32>,
        %add3A_581 = arith.constant 2 : i32
        %add3A_582 = arith.addi %mul3A_406, %add3A_581 : i32
        %get3A_583 = arith.index_cast %add3A_582 : i32 to index
        %get3A_584 = arith.constant 48 : index
        %get3A_585 = tpu.vector_load %arg6[%get3A_583, %get3A_584] {strides = array<i32>} : memref<128x64xf32, #tpu.memory_space<vmem>>, vector<1x16xf32>,
        %get3A_586 = vector.shape_cast %get3A_585 : vector<1x16xf32> to vector<16xf32>
        %mul3A_587 = arith.constant 8.000000e+00 : f32
        %mul3A_588 = vector.broadcast %mul3A_587 : f32 to vector<16xf32>
        %mul3A_589 = arith.mulf %get3A_586, %mul3A_588 : vector<16xf32>
        %add3A_590 = arith.constant 2 : i32
        %add3A_591 = arith.addi %mul3A_406, %add3A_590 : i32
        %swap3A_592 = arith.index_cast %add3A_591 : i32 to index
        %swap3A_593 = arith.constant 48 : index
        %swap3A_594 = tpu.vector_load %arg10[%swap3A_592, %swap3A_593] {strides = array<i32>} : memref<128x64xf32, #tpu.memory_space<vmem>>, vector<1x16xf32>,
        %swap3A_595 = vector.shape_cast %swap3A_594 : vector<1x16xf32> to vector<16xf32>
        %swap3A_596 = vector.shape_cast %mul3A_589 : vector<16xf32> to vector<1x16xf32>
        tpu.vector_store %arg10[%swap3A_592, %swap3A_593], %swap3A_596 {strides = array<i32>} : memref<128x64xf32, #tpu.memory_space<vmem>>, vector<1x16xf32>,
        %add3A_597 = arith.constant 3 : i32
        %add3A_598 = arith.addi %mul3A_406, %add3A_597 : i32
        %get3A_599 = arith.index_cast %add3A_598 : i32 to index
        %get3A_600 = arith.constant 0 : index
        %get3A_601 = tpu.vector_load %arg6[%get3A_599, %get3A_600] {strides = array<i32>} : memref<128x64xf32, #tpu.memory_space<vmem>>, vector<1x16xf32>,
        %get3A_602 = vector.shape_cast %get3A_601 : vector<1x16xf32> to vector<16xf32>
        %mul3A_603 = arith.constant 8.000000e+00 : f32
        %mul3A_604 = vector.broadcast %mul3A_603 : f32 to vector<16xf32>
        %mul3A_605 = arith.mulf %get3A_602, %mul3A_604 : vector<16xf32>
        %add3A_606 = arith.constant 3 : i32
        %add3A_607 = arith.addi %mul3A_406, %add3A_606 : i32
        %swap3A_608 = arith.index_cast %add3A_607 : i32 to index
        %swap3A_609 = arith.constant 0 : index
        %swap3A_610 = tpu.vector_load %arg10[%swap3A_608, %swap3A_609] {strides = array<i32>} : memref<128x64xf32, #tpu.memory_space<vmem>>, vector<1x16xf32>,
        %swap3A_611 = vector.shape_cast %swap3A_610 : vector<1x16xf32> to vector<16xf32>
        %swap3A_612 = vector.shape_cast %mul3A_605 : vector<16xf32> to vector<1x16xf32>
        tpu.vector_store %arg10[%swap3A_608, %swap3A_609], %swap3A_612 {strides = array<i32>} : memref<128x64xf32, #tpu.memory_space<vmem>>, vector<1x16xf32>,
        %add3A_613 = arith.constant 3 : i32
        %add3A_614 = arith.addi %mul3A_406, %add3A_613 : i32
        %get3A_615 = arith.index_cast %add3A_614 : i32 to index
        %get3A_616 = arith.constant 16 : index
        %get3A_617 = tpu.vector_load %arg6[%get3A_615, %get3A_616] {strides = array<i32>} : memref<128x64xf32, #tpu.memory_space<vmem>>, vector<1x16xf32>,
        %get3A_618 = vector.shape_cast %get3A_617 : vector<1x16xf32> to vector<16xf32>
        %mul3A_619 = arith.constant 8.000000e+00 : f32
        %mul3A_620 = vector.broadcast %mul3A_619 : f32 to vector<16xf32>
        %mul3A_621 = arith.mulf %get3A_618, %mul3A_620 : vector<16xf32>
        %add3A_622 = arith.constant 3 : i32
        %add3A_623 = arith.addi %mul3A_406, %add3A_622 : i32
        %swap3A_624 = arith.index_cast %add3A_623 : i32 to index
        %swap3A_625 = arith.constant 16 : index
        %swap3A_626 = tpu.vector_load %arg10[%swap3A_624, %swap3A_625] {strides = array<i32>} : memref<128x64xf32, #tpu.memory_space<vmem>>, vector<1x16xf32>,
        %swap3A_627 = vector.shape_cast %swap3A_626 : vector<1x16xf32> to vector<16xf32>
        %swap3A_628 = vector.shape_cast %mul3A_621 : vector<16xf32> to vector<1x16xf32>
        tpu.vector_store %arg10[%swap3A_624, %swap3A_625], %swap3A_628 {strides = array<i32>} : memref<128x64xf32, #tpu.memory_space<vmem>>, vector<1x16xf32>,
        %add3A_629 = arith.constant 3 : i32
        %add3A_630 = arith.addi %mul3A_406, %add3A_629 : i32
        %get3A_631 = arith.index_cast %add3A_630 : i32 to index
        %get3A_632 = arith.constant 32 : index
        %get3A_633 = tpu.vector_load %arg6[%get3A_631, %get3A_632] {strides = array<i32>} : memref<128x64xf32, #tpu.memory_space<vmem>>, vector<1x16xf32>,
        %get3A_634 = vector.shape_cast %get3A_633 : vector<1x16xf32> to vector<16xf32>
        %mul3A_635 = arith.constant 8.000000e+00 : f32
        %mul3A_636 = vector.broadcast %mul3A_635 : f32 to vector<16xf32>
        %mul3A_637 = arith.mulf %get3A_634, %mul3A_636 : vector<16xf32>
        %add3A_638 = arith.constant 3 : i32
        %add3A_639 = arith.addi %mul3A_406, %add3A_638 : i32
        %swap3A_640 = arith.index_cast %add3A_639 : i32 to index
        %swap3A_641 = arith.constant 32 : index
        %swap3A_642 = tpu.vector_load %arg10[%swap3A_640, %swap3A_641] {strides = array<i32>} : memref<128x64xf32, #tpu.memory_space<vmem>>, vector<1x16xf32>,
        %swap3A_643 = vector.shape_cast %swap3A_642 : vector<1x16xf32> to vector<16xf32>
        %swap3A_644 = vector.shape_cast %mul3A_637 : vector<16xf32> to vector<1x16xf32>
        tpu.vector_store %arg10[%swap3A_640, %swap3A_641], %swap3A_644 {strides = array<i32>} : memref<128x64xf32, #tpu.memory_space<vmem>>, vector<1x16xf32>,
        %add3A_645 = arith.constant 3 : i32
        %add3A_646 = arith.addi %mul3A_406, %add3A_645 : i32
        %get3A_647 = arith.index_cast %add3A_646 : i32 to index
        %get3A_648 = arith.constant 48 : index
        %get3A_649 = tpu.vector_load %arg6[%get3A_647, %get3A_648] {strides = array<i32>} : memref<128x64xf32, #tpu.memory_space<vmem>>, vector<1x16xf32>,
        %get3A_650 = vector.shape_cast %get3A_649 : vector<1x16xf32> to vector<16xf32>
        %mul3A_651 = arith.constant 8.000000e+00 : f32
        %mul3A_652 = vector.broadcast %mul3A_651 : f32 to vector<16xf32>
        %mul3A_653 = arith.mulf %get3A_650, %mul3A_652 : vector<16xf32>
        %add3A_654 = arith.constant 3 : i32
        %add3A_655 = arith.addi %mul3A_406, %add3A_654 : i32
        %swap3A_656 = arith.index_cast %add3A_655 : i32 to index
        %swap3A_657 = arith.constant 48 : index
        %swap3A_658 = tpu.vector_load %arg10[%swap3A_656, %swap3A_657] {strides = array<i32>} : memref<128x64xf32, #tpu.memory_space<vmem>>, vector<1x16xf32>,
        %swap3A_659 = vector.shape_cast %swap3A_658 : vector<1x16xf32> to vector<16xf32>
        %swap3A_660 = vector.shape_cast %mul3A_653 : vector<16xf32> to vector<1x16xf32>
        tpu.vector_store %arg10[%swap3A_656, %swap3A_657], %swap3A_660 {strides = array<i32>} : memref<128x64xf32, #tpu.memory_space<vmem>>, vector<1x16xf32>,
      }
      %scan3A_277 = arith.constant 32 : i32
      %mul3A_278 = arith.constant 128 : i32
      %mul3A_279 = arith.muli %add3A_259, %mul3A_278 : i32
      %add3A_280 = arith.addi %mul3A_2, %mul3A_279 : i32
      %dma_start3A_281 = arith.constant 0 : i32
      %dma_start3A_282 = tpu.memref_slice %arg4[%add3A_280, %dma_start3A_281] : memref<819200x64xf32, #tpu.memory_space<hbm>> -> memref<128x64xf32, #tpu.memory_space<hbm>>
      %dma_start3A_283 = arith.constant 0 : i32
      %dma_start3A_284 = tpu.memref_slice %arg4[%add3A_280, %dma_start3A_283] : memref<819200x64xf32, #tpu.memory_space<hbm>> -> memref<128x64xf32, #tpu.memory_space<hbm>>
      tpu.enqueue_dma source(%arg10 : memref<128x64xf32, #tpu.memory_space<vmem>>) target(%dma_start3A_284 : memref<128x64xf32, #tpu.memory_space<hbm>>) target_semaphore(%arg18 : memref<!tpu.dma_semaphore, #tpu.memory_space<semaphore_mem>>)
      %add3A_285 = arith.constant 4 : i32
      %add3A_286 = arith.addi %add3A_259, %add3A_285 : i32
      %dma_start3A_287 = arith.constant 0 : i32
      %dma_start3A_288 = tpu.memref_slice %arg5[%add3A_286, %dma_start3A_287] : memref<200x128xi32, #tpu.memory_space<vmem>> -> memref<1x128xi32, #tpu.memory_space<vmem>>
      %dma_start3A_289 = tpu.memref_squeeze %dma_start3A_288 : memref<1x128xi32, #tpu.memory_space<vmem>> -> memref<128xi32, #tpu.memory_space<vmem>>
      %dma_start3A_290 = arith.constant 0 : i32
      %dma_start3A_291 = arith.constant 0 : i32
      %dma_start3A_292 = tpu.memref_slice %arg3[%dma_start3A_290, %dma_start3A_291] : memref<1000000x64xf32, #tpu.memory_space<hbm>> -> memref<1000000x64xf32, #tpu.memory_space<hbm>>
      tpu.enqueue_indirect_dma source(%dma_start3A_292 : memref<1000000x64xf32, #tpu.memory_space<hbm>>) target(%arg6 : memref<128x64xf32, #tpu.memory_space<vmem>>) offsets(%dma_start3A_289 : memref<128xi32, #tpu.memory_space<vmem>>) semaphore(%arg14 : memref<!tpu.dma_semaphore, #tpu.memory_space<semaphore_mem>>)
      %mul3A_293 = arith.constant 4 : i32
      %mul3A_294 = arith.muli %scan3A_255, %mul3A_293 : i32
      %add3A_295 = arith.constant 1 : i32
      %add3A_296 = arith.addi %mul3A_294, %add3A_295 : i32
      %dma_wait3A_297 = arith.constant 0 : i32
      %dma_wait3A_298 = arith.constant 0 : i32
      %dma_wait3A_299 = tpu.memref_slice %arg5[%dma_wait3A_297, %dma_wait3A_298] : memref<200x128xi32, #tpu.memory_space<vmem>> -> memref<1x128xi32, #tpu.memory_space<vmem>>
      %dma_wait3A_300 = tpu.memref_squeeze %dma_wait3A_299 : memref<1x128xi32, #tpu.memory_space<vmem>> -> memref<128xi32, #tpu.memory_space<vmem>>
      %dma_wait3A_301 = arith.constant 0 : i32
      %dma_wait3A_302 = arith.constant 0 : i32
      %dma_wait3A_303 = tpu.memref_slice %arg3[%dma_wait3A_301, %dma_wait3A_302] : memref<1000000x64xf32, #tpu.memory_space<hbm>> -> memref<1000000x64xf32, #tpu.memory_space<hbm>>
      tpu.wait_indirect_dma semaphore(%arg15 : memref<!tpu.dma_semaphore, #tpu.memory_space<semaphore_mem>>) src(%dma_wait3A_303 : memref<1000000x64xf32, #tpu.memory_space<hbm>>) dst(%arg7 : memref<128x64xf32, #tpu.memory_space<vmem>>)
      %dma_wait3A_304 = arith.constant 0 : i32
      %dma_wait3A_305 = arith.constant 0 : i32
      %dma_wait3A_306 = tpu.memref_slice %arg4[%dma_wait3A_304, %dma_wait3A_305] : memref<819200x64xf32, #tpu.memory_space<hbm>> -> memref<128x64xf32, #tpu.memory_space<hbm>>
      %dma_wait3A_307 = arith.constant 0 : i32
      %dma_wait3A_308 = arith.constant 0 : i32
      %dma_wait3A_309 = tpu.memref_slice %arg4[%dma_wait3A_307, %dma_wait3A_308] : memref<819200x64xf32, #tpu.memory_space<hbm>> -> memref<128x64xf32, #tpu.memory_space<hbm>>
      tpu.wait_dma2 semaphore(%arg19 : memref<!tpu.dma_semaphore, #tpu.memory_space<semaphore_mem>>) src(%arg11 : memref<128x64xf32, #tpu.memory_space<vmem>>) dst(%dma_wait3A_309 : memref<128x64xf32, #tpu.memory_space<hbm>>)
      %scan3A_310 = arith.constant 0 : i32
      %scan3A_311 = arith.constant 32 : i32
      %scan3A_312 = arith.addi %scan3A_310, %scan3A_311 : i32
      %scan3A_313 = arith.constant 1 : i32
      scf.for %scan3A_404 = %scan3A_310 to %scan3A_312 step %scan3A_313  : i32 {
        %mul3A_405 = arith.constant 4 : i32
        %mul3A_406 = arith.muli %scan3A_404, %mul3A_405 : i32
        %add3A_407 = arith.constant 0 : i32
        %add3A_408 = arith.addi %mul3A_406, %add3A_407 : i32
        %get3A = arith.index_cast %add3A_408 : i32 to index
        %get3A_409 = arith.constant 0 : index
        %get3A_410 = tpu.vector_load %arg7[%get3A, %get3A_409] {strides = array<i32>} : memref<128x64xf32, #tpu.memory_space<vmem>>, vector<1x16xf32>,
        %get3A_411 = vector.shape_cast %get3A_410 : vector<1x16xf32> to vector<16xf32>
        %mul3A_412 = arith.constant 8.000000e+00 : f32
        %mul3A_413 = vector.broadcast %mul3A_412 : f32 to vector<16xf32>
        %mul3A_414 = arith.mulf %get3A_411, %mul3A_413 : vector<16xf32>
        %add3A_415 = arith.constant 0 : i32
        %add3A_416 = arith.addi %mul3A_406, %add3A_415 : i32
        %swap3A = arith.index_cast %add3A_416 : i32 to index
        %swap3A_417 = arith.constant 0 : index
        %swap3A_418 = tpu.vector_load %arg11[%swap3A, %swap3A_417] {strides = array<i32>} : memref<128x64xf32, #tpu.memory_space<vmem>>, vector<1x16xf32>,
        %swap3A_419 = vector.shape_cast %swap3A_418 : vector<1x16xf32> to vector<16xf32>
        %swap3A_420 = vector.shape_cast %mul3A_414 : vector<16xf32> to vector<1x16xf32>
        tpu.vector_store %arg11[%swap3A, %swap3A_417], %swap3A_420 {strides = array<i32>} : memref<128x64xf32, #tpu.memory_space<vmem>>, vector<1x16xf32>,
        %add3A_421 = arith.constant 0 : i32
        %add3A_422 = arith.addi %mul3A_406, %add3A_421 : i32
        %get3A_423 = arith.index_cast %add3A_422 : i32 to index
        %get3A_424 = arith.constant 16 : index
        %get3A_425 = tpu.vector_load %arg7[%get3A_423, %get3A_424] {strides = array<i32>} : memref<128x64xf32, #tpu.memory_space<vmem>>, vector<1x16xf32>,
        %get3A_426 = vector.shape_cast %get3A_425 : vector<1x16xf32> to vector<16xf32>
        %mul3A_427 = arith.constant 8.000000e+00 : f32
        %mul3A_428 = vector.broadcast %mul3A_427 : f32 to vector<16xf32>
        %mul3A_429 = arith.mulf %get3A_426, %mul3A_428 : vector<16xf32>
        %add3A_430 = arith.constant 0 : i32
        %add3A_431 = arith.addi %mul3A_406, %add3A_430 : i32
        %swap3A_432 = arith.index_cast %add3A_431 : i32 to index
        %swap3A_433 = arith.constant 16 : index
        %swap3A_434 = tpu.vector_load %arg11[%swap3A_432, %swap3A_433] {strides = array<i32>} : memref<128x64xf32, #tpu.memory_space<vmem>>, vector<1x16xf32>,
        %swap3A_435 = vector.shape_cast %swap3A_434 : vector<1x16xf32> to vector<16xf32>
        %swap3A_436 = vector.shape_cast %mul3A_429 : vector<16xf32> to vector<1x16xf32>
        tpu.vector_store %arg11[%swap3A_432, %swap3A_433], %swap3A_436 {strides = array<i32>} : memref<128x64xf32, #tpu.memory_space<vmem>>, vector<1x16xf32>,
        %add3A_437 = arith.constant 0 : i32
        %add3A_438 = arith.addi %mul3A_406, %add3A_437 : i32
        %get3A_439 = arith.index_cast %add3A_438 : i32 to index
        %get3A_440 = arith.constant 32 : index
        %get3A_441 = tpu.vector_load %arg7[%get3A_439, %get3A_440] {strides = array<i32>} : memref<128x64xf32, #tpu.memory_space<vmem>>, vector<1x16xf32>,
        %get3A_442 = vector.shape_cast %get3A_441 : vector<1x16xf32> to vector<16xf32>
        %mul3A_443 = arith.constant 8.000000e+00 : f32
        %mul3A_444 = vector.broadcast %mul3A_443 : f32 to vector<16xf32>
        %mul3A_445 = arith.mulf %get3A_442, %mul3A_444 : vector<16xf32>
        %add3A_446 = arith.constant 0 : i32
        %add3A_447 = arith.addi %mul3A_406, %add3A_446 : i32
        %swap3A_448 = arith.index_cast %add3A_447 : i32 to index
        %swap3A_449 = arith.constant 32 : index
        %swap3A_450 = tpu.vector_load %arg11[%swap3A_448, %swap3A_449] {strides = array<i32>} : memref<128x64xf32, #tpu.memory_space<vmem>>, vector<1x16xf32>,
        %swap3A_451 = vector.shape_cast %swap3A_450 : vector<1x16xf32> to vector<16xf32>
        %swap3A_452 = vector.shape_cast %mul3A_445 : vector<16xf32> to vector<1x16xf32>
        tpu.vector_store %arg11[%swap3A_448, %swap3A_449], %swap3A_452 {strides = array<i32>} : memref<128x64xf32, #tpu.memory_space<vmem>>, vector<1x16xf32>,
        %add3A_453 = arith.constant 0 : i32
        %add3A_454 = arith.addi %mul3A_406, %add3A_453 : i32
        %get3A_455 = arith.index_cast %add3A_454 : i32 to index
        %get3A_456 = arith.constant 48 : index
        %get3A_457 = tpu.vector_load %arg7[%get3A_455, %get3A_456] {strides = array<i32>} : memref<128x64xf32, #tpu.memory_space<vmem>>, vector<1x16xf32>,
        %get3A_458 = vector.shape_cast %get3A_457 : vector<1x16xf32> to vector<16xf32>
        %mul3A_459 = arith.constant 8.000000e+00 : f32
        %mul3A_460 = vector.broadcast %mul3A_459 : f32 to vector<16xf32>
        %mul3A_461 = arith.mulf %get3A_458, %mul3A_460 : vector<16xf32>
        %add3A_462 = arith.constant 0 : i32
        %add3A_463 = arith.addi %mul3A_406, %add3A_462 : i32
        %swap3A_464 = arith.index_cast %add3A_463 : i32 to index
        %swap3A_465 = arith.constant 48 : index
        %swap3A_466 = tpu.vector_load %arg11[%swap3A_464, %swap3A_465] {strides = array<i32>} : memref<128x64xf32, #tpu.memory_space<vmem>>, vector<1x16xf32>,
        %swap3A_467 = vector.shape_cast %swap3A_466 : vector<1x16xf32> to vector<16xf32>
        %swap3A_468 = vector.shape_cast %mul3A_461 : vector<16xf32> to vector<1x16xf32>
        tpu.vector_store %arg11[%swap3A_464, %swap3A_465], %swap3A_468 {strides = array<i32>} : memref<128x64xf32, #tpu.memory_space<vmem>>, vector<1x16xf32>,
        %add3A_469 = arith.constant 1 : i32
        %add3A_470 = arith.addi %mul3A_406, %add3A_469 : i32
        %get3A_471 = arith.index_cast %add3A_470 : i32 to index
        %get3A_472 = arith.constant 0 : index
        %get3A_473 = tpu.vector_load %arg7[%get3A_471, %get3A_472] {strides = array<i32>} : memref<128x64xf32, #tpu.memory_space<vmem>>, vector<1x16xf32>,
        %get3A_474 = vector.shape_cast %get3A_473 : vector<1x16xf32> to vector<16xf32>
        %mul3A_475 = arith.constant 8.000000e+00 : f32
        %mul3A_476 = vector.broadcast %mul3A_475 : f32 to vector<16xf32>
        %mul3A_477 = arith.mulf %get3A_474, %mul3A_476 : vector<16xf32>
        %add3A_478 = arith.constant 1 : i32
        %add3A_479 = arith.addi %mul3A_406, %add3A_478 : i32
        %swap3A_480 = arith.index_cast %add3A_479 : i32 to index
        %swap3A_481 = arith.constant 0 : index
        %swap3A_482 = tpu.vector_load %arg11[%swap3A_480, %swap3A_481] {strides = array<i32>} : memref<128x64xf32, #tpu.memory_space<vmem>>, vector<1x16xf32>,
        %swap3A_483 = vector.shape_cast %swap3A_482 : vector<1x16xf32> to vector<16xf32>
        %swap3A_484 = vector.shape_cast %mul3A_477 : vector<16xf32> to vector<1x16xf32>
        tpu.vector_store %arg11[%swap3A_480, %swap3A_481], %swap3A_484 {strides = array<i32>} : memref<128x64xf32, #tpu.memory_space<vmem>>, vector<1x16xf32>,
        %add3A_485 = arith.constant 1 : i32
        %add3A_486 = arith.addi %mul3A_406, %add3A_485 : i32
        %get3A_487 = arith.index_cast %add3A_486 : i32 to index
        %get3A_488 = arith.constant 16 : index
        %get3A_489 = tpu.vector_load %arg7[%get3A_487, %get3A_488] {strides = array<i32>} : memref<128x64xf32, #tpu.memory_space<vmem>>, vector<1x16xf32>,
        %get3A_490 = vector.shape_cast %get3A_489 : vector<1x16xf32> to vector<16xf32>
        %mul3A_491 = arith.constant 8.000000e+00 : f32
        %mul3A_492 = vector.broadcast %mul3A_491 : f32 to vector<16xf32>
        %mul3A_493 = arith.mulf %get3A_490, %mul3A_492 : vector<16xf32>
        %add3A_494 = arith.constant 1 : i32
        %add3A_495 = arith.addi %mul3A_406, %add3A_494 : i32
        %swap3A_496 = arith.index_cast %add3A_495 : i32 to index
        %swap3A_497 = arith.constant 16 : index
        %swap3A_498 = tpu.vector_load %arg11[%swap3A_496, %swap3A_497] {strides = array<i32>} : memref<128x64xf32, #tpu.memory_space<vmem>>, vector<1x16xf32>,
        %swap3A_499 = vector.shape_cast %swap3A_498 : vector<1x16xf32> to vector<16xf32>
        %swap3A_500 = vector.shape_cast %mul3A_493 : vector<16xf32> to vector<1x16xf32>
        tpu.vector_store %arg11[%swap3A_496, %swap3A_497], %swap3A_500 {strides = array<i32>} : memref<128x64xf32, #tpu.memory_space<vmem>>, vector<1x16xf32>,
        %add3A_501 = arith.constant 1 : i32
        %add3A_502 = arith.addi %mul3A_406, %add3A_501 : i32
        %get3A_503 = arith.index_cast %add3A_502 : i32 to index
        %get3A_504 = arith.constant 32 : index
        %get3A_505 = tpu.vector_load %arg7[%get3A_503, %get3A_504] {strides = array<i32>} : memref<128x64xf32, #tpu.memory_space<vmem>>, vector<1x16xf32>,
        %get3A_506 = vector.shape_cast %get3A_505 : vector<1x16xf32> to vector<16xf32>
        %mul3A_507 = arith.constant 8.000000e+00 : f32
        %mul3A_508 = vector.broadcast %mul3A_507 : f32 to vector<16xf32>
        %mul3A_509 = arith.mulf %get3A_506, %mul3A_508 : vector<16xf32>
        %add3A_510 = arith.constant 1 : i32
        %add3A_511 = arith.addi %mul3A_406, %add3A_510 : i32
        %swap3A_512 = arith.index_cast %add3A_511 : i32 to index
        %swap3A_513 = arith.constant 32 : index
        %swap3A_514 = tpu.vector_load %arg11[%swap3A_512, %swap3A_513] {strides = array<i32>} : memref<128x64xf32, #tpu.memory_space<vmem>>, vector<1x16xf32>,
        %swap3A_515 = vector.shape_cast %swap3A_514 : vector<1x16xf32> to vector<16xf32>
        %swap3A_516 = vector.shape_cast %mul3A_509 : vector<16xf32> to vector<1x16xf32>
        tpu.vector_store %arg11[%swap3A_512, %swap3A_513], %swap3A_516 {strides = array<i32>} : memref<128x64xf32, #tpu.memory_space<vmem>>, vector<1x16xf32>,
        %add3A_517 = arith.constant 1 : i32
        %add3A_518 = arith.addi %mul3A_406, %add3A_517 : i32
        %get3A_519 = arith.index_cast %add3A_518 : i32 to index
        %get3A_520 = arith.constant 48 : index
        %get3A_521 = tpu.vector_load %arg7[%get3A_519, %get3A_520] {strides = array<i32>} : memref<128x64xf32, #tpu.memory_space<vmem>>, vector<1x16xf32>,
        %get3A_522 = vector.shape_cast %get3A_521 : vector<1x16xf32> to vector<16xf32>
        %mul3A_523 = arith.constant 8.000000e+00 : f32
        %mul3A_524 = vector.broadcast %mul3A_523 : f32 to vector<16xf32>
        %mul3A_525 = arith.mulf %get3A_522, %mul3A_524 : vector<16xf32>
        %add3A_526 = arith.constant 1 : i32
        %add3A_527 = arith.addi %mul3A_406, %add3A_526 : i32
        %swap3A_528 = arith.index_cast %add3A_527 : i32 to index
        %swap3A_529 = arith.constant 48 : index
        %swap3A_530 = tpu.vector_load %arg11[%swap3A_528, %swap3A_529] {strides = array<i32>} : memref<128x64xf32, #tpu.memory_space<vmem>>, vector<1x16xf32>,
        %swap3A_531 = vector.shape_cast %swap3A_530 : vector<1x16xf32> to vector<16xf32>
        %swap3A_532 = vector.shape_cast %mul3A_525 : vector<16xf32> to vector<1x16xf32>
        tpu.vector_store %arg11[%swap3A_528, %swap3A_529], %swap3A_532 {strides = array<i32>} : memref<128x64xf32, #tpu.memory_space<vmem>>, vector<1x16xf32>,
        %add3A_533 = arith.constant 2 : i32
        %add3A_534 = arith.addi %mul3A_406, %add3A_533 : i32
        %get3A_535 = arith.index_cast %add3A_534 : i32 to index
        %get3A_536 = arith.constant 0 : index
        %get3A_537 = tpu.vector_load %arg7[%get3A_535, %get3A_536] {strides = array<i32>} : memref<128x64xf32, #tpu.memory_space<vmem>>, vector<1x16xf32>,
        %get3A_538 = vector.shape_cast %get3A_537 : vector<1x16xf32> to vector<16xf32>
        %mul3A_539 = arith.constant 8.000000e+00 : f32
        %mul3A_540 = vector.broadcast %mul3A_539 : f32 to vector<16xf32>
        %mul3A_541 = arith.mulf %get3A_538, %mul3A_540 : vector<16xf32>
        %add3A_542 = arith.constant 2 : i32
        %add3A_543 = arith.addi %mul3A_406, %add3A_542 : i32
        %swap3A_544 = arith.index_cast %add3A_543 : i32 to index
        %swap3A_545 = arith.constant 0 : index
        %swap3A_546 = tpu.vector_load %arg11[%swap3A_544, %swap3A_545] {strides = array<i32>} : memref<128x64xf32, #tpu.memory_space<vmem>>, vector<1x16xf32>,
        %swap3A_547 = vector.shape_cast %swap3A_546 : vector<1x16xf32> to vector<16xf32>
        %swap3A_548 = vector.shape_cast %mul3A_541 : vector<16xf32> to vector<1x16xf32>
        tpu.vector_store %arg11[%swap3A_544, %swap3A_545], %swap3A_548 {strides = array<i32>} : memref<128x64xf32, #tpu.memory_space<vmem>>, vector<1x16xf32>,
        %add3A_549 = arith.constant 2 : i32
        %add3A_550 = arith.addi %mul3A_406, %add3A_549 : i32
        %get3A_551 = arith.index_cast %add3A_550 : i32 to index
        %get3A_552 = arith.constant 16 : index
        %get3A_553 = tpu.vector_load %arg7[%get3A_551, %get3A_552] {strides = array<i32>} : memref<128x64xf32, #tpu.memory_space<vmem>>, vector<1x16xf32>,
        %get3A_554 = vector.shape_cast %get3A_553 : vector<1x16xf32> to vector<16xf32>
        %mul3A_555 = arith.constant 8.000000e+00 : f32
        %mul3A_556 = vector.broadcast %mul3A_555 : f32 to vector<16xf32>
        %mul3A_557 = arith.mulf %get3A_554, %mul3A_556 : vector<16xf32>
        %add3A_558 = arith.constant 2 : i32
        %add3A_559 = arith.addi %mul3A_406, %add3A_558 : i32
        %swap3A_560 = arith.index_cast %add3A_559 : i32 to index
        %swap3A_561 = arith.constant 16 : index
        %swap3A_562 = tpu.vector_load %arg11[%swap3A_560, %swap3A_561] {strides = array<i32>} : memref<128x64xf32, #tpu.memory_space<vmem>>, vector<1x16xf32>,
        %swap3A_563 = vector.shape_cast %swap3A_562 : vector<1x16xf32> to vector<16xf32>
        %swap3A_564 = vector.shape_cast %mul3A_557 : vector<16xf32> to vector<1x16xf32>
        tpu.vector_store %arg11[%swap3A_560, %swap3A_561], %swap3A_564 {strides = array<i32>} : memref<128x64xf32, #tpu.memory_space<vmem>>, vector<1x16xf32>,
        %add3A_565 = arith.constant 2 : i32
        %add3A_566 = arith.addi %mul3A_406, %add3A_565 : i32
        %get3A_567 = arith.index_cast %add3A_566 : i32 to index
        %get3A_568 = arith.constant 32 : index
        %get3A_569 = tpu.vector_load %arg7[%get3A_567, %get3A_568] {strides = array<i32>} : memref<128x64xf32, #tpu.memory_space<vmem>>, vector<1x16xf32>,
        %get3A_570 = vector.shape_cast %get3A_569 : vector<1x16xf32> to vector<16xf32>
        %mul3A_571 = arith.constant 8.000000e+00 : f32
        %mul3A_572 = vector.broadcast %mul3A_571 : f32 to vector<16xf32>
        %mul3A_573 = arith.mulf %get3A_570, %mul3A_572 : vector<16xf32>
        %add3A_574 = arith.constant 2 : i32
        %add3A_575 = arith.addi %mul3A_406, %add3A_574 : i32
        %swap3A_576 = arith.index_cast %add3A_575 : i32 to index
        %swap3A_577 = arith.constant 32 : index
        %swap3A_578 = tpu.vector_load %arg11[%swap3A_576, %swap3A_577] {strides = array<i32>} : memref<128x64xf32, #tpu.memory_space<vmem>>, vector<1x16xf32>,
        %swap3A_579 = vector.shape_cast %swap3A_578 : vector<1x16xf32> to vector<16xf32>
        %swap3A_580 = vector.shape_cast %mul3A_573 : vector<16xf32> to vector<1x16xf32>
        tpu.vector_store %arg11[%swap3A_576, %swap3A_577], %swap3A_580 {strides = array<i32>} : memref<128x64xf32, #tpu.memory_space<vmem>>, vector<1x16xf32>,
        %add3A_581 = arith.constant 2 : i32
        %add3A_582 = arith.addi %mul3A_406, %add3A_581 : i32
        %get3A_583 = arith.index_cast %add3A_582 : i32 to index
        %get3A_584 = arith.constant 48 : index
        %get3A_585 = tpu.vector_load %arg7[%get3A_583, %get3A_584] {strides = array<i32>} : memref<128x64xf32, #tpu.memory_space<vmem>>, vector<1x16xf32>,
        %get3A_586 = vector.shape_cast %get3A_585 : vector<1x16xf32> to vector<16xf32>
        %mul3A_587 = arith.constant 8.000000e+00 : f32
        %mul3A_588 = vector.broadcast %mul3A_587 : f32 to vector<16xf32>
        %mul3A_589 = arith.mulf %get3A_586, %mul3A_588 : vector<16xf32>
        %add3A_590 = arith.constant 2 : i32
        %add3A_591 = arith.addi %mul3A_406, %add3A_590 : i32
        %swap3A_592 = arith.index_cast %add3A_591 : i32 to index
        %swap3A_593 = arith.constant 48 : index
        %swap3A_594 = tpu.vector_load %arg11[%swap3A_592, %swap3A_593] {strides = array<i32>} : memref<128x64xf32, #tpu.memory_space<vmem>>, vector<1x16xf32>,
        %swap3A_595 = vector.shape_cast %swap3A_594 : vector<1x16xf32> to vector<16xf32>
        %swap3A_596 = vector.shape_cast %mul3A_589 : vector<16xf32> to vector<1x16xf32>
        tpu.vector_store %arg11[%swap3A_592, %swap3A_593], %swap3A_596 {strides = array<i32>} : memref<128x64xf32, #tpu.memory_space<vmem>>, vector<1x16xf32>,
        %add3A_597 = arith.constant 3 : i32
        %add3A_598 = arith.addi %mul3A_406, %add3A_597 : i32
        %get3A_599 = arith.index_cast %add3A_598 : i32 to index
        %get3A_600 = arith.constant 0 : index
        %get3A_601 = tpu.vector_load %arg7[%get3A_599, %get3A_600] {strides = array<i32>} : memref<128x64xf32, #tpu.memory_space<vmem>>, vector<1x16xf32>,
        %get3A_602 = vector.shape_cast %get3A_601 : vector<1x16xf32> to vector<16xf32>
        %mul3A_603 = arith.constant 8.000000e+00 : f32
        %mul3A_604 = vector.broadcast %mul3A_603 : f32 to vector<16xf32>
        %mul3A_605 = arith.mulf %get3A_602, %mul3A_604 : vector<16xf32>
        %add3A_606 = arith.constant 3 : i32
        %add3A_607 = arith.addi %mul3A_406, %add3A_606 : i32
        %swap3A_608 = arith.index_cast %add3A_607 : i32 to index
        %swap3A_609 = arith.constant 0 : index
        %swap3A_610 = tpu.vector_load %arg11[%swap3A_608, %swap3A_609] {strides = array<i32>} : memref<128x64xf32, #tpu.memory_space<vmem>>, vector<1x16xf32>,
        %swap3A_611 = vector.shape_cast %swap3A_610 : vector<1x16xf32> to vector<16xf32>
        %swap3A_612 = vector.shape_cast %mul3A_605 : vector<16xf32> to vector<1x16xf32>
        tpu.vector_store %arg11[%swap3A_608, %swap3A_609], %swap3A_612 {strides = array<i32>} : memref<128x64xf32, #tpu.memory_space<vmem>>, vector<1x16xf32>,
        %add3A_613 = arith.constant 3 : i32
        %add3A_614 = arith.addi %mul3A_406, %add3A_613 : i32
        %get3A_615 = arith.index_cast %add3A_614 : i32 to index
        %get3A_616 = arith.constant 16 : index
        %get3A_617 = tpu.vector_load %arg7[%get3A_615, %get3A_616] {strides = array<i32>} : memref<128x64xf32, #tpu.memory_space<vmem>>, vector<1x16xf32>,
        %get3A_618 = vector.shape_cast %get3A_617 : vector<1x16xf32> to vector<16xf32>
        %mul3A_619 = arith.constant 8.000000e+00 : f32
        %mul3A_620 = vector.broadcast %mul3A_619 : f32 to vector<16xf32>
        %mul3A_621 = arith.mulf %get3A_618, %mul3A_620 : vector<16xf32>
        %add3A_622 = arith.constant 3 : i32
        %add3A_623 = arith.addi %mul3A_406, %add3A_622 : i32
        %swap3A_624 = arith.index_cast %add3A_623 : i32 to index
        %swap3A_625 = arith.constant 16 : index
        %swap3A_626 = tpu.vector_load %arg11[%swap3A_624, %swap3A_625] {strides = array<i32>} : memref<128x64xf32, #tpu.memory_space<vmem>>, vector<1x16xf32>,
        %swap3A_627 = vector.shape_cast %swap3A_626 : vector<1x16xf32> to vector<16xf32>
        %swap3A_628 = vector.shape_cast %mul3A_621 : vector<16xf32> to vector<1x16xf32>
        tpu.vector_store %arg11[%swap3A_624, %swap3A_625], %swap3A_628 {strides = array<i32>} : memref<128x64xf32, #tpu.memory_space<vmem>>, vector<1x16xf32>,
        %add3A_629 = arith.constant 3 : i32
        %add3A_630 = arith.addi %mul3A_406, %add3A_629 : i32
        %get3A_631 = arith.index_cast %add3A_630 : i32 to index
        %get3A_632 = arith.constant 32 : index
        %get3A_633 = tpu.vector_load %arg7[%get3A_631, %get3A_632] {strides = array<i32>} : memref<128x64xf32, #tpu.memory_space<vmem>>, vector<1x16xf32>,
        %get3A_634 = vector.shape_cast %get3A_633 : vector<1x16xf32> to vector<16xf32>
        %mul3A_635 = arith.constant 8.000000e+00 : f32
        %mul3A_636 = vector.broadcast %mul3A_635 : f32 to vector<16xf32>
        %mul3A_637 = arith.mulf %get3A_634, %mul3A_636 : vector<16xf32>
        %add3A_638 = arith.constant 3 : i32
        %add3A_639 = arith.addi %mul3A_406, %add3A_638 : i32
        %swap3A_640 = arith.index_cast %add3A_639 : i32 to index
        %swap3A_641 = arith.constant 32 : index
        %swap3A_642 = tpu.vector_load %arg11[%swap3A_640, %swap3A_641] {strides = array<i32>} : memref<128x64xf32, #tpu.memory_space<vmem>>, vector<1x16xf32>,
        %swap3A_643 = vector.shape_cast %swap3A_642 : vector<1x16xf32> to vector<16xf32>
        %swap3A_644 = vector.shape_cast %mul3A_637 : vector<16xf32> to vector<1x16xf32>
        tpu.vector_store %arg11[%swap3A_640, %swap3A_641], %swap3A_644 {strides = array<i32>} : memref<128x64xf32, #tpu.memory_space<vmem>>, vector<1x16xf32>,
        %add3A_645 = arith.constant 3 : i32
        %add3A_646 = arith.addi %mul3A_406, %add3A_645 : i32
        %get3A_647 = arith.index_cast %add3A_646 : i32 to index
        %get3A_648 = arith.constant 48 : index
        %get3A_649 = tpu.vector_load %arg7[%get3A_647, %get3A_648] {strides = array<i32>} : memref<128x64xf32, #tpu.memory_space<vmem>>, vector<1x16xf32>,
        %get3A_650 = vector.shape_cast %get3A_649 : vector<1x16xf32> to vector<16xf32>
        %mul3A_651 = arith.constant 8.000000e+00 : f32
        %mul3A_652 = vector.broadcast %mul3A_651 : f32 to vector<16xf32>
        %mul3A_653 = arith.mulf %get3A_650, %mul3A_652 : vector<16xf32>
        %add3A_654 = arith.constant 3 : i32
        %add3A_655 = arith.addi %mul3A_406, %add3A_654 : i32
        %swap3A_656 = arith.index_cast %add3A_655 : i32 to index
        %swap3A_657 = arith.constant 48 : index
        %swap3A_658 = tpu.vector_load %arg11[%swap3A_656, %swap3A_657] {strides = array<i32>} : memref<128x64xf32, #tpu.memory_space<vmem>>, vector<1x16xf32>,
        %swap3A_659 = vector.shape_cast %swap3A_658 : vector<1x16xf32> to vector<16xf32>
        %swap3A_660 = vector.shape_cast %mul3A_653 : vector<16xf32> to vector<1x16xf32>
        tpu.vector_store %arg11[%swap3A_656, %swap3A_657], %swap3A_660 {strides = array<i32>} : memref<128x64xf32, #tpu.memory_space<vmem>>, vector<1x16xf32>,
      }
      %scan3A_314 = arith.constant 32 : i32
      %mul3A_315 = arith.constant 128 : i32
      %mul3A_316 = arith.muli %add3A_296, %mul3A_315 : i32
      %add3A_317 = arith.addi %mul3A_2, %mul3A_316 : i32
      %dma_start3A_318 = arith.constant 0 : i32
      %dma_start3A_319 = tpu.memref_slice %arg4[%add3A_317, %dma_start3A_318] : memref<819200x64xf32, #tpu.memory_space<hbm>> -> memref<128x64xf32, #tpu.memory_space<hbm>>
      %dma_start3A_320 = arith.constant 0 : i32
      %dma_start3A_321 = tpu.memref_slice %arg4[%add3A_317, %dma_start3A_320] : memref<819200x64xf32, #tpu.memory_space<hbm>> -> memref<128x64xf32, #tpu.memory_space<hbm>>
      tpu.enqueue_dma source(%arg11 : memref<128x64xf32, #tpu.memory_space<vmem>>) target(%dma_start3A_321 : memref<128x64xf32, #tpu.memory_space<hbm>>) target_semaphore(%arg19 : memref<!tpu.dma_semaphore, #tpu.memory_space<semaphore_mem>>)
      %add3A_322 = arith.constant 4 : i32
      %add3A_323 = arith.addi %add3A_296, %add3A_322 : i32
      %dma_start3A_324 = arith.constant 0 : i32
      %dma_start3A_325 = tpu.memref_slice %arg5[%add3A_323, %dma_start3A_324] : memref<200x128xi32, #tpu.memory_space<vmem>> -> memref<1x128xi32, #tpu.memory_space<vmem>>
      %dma_start3A_326 = tpu.memref_squeeze %dma_start3A_325 : memref<1x128xi32, #tpu.memory_space<vmem>> -> memref<128xi32, #tpu.memory_space<vmem>>
      %dma_start3A_327 = arith.constant 0 : i32
      %dma_start3A_328 = arith.constant 0 : i32
      %dma_start3A_329 = tpu.memref_slice %arg3[%dma_start3A_327, %dma_start3A_328] : memref<1000000x64xf32, #tpu.memory_space<hbm>> -> memref<1000000x64xf32, #tpu.memory_space<hbm>>
      tpu.enqueue_indirect_dma source(%dma_start3A_329 : memref<1000000x64xf32, #tpu.memory_space<hbm>>) target(%arg7 : memref<128x64xf32, #tpu.memory_space<vmem>>) offsets(%dma_start3A_326 : memref<128xi32, #tpu.memory_space<vmem>>) semaphore(%arg15 : memref<!tpu.dma_semaphore, #tpu.memory_space<semaphore_mem>>)
      %mul3A_330 = arith.constant 4 : i32
      %mul3A_331 = arith.muli %scan3A_255, %mul3A_330 : i32
      %add3A_332 = arith.constant 2 : i32
      %add3A_333 = arith.addi %mul3A_331, %add3A_332 : i32
      %dma_wait3A_334 = arith.constant 0 : i32
      %dma_wait3A_335 = arith.constant 0 : i32
      %dma_wait3A_336 = tpu.memref_slice %arg5[%dma_wait3A_334, %dma_wait3A_335] : memref<200x128xi32, #tpu.memory_space<vmem>> -> memref<1x128xi32, #tpu.memory_space<vmem>>
      %dma_wait3A_337 = tpu.memref_squeeze %dma_wait3A_336 : memref<1x128xi32, #tpu.memory_space<vmem>> -> memref<128xi32, #tpu.memory_space<vmem>>
      %dma_wait3A_338 = arith.constant 0 : i32
      %dma_wait3A_339 = arith.constant 0 : i32
      %dma_wait3A_340 = tpu.memref_slice %arg3[%dma_wait3A_338, %dma_wait3A_339] : memref<1000000x64xf32, #tpu.memory_space<hbm>> -> memref<1000000x64xf32, #tpu.memory_space<hbm>>
      tpu.wait_indirect_dma semaphore(%arg16 : memref<!tpu.dma_semaphore, #tpu.memory_space<semaphore_mem>>) src(%dma_wait3A_340 : memref<1000000x64xf32, #tpu.memory_space<hbm>>) dst(%arg8 : memref<128x64xf32, #tpu.memory_space<vmem>>)
      %dma_wait3A_341 = arith.constant 0 : i32
      %dma_wait3A_342 = arith.constant 0 : i32
      %dma_wait3A_343 = tpu.memref_slice %arg4[%dma_wait3A_341, %dma_wait3A_342] : memref<819200x64xf32, #tpu.memory_space<hbm>> -> memref<128x64xf32, #tpu.memory_space<hbm>>
      %dma_wait3A_344 = arith.constant 0 : i32
      %dma_wait3A_345 = arith.constant 0 : i32
      %dma_wait3A_346 = tpu.memref_slice %arg4[%dma_wait3A_344, %dma_wait3A_345] : memref<819200x64xf32, #tpu.memory_space<hbm>> -> memref<128x64xf32, #tpu.memory_space<hbm>>
      tpu.wait_dma2 semaphore(%arg20 : memref<!tpu.dma_semaphore, #tpu.memory_space<semaphore_mem>>) src(%arg12 : memref<128x64xf32, #tpu.memory_space<vmem>>) dst(%dma_wait3A_346 : memref<128x64xf32, #tpu.memory_space<hbm>>)
      %scan3A_347 = arith.constant 0 : i32
      %scan3A_348 = arith.constant 32 : i32
      %scan3A_349 = arith.addi %scan3A_347, %scan3A_348 : i32
      %scan3A_350 = arith.constant 1 : i32
      scf.for %scan3A_404 = %scan3A_347 to %scan3A_349 step %scan3A_350  : i32 {
        %mul3A_405 = arith.constant 4 : i32
        %mul3A_406 = arith.muli %scan3A_404, %mul3A_405 : i32
        %add3A_407 = arith.constant 0 : i32
        %add3A_408 = arith.addi %mul3A_406, %add3A_407 : i32
        %get3A = arith.index_cast %add3A_408 : i32 to index
        %get3A_409 = arith.constant 0 : index
        %get3A_410 = tpu.vector_load %arg8[%get3A, %get3A_409] {strides = array<i32>} : memref<128x64xf32, #tpu.memory_space<vmem>>, vector<1x16xf32>,
        %get3A_411 = vector.shape_cast %get3A_410 : vector<1x16xf32> to vector<16xf32>
        %mul3A_412 = arith.constant 8.000000e+00 : f32
        %mul3A_413 = vector.broadcast %mul3A_412 : f32 to vector<16xf32>
        %mul3A_414 = arith.mulf %get3A_411, %mul3A_413 : vector<16xf32>
        %add3A_415 = arith.constant 0 : i32
        %add3A_416 = arith.addi %mul3A_406, %add3A_415 : i32
        %swap3A = arith.index_cast %add3A_416 : i32 to index
        %swap3A_417 = arith.constant 0 : index
        %swap3A_418 = tpu.vector_load %arg12[%swap3A, %swap3A_417] {strides = array<i32>} : memref<128x64xf32, #tpu.memory_space<vmem>>, vector<1x16xf32>,
        %swap3A_419 = vector.shape_cast %swap3A_418 : vector<1x16xf32> to vector<16xf32>
        %swap3A_420 = vector.shape_cast %mul3A_414 : vector<16xf32> to vector<1x16xf32>
        tpu.vector_store %arg12[%swap3A, %swap3A_417], %swap3A_420 {strides = array<i32>} : memref<128x64xf32, #tpu.memory_space<vmem>>, vector<1x16xf32>,
        %add3A_421 = arith.constant 0 : i32
        %add3A_422 = arith.addi %mul3A_406, %add3A_421 : i32
        %get3A_423 = arith.index_cast %add3A_422 : i32 to index
        %get3A_424 = arith.constant 16 : index
        %get3A_425 = tpu.vector_load %arg8[%get3A_423, %get3A_424] {strides = array<i32>} : memref<128x64xf32, #tpu.memory_space<vmem>>, vector<1x16xf32>,
        %get3A_426 = vector.shape_cast %get3A_425 : vector<1x16xf32> to vector<16xf32>
        %mul3A_427 = arith.constant 8.000000e+00 : f32
        %mul3A_428 = vector.broadcast %mul3A_427 : f32 to vector<16xf32>
        %mul3A_429 = arith.mulf %get3A_426, %mul3A_428 : vector<16xf32>
        %add3A_430 = arith.constant 0 : i32
        %add3A_431 = arith.addi %mul3A_406, %add3A_430 : i32
        %swap3A_432 = arith.index_cast %add3A_431 : i32 to index
        %swap3A_433 = arith.constant 16 : index
        %swap3A_434 = tpu.vector_load %arg12[%swap3A_432, %swap3A_433] {strides = array<i32>} : memref<128x64xf32, #tpu.memory_space<vmem>>, vector<1x16xf32>,
        %swap3A_435 = vector.shape_cast %swap3A_434 : vector<1x16xf32> to vector<16xf32>
        %swap3A_436 = vector.shape_cast %mul3A_429 : vector<16xf32> to vector<1x16xf32>
        tpu.vector_store %arg12[%swap3A_432, %swap3A_433], %swap3A_436 {strides = array<i32>} : memref<128x64xf32, #tpu.memory_space<vmem>>, vector<1x16xf32>,
        %add3A_437 = arith.constant 0 : i32
        %add3A_438 = arith.addi %mul3A_406, %add3A_437 : i32
        %get3A_439 = arith.index_cast %add3A_438 : i32 to index
        %get3A_440 = arith.constant 32 : index
        %get3A_441 = tpu.vector_load %arg8[%get3A_439, %get3A_440] {strides = array<i32>} : memref<128x64xf32, #tpu.memory_space<vmem>>, vector<1x16xf32>,
        %get3A_442 = vector.shape_cast %get3A_441 : vector<1x16xf32> to vector<16xf32>
        %mul3A_443 = arith.constant 8.000000e+00 : f32
        %mul3A_444 = vector.broadcast %mul3A_443 : f32 to vector<16xf32>
        %mul3A_445 = arith.mulf %get3A_442, %mul3A_444 : vector<16xf32>
        %add3A_446 = arith.constant 0 : i32
        %add3A_447 = arith.addi %mul3A_406, %add3A_446 : i32
        %swap3A_448 = arith.index_cast %add3A_447 : i32 to index
        %swap3A_449 = arith.constant 32 : index
        %swap3A_450 = tpu.vector_load %arg12[%swap3A_448, %swap3A_449] {strides = array<i32>} : memref<128x64xf32, #tpu.memory_space<vmem>>, vector<1x16xf32>,
        %swap3A_451 = vector.shape_cast %swap3A_450 : vector<1x16xf32> to vector<16xf32>
        %swap3A_452 = vector.shape_cast %mul3A_445 : vector<16xf32> to vector<1x16xf32>
        tpu.vector_store %arg12[%swap3A_448, %swap3A_449], %swap3A_452 {strides = array<i32>} : memref<128x64xf32, #tpu.memory_space<vmem>>, vector<1x16xf32>,
        %add3A_453 = arith.constant 0 : i32
        %add3A_454 = arith.addi %mul3A_406, %add3A_453 : i32
        %get3A_455 = arith.index_cast %add3A_454 : i32 to index
        %get3A_456 = arith.constant 48 : index
        %get3A_457 = tpu.vector_load %arg8[%get3A_455, %get3A_456] {strides = array<i32>} : memref<128x64xf32, #tpu.memory_space<vmem>>, vector<1x16xf32>,
        %get3A_458 = vector.shape_cast %get3A_457 : vector<1x16xf32> to vector<16xf32>
        %mul3A_459 = arith.constant 8.000000e+00 : f32
        %mul3A_460 = vector.broadcast %mul3A_459 : f32 to vector<16xf32>
        %mul3A_461 = arith.mulf %get3A_458, %mul3A_460 : vector<16xf32>
        %add3A_462 = arith.constant 0 : i32
        %add3A_463 = arith.addi %mul3A_406, %add3A_462 : i32
        %swap3A_464 = arith.index_cast %add3A_463 : i32 to index
        %swap3A_465 = arith.constant 48 : index
        %swap3A_466 = tpu.vector_load %arg12[%swap3A_464, %swap3A_465] {strides = array<i32>} : memref<128x64xf32, #tpu.memory_space<vmem>>, vector<1x16xf32>,
        %swap3A_467 = vector.shape_cast %swap3A_466 : vector<1x16xf32> to vector<16xf32>
        %swap3A_468 = vector.shape_cast %mul3A_461 : vector<16xf32> to vector<1x16xf32>
        tpu.vector_store %arg12[%swap3A_464, %swap3A_465], %swap3A_468 {strides = array<i32>} : memref<128x64xf32, #tpu.memory_space<vmem>>, vector<1x16xf32>,
        %add3A_469 = arith.constant 1 : i32
        %add3A_470 = arith.addi %mul3A_406, %add3A_469 : i32
        %get3A_471 = arith.index_cast %add3A_470 : i32 to index
        %get3A_472 = arith.constant 0 : index
        %get3A_473 = tpu.vector_load %arg8[%get3A_471, %get3A_472] {strides = array<i32>} : memref<128x64xf32, #tpu.memory_space<vmem>>, vector<1x16xf32>,
        %get3A_474 = vector.shape_cast %get3A_473 : vector<1x16xf32> to vector<16xf32>
        %mul3A_475 = arith.constant 8.000000e+00 : f32
        %mul3A_476 = vector.broadcast %mul3A_475 : f32 to vector<16xf32>
        %mul3A_477 = arith.mulf %get3A_474, %mul3A_476 : vector<16xf32>
        %add3A_478 = arith.constant 1 : i32
        %add3A_479 = arith.addi %mul3A_406, %add3A_478 : i32
        %swap3A_480 = arith.index_cast %add3A_479 : i32 to index
        %swap3A_481 = arith.constant 0 : index
        %swap3A_482 = tpu.vector_load %arg12[%swap3A_480, %swap3A_481] {strides = array<i32>} : memref<128x64xf32, #tpu.memory_space<vmem>>, vector<1x16xf32>,
        %swap3A_483 = vector.shape_cast %swap3A_482 : vector<1x16xf32> to vector<16xf32>
        %swap3A_484 = vector.shape_cast %mul3A_477 : vector<16xf32> to vector<1x16xf32>
        tpu.vector_store %arg12[%swap3A_480, %swap3A_481], %swap3A_484 {strides = array<i32>} : memref<128x64xf32, #tpu.memory_space<vmem>>, vector<1x16xf32>,
        %add3A_485 = arith.constant 1 : i32
        %add3A_486 = arith.addi %mul3A_406, %add3A_485 : i32
        %get3A_487 = arith.index_cast %add3A_486 : i32 to index
        %get3A_488 = arith.constant 16 : index
        %get3A_489 = tpu.vector_load %arg8[%get3A_487, %get3A_488] {strides = array<i32>} : memref<128x64xf32, #tpu.memory_space<vmem>>, vector<1x16xf32>,
        %get3A_490 = vector.shape_cast %get3A_489 : vector<1x16xf32> to vector<16xf32>
        %mul3A_491 = arith.constant 8.000000e+00 : f32
        %mul3A_492 = vector.broadcast %mul3A_491 : f32 to vector<16xf32>
        %mul3A_493 = arith.mulf %get3A_490, %mul3A_492 : vector<16xf32>
        %add3A_494 = arith.constant 1 : i32
        %add3A_495 = arith.addi %mul3A_406, %add3A_494 : i32
        %swap3A_496 = arith.index_cast %add3A_495 : i32 to index
        %swap3A_497 = arith.constant 16 : index
        %swap3A_498 = tpu.vector_load %arg12[%swap3A_496, %swap3A_497] {strides = array<i32>} : memref<128x64xf32, #tpu.memory_space<vmem>>, vector<1x16xf32>,
        %swap3A_499 = vector.shape_cast %swap3A_498 : vector<1x16xf32> to vector<16xf32>
        %swap3A_500 = vector.shape_cast %mul3A_493 : vector<16xf32> to vector<1x16xf32>
        tpu.vector_store %arg12[%swap3A_496, %swap3A_497], %swap3A_500 {strides = array<i32>} : memref<128x64xf32, #tpu.memory_space<vmem>>, vector<1x16xf32>,
        %add3A_501 = arith.constant 1 : i32
        %add3A_502 = arith.addi %mul3A_406, %add3A_501 : i32
        %get3A_503 = arith.index_cast %add3A_502 : i32 to index
        %get3A_504 = arith.constant 32 : index
        %get3A_505 = tpu.vector_load %arg8[%get3A_503, %get3A_504] {strides = array<i32>} : memref<128x64xf32, #tpu.memory_space<vmem>>, vector<1x16xf32>,
        %get3A_506 = vector.shape_cast %get3A_505 : vector<1x16xf32> to vector<16xf32>
        %mul3A_507 = arith.constant 8.000000e+00 : f32
        %mul3A_508 = vector.broadcast %mul3A_507 : f32 to vector<16xf32>
        %mul3A_509 = arith.mulf %get3A_506, %mul3A_508 : vector<16xf32>
        %add3A_510 = arith.constant 1 : i32
        %add3A_511 = arith.addi %mul3A_406, %add3A_510 : i32
        %swap3A_512 = arith.index_cast %add3A_511 : i32 to index
        %swap3A_513 = arith.constant 32 : index
        %swap3A_514 = tpu.vector_load %arg12[%swap3A_512, %swap3A_513] {strides = array<i32>} : memref<128x64xf32, #tpu.memory_space<vmem>>, vector<1x16xf32>,
        %swap3A_515 = vector.shape_cast %swap3A_514 : vector<1x16xf32> to vector<16xf32>
        %swap3A_516 = vector.shape_cast %mul3A_509 : vector<16xf32> to vector<1x16xf32>
        tpu.vector_store %arg12[%swap3A_512, %swap3A_513], %swap3A_516 {strides = array<i32>} : memref<128x64xf32, #tpu.memory_space<vmem>>, vector<1x16xf32>,
        %add3A_517 = arith.constant 1 : i32
        %add3A_518 = arith.addi %mul3A_406, %add3A_517 : i32
        %get3A_519 = arith.index_cast %add3A_518 : i32 to index
        %get3A_520 = arith.constant 48 : index
        %get3A_521 = tpu.vector_load %arg8[%get3A_519, %get3A_520] {strides = array<i32>} : memref<128x64xf32, #tpu.memory_space<vmem>>, vector<1x16xf32>,
        %get3A_522 = vector.shape_cast %get3A_521 : vector<1x16xf32> to vector<16xf32>
        %mul3A_523 = arith.constant 8.000000e+00 : f32
        %mul3A_524 = vector.broadcast %mul3A_523 : f32 to vector<16xf32>
        %mul3A_525 = arith.mulf %get3A_522, %mul3A_524 : vector<16xf32>
        %add3A_526 = arith.constant 1 : i32
        %add3A_527 = arith.addi %mul3A_406, %add3A_526 : i32
        %swap3A_528 = arith.index_cast %add3A_527 : i32 to index
        %swap3A_529 = arith.constant 48 : index
        %swap3A_530 = tpu.vector_load %arg12[%swap3A_528, %swap3A_529] {strides = array<i32>} : memref<128x64xf32, #tpu.memory_space<vmem>>, vector<1x16xf32>,
        %swap3A_531 = vector.shape_cast %swap3A_530 : vector<1x16xf32> to vector<16xf32>
        %swap3A_532 = vector.shape_cast %mul3A_525 : vector<16xf32> to vector<1x16xf32>
        tpu.vector_store %arg12[%swap3A_528, %swap3A_529], %swap3A_532 {strides = array<i32>} : memref<128x64xf32, #tpu.memory_space<vmem>>, vector<1x16xf32>,
        %add3A_533 = arith.constant 2 : i32
        %add3A_534 = arith.addi %mul3A_406, %add3A_533 : i32
        %get3A_535 = arith.index_cast %add3A_534 : i32 to index
        %get3A_536 = arith.constant 0 : index
        %get3A_537 = tpu.vector_load %arg8[%get3A_535, %get3A_536] {strides = array<i32>} : memref<128x64xf32, #tpu.memory_space<vmem>>, vector<1x16xf32>,
        %get3A_538 = vector.shape_cast %get3A_537 : vector<1x16xf32> to vector<16xf32>
        %mul3A_539 = arith.constant 8.000000e+00 : f32
        %mul3A_540 = vector.broadcast %mul3A_539 : f32 to vector<16xf32>
        %mul3A_541 = arith.mulf %get3A_538, %mul3A_540 : vector<16xf32>
        %add3A_542 = arith.constant 2 : i32
        %add3A_543 = arith.addi %mul3A_406, %add3A_542 : i32
        %swap3A_544 = arith.index_cast %add3A_543 : i32 to index
        %swap3A_545 = arith.constant 0 : index
        %swap3A_546 = tpu.vector_load %arg12[%swap3A_544, %swap3A_545] {strides = array<i32>} : memref<128x64xf32, #tpu.memory_space<vmem>>, vector<1x16xf32>,
        %swap3A_547 = vector.shape_cast %swap3A_546 : vector<1x16xf32> to vector<16xf32>
        %swap3A_548 = vector.shape_cast %mul3A_541 : vector<16xf32> to vector<1x16xf32>
        tpu.vector_store %arg12[%swap3A_544, %swap3A_545], %swap3A_548 {strides = array<i32>} : memref<128x64xf32, #tpu.memory_space<vmem>>, vector<1x16xf32>,
        %add3A_549 = arith.constant 2 : i32
        %add3A_550 = arith.addi %mul3A_406, %add3A_549 : i32
        %get3A_551 = arith.index_cast %add3A_550 : i32 to index
        %get3A_552 = arith.constant 16 : index
        %get3A_553 = tpu.vector_load %arg8[%get3A_551, %get3A_552] {strides = array<i32>} : memref<128x64xf32, #tpu.memory_space<vmem>>, vector<1x16xf32>,
        %get3A_554 = vector.shape_cast %get3A_553 : vector<1x16xf32> to vector<16xf32>
        %mul3A_555 = arith.constant 8.000000e+00 : f32
        %mul3A_556 = vector.broadcast %mul3A_555 : f32 to vector<16xf32>
        %mul3A_557 = arith.mulf %get3A_554, %mul3A_556 : vector<16xf32>
        %add3A_558 = arith.constant 2 : i32
        %add3A_559 = arith.addi %mul3A_406, %add3A_558 : i32
        %swap3A_560 = arith.index_cast %add3A_559 : i32 to index
        %swap3A_561 = arith.constant 16 : index
        %swap3A_562 = tpu.vector_load %arg12[%swap3A_560, %swap3A_561] {strides = array<i32>} : memref<128x64xf32, #tpu.memory_space<vmem>>, vector<1x16xf32>,
        %swap3A_563 = vector.shape_cast %swap3A_562 : vector<1x16xf32> to vector<16xf32>
        %swap3A_564 = vector.shape_cast %mul3A_557 : vector<16xf32> to vector<1x16xf32>
        tpu.vector_store %arg12[%swap3A_560, %swap3A_561], %swap3A_564 {strides = array<i32>} : memref<128x64xf32, #tpu.memory_space<vmem>>, vector<1x16xf32>,
        %add3A_565 = arith.constant 2 : i32
        %add3A_566 = arith.addi %mul3A_406, %add3A_565 : i32
        %get3A_567 = arith.index_cast %add3A_566 : i32 to index
        %get3A_568 = arith.constant 32 : index
        %get3A_569 = tpu.vector_load %arg8[%get3A_567, %get3A_568] {strides = array<i32>} : memref<128x64xf32, #tpu.memory_space<vmem>>, vector<1x16xf32>,
        %get3A_570 = vector.shape_cast %get3A_569 : vector<1x16xf32> to vector<16xf32>
        %mul3A_571 = arith.constant 8.000000e+00 : f32
        %mul3A_572 = vector.broadcast %mul3A_571 : f32 to vector<16xf32>
        %mul3A_573 = arith.mulf %get3A_570, %mul3A_572 : vector<16xf32>
        %add3A_574 = arith.constant 2 : i32
        %add3A_575 = arith.addi %mul3A_406, %add3A_574 : i32
        %swap3A_576 = arith.index_cast %add3A_575 : i32 to index
        %swap3A_577 = arith.constant 32 : index
        %swap3A_578 = tpu.vector_load %arg12[%swap3A_576, %swap3A_577] {strides = array<i32>} : memref<128x64xf32, #tpu.memory_space<vmem>>, vector<1x16xf32>,
        %swap3A_579 = vector.shape_cast %swap3A_578 : vector<1x16xf32> to vector<16xf32>
        %swap3A_580 = vector.shape_cast %mul3A_573 : vector<16xf32> to vector<1x16xf32>
        tpu.vector_store %arg12[%swap3A_576, %swap3A_577], %swap3A_580 {strides = array<i32>} : memref<128x64xf32, #tpu.memory_space<vmem>>, vector<1x16xf32>,
        %add3A_581 = arith.constant 2 : i32
        %add3A_582 = arith.addi %mul3A_406, %add3A_581 : i32
        %get3A_583 = arith.index_cast %add3A_582 : i32 to index
        %get3A_584 = arith.constant 48 : index
        %get3A_585 = tpu.vector_load %arg8[%get3A_583, %get3A_584] {strides = array<i32>} : memref<128x64xf32, #tpu.memory_space<vmem>>, vector<1x16xf32>,
        %get3A_586 = vector.shape_cast %get3A_585 : vector<1x16xf32> to vector<16xf32>
        %mul3A_587 = arith.constant 8.000000e+00 : f32
        %mul3A_588 = vector.broadcast %mul3A_587 : f32 to vector<16xf32>
        %mul3A_589 = arith.mulf %get3A_586, %mul3A_588 : vector<16xf32>
        %add3A_590 = arith.constant 2 : i32
        %add3A_591 = arith.addi %mul3A_406, %add3A_590 : i32
        %swap3A_592 = arith.index_cast %add3A_591 : i32 to index
        %swap3A_593 = arith.constant 48 : index
        %swap3A_594 = tpu.vector_load %arg12[%swap3A_592, %swap3A_593] {strides = array<i32>} : memref<128x64xf32, #tpu.memory_space<vmem>>, vector<1x16xf32>,
        %swap3A_595 = vector.shape_cast %swap3A_594 : vector<1x16xf32> to vector<16xf32>
        %swap3A_596 = vector.shape_cast %mul3A_589 : vector<16xf32> to vector<1x16xf32>
        tpu.vector_store %arg12[%swap3A_592, %swap3A_593], %swap3A_596 {strides = array<i32>} : memref<128x64xf32, #tpu.memory_space<vmem>>, vector<1x16xf32>,
        %add3A_597 = arith.constant 3 : i32
        %add3A_598 = arith.addi %mul3A_406, %add3A_597 : i32
        %get3A_599 = arith.index_cast %add3A_598 : i32 to index
        %get3A_600 = arith.constant 0 : index
        %get3A_601 = tpu.vector_load %arg8[%get3A_599, %get3A_600] {strides = array<i32>} : memref<128x64xf32, #tpu.memory_space<vmem>>, vector<1x16xf32>,
        %get3A_602 = vector.shape_cast %get3A_601 : vector<1x16xf32> to vector<16xf32>
        %mul3A_603 = arith.constant 8.000000e+00 : f32
        %mul3A_604 = vector.broadcast %mul3A_603 : f32 to vector<16xf32>
        %mul3A_605 = arith.mulf %get3A_602, %mul3A_604 : vector<16xf32>
        %add3A_606 = arith.constant 3 : i32
        %add3A_607 = arith.addi %mul3A_406, %add3A_606 : i32
        %swap3A_608 = arith.index_cast %add3A_607 : i32 to index
        %swap3A_609 = arith.constant 0 : index
        %swap3A_610 = tpu.vector_load %arg12[%swap3A_608, %swap3A_609] {strides = array<i32>} : memref<128x64xf32, #tpu.memory_space<vmem>>, vector<1x16xf32>,
        %swap3A_611 = vector.shape_cast %swap3A_610 : vector<1x16xf32> to vector<16xf32>
        %swap3A_612 = vector.shape_cast %mul3A_605 : vector<16xf32> to vector<1x16xf32>
        tpu.vector_store %arg12[%swap3A_608, %swap3A_609], %swap3A_612 {strides = array<i32>} : memref<128x64xf32, #tpu.memory_space<vmem>>, vector<1x16xf32>,
        %add3A_613 = arith.constant 3 : i32
        %add3A_614 = arith.addi %mul3A_406, %add3A_613 : i32
        %get3A_615 = arith.index_cast %add3A_614 : i32 to index
        %get3A_616 = arith.constant 16 : index
        %get3A_617 = tpu.vector_load %arg8[%get3A_615, %get3A_616] {strides = array<i32>} : memref<128x64xf32, #tpu.memory_space<vmem>>, vector<1x16xf32>,
        %get3A_618 = vector.shape_cast %get3A_617 : vector<1x16xf32> to vector<16xf32>
        %mul3A_619 = arith.constant 8.000000e+00 : f32
        %mul3A_620 = vector.broadcast %mul3A_619 : f32 to vector<16xf32>
        %mul3A_621 = arith.mulf %get3A_618, %mul3A_620 : vector<16xf32>
        %add3A_622 = arith.constant 3 : i32
        %add3A_623 = arith.addi %mul3A_406, %add3A_622 : i32
        %swap3A_624 = arith.index_cast %add3A_623 : i32 to index
        %swap3A_625 = arith.constant 16 : index
        %swap3A_626 = tpu.vector_load %arg12[%swap3A_624, %swap3A_625] {strides = array<i32>} : memref<128x64xf32, #tpu.memory_space<vmem>>, vector<1x16xf32>,
        %swap3A_627 = vector.shape_cast %swap3A_626 : vector<1x16xf32> to vector<16xf32>
        %swap3A_628 = vector.shape_cast %mul3A_621 : vector<16xf32> to vector<1x16xf32>
        tpu.vector_store %arg12[%swap3A_624, %swap3A_625], %swap3A_628 {strides = array<i32>} : memref<128x64xf32, #tpu.memory_space<vmem>>, vector<1x16xf32>,
        %add3A_629 = arith.constant 3 : i32
        %add3A_630 = arith.addi %mul3A_406, %add3A_629 : i32
        %get3A_631 = arith.index_cast %add3A_630 : i32 to index
        %get3A_632 = arith.constant 32 : index
        %get3A_633 = tpu.vector_load %arg8[%get3A_631, %get3A_632] {strides = array<i32>} : memref<128x64xf32, #tpu.memory_space<vmem>>, vector<1x16xf32>,
        %get3A_634 = vector.shape_cast %get3A_633 : vector<1x16xf32> to vector<16xf32>
        %mul3A_635 = arith.constant 8.000000e+00 : f32
        %mul3A_636 = vector.broadcast %mul3A_635 : f32 to vector<16xf32>
        %mul3A_637 = arith.mulf %get3A_634, %mul3A_636 : vector<16xf32>
        %add3A_638 = arith.constant 3 : i32
        %add3A_639 = arith.addi %mul3A_406, %add3A_638 : i32
        %swap3A_640 = arith.index_cast %add3A_639 : i32 to index
        %swap3A_641 = arith.constant 32 : index
        %swap3A_642 = tpu.vector_load %arg12[%swap3A_640, %swap3A_641] {strides = array<i32>} : memref<128x64xf32, #tpu.memory_space<vmem>>, vector<1x16xf32>,
        %swap3A_643 = vector.shape_cast %swap3A_642 : vector<1x16xf32> to vector<16xf32>
        %swap3A_644 = vector.shape_cast %mul3A_637 : vector<16xf32> to vector<1x16xf32>
        tpu.vector_store %arg12[%swap3A_640, %swap3A_641], %swap3A_644 {strides = array<i32>} : memref<128x64xf32, #tpu.memory_space<vmem>>, vector<1x16xf32>,
        %add3A_645 = arith.constant 3 : i32
        %add3A_646 = arith.addi %mul3A_406, %add3A_645 : i32
        %get3A_647 = arith.index_cast %add3A_646 : i32 to index
        %get3A_648 = arith.constant 48 : index
        %get3A_649 = tpu.vector_load %arg8[%get3A_647, %get3A_648] {strides = array<i32>} : memref<128x64xf32, #tpu.memory_space<vmem>>, vector<1x16xf32>,
        %get3A_650 = vector.shape_cast %get3A_649 : vector<1x16xf32> to vector<16xf32>
        %mul3A_651 = arith.constant 8.000000e+00 : f32
        %mul3A_652 = vector.broadcast %mul3A_651 : f32 to vector<16xf32>
        %mul3A_653 = arith.mulf %get3A_650, %mul3A_652 : vector<16xf32>
        %add3A_654 = arith.constant 3 : i32
        %add3A_655 = arith.addi %mul3A_406, %add3A_654 : i32
        %swap3A_656 = arith.index_cast %add3A_655 : i32 to index
        %swap3A_657 = arith.constant 48 : index
        %swap3A_658 = tpu.vector_load %arg12[%swap3A_656, %swap3A_657] {strides = array<i32>} : memref<128x64xf32, #tpu.memory_space<vmem>>, vector<1x16xf32>,
        %swap3A_659 = vector.shape_cast %swap3A_658 : vector<1x16xf32> to vector<16xf32>
        %swap3A_660 = vector.shape_cast %mul3A_653 : vector<16xf32> to vector<1x16xf32>
        tpu.vector_store %arg12[%swap3A_656, %swap3A_657], %swap3A_660 {strides = array<i32>} : memref<128x64xf32, #tpu.memory_space<vmem>>, vector<1x16xf32>,
      }
      %scan3A_351 = arith.constant 32 : i32
      %mul3A_352 = arith.constant 128 : i32
      %mul3A_353 = arith.muli %add3A_333, %mul3A_352 : i32
      %add3A_354 = arith.addi %mul3A_2, %mul3A_353 : i32
      %dma_start3A_355 = arith.constant 0 : i32
      %dma_start3A_356 = tpu.memref_slice %arg4[%add3A_354, %dma_start3A_355] : memref<819200x64xf32, #tpu.memory_space<hbm>> -> memref<128x64xf32, #tpu.memory_space<hbm>>
      %dma_start3A_357 = arith.constant 0 : i32
      %dma_start3A_358 = tpu.memref_slice %arg4[%add3A_354, %dma_start3A_357] : memref<819200x64xf32, #tpu.memory_space<hbm>> -> memref<128x64xf32, #tpu.memory_space<hbm>>
      tpu.enqueue_dma source(%arg12 : memref<128x64xf32, #tpu.memory_space<vmem>>) target(%dma_start3A_358 : memref<128x64xf32, #tpu.memory_space<hbm>>) target_semaphore(%arg20 : memref<!tpu.dma_semaphore, #tpu.memory_space<semaphore_mem>>)
      %add3A_359 = arith.constant 4 : i32
      %add3A_360 = arith.addi %add3A_333, %add3A_359 : i32
      %dma_start3A_361 = arith.constant 0 : i32
      %dma_start3A_362 = tpu.memref_slice %arg5[%add3A_360, %dma_start3A_361] : memref<200x128xi32, #tpu.memory_space<vmem>> -> memref<1x128xi32, #tpu.memory_space<vmem>>
      %dma_start3A_363 = tpu.memref_squeeze %dma_start3A_362 : memref<1x128xi32, #tpu.memory_space<vmem>> -> memref<128xi32, #tpu.memory_space<vmem>>
      %dma_start3A_364 = arith.constant 0 : i32
      %dma_start3A_365 = arith.constant 0 : i32
      %dma_start3A_366 = tpu.memref_slice %arg3[%dma_start3A_364, %dma_start3A_365] : memref<1000000x64xf32, #tpu.memory_space<hbm>> -> memref<1000000x64xf32, #tpu.memory_space<hbm>>
      tpu.enqueue_indirect_dma source(%dma_start3A_366 : memref<1000000x64xf32, #tpu.memory_space<hbm>>) target(%arg8 : memref<128x64xf32, #tpu.memory_space<vmem>>) offsets(%dma_start3A_363 : memref<128xi32, #tpu.memory_space<vmem>>) semaphore(%arg16 : memref<!tpu.dma_semaphore, #tpu.memory_space<semaphore_mem>>)
      %mul3A_367 = arith.constant 4 : i32
      %mul3A_368 = arith.muli %scan3A_255, %mul3A_367 : i32
      %add3A_369 = arith.constant 3 : i32
      %add3A_370 = arith.addi %mul3A_368, %add3A_369 : i32
      %dma_wait3A_371 = arith.constant 0 : i32
      %dma_wait3A_372 = arith.constant 0 : i32
      %dma_wait3A_373 = tpu.memref_slice %arg5[%dma_wait3A_371, %dma_wait3A_372] : memref<200x128xi32, #tpu.memory_space<vmem>> -> memref<1x128xi32, #tpu.memory_space<vmem>>
      %dma_wait3A_374 = tpu.memref_squeeze %dma_wait3A_373 : memref<1x128xi32, #tpu.memory_space<vmem>> -> memref<128xi32, #tpu.memory_space<vmem>>
      %dma_wait3A_375 = arith.constant 0 : i32
      %dma_wait3A_376 = arith.constant 0 : i32
      %dma_wait3A_377 = tpu.memref_slice %arg3[%dma_wait3A_375, %dma_wait3A_376] : memref<1000000x64xf32, #tpu.memory_space<hbm>> -> memref<1000000x64xf32, #tpu.memory_space<hbm>>
      tpu.wait_indirect_dma semaphore(%arg17 : memref<!tpu.dma_semaphore, #tpu.memory_space<semaphore_mem>>) src(%dma_wait3A_377 : memref<1000000x64xf32, #tpu.memory_space<hbm>>) dst(%arg9 : memref<128x64xf32, #tpu.memory_space<vmem>>)
      %dma_wait3A_378 = arith.constant 0 : i32
      %dma_wait3A_379 = arith.constant 0 : i32
      %dma_wait3A_380 = tpu.memref_slice %arg4[%dma_wait3A_378, %dma_wait3A_379] : memref<819200x64xf32, #tpu.memory_space<hbm>> -> memref<128x64xf32, #tpu.memory_space<hbm>>
      %dma_wait3A_381 = arith.constant 0 : i32
      %dma_wait3A_382 = arith.constant 0 : i32
      %dma_wait3A_383 = tpu.memref_slice %arg4[%dma_wait3A_381, %dma_wait3A_382] : memref<819200x64xf32, #tpu.memory_space<hbm>> -> memref<128x64xf32, #tpu.memory_space<hbm>>
      tpu.wait_dma2 semaphore(%arg21 : memref<!tpu.dma_semaphore, #tpu.memory_space<semaphore_mem>>) src(%arg13 : memref<128x64xf32, #tpu.memory_space<vmem>>) dst(%dma_wait3A_383 : memref<128x64xf32, #tpu.memory_space<hbm>>)
      %scan3A_384 = arith.constant 0 : i32
      %scan3A_385 = arith.constant 32 : i32
      %scan3A_386 = arith.addi %scan3A_384, %scan3A_385 : i32
      %scan3A_387 = arith.constant 1 : i32
      scf.for %scan3A_404 = %scan3A_384 to %scan3A_386 step %scan3A_387  : i32 {
        %mul3A_405 = arith.constant 4 : i32
        %mul3A_406 = arith.muli %scan3A_404, %mul3A_405 : i32
        %add3A_407 = arith.constant 0 : i32
        %add3A_408 = arith.addi %mul3A_406, %add3A_407 : i32
        %get3A = arith.index_cast %add3A_408 : i32 to index
        %get3A_409 = arith.constant 0 : index
        %get3A_410 = tpu.vector_load %arg9[%get3A, %get3A_409] {strides = array<i32>} : memref<128x64xf32, #tpu.memory_space<vmem>>, vector<1x16xf32>,
        %get3A_411 = vector.shape_cast %get3A_410 : vector<1x16xf32> to vector<16xf32>
        %mul3A_412 = arith.constant 8.000000e+00 : f32
        %mul3A_413 = vector.broadcast %mul3A_412 : f32 to vector<16xf32>
        %mul3A_414 = arith.mulf %get3A_411, %mul3A_413 : vector<16xf32>
        %add3A_415 = arith.constant 0 : i32
        %add3A_416 = arith.addi %mul3A_406, %add3A_415 : i32
        %swap3A = arith.index_cast %add3A_416 : i32 to index
        %swap3A_417 = arith.constant 0 : index
        %swap3A_418 = tpu.vector_load %arg13[%swap3A, %swap3A_417] {strides = array<i32>} : memref<128x64xf32, #tpu.memory_space<vmem>>, vector<1x16xf32>,
        %swap3A_419 = vector.shape_cast %swap3A_418 : vector<1x16xf32> to vector<16xf32>
        %swap3A_420 = vector.shape_cast %mul3A_414 : vector<16xf32> to vector<1x16xf32>
        tpu.vector_store %arg13[%swap3A, %swap3A_417], %swap3A_420 {strides = array<i32>} : memref<128x64xf32, #tpu.memory_space<vmem>>, vector<1x16xf32>,
        %add3A_421 = arith.constant 0 : i32
        %add3A_422 = arith.addi %mul3A_406, %add3A_421 : i32
        %get3A_423 = arith.index_cast %add3A_422 : i32 to index
        %get3A_424 = arith.constant 16 : index
        %get3A_425 = tpu.vector_load %arg9[%get3A_423, %get3A_424] {strides = array<i32>} : memref<128x64xf32, #tpu.memory_space<vmem>>, vector<1x16xf32>,
        %get3A_426 = vector.shape_cast %get3A_425 : vector<1x16xf32> to vector<16xf32>
        %mul3A_427 = arith.constant 8.000000e+00 : f32
        %mul3A_428 = vector.broadcast %mul3A_427 : f32 to vector<16xf32>
        %mul3A_429 = arith.mulf %get3A_426, %mul3A_428 : vector<16xf32>
        %add3A_430 = arith.constant 0 : i32
        %add3A_431 = arith.addi %mul3A_406, %add3A_430 : i32
        %swap3A_432 = arith.index_cast %add3A_431 : i32 to index
        %swap3A_433 = arith.constant 16 : index
        %swap3A_434 = tpu.vector_load %arg13[%swap3A_432, %swap3A_433] {strides = array<i32>} : memref<128x64xf32, #tpu.memory_space<vmem>>, vector<1x16xf32>,
        %swap3A_435 = vector.shape_cast %swap3A_434 : vector<1x16xf32> to vector<16xf32>
        %swap3A_436 = vector.shape_cast %mul3A_429 : vector<16xf32> to vector<1x16xf32>
        tpu.vector_store %arg13[%swap3A_432, %swap3A_433], %swap3A_436 {strides = array<i32>} : memref<128x64xf32, #tpu.memory_space<vmem>>, vector<1x16xf32>,
        %add3A_437 = arith.constant 0 : i32
        %add3A_438 = arith.addi %mul3A_406, %add3A_437 : i32
        %get3A_439 = arith.index_cast %add3A_438 : i32 to index
        %get3A_440 = arith.constant 32 : index
        %get3A_441 = tpu.vector_load %arg9[%get3A_439, %get3A_440] {strides = array<i32>} : memref<128x64xf32, #tpu.memory_space<vmem>>, vector<1x16xf32>,
        %get3A_442 = vector.shape_cast %get3A_441 : vector<1x16xf32> to vector<16xf32>
        %mul3A_443 = arith.constant 8.000000e+00 : f32
        %mul3A_444 = vector.broadcast %mul3A_443 : f32 to vector<16xf32>
        %mul3A_445 = arith.mulf %get3A_442, %mul3A_444 : vector<16xf32>
        %add3A_446 = arith.constant 0 : i32
        %add3A_447 = arith.addi %mul3A_406, %add3A_446 : i32
        %swap3A_448 = arith.index_cast %add3A_447 : i32 to index
        %swap3A_449 = arith.constant 32 : index
        %swap3A_450 = tpu.vector_load %arg13[%swap3A_448, %swap3A_449] {strides = array<i32>} : memref<128x64xf32, #tpu.memory_space<vmem>>, vector<1x16xf32>,
        %swap3A_451 = vector.shape_cast %swap3A_450 : vector<1x16xf32> to vector<16xf32>
        %swap3A_452 = vector.shape_cast %mul3A_445 : vector<16xf32> to vector<1x16xf32>
        tpu.vector_store %arg13[%swap3A_448, %swap3A_449], %swap3A_452 {strides = array<i32>} : memref<128x64xf32, #tpu.memory_space<vmem>>, vector<1x16xf32>,
        %add3A_453 = arith.constant 0 : i32
        %add3A_454 = arith.addi %mul3A_406, %add3A_453 : i32
        %get3A_455 = arith.index_cast %add3A_454 : i32 to index
        %get3A_456 = arith.constant 48 : index
        %get3A_457 = tpu.vector_load %arg9[%get3A_455, %get3A_456] {strides = array<i32>} : memref<128x64xf32, #tpu.memory_space<vmem>>, vector<1x16xf32>,
        %get3A_458 = vector.shape_cast %get3A_457 : vector<1x16xf32> to vector<16xf32>
        %mul3A_459 = arith.constant 8.000000e+00 : f32
        %mul3A_460 = vector.broadcast %mul3A_459 : f32 to vector<16xf32>
        %mul3A_461 = arith.mulf %get3A_458, %mul3A_460 : vector<16xf32>
        %add3A_462 = arith.constant 0 : i32
        %add3A_463 = arith.addi %mul3A_406, %add3A_462 : i32
        %swap3A_464 = arith.index_cast %add3A_463 : i32 to index
        %swap3A_465 = arith.constant 48 : index
        %swap3A_466 = tpu.vector_load %arg13[%swap3A_464, %swap3A_465] {strides = array<i32>} : memref<128x64xf32, #tpu.memory_space<vmem>>, vector<1x16xf32>,
        %swap3A_467 = vector.shape_cast %swap3A_466 : vector<1x16xf32> to vector<16xf32>
        %swap3A_468 = vector.shape_cast %mul3A_461 : vector<16xf32> to vector<1x16xf32>
        tpu.vector_store %arg13[%swap3A_464, %swap3A_465], %swap3A_468 {strides = array<i32>} : memref<128x64xf32, #tpu.memory_space<vmem>>, vector<1x16xf32>,
        %add3A_469 = arith.constant 1 : i32
        %add3A_470 = arith.addi %mul3A_406, %add3A_469 : i32
        %get3A_471 = arith.index_cast %add3A_470 : i32 to index
        %get3A_472 = arith.constant 0 : index
        %get3A_473 = tpu.vector_load %arg9[%get3A_471, %get3A_472] {strides = array<i32>} : memref<128x64xf32, #tpu.memory_space<vmem>>, vector<1x16xf32>,
        %get3A_474 = vector.shape_cast %get3A_473 : vector<1x16xf32> to vector<16xf32>
        %mul3A_475 = arith.constant 8.000000e+00 : f32
        %mul3A_476 = vector.broadcast %mul3A_475 : f32 to vector<16xf32>
        %mul3A_477 = arith.mulf %get3A_474, %mul3A_476 : vector<16xf32>
        %add3A_478 = arith.constant 1 : i32
        %add3A_479 = arith.addi %mul3A_406, %add3A_478 : i32
        %swap3A_480 = arith.index_cast %add3A_479 : i32 to index
        %swap3A_481 = arith.constant 0 : index
        %swap3A_482 = tpu.vector_load %arg13[%swap3A_480, %swap3A_481] {strides = array<i32>} : memref<128x64xf32, #tpu.memory_space<vmem>>, vector<1x16xf32>,
        %swap3A_483 = vector.shape_cast %swap3A_482 : vector<1x16xf32> to vector<16xf32>
        %swap3A_484 = vector.shape_cast %mul3A_477 : vector<16xf32> to vector<1x16xf32>
        tpu.vector_store %arg13[%swap3A_480, %swap3A_481], %swap3A_484 {strides = array<i32>} : memref<128x64xf32, #tpu.memory_space<vmem>>, vector<1x16xf32>,
        %add3A_485 = arith.constant 1 : i32
        %add3A_486 = arith.addi %mul3A_406, %add3A_485 : i32
        %get3A_487 = arith.index_cast %add3A_486 : i32 to index
        %get3A_488 = arith.constant 16 : index
        %get3A_489 = tpu.vector_load %arg9[%get3A_487, %get3A_488] {strides = array<i32>} : memref<128x64xf32, #tpu.memory_space<vmem>>, vector<1x16xf32>,
        %get3A_490 = vector.shape_cast %get3A_489 : vector<1x16xf32> to vector<16xf32>
        %mul3A_491 = arith.constant 8.000000e+00 : f32
        %mul3A_492 = vector.broadcast %mul3A_491 : f32 to vector<16xf32>
        %mul3A_493 = arith.mulf %get3A_490, %mul3A_492 : vector<16xf32>
        %add3A_494 = arith.constant 1 : i32
        %add3A_495 = arith.addi %mul3A_406, %add3A_494 : i32
        %swap3A_496 = arith.index_cast %add3A_495 : i32 to index
        %swap3A_497 = arith.constant 16 : index
        %swap3A_498 = tpu.vector_load %arg13[%swap3A_496, %swap3A_497] {strides = array<i32>} : memref<128x64xf32, #tpu.memory_space<vmem>>, vector<1x16xf32>,
        %swap3A_499 = vector.shape_cast %swap3A_498 : vector<1x16xf32> to vector<16xf32>
        %swap3A_500 = vector.shape_cast %mul3A_493 : vector<16xf32> to vector<1x16xf32>
        tpu.vector_store %arg13[%swap3A_496, %swap3A_497], %swap3A_500 {strides = array<i32>} : memref<128x64xf32, #tpu.memory_space<vmem>>, vector<1x16xf32>,
        %add3A_501 = arith.constant 1 : i32
        %add3A_502 = arith.addi %mul3A_406, %add3A_501 : i32
        %get3A_503 = arith.index_cast %add3A_502 : i32 to index
        %get3A_504 = arith.constant 32 : index
        %get3A_505 = tpu.vector_load %arg9[%get3A_503, %get3A_504] {strides = array<i32>} : memref<128x64xf32, #tpu.memory_space<vmem>>, vector<1x16xf32>,
        %get3A_506 = vector.shape_cast %get3A_505 : vector<1x16xf32> to vector<16xf32>
        %mul3A_507 = arith.constant 8.000000e+00 : f32
        %mul3A_508 = vector.broadcast %mul3A_507 : f32 to vector<16xf32>
        %mul3A_509 = arith.mulf %get3A_506, %mul3A_508 : vector<16xf32>
        %add3A_510 = arith.constant 1 : i32
        %add3A_511 = arith.addi %mul3A_406, %add3A_510 : i32
        %swap3A_512 = arith.index_cast %add3A_511 : i32 to index
        %swap3A_513 = arith.constant 32 : index
        %swap3A_514 = tpu.vector_load %arg13[%swap3A_512, %swap3A_513] {strides = array<i32>} : memref<128x64xf32, #tpu.memory_space<vmem>>, vector<1x16xf32>,
        %swap3A_515 = vector.shape_cast %swap3A_514 : vector<1x16xf32> to vector<16xf32>
        %swap3A_516 = vector.shape_cast %mul3A_509 : vector<16xf32> to vector<1x16xf32>
        tpu.vector_store %arg13[%swap3A_512, %swap3A_513], %swap3A_516 {strides = array<i32>} : memref<128x64xf32, #tpu.memory_space<vmem>>, vector<1x16xf32>,
        %add3A_517 = arith.constant 1 : i32
        %add3A_518 = arith.addi %mul3A_406, %add3A_517 : i32
        %get3A_519 = arith.index_cast %add3A_518 : i32 to index
        %get3A_520 = arith.constant 48 : index
        %get3A_521 = tpu.vector_load %arg9[%get3A_519, %get3A_520] {strides = array<i32>} : memref<128x64xf32, #tpu.memory_space<vmem>>, vector<1x16xf32>,
        %get3A_522 = vector.shape_cast %get3A_521 : vector<1x16xf32> to vector<16xf32>
        %mul3A_523 = arith.constant 8.000000e+00 : f32
        %mul3A_524 = vector.broadcast %mul3A_523 : f32 to vector<16xf32>
        %mul3A_525 = arith.mulf %get3A_522, %mul3A_524 : vector<16xf32>
        %add3A_526 = arith.constant 1 : i32
        %add3A_527 = arith.addi %mul3A_406, %add3A_526 : i32
        %swap3A_528 = arith.index_cast %add3A_527 : i32 to index
        %swap3A_529 = arith.constant 48 : index
        %swap3A_530 = tpu.vector_load %arg13[%swap3A_528, %swap3A_529] {strides = array<i32>} : memref<128x64xf32, #tpu.memory_space<vmem>>, vector<1x16xf32>,
        %swap3A_531 = vector.shape_cast %swap3A_530 : vector<1x16xf32> to vector<16xf32>
        %swap3A_532 = vector.shape_cast %mul3A_525 : vector<16xf32> to vector<1x16xf32>
        tpu.vector_store %arg13[%swap3A_528, %swap3A_529], %swap3A_532 {strides = array<i32>} : memref<128x64xf32, #tpu.memory_space<vmem>>, vector<1x16xf32>,
        %add3A_533 = arith.constant 2 : i32
        %add3A_534 = arith.addi %mul3A_406, %add3A_533 : i32
        %get3A_535 = arith.index_cast %add3A_534 : i32 to index
        %get3A_536 = arith.constant 0 : index
        %get3A_537 = tpu.vector_load %arg9[%get3A_535, %get3A_536] {strides = array<i32>} : memref<128x64xf32, #tpu.memory_space<vmem>>, vector<1x16xf32>,
        %get3A_538 = vector.shape_cast %get3A_537 : vector<1x16xf32> to vector<16xf32>
        %mul3A_539 = arith.constant 8.000000e+00 : f32
        %mul3A_540 = vector.broadcast %mul3A_539 : f32 to vector<16xf32>
        %mul3A_541 = arith.mulf %get3A_538, %mul3A_540 : vector<16xf32>
        %add3A_542 = arith.constant 2 : i32
        %add3A_543 = arith.addi %mul3A_406, %add3A_542 : i32
        %swap3A_544 = arith.index_cast %add3A_543 : i32 to index
        %swap3A_545 = arith.constant 0 : index
        %swap3A_546 = tpu.vector_load %arg13[%swap3A_544, %swap3A_545] {strides = array<i32>} : memref<128x64xf32, #tpu.memory_space<vmem>>, vector<1x16xf32>,
        %swap3A_547 = vector.shape_cast %swap3A_546 : vector<1x16xf32> to vector<16xf32>
        %swap3A_548 = vector.shape_cast %mul3A_541 : vector<16xf32> to vector<1x16xf32>
        tpu.vector_store %arg13[%swap3A_544, %swap3A_545], %swap3A_548 {strides = array<i32>} : memref<128x64xf32, #tpu.memory_space<vmem>>, vector<1x16xf32>,
        %add3A_549 = arith.constant 2 : i32
        %add3A_550 = arith.addi %mul3A_406, %add3A_549 : i32
        %get3A_551 = arith.index_cast %add3A_550 : i32 to index
        %get3A_552 = arith.constant 16 : index
        %get3A_553 = tpu.vector_load %arg9[%get3A_551, %get3A_552] {strides = array<i32>} : memref<128x64xf32, #tpu.memory_space<vmem>>, vector<1x16xf32>,
        %get3A_554 = vector.shape_cast %get3A_553 : vector<1x16xf32> to vector<16xf32>
        %mul3A_555 = arith.constant 8.000000e+00 : f32
        %mul3A_556 = vector.broadcast %mul3A_555 : f32 to vector<16xf32>
        %mul3A_557 = arith.mulf %get3A_554, %mul3A_556 : vector<16xf32>
        %add3A_558 = arith.constant 2 : i32
        %add3A_559 = arith.addi %mul3A_406, %add3A_558 : i32
        %swap3A_560 = arith.index_cast %add3A_559 : i32 to index
        %swap3A_561 = arith.constant 16 : index
        %swap3A_562 = tpu.vector_load %arg13[%swap3A_560, %swap3A_561] {strides = array<i32>} : memref<128x64xf32, #tpu.memory_space<vmem>>, vector<1x16xf32>,
        %swap3A_563 = vector.shape_cast %swap3A_562 : vector<1x16xf32> to vector<16xf32>
        %swap3A_564 = vector.shape_cast %mul3A_557 : vector<16xf32> to vector<1x16xf32>
        tpu.vector_store %arg13[%swap3A_560, %swap3A_561], %swap3A_564 {strides = array<i32>} : memref<128x64xf32, #tpu.memory_space<vmem>>, vector<1x16xf32>,
        %add3A_565 = arith.constant 2 : i32
        %add3A_566 = arith.addi %mul3A_406, %add3A_565 : i32
        %get3A_567 = arith.index_cast %add3A_566 : i32 to index
        %get3A_568 = arith.constant 32 : index
        %get3A_569 = tpu.vector_load %arg9[%get3A_567, %get3A_568] {strides = array<i32>} : memref<128x64xf32, #tpu.memory_space<vmem>>, vector<1x16xf32>,
        %get3A_570 = vector.shape_cast %get3A_569 : vector<1x16xf32> to vector<16xf32>
        %mul3A_571 = arith.constant 8.000000e+00 : f32
        %mul3A_572 = vector.broadcast %mul3A_571 : f32 to vector<16xf32>
        %mul3A_573 = arith.mulf %get3A_570, %mul3A_572 : vector<16xf32>
        %add3A_574 = arith.constant 2 : i32
        %add3A_575 = arith.addi %mul3A_406, %add3A_574 : i32
        %swap3A_576 = arith.index_cast %add3A_575 : i32 to index
        %swap3A_577 = arith.constant 32 : index
        %swap3A_578 = tpu.vector_load %arg13[%swap3A_576, %swap3A_577] {strides = array<i32>} : memref<128x64xf32, #tpu.memory_space<vmem>>, vector<1x16xf32>,
        %swap3A_579 = vector.shape_cast %swap3A_578 : vector<1x16xf32> to vector<16xf32>
        %swap3A_580 = vector.shape_cast %mul3A_573 : vector<16xf32> to vector<1x16xf32>
        tpu.vector_store %arg13[%swap3A_576, %swap3A_577], %swap3A_580 {strides = array<i32>} : memref<128x64xf32, #tpu.memory_space<vmem>>, vector<1x16xf32>,
        %add3A_581 = arith.constant 2 : i32
        %add3A_582 = arith.addi %mul3A_406, %add3A_581 : i32
        %get3A_583 = arith.index_cast %add3A_582 : i32 to index
        %get3A_584 = arith.constant 48 : index
        %get3A_585 = tpu.vector_load %arg9[%get3A_583, %get3A_584] {strides = array<i32>} : memref<128x64xf32, #tpu.memory_space<vmem>>, vector<1x16xf32>,
        %get3A_586 = vector.shape_cast %get3A_585 : vector<1x16xf32> to vector<16xf32>
        %mul3A_587 = arith.constant 8.000000e+00 : f32
        %mul3A_588 = vector.broadcast %mul3A_587 : f32 to vector<16xf32>
        %mul3A_589 = arith.mulf %get3A_586, %mul3A_588 : vector<16xf32>
        %add3A_590 = arith.constant 2 : i32
        %add3A_591 = arith.addi %mul3A_406, %add3A_590 : i32
        %swap3A_592 = arith.index_cast %add3A_591 : i32 to index
        %swap3A_593 = arith.constant 48 : index
        %swap3A_594 = tpu.vector_load %arg13[%swap3A_592, %swap3A_593] {strides = array<i32>} : memref<128x64xf32, #tpu.memory_space<vmem>>, vector<1x16xf32>,
        %swap3A_595 = vector.shape_cast %swap3A_594 : vector<1x16xf32> to vector<16xf32>
        %swap3A_596 = vector.shape_cast %mul3A_589 : vector<16xf32> to vector<1x16xf32>
        tpu.vector_store %arg13[%swap3A_592, %swap3A_593], %swap3A_596 {strides = array<i32>} : memref<128x64xf32, #tpu.memory_space<vmem>>, vector<1x16xf32>,
        %add3A_597 = arith.constant 3 : i32
        %add3A_598 = arith.addi %mul3A_406, %add3A_597 : i32
        %get3A_599 = arith.index_cast %add3A_598 : i32 to index
        %get3A_600 = arith.constant 0 : index
        %get3A_601 = tpu.vector_load %arg9[%get3A_599, %get3A_600] {strides = array<i32>} : memref<128x64xf32, #tpu.memory_space<vmem>>, vector<1x16xf32>,
        %get3A_602 = vector.shape_cast %get3A_601 : vector<1x16xf32> to vector<16xf32>
        %mul3A_603 = arith.constant 8.000000e+00 : f32
        %mul3A_604 = vector.broadcast %mul3A_603 : f32 to vector<16xf32>
        %mul3A_605 = arith.mulf %get3A_602, %mul3A_604 : vector<16xf32>
        %add3A_606 = arith.constant 3 : i32
        %add3A_607 = arith.addi %mul3A_406, %add3A_606 : i32
        %swap3A_608 = arith.index_cast %add3A_607 : i32 to index
        %swap3A_609 = arith.constant 0 : index
        %swap3A_610 = tpu.vector_load %arg13[%swap3A_608, %swap3A_609] {strides = array<i32>} : memref<128x64xf32, #tpu.memory_space<vmem>>, vector<1x16xf32>,
        %swap3A_611 = vector.shape_cast %swap3A_610 : vector<1x16xf32> to vector<16xf32>
        %swap3A_612 = vector.shape_cast %mul3A_605 : vector<16xf32> to vector<1x16xf32>
        tpu.vector_store %arg13[%swap3A_608, %swap3A_609], %swap3A_612 {strides = array<i32>} : memref<128x64xf32, #tpu.memory_space<vmem>>, vector<1x16xf32>,
        %add3A_613 = arith.constant 3 : i32
        %add3A_614 = arith.addi %mul3A_406, %add3A_613 : i32
        %get3A_615 = arith.index_cast %add3A_614 : i32 to index
        %get3A_616 = arith.constant 16 : index
        %get3A_617 = tpu.vector_load %arg9[%get3A_615, %get3A_616] {strides = array<i32>} : memref<128x64xf32, #tpu.memory_space<vmem>>, vector<1x16xf32>,
        %get3A_618 = vector.shape_cast %get3A_617 : vector<1x16xf32> to vector<16xf32>
        %mul3A_619 = arith.constant 8.000000e+00 : f32
        %mul3A_620 = vector.broadcast %mul3A_619 : f32 to vector<16xf32>
        %mul3A_621 = arith.mulf %get3A_618, %mul3A_620 : vector<16xf32>
        %add3A_622 = arith.constant 3 : i32
        %add3A_623 = arith.addi %mul3A_406, %add3A_622 : i32
        %swap3A_624 = arith.index_cast %add3A_623 : i32 to index
        %swap3A_625 = arith.constant 16 : index
        %swap3A_626 = tpu.vector_load %arg13[%swap3A_624, %swap3A_625] {strides = array<i32>} : memref<128x64xf32, #tpu.memory_space<vmem>>, vector<1x16xf32>,
        %swap3A_627 = vector.shape_cast %swap3A_626 : vector<1x16xf32> to vector<16xf32>
        %swap3A_628 = vector.shape_cast %mul3A_621 : vector<16xf32> to vector<1x16xf32>
        tpu.vector_store %arg13[%swap3A_624, %swap3A_625], %swap3A_628 {strides = array<i32>} : memref<128x64xf32, #tpu.memory_space<vmem>>, vector<1x16xf32>,
        %add3A_629 = arith.constant 3 : i32
        %add3A_630 = arith.addi %mul3A_406, %add3A_629 : i32
        %get3A_631 = arith.index_cast %add3A_630 : i32 to index
        %get3A_632 = arith.constant 32 : index
        %get3A_633 = tpu.vector_load %arg9[%get3A_631, %get3A_632] {strides = array<i32>} : memref<128x64xf32, #tpu.memory_space<vmem>>, vector<1x16xf32>,
        %get3A_634 = vector.shape_cast %get3A_633 : vector<1x16xf32> to vector<16xf32>
        %mul3A_635 = arith.constant 8.000000e+00 : f32
        %mul3A_636 = vector.broadcast %mul3A_635 : f32 to vector<16xf32>
        %mul3A_637 = arith.mulf %get3A_634, %mul3A_636 : vector<16xf32>
        %add3A_638 = arith.constant 3 : i32
        %add3A_639 = arith.addi %mul3A_406, %add3A_638 : i32
        %swap3A_640 = arith.index_cast %add3A_639 : i32 to index
        %swap3A_641 = arith.constant 32 : index
        %swap3A_642 = tpu.vector_load %arg13[%swap3A_640, %swap3A_641] {strides = array<i32>} : memref<128x64xf32, #tpu.memory_space<vmem>>, vector<1x16xf32>,
        %swap3A_643 = vector.shape_cast %swap3A_642 : vector<1x16xf32> to vector<16xf32>
        %swap3A_644 = vector.shape_cast %mul3A_637 : vector<16xf32> to vector<1x16xf32>
        tpu.vector_store %arg13[%swap3A_640, %swap3A_641], %swap3A_644 {strides = array<i32>} : memref<128x64xf32, #tpu.memory_space<vmem>>, vector<1x16xf32>,
        %add3A_645 = arith.constant 3 : i32
        %add3A_646 = arith.addi %mul3A_406, %add3A_645 : i32
        %get3A_647 = arith.index_cast %add3A_646 : i32 to index
        %get3A_648 = arith.constant 48 : index
        %get3A_649 = tpu.vector_load %arg9[%get3A_647, %get3A_648] {strides = array<i32>} : memref<128x64xf32, #tpu.memory_space<vmem>>, vector<1x16xf32>,
        %get3A_650 = vector.shape_cast %get3A_649 : vector<1x16xf32> to vector<16xf32>
        %mul3A_651 = arith.constant 8.000000e+00 : f32
        %mul3A_652 = vector.broadcast %mul3A_651 : f32 to vector<16xf32>
        %mul3A_653 = arith.mulf %get3A_650, %mul3A_652 : vector<16xf32>
        %add3A_654 = arith.constant 3 : i32
        %add3A_655 = arith.addi %mul3A_406, %add3A_654 : i32
        %swap3A_656 = arith.index_cast %add3A_655 : i32 to index
        %swap3A_657 = arith.constant 48 : index
        %swap3A_658 = tpu.vector_load %arg13[%swap3A_656, %swap3A_657] {strides = array<i32>} : memref<128x64xf32, #tpu.memory_space<vmem>>, vector<1x16xf32>,
        %swap3A_659 = vector.shape_cast %swap3A_658 : vector<1x16xf32> to vector<16xf32>
        %swap3A_660 = vector.shape_cast %mul3A_653 : vector<16xf32> to vector<1x16xf32>
        tpu.vector_store %arg13[%swap3A_656, %swap3A_657], %swap3A_660 {strides = array<i32>} : memref<128x64xf32, #tpu.memory_space<vmem>>, vector<1x16xf32>,
      }
      %scan3A_388 = arith.constant 32 : i32
      %mul3A_389 = arith.constant 128 : i32
      %mul3A_390 = arith.muli %add3A_370, %mul3A_389 : i32
      %add3A_391 = arith.addi %mul3A_2, %mul3A_390 : i32
      %dma_start3A_392 = arith.constant 0 : i32
      %dma_start3A_393 = tpu.memref_slice %arg4[%add3A_391, %dma_start3A_392] : memref<819200x64xf32, #tpu.memory_space<hbm>> -> memref<128x64xf32, #tpu.memory_space<hbm>>
      %dma_start3A_394 = arith.constant 0 : i32
      %dma_start3A_395 = tpu.memref_slice %arg4[%add3A_391, %dma_start3A_394] : memref<819200x64xf32, #tpu.memory_space<hbm>> -> memref<128x64xf32, #tpu.memory_space<hbm>>
      tpu.enqueue_dma source(%arg13 : memref<128x64xf32, #tpu.memory_space<vmem>>) target(%dma_start3A_395 : memref<128x64xf32, #tpu.memory_space<hbm>>) target_semaphore(%arg21 : memref<!tpu.dma_semaphore, #tpu.memory_space<semaphore_mem>>)
      %add3A_396 = arith.constant 4 : i32
      %add3A_397 = arith.addi %add3A_370, %add3A_396 : i32
      %dma_start3A_398 = arith.constant 0 : i32
      %dma_start3A_399 = tpu.memref_slice %arg5[%add3A_397, %dma_start3A_398] : memref<200x128xi32, #tpu.memory_space<vmem>> -> memref<1x128xi32, #tpu.memory_space<vmem>>
      %dma_start3A_400 = tpu.memref_squeeze %dma_start3A_399 : memref<1x128xi32, #tpu.memory_space<vmem>> -> memref<128xi32, #tpu.memory_space<vmem>>
      %dma_start3A_401 = arith.constant 0 : i32
      %dma_start3A_402 = arith.constant 0 : i32
      %dma_start3A_403 = tpu.memref_slice %arg3[%dma_start3A_401, %dma_start3A_402] : memref<1000000x64xf32, #tpu.memory_space<hbm>> -> memref<1000000x64xf32, #tpu.memory_space<hbm>>
      tpu.enqueue_indirect_dma source(%dma_start3A_403 : memref<1000000x64xf32, #tpu.memory_space<hbm>>) target(%arg9 : memref<128x64xf32, #tpu.memory_space<vmem>>) offsets(%dma_start3A_400 : memref<128xi32, #tpu.memory_space<vmem>>) semaphore(%arg17 : memref<!tpu.dma_semaphore, #tpu.memory_space<semaphore_mem>>)
    }
    %scan3A_134 = arith.constant 48 : i32
    %dma_wait3A_135 = arith.constant 0 : i32
    %dma_wait3A_136 = arith.constant 0 : i32
    %dma_wait3A_137 = tpu.memref_slice %arg5[%dma_wait3A_135, %dma_wait3A_136] : memref<200x128xi32, #tpu.memory_space<vmem>> -> memref<1x128xi32, #tpu.memory_space<vmem>>
    %dma_wait3A_138 = tpu.memref_squeeze %dma_wait3A_137 : memref<1x128xi32, #tpu.memory_space<vmem>> -> memref<128xi32, #tpu.memory_space<vmem>>
    %dma_wait3A_139 = arith.constant 0 : i32
    %dma_wait3A_140 = arith.constant 0 : i32
    %dma_wait3A_141 = tpu.memref_slice %arg3[%dma_wait3A_139, %dma_wait3A_140] : memref<1000000x64xf32, #tpu.memory_space<hbm>> -> memref<1000000x64xf32, #tpu.memory_space<hbm>>
    tpu.wait_indirect_dma semaphore(%arg14 : memref<!tpu.dma_semaphore, #tpu.memory_space<semaphore_mem>>) src(%dma_wait3A_141 : memref<1000000x64xf32, #tpu.memory_space<hbm>>) dst(%arg6 : memref<128x64xf32, #tpu.memory_space<vmem>>)
    %dma_wait3A_142 = arith.constant 0 : i32
    %dma_wait3A_143 = arith.constant 0 : i32
    %dma_wait3A_144 = tpu.memref_slice %arg4[%dma_wait3A_142, %dma_wait3A_143] : memref<819200x64xf32, #tpu.memory_space<hbm>> -> memref<128x64xf32, #tpu.memory_space<hbm>>
    %dma_wait3A_145 = arith.constant 0 : i32
    %dma_wait3A_146 = arith.constant 0 : i32
    %dma_wait3A_147 = tpu.memref_slice %arg4[%dma_wait3A_145, %dma_wait3A_146] : memref<819200x64xf32, #tpu.memory_space<hbm>> -> memref<128x64xf32, #tpu.memory_space<hbm>>
    tpu.wait_dma2 semaphore(%arg18 : memref<!tpu.dma_semaphore, #tpu.memory_space<semaphore_mem>>) src(%arg10 : memref<128x64xf32, #tpu.memory_space<vmem>>) dst(%dma_wait3A_147 : memref<128x64xf32, #tpu.memory_space<hbm>>)
    %scan3A_148 = arith.constant 0 : i32
    %scan3A_149 = arith.constant 32 : i32
    %scan3A_150 = arith.addi %scan3A_148, %scan3A_149 : i32
    %scan3A_151 = arith.constant 1 : i32
    scf.for %scan3A_255 = %scan3A_148 to %scan3A_150 step %scan3A_151  : i32 {
      %mul3A_256 = arith.constant 4 : i32
      %mul3A_257 = arith.muli %scan3A_255, %mul3A_256 : i32
      %add3A_258 = arith.constant 0 : i32
      %add3A_259 = arith.addi %mul3A_257, %add3A_258 : i32
      %get3A = arith.index_cast %add3A_259 : i32 to index
      %get3A_260 = arith.constant 0 : index
      %get3A_261 = tpu.vector_load %arg6[%get3A, %get3A_260] {strides = array<i32>} : memref<128x64xf32, #tpu.memory_space<vmem>>, vector<1x16xf32>,
      %get3A_262 = vector.shape_cast %get3A_261 : vector<1x16xf32> to vector<16xf32>
      %mul3A_263 = arith.constant 8.000000e+00 : f32
      %mul3A_264 = vector.broadcast %mul3A_263 : f32 to vector<16xf32>
      %mul3A_265 = arith.mulf %get3A_262, %mul3A_264 : vector<16xf32>
      %add3A_266 = arith.constant 0 : i32
      %add3A_267 = arith.addi %mul3A_257, %add3A_266 : i32
      %swap3A = arith.index_cast %add3A_267 : i32 to index
      %swap3A_268 = arith.constant 0 : index
      %swap3A_269 = tpu.vector_load %arg10[%swap3A, %swap3A_268] {strides = array<i32>} : memref<128x64xf32, #tpu.memory_space<vmem>>, vector<1x16xf32>,
      %swap3A_270 = vector.shape_cast %swap3A_269 : vector<1x16xf32> to vector<16xf32>
      %swap3A_271 = vector.shape_cast %mul3A_265 : vector<16xf32> to vector<1x16xf32>
      tpu.vector_store %arg10[%swap3A, %swap3A_268], %swap3A_271 {strides = array<i32>} : memref<128x64xf32, #tpu.memory_space<vmem>>, vector<1x16xf32>,
      %add3A_272 = arith.constant 0 : i32
      %add3A_273 = arith.addi %mul3A_257, %add3A_272 : i32
      %get3A_274 = arith.index_cast %add3A_273 : i32 to index
      %get3A_275 = arith.constant 16 : index
      %get3A_276 = tpu.vector_load %arg6[%get3A_274, %get3A_275] {strides = array<i32>} : memref<128x64xf32, #tpu.memory_space<vmem>>, vector<1x16xf32>,
      %get3A_277 = vector.shape_cast %get3A_276 : vector<1x16xf32> to vector<16xf32>
      %mul3A_278 = arith.constant 8.000000e+00 : f32
      %mul3A_279 = vector.broadcast %mul3A_278 : f32 to vector<16xf32>
      %mul3A_280 = arith.mulf %get3A_277, %mul3A_279 : vector<16xf32>
      %add3A_281 = arith.constant 0 : i32
      %add3A_282 = arith.addi %mul3A_257, %add3A_281 : i32
      %swap3A_283 = arith.index_cast %add3A_282 : i32 to index
      %swap3A_284 = arith.constant 16 : index
      %swap3A_285 = tpu.vector_load %arg10[%swap3A_283, %swap3A_284] {strides = array<i32>} : memref<128x64xf32, #tpu.memory_space<vmem>>, vector<1x16xf32>,
      %swap3A_286 = vector.shape_cast %swap3A_285 : vector<1x16xf32> to vector<16xf32>
      %swap3A_287 = vector.shape_cast %mul3A_280 : vector<16xf32> to vector<1x16xf32>
      tpu.vector_store %arg10[%swap3A_283, %swap3A_284], %swap3A_287 {strides = array<i32>} : memref<128x64xf32, #tpu.memory_space<vmem>>, vector<1x16xf32>,
      %add3A_288 = arith.constant 0 : i32
      %add3A_289 = arith.addi %mul3A_257, %add3A_288 : i32
      %get3A_290 = arith.index_cast %add3A_289 : i32 to index
      %get3A_291 = arith.constant 32 : index
      %get3A_292 = tpu.vector_load %arg6[%get3A_290, %get3A_291] {strides = array<i32>} : memref<128x64xf32, #tpu.memory_space<vmem>>, vector<1x16xf32>,
      %get3A_293 = vector.shape_cast %get3A_292 : vector<1x16xf32> to vector<16xf32>
      %mul3A_294 = arith.constant 8.000000e+00 : f32
      %mul3A_295 = vector.broadcast %mul3A_294 : f32 to vector<16xf32>
      %mul3A_296 = arith.mulf %get3A_293, %mul3A_295 : vector<16xf32>
      %add3A_297 = arith.constant 0 : i32
      %add3A_298 = arith.addi %mul3A_257, %add3A_297 : i32
      %swap3A_299 = arith.index_cast %add3A_298 : i32 to index
      %swap3A_300 = arith.constant 32 : index
      %swap3A_301 = tpu.vector_load %arg10[%swap3A_299, %swap3A_300] {strides = array<i32>} : memref<128x64xf32, #tpu.memory_space<vmem>>, vector<1x16xf32>,
      %swap3A_302 = vector.shape_cast %swap3A_301 : vector<1x16xf32> to vector<16xf32>
      %swap3A_303 = vector.shape_cast %mul3A_296 : vector<16xf32> to vector<1x16xf32>
      tpu.vector_store %arg10[%swap3A_299, %swap3A_300], %swap3A_303 {strides = array<i32>} : memref<128x64xf32, #tpu.memory_space<vmem>>, vector<1x16xf32>,
      %add3A_304 = arith.constant 0 : i32
      %add3A_305 = arith.addi %mul3A_257, %add3A_304 : i32
      %get3A_306 = arith.index_cast %add3A_305 : i32 to index
      %get3A_307 = arith.constant 48 : index
      %get3A_308 = tpu.vector_load %arg6[%get3A_306, %get3A_307] {strides = array<i32>} : memref<128x64xf32, #tpu.memory_space<vmem>>, vector<1x16xf32>,
      %get3A_309 = vector.shape_cast %get3A_308 : vector<1x16xf32> to vector<16xf32>
      %mul3A_310 = arith.constant 8.000000e+00 : f32
      %mul3A_311 = vector.broadcast %mul3A_310 : f32 to vector<16xf32>
      %mul3A_312 = arith.mulf %get3A_309, %mul3A_311 : vector<16xf32>
      %add3A_313 = arith.constant 0 : i32
      %add3A_314 = arith.addi %mul3A_257, %add3A_313 : i32
      %swap3A_315 = arith.index_cast %add3A_314 : i32 to index
      %swap3A_316 = arith.constant 48 : index
      %swap3A_317 = tpu.vector_load %arg10[%swap3A_315, %swap3A_316] {strides = array<i32>} : memref<128x64xf32, #tpu.memory_space<vmem>>, vector<1x16xf32>,
      %swap3A_318 = vector.shape_cast %swap3A_317 : vector<1x16xf32> to vector<16xf32>
      %swap3A_319 = vector.shape_cast %mul3A_312 : vector<16xf32> to vector<1x16xf32>
      tpu.vector_store %arg10[%swap3A_315, %swap3A_316], %swap3A_319 {strides = array<i32>} : memref<128x64xf32, #tpu.memory_space<vmem>>, vector<1x16xf32>,
      %add3A_320 = arith.constant 1 : i32
      %add3A_321 = arith.addi %mul3A_257, %add3A_320 : i32
      %get3A_322 = arith.index_cast %add3A_321 : i32 to index
      %get3A_323 = arith.constant 0 : index
      %get3A_324 = tpu.vector_load %arg6[%get3A_322, %get3A_323] {strides = array<i32>} : memref<128x64xf32, #tpu.memory_space<vmem>>, vector<1x16xf32>,
      %get3A_325 = vector.shape_cast %get3A_324 : vector<1x16xf32> to vector<16xf32>
      %mul3A_326 = arith.constant 8.000000e+00 : f32
      %mul3A_327 = vector.broadcast %mul3A_326 : f32 to vector<16xf32>
      %mul3A_328 = arith.mulf %get3A_325, %mul3A_327 : vector<16xf32>
      %add3A_329 = arith.constant 1 : i32
      %add3A_330 = arith.addi %mul3A_257, %add3A_329 : i32
      %swap3A_331 = arith.index_cast %add3A_330 : i32 to index
      %swap3A_332 = arith.constant 0 : index
      %swap3A_333 = tpu.vector_load %arg10[%swap3A_331, %swap3A_332] {strides = array<i32>} : memref<128x64xf32, #tpu.memory_space<vmem>>, vector<1x16xf32>,
      %swap3A_334 = vector.shape_cast %swap3A_333 : vector<1x16xf32> to vector<16xf32>
      %swap3A_335 = vector.shape_cast %mul3A_328 : vector<16xf32> to vector<1x16xf32>
      tpu.vector_store %arg10[%swap3A_331, %swap3A_332], %swap3A_335 {strides = array<i32>} : memref<128x64xf32, #tpu.memory_space<vmem>>, vector<1x16xf32>,
      %add3A_336 = arith.constant 1 : i32
      %add3A_337 = arith.addi %mul3A_257, %add3A_336 : i32
      %get3A_338 = arith.index_cast %add3A_337 : i32 to index
      %get3A_339 = arith.constant 16 : index
      %get3A_340 = tpu.vector_load %arg6[%get3A_338, %get3A_339] {strides = array<i32>} : memref<128x64xf32, #tpu.memory_space<vmem>>, vector<1x16xf32>,
      %get3A_341 = vector.shape_cast %get3A_340 : vector<1x16xf32> to vector<16xf32>
      %mul3A_342 = arith.constant 8.000000e+00 : f32
      %mul3A_343 = vector.broadcast %mul3A_342 : f32 to vector<16xf32>
      %mul3A_344 = arith.mulf %get3A_341, %mul3A_343 : vector<16xf32>
      %add3A_345 = arith.constant 1 : i32
      %add3A_346 = arith.addi %mul3A_257, %add3A_345 : i32
      %swap3A_347 = arith.index_cast %add3A_346 : i32 to index
      %swap3A_348 = arith.constant 16 : index
      %swap3A_349 = tpu.vector_load %arg10[%swap3A_347, %swap3A_348] {strides = array<i32>} : memref<128x64xf32, #tpu.memory_space<vmem>>, vector<1x16xf32>,
      %swap3A_350 = vector.shape_cast %swap3A_349 : vector<1x16xf32> to vector<16xf32>
      %swap3A_351 = vector.shape_cast %mul3A_344 : vector<16xf32> to vector<1x16xf32>
      tpu.vector_store %arg10[%swap3A_347, %swap3A_348], %swap3A_351 {strides = array<i32>} : memref<128x64xf32, #tpu.memory_space<vmem>>, vector<1x16xf32>,
      %add3A_352 = arith.constant 1 : i32
      %add3A_353 = arith.addi %mul3A_257, %add3A_352 : i32
      %get3A_354 = arith.index_cast %add3A_353 : i32 to index
      %get3A_355 = arith.constant 32 : index
      %get3A_356 = tpu.vector_load %arg6[%get3A_354, %get3A_355] {strides = array<i32>} : memref<128x64xf32, #tpu.memory_space<vmem>>, vector<1x16xf32>,
      %get3A_357 = vector.shape_cast %get3A_356 : vector<1x16xf32> to vector<16xf32>
      %mul3A_358 = arith.constant 8.000000e+00 : f32
      %mul3A_359 = vector.broadcast %mul3A_358 : f32 to vector<16xf32>
      %mul3A_360 = arith.mulf %get3A_357, %mul3A_359 : vector<16xf32>
      %add3A_361 = arith.constant 1 : i32
      %add3A_362 = arith.addi %mul3A_257, %add3A_361 : i32
      %swap3A_363 = arith.index_cast %add3A_362 : i32 to index
      %swap3A_364 = arith.constant 32 : index
      %swap3A_365 = tpu.vector_load %arg10[%swap3A_363, %swap3A_364] {strides = array<i32>} : memref<128x64xf32, #tpu.memory_space<vmem>>, vector<1x16xf32>,
      %swap3A_366 = vector.shape_cast %swap3A_365 : vector<1x16xf32> to vector<16xf32>
      %swap3A_367 = vector.shape_cast %mul3A_360 : vector<16xf32> to vector<1x16xf32>
      tpu.vector_store %arg10[%swap3A_363, %swap3A_364], %swap3A_367 {strides = array<i32>} : memref<128x64xf32, #tpu.memory_space<vmem>>, vector<1x16xf32>,
      %add3A_368 = arith.constant 1 : i32
      %add3A_369 = arith.addi %mul3A_257, %add3A_368 : i32
      %get3A_370 = arith.index_cast %add3A_369 : i32 to index
      %get3A_371 = arith.constant 48 : index
      %get3A_372 = tpu.vector_load %arg6[%get3A_370, %get3A_371] {strides = array<i32>} : memref<128x64xf32, #tpu.memory_space<vmem>>, vector<1x16xf32>,
      %get3A_373 = vector.shape_cast %get3A_372 : vector<1x16xf32> to vector<16xf32>
      %mul3A_374 = arith.constant 8.000000e+00 : f32
      %mul3A_375 = vector.broadcast %mul3A_374 : f32 to vector<16xf32>
      %mul3A_376 = arith.mulf %get3A_373, %mul3A_375 : vector<16xf32>
      %add3A_377 = arith.constant 1 : i32
      %add3A_378 = arith.addi %mul3A_257, %add3A_377 : i32
      %swap3A_379 = arith.index_cast %add3A_378 : i32 to index
      %swap3A_380 = arith.constant 48 : index
      %swap3A_381 = tpu.vector_load %arg10[%swap3A_379, %swap3A_380] {strides = array<i32>} : memref<128x64xf32, #tpu.memory_space<vmem>>, vector<1x16xf32>,
      %swap3A_382 = vector.shape_cast %swap3A_381 : vector<1x16xf32> to vector<16xf32>
      %swap3A_383 = vector.shape_cast %mul3A_376 : vector<16xf32> to vector<1x16xf32>
      tpu.vector_store %arg10[%swap3A_379, %swap3A_380], %swap3A_383 {strides = array<i32>} : memref<128x64xf32, #tpu.memory_space<vmem>>, vector<1x16xf32>,
      %add3A_384 = arith.constant 2 : i32
      %add3A_385 = arith.addi %mul3A_257, %add3A_384 : i32
      %get3A_386 = arith.index_cast %add3A_385 : i32 to index
      %get3A_387 = arith.constant 0 : index
      %get3A_388 = tpu.vector_load %arg6[%get3A_386, %get3A_387] {strides = array<i32>} : memref<128x64xf32, #tpu.memory_space<vmem>>, vector<1x16xf32>,
      %get3A_389 = vector.shape_cast %get3A_388 : vector<1x16xf32> to vector<16xf32>
      %mul3A_390 = arith.constant 8.000000e+00 : f32
      %mul3A_391 = vector.broadcast %mul3A_390 : f32 to vector<16xf32>
      %mul3A_392 = arith.mulf %get3A_389, %mul3A_391 : vector<16xf32>
      %add3A_393 = arith.constant 2 : i32
      %add3A_394 = arith.addi %mul3A_257, %add3A_393 : i32
      %swap3A_395 = arith.index_cast %add3A_394 : i32 to index
      %swap3A_396 = arith.constant 0 : index
      %swap3A_397 = tpu.vector_load %arg10[%swap3A_395, %swap3A_396] {strides = array<i32>} : memref<128x64xf32, #tpu.memory_space<vmem>>, vector<1x16xf32>,
      %swap3A_398 = vector.shape_cast %swap3A_397 : vector<1x16xf32> to vector<16xf32>
      %swap3A_399 = vector.shape_cast %mul3A_392 : vector<16xf32> to vector<1x16xf32>
      tpu.vector_store %arg10[%swap3A_395, %swap3A_396], %swap3A_399 {strides = array<i32>} : memref<128x64xf32, #tpu.memory_space<vmem>>, vector<1x16xf32>,
      %add3A_400 = arith.constant 2 : i32
      %add3A_401 = arith.addi %mul3A_257, %add3A_400 : i32
      %get3A_402 = arith.index_cast %add3A_401 : i32 to index
      %get3A_403 = arith.constant 16 : index
      %get3A_404 = tpu.vector_load %arg6[%get3A_402, %get3A_403] {strides = array<i32>} : memref<128x64xf32, #tpu.memory_space<vmem>>, vector<1x16xf32>,
      %get3A_405 = vector.shape_cast %get3A_404 : vector<1x16xf32> to vector<16xf32>
      %mul3A_406 = arith.constant 8.000000e+00 : f32
      %mul3A_407 = vector.broadcast %mul3A_406 : f32 to vector<16xf32>
      %mul3A_408 = arith.mulf %get3A_405, %mul3A_407 : vector<16xf32>
      %add3A_409 = arith.constant 2 : i32
      %add3A_410 = arith.addi %mul3A_257, %add3A_409 : i32
      %swap3A_411 = arith.index_cast %add3A_410 : i32 to index
      %swap3A_412 = arith.constant 16 : index
      %swap3A_413 = tpu.vector_load %arg10[%swap3A_411, %swap3A_412] {strides = array<i32>} : memref<128x64xf32, #tpu.memory_space<vmem>>, vector<1x16xf32>,
      %swap3A_414 = vector.shape_cast %swap3A_413 : vector<1x16xf32> to vector<16xf32>
      %swap3A_415 = vector.shape_cast %mul3A_408 : vector<16xf32> to vector<1x16xf32>
      tpu.vector_store %arg10[%swap3A_411, %swap3A_412], %swap3A_415 {strides = array<i32>} : memref<128x64xf32, #tpu.memory_space<vmem>>, vector<1x16xf32>,
      %add3A_416 = arith.constant 2 : i32
      %add3A_417 = arith.addi %mul3A_257, %add3A_416 : i32
      %get3A_418 = arith.index_cast %add3A_417 : i32 to index
      %get3A_419 = arith.constant 32 : index
      %get3A_420 = tpu.vector_load %arg6[%get3A_418, %get3A_419] {strides = array<i32>} : memref<128x64xf32, #tpu.memory_space<vmem>>, vector<1x16xf32>,
      %get3A_421 = vector.shape_cast %get3A_420 : vector<1x16xf32> to vector<16xf32>
      %mul3A_422 = arith.constant 8.000000e+00 : f32
      %mul3A_423 = vector.broadcast %mul3A_422 : f32 to vector<16xf32>
      %mul3A_424 = arith.mulf %get3A_421, %mul3A_423 : vector<16xf32>
      %add3A_425 = arith.constant 2 : i32
      %add3A_426 = arith.addi %mul3A_257, %add3A_425 : i32
      %swap3A_427 = arith.index_cast %add3A_426 : i32 to index
      %swap3A_428 = arith.constant 32 : index
      %swap3A_429 = tpu.vector_load %arg10[%swap3A_427, %swap3A_428] {strides = array<i32>} : memref<128x64xf32, #tpu.memory_space<vmem>>, vector<1x16xf32>,
      %swap3A_430 = vector.shape_cast %swap3A_429 : vector<1x16xf32> to vector<16xf32>
      %swap3A_431 = vector.shape_cast %mul3A_424 : vector<16xf32> to vector<1x16xf32>
      tpu.vector_store %arg10[%swap3A_427, %swap3A_428], %swap3A_431 {strides = array<i32>} : memref<128x64xf32, #tpu.memory_space<vmem>>, vector<1x16xf32>,
      %add3A_432 = arith.constant 2 : i32
      %add3A_433 = arith.addi %mul3A_257, %add3A_432 : i32
      %get3A_434 = arith.index_cast %add3A_433 : i32 to index
      %get3A_435 = arith.constant 48 : index
      %get3A_436 = tpu.vector_load %arg6[%get3A_434, %get3A_435] {strides = array<i32>} : memref<128x64xf32, #tpu.memory_space<vmem>>, vector<1x16xf32>,
      %get3A_437 = vector.shape_cast %get3A_436 : vector<1x16xf32> to vector<16xf32>
      %mul3A_438 = arith.constant 8.000000e+00 : f32
      %mul3A_439 = vector.broadcast %mul3A_438 : f32 to vector<16xf32>
      %mul3A_440 = arith.mulf %get3A_437, %mul3A_439 : vector<16xf32>
      %add3A_441 = arith.constant 2 : i32
      %add3A_442 = arith.addi %mul3A_257, %add3A_441 : i32
      %swap3A_443 = arith.index_cast %add3A_442 : i32 to index
      %swap3A_444 = arith.constant 48 : index
      %swap3A_445 = tpu.vector_load %arg10[%swap3A_443, %swap3A_444] {strides = array<i32>} : memref<128x64xf32, #tpu.memory_space<vmem>>, vector<1x16xf32>,
      %swap3A_446 = vector.shape_cast %swap3A_445 : vector<1x16xf32> to vector<16xf32>
      %swap3A_447 = vector.shape_cast %mul3A_440 : vector<16xf32> to vector<1x16xf32>
      tpu.vector_store %arg10[%swap3A_443, %swap3A_444], %swap3A_447 {strides = array<i32>} : memref<128x64xf32, #tpu.memory_space<vmem>>, vector<1x16xf32>,
      %add3A_448 = arith.constant 3 : i32
      %add3A_449 = arith.addi %mul3A_257, %add3A_448 : i32
      %get3A_450 = arith.index_cast %add3A_449 : i32 to index
      %get3A_451 = arith.constant 0 : index
      %get3A_452 = tpu.vector_load %arg6[%get3A_450, %get3A_451] {strides = array<i32>} : memref<128x64xf32, #tpu.memory_space<vmem>>, vector<1x16xf32>,
      %get3A_453 = vector.shape_cast %get3A_452 : vector<1x16xf32> to vector<16xf32>
      %mul3A_454 = arith.constant 8.000000e+00 : f32
      %mul3A_455 = vector.broadcast %mul3A_454 : f32 to vector<16xf32>
      %mul3A_456 = arith.mulf %get3A_453, %mul3A_455 : vector<16xf32>
      %add3A_457 = arith.constant 3 : i32
      %add3A_458 = arith.addi %mul3A_257, %add3A_457 : i32
      %swap3A_459 = arith.index_cast %add3A_458 : i32 to index
      %swap3A_460 = arith.constant 0 : index
      %swap3A_461 = tpu.vector_load %arg10[%swap3A_459, %swap3A_460] {strides = array<i32>} : memref<128x64xf32, #tpu.memory_space<vmem>>, vector<1x16xf32>,
      %swap3A_462 = vector.shape_cast %swap3A_461 : vector<1x16xf32> to vector<16xf32>
      %swap3A_463 = vector.shape_cast %mul3A_456 : vector<16xf32> to vector<1x16xf32>
      tpu.vector_store %arg10[%swap3A_459, %swap3A_460], %swap3A_463 {strides = array<i32>} : memref<128x64xf32, #tpu.memory_space<vmem>>, vector<1x16xf32>,
      %add3A_464 = arith.constant 3 : i32
      %add3A_465 = arith.addi %mul3A_257, %add3A_464 : i32
      %get3A_466 = arith.index_cast %add3A_465 : i32 to index
      %get3A_467 = arith.constant 16 : index
      %get3A_468 = tpu.vector_load %arg6[%get3A_466, %get3A_467] {strides = array<i32>} : memref<128x64xf32, #tpu.memory_space<vmem>>, vector<1x16xf32>,
      %get3A_469 = vector.shape_cast %get3A_468 : vector<1x16xf32> to vector<16xf32>
      %mul3A_470 = arith.constant 8.000000e+00 : f32
      %mul3A_471 = vector.broadcast %mul3A_470 : f32 to vector<16xf32>
      %mul3A_472 = arith.mulf %get3A_469, %mul3A_471 : vector<16xf32>
      %add3A_473 = arith.constant 3 : i32
      %add3A_474 = arith.addi %mul3A_257, %add3A_473 : i32
      %swap3A_475 = arith.index_cast %add3A_474 : i32 to index
      %swap3A_476 = arith.constant 16 : index
      %swap3A_477 = tpu.vector_load %arg10[%swap3A_475, %swap3A_476] {strides = array<i32>} : memref<128x64xf32, #tpu.memory_space<vmem>>, vector<1x16xf32>,
      %swap3A_478 = vector.shape_cast %swap3A_477 : vector<1x16xf32> to vector<16xf32>
      %swap3A_479 = vector.shape_cast %mul3A_472 : vector<16xf32> to vector<1x16xf32>
      tpu.vector_store %arg10[%swap3A_475, %swap3A_476], %swap3A_479 {strides = array<i32>} : memref<128x64xf32, #tpu.memory_space<vmem>>, vector<1x16xf32>,
      %add3A_480 = arith.constant 3 : i32
      %add3A_481 = arith.addi %mul3A_257, %add3A_480 : i32
      %get3A_482 = arith.index_cast %add3A_481 : i32 to index
      %get3A_483 = arith.constant 32 : index
      %get3A_484 = tpu.vector_load %arg6[%get3A_482, %get3A_483] {strides = array<i32>} : memref<128x64xf32, #tpu.memory_space<vmem>>, vector<1x16xf32>,
      %get3A_485 = vector.shape_cast %get3A_484 : vector<1x16xf32> to vector<16xf32>
      %mul3A_486 = arith.constant 8.000000e+00 : f32
      %mul3A_487 = vector.broadcast %mul3A_486 : f32 to vector<16xf32>
      %mul3A_488 = arith.mulf %get3A_485, %mul3A_487 : vector<16xf32>
      %add3A_489 = arith.constant 3 : i32
      %add3A_490 = arith.addi %mul3A_257, %add3A_489 : i32
      %swap3A_491 = arith.index_cast %add3A_490 : i32 to index
      %swap3A_492 = arith.constant 32 : index
      %swap3A_493 = tpu.vector_load %arg10[%swap3A_491, %swap3A_492] {strides = array<i32>} : memref<128x64xf32, #tpu.memory_space<vmem>>, vector<1x16xf32>,
      %swap3A_494 = vector.shape_cast %swap3A_493 : vector<1x16xf32> to vector<16xf32>
      %swap3A_495 = vector.shape_cast %mul3A_488 : vector<16xf32> to vector<1x16xf32>
      tpu.vector_store %arg10[%swap3A_491, %swap3A_492], %swap3A_495 {strides = array<i32>} : memref<128x64xf32, #tpu.memory_space<vmem>>, vector<1x16xf32>,
      %add3A_496 = arith.constant 3 : i32
      %add3A_497 = arith.addi %mul3A_257, %add3A_496 : i32
      %get3A_498 = arith.index_cast %add3A_497 : i32 to index
      %get3A_499 = arith.constant 48 : index
      %get3A_500 = tpu.vector_load %arg6[%get3A_498, %get3A_499] {strides = array<i32>} : memref<128x64xf32, #tpu.memory_space<vmem>>, vector<1x16xf32>,
      %get3A_501 = vector.shape_cast %get3A_500 : vector<1x16xf32> to vector<16xf32>
      %mul3A_502 = arith.constant 8.000000e+00 : f32
      %mul3A_503 = vector.broadcast %mul3A_502 : f32 to vector<16xf32>
      %mul3A_504 = arith.mulf %get3A_501, %mul3A_503 : vector<16xf32>
      %add3A_505 = arith.constant 3 : i32
      %add3A_506 = arith.addi %mul3A_257, %add3A_505 : i32
      %swap3A_507 = arith.index_cast %add3A_506 : i32 to index
      %swap3A_508 = arith.constant 48 : index
      %swap3A_509 = tpu.vector_load %arg10[%swap3A_507, %swap3A_508] {strides = array<i32>} : memref<128x64xf32, #tpu.memory_space<vmem>>, vector<1x16xf32>,
      %swap3A_510 = vector.shape_cast %swap3A_509 : vector<1x16xf32> to vector<16xf32>
      %swap3A_511 = vector.shape_cast %mul3A_504 : vector<16xf32> to vector<1x16xf32>
      tpu.vector_store %arg10[%swap3A_507, %swap3A_508], %swap3A_511 {strides = array<i32>} : memref<128x64xf32, #tpu.memory_space<vmem>>, vector<1x16xf32>,
    }
    %scan3A_152 = arith.constant 32 : i32
    %add3A_153 = arith.constant 25088 : i32
    %add3A_154 = arith.addi %mul3A_2, %add3A_153 : i32
    %dma_start3A_155 = arith.constant 0 : i32
    %dma_start3A_156 = tpu.memref_slice %arg4[%add3A_154, %dma_start3A_155] : memref<819200x64xf32, #tpu.memory_space<hbm>> -> memref<128x64xf32, #tpu.memory_space<hbm>>
    %dma_start3A_157 = arith.constant 0 : i32
    %dma_start3A_158 = tpu.memref_slice %arg4[%add3A_154, %dma_start3A_157] : memref<819200x64xf32, #tpu.memory_space<hbm>> -> memref<128x64xf32, #tpu.memory_space<hbm>>
    tpu.enqueue_dma source(%arg10 : memref<128x64xf32, #tpu.memory_space<vmem>>) target(%dma_start3A_158 : memref<128x64xf32, #tpu.memory_space<hbm>>) target_semaphore(%arg18 : memref<!tpu.dma_semaphore, #tpu.memory_space<semaphore_mem>>)
    %dma_wait3A_159 = arith.constant 0 : i32
    %dma_wait3A_160 = arith.constant 0 : i32
    %dma_wait3A_161 = tpu.memref_slice %arg5[%dma_wait3A_159, %dma_wait3A_160] : memref<200x128xi32, #tpu.memory_space<vmem>> -> memref<1x128xi32, #tpu.memory_space<vmem>>
    %dma_wait3A_162 = tpu.memref_squeeze %dma_wait3A_161 : memref<1x128xi32, #tpu.memory_space<vmem>> -> memref<128xi32, #tpu.memory_space<vmem>>
    %dma_wait3A_163 = arith.constant 0 : i32
    %dma_wait3A_164 = arith.constant 0 : i32
    %dma_wait3A_165 = tpu.memref_slice %arg3[%dma_wait3A_163, %dma_wait3A_164] : memref<1000000x64xf32, #tpu.memory_space<hbm>> -> memref<1000000x64xf32, #tpu.memory_space<hbm>>
    tpu.wait_indirect_dma semaphore(%arg15 : memref<!tpu.dma_semaphore, #tpu.memory_space<semaphore_mem>>) src(%dma_wait3A_165 : memref<1000000x64xf32, #tpu.memory_space<hbm>>) dst(%arg7 : memref<128x64xf32, #tpu.memory_space<vmem>>)
    %dma_wait3A_166 = arith.constant 0 : i32
    %dma_wait3A_167 = arith.constant 0 : i32
    %dma_wait3A_168 = tpu.memref_slice %arg4[%dma_wait3A_166, %dma_wait3A_167] : memref<819200x64xf32, #tpu.memory_space<hbm>> -> memref<128x64xf32, #tpu.memory_space<hbm>>
    %dma_wait3A_169 = arith.constant 0 : i32
    %dma_wait3A_170 = arith.constant 0 : i32
    %dma_wait3A_171 = tpu.memref_slice %arg4[%dma_wait3A_169, %dma_wait3A_170] : memref<819200x64xf32, #tpu.memory_space<hbm>> -> memref<128x64xf32, #tpu.memory_space<hbm>>
    tpu.wait_dma2 semaphore(%arg19 : memref<!tpu.dma_semaphore, #tpu.memory_space<semaphore_mem>>) src(%arg11 : memref<128x64xf32, #tpu.memory_space<vmem>>) dst(%dma_wait3A_171 : memref<128x64xf32, #tpu.memory_space<hbm>>)
    %scan3A_172 = arith.constant 0 : i32
    %scan3A_173 = arith.constant 32 : i32
    %scan3A_174 = arith.addi %scan3A_172, %scan3A_173 : i32
    %scan3A_175 = arith.constant 1 : i32
    scf.for %scan3A_255 = %scan3A_172 to %scan3A_174 step %scan3A_175  : i32 {
      %mul3A_256 = arith.constant 4 : i32
      %mul3A_257 = arith.muli %scan3A_255, %mul3A_256 : i32
      %add3A_258 = arith.constant 0 : i32
      %add3A_259 = arith.addi %mul3A_257, %add3A_258 : i32
      %get3A = arith.index_cast %add3A_259 : i32 to index
      %get3A_260 = arith.constant 0 : index
      %get3A_261 = tpu.vector_load %arg7[%get3A, %get3A_260] {strides = array<i32>} : memref<128x64xf32, #tpu.memory_space<vmem>>, vector<1x16xf32>,
      %get3A_262 = vector.shape_cast %get3A_261 : vector<1x16xf32> to vector<16xf32>
      %mul3A_263 = arith.constant 8.000000e+00 : f32
      %mul3A_264 = vector.broadcast %mul3A_263 : f32 to vector<16xf32>
      %mul3A_265 = arith.mulf %get3A_262, %mul3A_264 : vector<16xf32>
      %add3A_266 = arith.constant 0 : i32
      %add3A_267 = arith.addi %mul3A_257, %add3A_266 : i32
      %swap3A = arith.index_cast %add3A_267 : i32 to index
      %swap3A_268 = arith.constant 0 : index
      %swap3A_269 = tpu.vector_load %arg11[%swap3A, %swap3A_268] {strides = array<i32>} : memref<128x64xf32, #tpu.memory_space<vmem>>, vector<1x16xf32>,
      %swap3A_270 = vector.shape_cast %swap3A_269 : vector<1x16xf32> to vector<16xf32>
      %swap3A_271 = vector.shape_cast %mul3A_265 : vector<16xf32> to vector<1x16xf32>
      tpu.vector_store %arg11[%swap3A, %swap3A_268], %swap3A_271 {strides = array<i32>} : memref<128x64xf32, #tpu.memory_space<vmem>>, vector<1x16xf32>,
      %add3A_272 = arith.constant 0 : i32
      %add3A_273 = arith.addi %mul3A_257, %add3A_272 : i32
      %get3A_274 = arith.index_cast %add3A_273 : i32 to index
      %get3A_275 = arith.constant 16 : index
      %get3A_276 = tpu.vector_load %arg7[%get3A_274, %get3A_275] {strides = array<i32>} : memref<128x64xf32, #tpu.memory_space<vmem>>, vector<1x16xf32>,
      %get3A_277 = vector.shape_cast %get3A_276 : vector<1x16xf32> to vector<16xf32>
      %mul3A_278 = arith.constant 8.000000e+00 : f32
      %mul3A_279 = vector.broadcast %mul3A_278 : f32 to vector<16xf32>
      %mul3A_280 = arith.mulf %get3A_277, %mul3A_279 : vector<16xf32>
      %add3A_281 = arith.constant 0 : i32
      %add3A_282 = arith.addi %mul3A_257, %add3A_281 : i32
      %swap3A_283 = arith.index_cast %add3A_282 : i32 to index
      %swap3A_284 = arith.constant 16 : index
      %swap3A_285 = tpu.vector_load %arg11[%swap3A_283, %swap3A_284] {strides = array<i32>} : memref<128x64xf32, #tpu.memory_space<vmem>>, vector<1x16xf32>,
      %swap3A_286 = vector.shape_cast %swap3A_285 : vector<1x16xf32> to vector<16xf32>
      %swap3A_287 = vector.shape_cast %mul3A_280 : vector<16xf32> to vector<1x16xf32>
      tpu.vector_store %arg11[%swap3A_283, %swap3A_284], %swap3A_287 {strides = array<i32>} : memref<128x64xf32, #tpu.memory_space<vmem>>, vector<1x16xf32>,
      %add3A_288 = arith.constant 0 : i32
      %add3A_289 = arith.addi %mul3A_257, %add3A_288 : i32
      %get3A_290 = arith.index_cast %add3A_289 : i32 to index
      %get3A_291 = arith.constant 32 : index
      %get3A_292 = tpu.vector_load %arg7[%get3A_290, %get3A_291] {strides = array<i32>} : memref<128x64xf32, #tpu.memory_space<vmem>>, vector<1x16xf32>,
      %get3A_293 = vector.shape_cast %get3A_292 : vector<1x16xf32> to vector<16xf32>
      %mul3A_294 = arith.constant 8.000000e+00 : f32
      %mul3A_295 = vector.broadcast %mul3A_294 : f32 to vector<16xf32>
      %mul3A_296 = arith.mulf %get3A_293, %mul3A_295 : vector<16xf32>
      %add3A_297 = arith.constant 0 : i32
      %add3A_298 = arith.addi %mul3A_257, %add3A_297 : i32
      %swap3A_299 = arith.index_cast %add3A_298 : i32 to index
      %swap3A_300 = arith.constant 32 : index
      %swap3A_301 = tpu.vector_load %arg11[%swap3A_299, %swap3A_300] {strides = array<i32>} : memref<128x64xf32, #tpu.memory_space<vmem>>, vector<1x16xf32>,
      %swap3A_302 = vector.shape_cast %swap3A_301 : vector<1x16xf32> to vector<16xf32>
      %swap3A_303 = vector.shape_cast %mul3A_296 : vector<16xf32> to vector<1x16xf32>
      tpu.vector_store %arg11[%swap3A_299, %swap3A_300], %swap3A_303 {strides = array<i32>} : memref<128x64xf32, #tpu.memory_space<vmem>>, vector<1x16xf32>,
      %add3A_304 = arith.constant 0 : i32
      %add3A_305 = arith.addi %mul3A_257, %add3A_304 : i32
      %get3A_306 = arith.index_cast %add3A_305 : i32 to index
      %get3A_307 = arith.constant 48 : index
      %get3A_308 = tpu.vector_load %arg7[%get3A_306, %get3A_307] {strides = array<i32>} : memref<128x64xf32, #tpu.memory_space<vmem>>, vector<1x16xf32>,
      %get3A_309 = vector.shape_cast %get3A_308 : vector<1x16xf32> to vector<16xf32>
      %mul3A_310 = arith.constant 8.000000e+00 : f32
      %mul3A_311 = vector.broadcast %mul3A_310 : f32 to vector<16xf32>
      %mul3A_312 = arith.mulf %get3A_309, %mul3A_311 : vector<16xf32>
      %add3A_313 = arith.constant 0 : i32
      %add3A_314 = arith.addi %mul3A_257, %add3A_313 : i32
      %swap3A_315 = arith.index_cast %add3A_314 : i32 to index
      %swap3A_316 = arith.constant 48 : index
      %swap3A_317 = tpu.vector_load %arg11[%swap3A_315, %swap3A_316] {strides = array<i32>} : memref<128x64xf32, #tpu.memory_space<vmem>>, vector<1x16xf32>,
      %swap3A_318 = vector.shape_cast %swap3A_317 : vector<1x16xf32> to vector<16xf32>
      %swap3A_319 = vector.shape_cast %mul3A_312 : vector<16xf32> to vector<1x16xf32>
      tpu.vector_store %arg11[%swap3A_315, %swap3A_316], %swap3A_319 {strides = array<i32>} : memref<128x64xf32, #tpu.memory_space<vmem>>, vector<1x16xf32>,
      %add3A_320 = arith.constant 1 : i32
      %add3A_321 = arith.addi %mul3A_257, %add3A_320 : i32
      %get3A_322 = arith.index_cast %add3A_321 : i32 to index
      %get3A_323 = arith.constant 0 : index
      %get3A_324 = tpu.vector_load %arg7[%get3A_322, %get3A_323] {strides = array<i32>} : memref<128x64xf32, #tpu.memory_space<vmem>>, vector<1x16xf32>,
      %get3A_325 = vector.shape_cast %get3A_324 : vector<1x16xf32> to vector<16xf32>
      %mul3A_326 = arith.constant 8.000000e+00 : f32
      %mul3A_327 = vector.broadcast %mul3A_326 : f32 to vector<16xf32>
      %mul3A_328 = arith.mulf %get3A_325, %mul3A_327 : vector<16xf32>
      %add3A_329 = arith.constant 1 : i32
      %add3A_330 = arith.addi %mul3A_257, %add3A_329 : i32
      %swap3A_331 = arith.index_cast %add3A_330 : i32 to index
      %swap3A_332 = arith.constant 0 : index
      %swap3A_333 = tpu.vector_load %arg11[%swap3A_331, %swap3A_332] {strides = array<i32>} : memref<128x64xf32, #tpu.memory_space<vmem>>, vector<1x16xf32>,
      %swap3A_334 = vector.shape_cast %swap3A_333 : vector<1x16xf32> to vector<16xf32>
      %swap3A_335 = vector.shape_cast %mul3A_328 : vector<16xf32> to vector<1x16xf32>
      tpu.vector_store %arg11[%swap3A_331, %swap3A_332], %swap3A_335 {strides = array<i32>} : memref<128x64xf32, #tpu.memory_space<vmem>>, vector<1x16xf32>,
      %add3A_336 = arith.constant 1 : i32
      %add3A_337 = arith.addi %mul3A_257, %add3A_336 : i32
      %get3A_338 = arith.index_cast %add3A_337 : i32 to index
      %get3A_339 = arith.constant 16 : index
      %get3A_340 = tpu.vector_load %arg7[%get3A_338, %get3A_339] {strides = array<i32>} : memref<128x64xf32, #tpu.memory_space<vmem>>, vector<1x16xf32>,
      %get3A_341 = vector.shape_cast %get3A_340 : vector<1x16xf32> to vector<16xf32>
      %mul3A_342 = arith.constant 8.000000e+00 : f32
      %mul3A_343 = vector.broadcast %mul3A_342 : f32 to vector<16xf32>
      %mul3A_344 = arith.mulf %get3A_341, %mul3A_343 : vector<16xf32>
      %add3A_345 = arith.constant 1 : i32
      %add3A_346 = arith.addi %mul3A_257, %add3A_345 : i32
      %swap3A_347 = arith.index_cast %add3A_346 : i32 to index
      %swap3A_348 = arith.constant 16 : index
      %swap3A_349 = tpu.vector_load %arg11[%swap3A_347, %swap3A_348] {strides = array<i32>} : memref<128x64xf32, #tpu.memory_space<vmem>>, vector<1x16xf32>,
      %swap3A_350 = vector.shape_cast %swap3A_349 : vector<1x16xf32> to vector<16xf32>
      %swap3A_351 = vector.shape_cast %mul3A_344 : vector<16xf32> to vector<1x16xf32>
      tpu.vector_store %arg11[%swap3A_347, %swap3A_348], %swap3A_351 {strides = array<i32>} : memref<128x64xf32, #tpu.memory_space<vmem>>, vector<1x16xf32>,
      %add3A_352 = arith.constant 1 : i32
      %add3A_353 = arith.addi %mul3A_257, %add3A_352 : i32
      %get3A_354 = arith.index_cast %add3A_353 : i32 to index
      %get3A_355 = arith.constant 32 : index
      %get3A_356 = tpu.vector_load %arg7[%get3A_354, %get3A_355] {strides = array<i32>} : memref<128x64xf32, #tpu.memory_space<vmem>>, vector<1x16xf32>,
      %get3A_357 = vector.shape_cast %get3A_356 : vector<1x16xf32> to vector<16xf32>
      %mul3A_358 = arith.constant 8.000000e+00 : f32
      %mul3A_359 = vector.broadcast %mul3A_358 : f32 to vector<16xf32>
      %mul3A_360 = arith.mulf %get3A_357, %mul3A_359 : vector<16xf32>
      %add3A_361 = arith.constant 1 : i32
      %add3A_362 = arith.addi %mul3A_257, %add3A_361 : i32
      %swap3A_363 = arith.index_cast %add3A_362 : i32 to index
      %swap3A_364 = arith.constant 32 : index
      %swap3A_365 = tpu.vector_load %arg11[%swap3A_363, %swap3A_364] {strides = array<i32>} : memref<128x64xf32, #tpu.memory_space<vmem>>, vector<1x16xf32>,
      %swap3A_366 = vector.shape_cast %swap3A_365 : vector<1x16xf32> to vector<16xf32>
      %swap3A_367 = vector.shape_cast %mul3A_360 : vector<16xf32> to vector<1x16xf32>
      tpu.vector_store %arg11[%swap3A_363, %swap3A_364], %swap3A_367 {strides = array<i32>} : memref<128x64xf32, #tpu.memory_space<vmem>>, vector<1x16xf32>,
      %add3A_368 = arith.constant 1 : i32
      %add3A_369 = arith.addi %mul3A_257, %add3A_368 : i32
      %get3A_370 = arith.index_cast %add3A_369 : i32 to index
      %get3A_371 = arith.constant 48 : index
      %get3A_372 = tpu.vector_load %arg7[%get3A_370, %get3A_371] {strides = array<i32>} : memref<128x64xf32, #tpu.memory_space<vmem>>, vector<1x16xf32>,
      %get3A_373 = vector.shape_cast %get3A_372 : vector<1x16xf32> to vector<16xf32>
      %mul3A_374 = arith.constant 8.000000e+00 : f32
      %mul3A_375 = vector.broadcast %mul3A_374 : f32 to vector<16xf32>
      %mul3A_376 = arith.mulf %get3A_373, %mul3A_375 : vector<16xf32>
      %add3A_377 = arith.constant 1 : i32
      %add3A_378 = arith.addi %mul3A_257, %add3A_377 : i32
      %swap3A_379 = arith.index_cast %add3A_378 : i32 to index
      %swap3A_380 = arith.constant 48 : index
      %swap3A_381 = tpu.vector_load %arg11[%swap3A_379, %swap3A_380] {strides = array<i32>} : memref<128x64xf32, #tpu.memory_space<vmem>>, vector<1x16xf32>,
      %swap3A_382 = vector.shape_cast %swap3A_381 : vector<1x16xf32> to vector<16xf32>
      %swap3A_383 = vector.shape_cast %mul3A_376 : vector<16xf32> to vector<1x16xf32>
      tpu.vector_store %arg11[%swap3A_379, %swap3A_380], %swap3A_383 {strides = array<i32>} : memref<128x64xf32, #tpu.memory_space<vmem>>, vector<1x16xf32>,
      %add3A_384 = arith.constant 2 : i32
      %add3A_385 = arith.addi %mul3A_257, %add3A_384 : i32
      %get3A_386 = arith.index_cast %add3A_385 : i32 to index
      %get3A_387 = arith.constant 0 : index
      %get3A_388 = tpu.vector_load %arg7[%get3A_386, %get3A_387] {strides = array<i32>} : memref<128x64xf32, #tpu.memory_space<vmem>>, vector<1x16xf32>,
      %get3A_389 = vector.shape_cast %get3A_388 : vector<1x16xf32> to vector<16xf32>
      %mul3A_390 = arith.constant 8.000000e+00 : f32
      %mul3A_391 = vector.broadcast %mul3A_390 : f32 to vector<16xf32>
      %mul3A_392 = arith.mulf %get3A_389, %mul3A_391 : vector<16xf32>
      %add3A_393 = arith.constant 2 : i32
      %add3A_394 = arith.addi %mul3A_257, %add3A_393 : i32
      %swap3A_395 = arith.index_cast %add3A_394 : i32 to index
      %swap3A_396 = arith.constant 0 : index
      %swap3A_397 = tpu.vector_load %arg11[%swap3A_395, %swap3A_396] {strides = array<i32>} : memref<128x64xf32, #tpu.memory_space<vmem>>, vector<1x16xf32>,
      %swap3A_398 = vector.shape_cast %swap3A_397 : vector<1x16xf32> to vector<16xf32>
      %swap3A_399 = vector.shape_cast %mul3A_392 : vector<16xf32> to vector<1x16xf32>
      tpu.vector_store %arg11[%swap3A_395, %swap3A_396], %swap3A_399 {strides = array<i32>} : memref<128x64xf32, #tpu.memory_space<vmem>>, vector<1x16xf32>,
      %add3A_400 = arith.constant 2 : i32
      %add3A_401 = arith.addi %mul3A_257, %add3A_400 : i32
      %get3A_402 = arith.index_cast %add3A_401 : i32 to index
      %get3A_403 = arith.constant 16 : index
      %get3A_404 = tpu.vector_load %arg7[%get3A_402, %get3A_403] {strides = array<i32>} : memref<128x64xf32, #tpu.memory_space<vmem>>, vector<1x16xf32>,
      %get3A_405 = vector.shape_cast %get3A_404 : vector<1x16xf32> to vector<16xf32>
      %mul3A_406 = arith.constant 8.000000e+00 : f32
      %mul3A_407 = vector.broadcast %mul3A_406 : f32 to vector<16xf32>
      %mul3A_408 = arith.mulf %get3A_405, %mul3A_407 : vector<16xf32>
      %add3A_409 = arith.constant 2 : i32
      %add3A_410 = arith.addi %mul3A_257, %add3A_409 : i32
      %swap3A_411 = arith.index_cast %add3A_410 : i32 to index
      %swap3A_412 = arith.constant 16 : index
      %swap3A_413 = tpu.vector_load %arg11[%swap3A_411, %swap3A_412] {strides = array<i32>} : memref<128x64xf32, #tpu.memory_space<vmem>>, vector<1x16xf32>,
      %swap3A_414 = vector.shape_cast %swap3A_413 : vector<1x16xf32> to vector<16xf32>
      %swap3A_415 = vector.shape_cast %mul3A_408 : vector<16xf32> to vector<1x16xf32>
      tpu.vector_store %arg11[%swap3A_411, %swap3A_412], %swap3A_415 {strides = array<i32>} : memref<128x64xf32, #tpu.memory_space<vmem>>, vector<1x16xf32>,
      %add3A_416 = arith.constant 2 : i32
      %add3A_417 = arith.addi %mul3A_257, %add3A_416 : i32
      %get3A_418 = arith.index_cast %add3A_417 : i32 to index
      %get3A_419 = arith.constant 32 : index
      %get3A_420 = tpu.vector_load %arg7[%get3A_418, %get3A_419] {strides = array<i32>} : memref<128x64xf32, #tpu.memory_space<vmem>>, vector<1x16xf32>,
      %get3A_421 = vector.shape_cast %get3A_420 : vector<1x16xf32> to vector<16xf32>
      %mul3A_422 = arith.constant 8.000000e+00 : f32
      %mul3A_423 = vector.broadcast %mul3A_422 : f32 to vector<16xf32>
      %mul3A_424 = arith.mulf %get3A_421, %mul3A_423 : vector<16xf32>
      %add3A_425 = arith.constant 2 : i32
      %add3A_426 = arith.addi %mul3A_257, %add3A_425 : i32
      %swap3A_427 = arith.index_cast %add3A_426 : i32 to index
      %swap3A_428 = arith.constant 32 : index
      %swap3A_429 = tpu.vector_load %arg11[%swap3A_427, %swap3A_428] {strides = array<i32>} : memref<128x64xf32, #tpu.memory_space<vmem>>, vector<1x16xf32>,
      %swap3A_430 = vector.shape_cast %swap3A_429 : vector<1x16xf32> to vector<16xf32>
      %swap3A_431 = vector.shape_cast %mul3A_424 : vector<16xf32> to vector<1x16xf32>
      tpu.vector_store %arg11[%swap3A_427, %swap3A_428], %swap3A_431 {strides = array<i32>} : memref<128x64xf32, #tpu.memory_space<vmem>>, vector<1x16xf32>,
      %add3A_432 = arith.constant 2 : i32
      %add3A_433 = arith.addi %mul3A_257, %add3A_432 : i32
      %get3A_434 = arith.index_cast %add3A_433 : i32 to index
      %get3A_435 = arith.constant 48 : index
      %get3A_436 = tpu.vector_load %arg7[%get3A_434, %get3A_435] {strides = array<i32>} : memref<128x64xf32, #tpu.memory_space<vmem>>, vector<1x16xf32>,
      %get3A_437 = vector.shape_cast %get3A_436 : vector<1x16xf32> to vector<16xf32>
      %mul3A_438 = arith.constant 8.000000e+00 : f32
      %mul3A_439 = vector.broadcast %mul3A_438 : f32 to vector<16xf32>
      %mul3A_440 = arith.mulf %get3A_437, %mul3A_439 : vector<16xf32>
      %add3A_441 = arith.constant 2 : i32
      %add3A_442 = arith.addi %mul3A_257, %add3A_441 : i32
      %swap3A_443 = arith.index_cast %add3A_442 : i32 to index
      %swap3A_444 = arith.constant 48 : index
      %swap3A_445 = tpu.vector_load %arg11[%swap3A_443, %swap3A_444] {strides = array<i32>} : memref<128x64xf32, #tpu.memory_space<vmem>>, vector<1x16xf32>,
      %swap3A_446 = vector.shape_cast %swap3A_445 : vector<1x16xf32> to vector<16xf32>
      %swap3A_447 = vector.shape_cast %mul3A_440 : vector<16xf32> to vector<1x16xf32>
      tpu.vector_store %arg11[%swap3A_443, %swap3A_444], %swap3A_447 {strides = array<i32>} : memref<128x64xf32, #tpu.memory_space<vmem>>, vector<1x16xf32>,
      %add3A_448 = arith.constant 3 : i32
      %add3A_449 = arith.addi %mul3A_257, %add3A_448 : i32
      %get3A_450 = arith.index_cast %add3A_449 : i32 to index
      %get3A_451 = arith.constant 0 : index
      %get3A_452 = tpu.vector_load %arg7[%get3A_450, %get3A_451] {strides = array<i32>} : memref<128x64xf32, #tpu.memory_space<vmem>>, vector<1x16xf32>,
      %get3A_453 = vector.shape_cast %get3A_452 : vector<1x16xf32> to vector<16xf32>
      %mul3A_454 = arith.constant 8.000000e+00 : f32
      %mul3A_455 = vector.broadcast %mul3A_454 : f32 to vector<16xf32>
      %mul3A_456 = arith.mulf %get3A_453, %mul3A_455 : vector<16xf32>
      %add3A_457 = arith.constant 3 : i32
      %add3A_458 = arith.addi %mul3A_257, %add3A_457 : i32
      %swap3A_459 = arith.index_cast %add3A_458 : i32 to index
      %swap3A_460 = arith.constant 0 : index
      %swap3A_461 = tpu.vector_load %arg11[%swap3A_459, %swap3A_460] {strides = array<i32>} : memref<128x64xf32, #tpu.memory_space<vmem>>, vector<1x16xf32>,
      %swap3A_462 = vector.shape_cast %swap3A_461 : vector<1x16xf32> to vector<16xf32>
      %swap3A_463 = vector.shape_cast %mul3A_456 : vector<16xf32> to vector<1x16xf32>
      tpu.vector_store %arg11[%swap3A_459, %swap3A_460], %swap3A_463 {strides = array<i32>} : memref<128x64xf32, #tpu.memory_space<vmem>>, vector<1x16xf32>,
      %add3A_464 = arith.constant 3 : i32
      %add3A_465 = arith.addi %mul3A_257, %add3A_464 : i32
      %get3A_466 = arith.index_cast %add3A_465 : i32 to index
      %get3A_467 = arith.constant 16 : index
      %get3A_468 = tpu.vector_load %arg7[%get3A_466, %get3A_467] {strides = array<i32>} : memref<128x64xf32, #tpu.memory_space<vmem>>, vector<1x16xf32>,
      %get3A_469 = vector.shape_cast %get3A_468 : vector<1x16xf32> to vector<16xf32>
      %mul3A_470 = arith.constant 8.000000e+00 : f32
      %mul3A_471 = vector.broadcast %mul3A_470 : f32 to vector<16xf32>
      %mul3A_472 = arith.mulf %get3A_469, %mul3A_471 : vector<16xf32>
      %add3A_473 = arith.constant 3 : i32
      %add3A_474 = arith.addi %mul3A_257, %add3A_473 : i32
      %swap3A_475 = arith.index_cast %add3A_474 : i32 to index
      %swap3A_476 = arith.constant 16 : index
      %swap3A_477 = tpu.vector_load %arg11[%swap3A_475, %swap3A_476] {strides = array<i32>} : memref<128x64xf32, #tpu.memory_space<vmem>>, vector<1x16xf32>,
      %swap3A_478 = vector.shape_cast %swap3A_477 : vector<1x16xf32> to vector<16xf32>
      %swap3A_479 = vector.shape_cast %mul3A_472 : vector<16xf32> to vector<1x16xf32>
      tpu.vector_store %arg11[%swap3A_475, %swap3A_476], %swap3A_479 {strides = array<i32>} : memref<128x64xf32, #tpu.memory_space<vmem>>, vector<1x16xf32>,
      %add3A_480 = arith.constant 3 : i32
      %add3A_481 = arith.addi %mul3A_257, %add3A_480 : i32
      %get3A_482 = arith.index_cast %add3A_481 : i32 to index
      %get3A_483 = arith.constant 32 : index
      %get3A_484 = tpu.vector_load %arg7[%get3A_482, %get3A_483] {strides = array<i32>} : memref<128x64xf32, #tpu.memory_space<vmem>>, vector<1x16xf32>,
      %get3A_485 = vector.shape_cast %get3A_484 : vector<1x16xf32> to vector<16xf32>
      %mul3A_486 = arith.constant 8.000000e+00 : f32
      %mul3A_487 = vector.broadcast %mul3A_486 : f32 to vector<16xf32>
      %mul3A_488 = arith.mulf %get3A_485, %mul3A_487 : vector<16xf32>
      %add3A_489 = arith.constant 3 : i32
      %add3A_490 = arith.addi %mul3A_257, %add3A_489 : i32
      %swap3A_491 = arith.index_cast %add3A_490 : i32 to index
      %swap3A_492 = arith.constant 32 : index
      %swap3A_493 = tpu.vector_load %arg11[%swap3A_491, %swap3A_492] {strides = array<i32>} : memref<128x64xf32, #tpu.memory_space<vmem>>, vector<1x16xf32>,
      %swap3A_494 = vector.shape_cast %swap3A_493 : vector<1x16xf32> to vector<16xf32>
      %swap3A_495 = vector.shape_cast %mul3A_488 : vector<16xf32> to vector<1x16xf32>
      tpu.vector_store %arg11[%swap3A_491, %swap3A_492], %swap3A_495 {strides = array<i32>} : memref<128x64xf32, #tpu.memory_space<vmem>>, vector<1x16xf32>,
      %add3A_496 = arith.constant 3 : i32
      %add3A_497 = arith.addi %mul3A_257, %add3A_496 : i32
      %get3A_498 = arith.index_cast %add3A_497 : i32 to index
      %get3A_499 = arith.constant 48 : index
      %get3A_500 = tpu.vector_load %arg7[%get3A_498, %get3A_499] {strides = array<i32>} : memref<128x64xf32, #tpu.memory_space<vmem>>, vector<1x16xf32>,
      %get3A_501 = vector.shape_cast %get3A_500 : vector<1x16xf32> to vector<16xf32>
      %mul3A_502 = arith.constant 8.000000e+00 : f32
      %mul3A_503 = vector.broadcast %mul3A_502 : f32 to vector<16xf32>
      %mul3A_504 = arith.mulf %get3A_501, %mul3A_503 : vector<16xf32>
      %add3A_505 = arith.constant 3 : i32
      %add3A_506 = arith.addi %mul3A_257, %add3A_505 : i32
      %swap3A_507 = arith.index_cast %add3A_506 : i32 to index
      %swap3A_508 = arith.constant 48 : index
      %swap3A_509 = tpu.vector_load %arg11[%swap3A_507, %swap3A_508] {strides = array<i32>} : memref<128x64xf32, #tpu.memory_space<vmem>>, vector<1x16xf32>,
      %swap3A_510 = vector.shape_cast %swap3A_509 : vector<1x16xf32> to vector<16xf32>
      %swap3A_511 = vector.shape_cast %mul3A_504 : vector<16xf32> to vector<1x16xf32>
      tpu.vector_store %arg11[%swap3A_507, %swap3A_508], %swap3A_511 {strides = array<i32>} : memref<128x64xf32, #tpu.memory_space<vmem>>, vector<1x16xf32>,
    }
    %scan3A_176 = arith.constant 32 : i32
    %add3A_177 = arith.constant 25216 : i32
    %add3A_178 = arith.addi %mul3A_2, %add3A_177 : i32
    %dma_start3A_179 = arith.constant 0 : i32
    %dma_start3A_180 = tpu.memref_slice %arg4[%add3A_178, %dma_start3A_179] : memref<819200x64xf32, #tpu.memory_space<hbm>> -> memref<128x64xf32, #tpu.memory_space<hbm>>
    %dma_start3A_181 = arith.constant 0 : i32
    %dma_start3A_182 = tpu.memref_slice %arg4[%add3A_178, %dma_start3A_181] : memref<819200x64xf32, #tpu.memory_space<hbm>> -> memref<128x64xf32, #tpu.memory_space<hbm>>
    tpu.enqueue_dma source(%arg11 : memref<128x64xf32, #tpu.memory_space<vmem>>) target(%dma_start3A_182 : memref<128x64xf32, #tpu.memory_space<hbm>>) target_semaphore(%arg19 : memref<!tpu.dma_semaphore, #tpu.memory_space<semaphore_mem>>)
    %dma_wait3A_183 = arith.constant 0 : i32
    %dma_wait3A_184 = arith.constant 0 : i32
    %dma_wait3A_185 = tpu.memref_slice %arg5[%dma_wait3A_183, %dma_wait3A_184] : memref<200x128xi32, #tpu.memory_space<vmem>> -> memref<1x128xi32, #tpu.memory_space<vmem>>
    %dma_wait3A_186 = tpu.memref_squeeze %dma_wait3A_185 : memref<1x128xi32, #tpu.memory_space<vmem>> -> memref<128xi32, #tpu.memory_space<vmem>>
    %dma_wait3A_187 = arith.constant 0 : i32
    %dma_wait3A_188 = arith.constant 0 : i32
    %dma_wait3A_189 = tpu.memref_slice %arg3[%dma_wait3A_187, %dma_wait3A_188] : memref<1000000x64xf32, #tpu.memory_space<hbm>> -> memref<1000000x64xf32, #tpu.memory_space<hbm>>
    tpu.wait_indirect_dma semaphore(%arg16 : memref<!tpu.dma_semaphore, #tpu.memory_space<semaphore_mem>>) src(%dma_wait3A_189 : memref<1000000x64xf32, #tpu.memory_space<hbm>>) dst(%arg8 : memref<128x64xf32, #tpu.memory_space<vmem>>)
    %dma_wait3A_190 = arith.constant 0 : i32
    %dma_wait3A_191 = arith.constant 0 : i32
    %dma_wait3A_192 = tpu.memref_slice %arg4[%dma_wait3A_190, %dma_wait3A_191] : memref<819200x64xf32, #tpu.memory_space<hbm>> -> memref<128x64xf32, #tpu.memory_space<hbm>>
    %dma_wait3A_193 = arith.constant 0 : i32
    %dma_wait3A_194 = arith.constant 0 : i32
    %dma_wait3A_195 = tpu.memref_slice %arg4[%dma_wait3A_193, %dma_wait3A_194] : memref<819200x64xf32, #tpu.memory_space<hbm>> -> memref<128x64xf32, #tpu.memory_space<hbm>>
    tpu.wait_dma2 semaphore(%arg20 : memref<!tpu.dma_semaphore, #tpu.memory_space<semaphore_mem>>) src(%arg12 : memref<128x64xf32, #tpu.memory_space<vmem>>) dst(%dma_wait3A_195 : memref<128x64xf32, #tpu.memory_space<hbm>>)
    %scan3A_196 = arith.constant 0 : i32
    %scan3A_197 = arith.constant 32 : i32
    %scan3A_198 = arith.addi %scan3A_196, %scan3A_197 : i32
    %scan3A_199 = arith.constant 1 : i32
    scf.for %scan3A_255 = %scan3A_196 to %scan3A_198 step %scan3A_199  : i32 {
      %mul3A_256 = arith.constant 4 : i32
      %mul3A_257 = arith.muli %scan3A_255, %mul3A_256 : i32
      %add3A_258 = arith.constant 0 : i32
      %add3A_259 = arith.addi %mul3A_257, %add3A_258 : i32
      %get3A = arith.index_cast %add3A_259 : i32 to index
      %get3A_260 = arith.constant 0 : index
      %get3A_261 = tpu.vector_load %arg8[%get3A, %get3A_260] {strides = array<i32>} : memref<128x64xf32, #tpu.memory_space<vmem>>, vector<1x16xf32>,
      %get3A_262 = vector.shape_cast %get3A_261 : vector<1x16xf32> to vector<16xf32>
      %mul3A_263 = arith.constant 8.000000e+00 : f32
      %mul3A_264 = vector.broadcast %mul3A_263 : f32 to vector<16xf32>
      %mul3A_265 = arith.mulf %get3A_262, %mul3A_264 : vector<16xf32>
      %add3A_266 = arith.constant 0 : i32
      %add3A_267 = arith.addi %mul3A_257, %add3A_266 : i32
      %swap3A = arith.index_cast %add3A_267 : i32 to index
      %swap3A_268 = arith.constant 0 : index
      %swap3A_269 = tpu.vector_load %arg12[%swap3A, %swap3A_268] {strides = array<i32>} : memref<128x64xf32, #tpu.memory_space<vmem>>, vector<1x16xf32>,
      %swap3A_270 = vector.shape_cast %swap3A_269 : vector<1x16xf32> to vector<16xf32>
      %swap3A_271 = vector.shape_cast %mul3A_265 : vector<16xf32> to vector<1x16xf32>
      tpu.vector_store %arg12[%swap3A, %swap3A_268], %swap3A_271 {strides = array<i32>} : memref<128x64xf32, #tpu.memory_space<vmem>>, vector<1x16xf32>,
      %add3A_272 = arith.constant 0 : i32
      %add3A_273 = arith.addi %mul3A_257, %add3A_272 : i32
      %get3A_274 = arith.index_cast %add3A_273 : i32 to index
      %get3A_275 = arith.constant 16 : index
      %get3A_276 = tpu.vector_load %arg8[%get3A_274, %get3A_275] {strides = array<i32>} : memref<128x64xf32, #tpu.memory_space<vmem>>, vector<1x16xf32>,
      %get3A_277 = vector.shape_cast %get3A_276 : vector<1x16xf32> to vector<16xf32>
      %mul3A_278 = arith.constant 8.000000e+00 : f32
      %mul3A_279 = vector.broadcast %mul3A_278 : f32 to vector<16xf32>
      %mul3A_280 = arith.mulf %get3A_277, %mul3A_279 : vector<16xf32>
      %add3A_281 = arith.constant 0 : i32
      %add3A_282 = arith.addi %mul3A_257, %add3A_281 : i32
      %swap3A_283 = arith.index_cast %add3A_282 : i32 to index
      %swap3A_284 = arith.constant 16 : index
      %swap3A_285 = tpu.vector_load %arg12[%swap3A_283, %swap3A_284] {strides = array<i32>} : memref<128x64xf32, #tpu.memory_space<vmem>>, vector<1x16xf32>,
      %swap3A_286 = vector.shape_cast %swap3A_285 : vector<1x16xf32> to vector<16xf32>
      %swap3A_287 = vector.shape_cast %mul3A_280 : vector<16xf32> to vector<1x16xf32>
      tpu.vector_store %arg12[%swap3A_283, %swap3A_284], %swap3A_287 {strides = array<i32>} : memref<128x64xf32, #tpu.memory_space<vmem>>, vector<1x16xf32>,
      %add3A_288 = arith.constant 0 : i32
      %add3A_289 = arith.addi %mul3A_257, %add3A_288 : i32
      %get3A_290 = arith.index_cast %add3A_289 : i32 to index
      %get3A_291 = arith.constant 32 : index
      %get3A_292 = tpu.vector_load %arg8[%get3A_290, %get3A_291] {strides = array<i32>} : memref<128x64xf32, #tpu.memory_space<vmem>>, vector<1x16xf32>,
      %get3A_293 = vector.shape_cast %get3A_292 : vector<1x16xf32> to vector<16xf32>
      %mul3A_294 = arith.constant 8.000000e+00 : f32
      %mul3A_295 = vector.broadcast %mul3A_294 : f32 to vector<16xf32>
      %mul3A_296 = arith.mulf %get3A_293, %mul3A_295 : vector<16xf32>
      %add3A_297 = arith.constant 0 : i32
      %add3A_298 = arith.addi %mul3A_257, %add3A_297 : i32
      %swap3A_299 = arith.index_cast %add3A_298 : i32 to index
      %swap3A_300 = arith.constant 32 : index
      %swap3A_301 = tpu.vector_load %arg12[%swap3A_299, %swap3A_300] {strides = array<i32>} : memref<128x64xf32, #tpu.memory_space<vmem>>, vector<1x16xf32>,
      %swap3A_302 = vector.shape_cast %swap3A_301 : vector<1x16xf32> to vector<16xf32>
      %swap3A_303 = vector.shape_cast %mul3A_296 : vector<16xf32> to vector<1x16xf32>
      tpu.vector_store %arg12[%swap3A_299, %swap3A_300], %swap3A_303 {strides = array<i32>} : memref<128x64xf32, #tpu.memory_space<vmem>>, vector<1x16xf32>,
      %add3A_304 = arith.constant 0 : i32
      %add3A_305 = arith.addi %mul3A_257, %add3A_304 : i32
      %get3A_306 = arith.index_cast %add3A_305 : i32 to index
      %get3A_307 = arith.constant 48 : index
      %get3A_308 = tpu.vector_load %arg8[%get3A_306, %get3A_307] {strides = array<i32>} : memref<128x64xf32, #tpu.memory_space<vmem>>, vector<1x16xf32>,
      %get3A_309 = vector.shape_cast %get3A_308 : vector<1x16xf32> to vector<16xf32>
      %mul3A_310 = arith.constant 8.000000e+00 : f32
      %mul3A_311 = vector.broadcast %mul3A_310 : f32 to vector<16xf32>
      %mul3A_312 = arith.mulf %get3A_309, %mul3A_311 : vector<16xf32>
      %add3A_313 = arith.constant 0 : i32
      %add3A_314 = arith.addi %mul3A_257, %add3A_313 : i32
      %swap3A_315 = arith.index_cast %add3A_314 : i32 to index
      %swap3A_316 = arith.constant 48 : index
      %swap3A_317 = tpu.vector_load %arg12[%swap3A_315, %swap3A_316] {strides = array<i32>} : memref<128x64xf32, #tpu.memory_space<vmem>>, vector<1x16xf32>,
      %swap3A_318 = vector.shape_cast %swap3A_317 : vector<1x16xf32> to vector<16xf32>
      %swap3A_319 = vector.shape_cast %mul3A_312 : vector<16xf32> to vector<1x16xf32>
      tpu.vector_store %arg12[%swap3A_315, %swap3A_316], %swap3A_319 {strides = array<i32>} : memref<128x64xf32, #tpu.memory_space<vmem>>, vector<1x16xf32>,
      %add3A_320 = arith.constant 1 : i32
      %add3A_321 = arith.addi %mul3A_257, %add3A_320 : i32
      %get3A_322 = arith.index_cast %add3A_321 : i32 to index
      %get3A_323 = arith.constant 0 : index
      %get3A_324 = tpu.vector_load %arg8[%get3A_322, %get3A_323] {strides = array<i32>} : memref<128x64xf32, #tpu.memory_space<vmem>>, vector<1x16xf32>,
      %get3A_325 = vector.shape_cast %get3A_324 : vector<1x16xf32> to vector<16xf32>
      %mul3A_326 = arith.constant 8.000000e+00 : f32
      %mul3A_327 = vector.broadcast %mul3A_326 : f32 to vector<16xf32>
      %mul3A_328 = arith.mulf %get3A_325, %mul3A_327 : vector<16xf32>
      %add3A_329 = arith.constant 1 : i32
      %add3A_330 = arith.addi %mul3A_257, %add3A_329 : i32
      %swap3A_331 = arith.index_cast %add3A_330 : i32 to index
      %swap3A_332 = arith.constant 0 : index
      %swap3A_333 = tpu.vector_load %arg12[%swap3A_331, %swap3A_332] {strides = array<i32>} : memref<128x64xf32, #tpu.memory_space<vmem>>, vector<1x16xf32>,
      %swap3A_334 = vector.shape_cast %swap3A_333 : vector<1x16xf32> to vector<16xf32>
      %swap3A_335 = vector.shape_cast %mul3A_328 : vector<16xf32> to vector<1x16xf32>
      tpu.vector_store %arg12[%swap3A_331, %swap3A_332], %swap3A_335 {strides = array<i32>} : memref<128x64xf32, #tpu.memory_space<vmem>>, vector<1x16xf32>,
      %add3A_336 = arith.constant 1 : i32
      %add3A_337 = arith.addi %mul3A_257, %add3A_336 : i32
      %get3A_338 = arith.index_cast %add3A_337 : i32 to index
      %get3A_339 = arith.constant 16 : index
      %get3A_340 = tpu.vector_load %arg8[%get3A_338, %get3A_339] {strides = array<i32>} : memref<128x64xf32, #tpu.memory_space<vmem>>, vector<1x16xf32>,
      %get3A_341 = vector.shape_cast %get3A_340 : vector<1x16xf32> to vector<16xf32>
      %mul3A_342 = arith.constant 8.000000e+00 : f32
      %mul3A_343 = vector.broadcast %mul3A_342 : f32 to vector<16xf32>
      %mul3A_344 = arith.mulf %get3A_341, %mul3A_343 : vector<16xf32>
      %add3A_345 = arith.constant 1 : i32
      %add3A_346 = arith.addi %mul3A_257, %add3A_345 : i32
      %swap3A_347 = arith.index_cast %add3A_346 : i32 to index
      %swap3A_348 = arith.constant 16 : index
      %swap3A_349 = tpu.vector_load %arg12[%swap3A_347, %swap3A_348] {strides = array<i32>} : memref<128x64xf32, #tpu.memory_space<vmem>>, vector<1x16xf32>,
      %swap3A_350 = vector.shape_cast %swap3A_349 : vector<1x16xf32> to vector<16xf32>
      %swap3A_351 = vector.shape_cast %mul3A_344 : vector<16xf32> to vector<1x16xf32>
      tpu.vector_store %arg12[%swap3A_347, %swap3A_348], %swap3A_351 {strides = array<i32>} : memref<128x64xf32, #tpu.memory_space<vmem>>, vector<1x16xf32>,
      %add3A_352 = arith.constant 1 : i32
      %add3A_353 = arith.addi %mul3A_257, %add3A_352 : i32
      %get3A_354 = arith.index_cast %add3A_353 : i32 to index
      %get3A_355 = arith.constant 32 : index
      %get3A_356 = tpu.vector_load %arg8[%get3A_354, %get3A_355] {strides = array<i32>} : memref<128x64xf32, #tpu.memory_space<vmem>>, vector<1x16xf32>,
      %get3A_357 = vector.shape_cast %get3A_356 : vector<1x16xf32> to vector<16xf32>
      %mul3A_358 = arith.constant 8.000000e+00 : f32
      %mul3A_359 = vector.broadcast %mul3A_358 : f32 to vector<16xf32>
      %mul3A_360 = arith.mulf %get3A_357, %mul3A_359 : vector<16xf32>
      %add3A_361 = arith.constant 1 : i32
      %add3A_362 = arith.addi %mul3A_257, %add3A_361 : i32
      %swap3A_363 = arith.index_cast %add3A_362 : i32 to index
      %swap3A_364 = arith.constant 32 : index
      %swap3A_365 = tpu.vector_load %arg12[%swap3A_363, %swap3A_364] {strides = array<i32>} : memref<128x64xf32, #tpu.memory_space<vmem>>, vector<1x16xf32>,
      %swap3A_366 = vector.shape_cast %swap3A_365 : vector<1x16xf32> to vector<16xf32>
      %swap3A_367 = vector.shape_cast %mul3A_360 : vector<16xf32> to vector<1x16xf32>
      tpu.vector_store %arg12[%swap3A_363, %swap3A_364], %swap3A_367 {strides = array<i32>} : memref<128x64xf32, #tpu.memory_space<vmem>>, vector<1x16xf32>,
      %add3A_368 = arith.constant 1 : i32
      %add3A_369 = arith.addi %mul3A_257, %add3A_368 : i32
      %get3A_370 = arith.index_cast %add3A_369 : i32 to index
      %get3A_371 = arith.constant 48 : index
      %get3A_372 = tpu.vector_load %arg8[%get3A_370, %get3A_371] {strides = array<i32>} : memref<128x64xf32, #tpu.memory_space<vmem>>, vector<1x16xf32>,
      %get3A_373 = vector.shape_cast %get3A_372 : vector<1x16xf32> to vector<16xf32>
      %mul3A_374 = arith.constant 8.000000e+00 : f32
      %mul3A_375 = vector.broadcast %mul3A_374 : f32 to vector<16xf32>
      %mul3A_376 = arith.mulf %get3A_373, %mul3A_375 : vector<16xf32>
      %add3A_377 = arith.constant 1 : i32
      %add3A_378 = arith.addi %mul3A_257, %add3A_377 : i32
      %swap3A_379 = arith.index_cast %add3A_378 : i32 to index
      %swap3A_380 = arith.constant 48 : index
      %swap3A_381 = tpu.vector_load %arg12[%swap3A_379, %swap3A_380] {strides = array<i32>} : memref<128x64xf32, #tpu.memory_space<vmem>>, vector<1x16xf32>,
      %swap3A_382 = vector.shape_cast %swap3A_381 : vector<1x16xf32> to vector<16xf32>
      %swap3A_383 = vector.shape_cast %mul3A_376 : vector<16xf32> to vector<1x16xf32>
      tpu.vector_store %arg12[%swap3A_379, %swap3A_380], %swap3A_383 {strides = array<i32>} : memref<128x64xf32, #tpu.memory_space<vmem>>, vector<1x16xf32>,
      %add3A_384 = arith.constant 2 : i32
      %add3A_385 = arith.addi %mul3A_257, %add3A_384 : i32
      %get3A_386 = arith.index_cast %add3A_385 : i32 to index
      %get3A_387 = arith.constant 0 : index
      %get3A_388 = tpu.vector_load %arg8[%get3A_386, %get3A_387] {strides = array<i32>} : memref<128x64xf32, #tpu.memory_space<vmem>>, vector<1x16xf32>,
      %get3A_389 = vector.shape_cast %get3A_388 : vector<1x16xf32> to vector<16xf32>
      %mul3A_390 = arith.constant 8.000000e+00 : f32
      %mul3A_391 = vector.broadcast %mul3A_390 : f32 to vector<16xf32>
      %mul3A_392 = arith.mulf %get3A_389, %mul3A_391 : vector<16xf32>
      %add3A_393 = arith.constant 2 : i32
      %add3A_394 = arith.addi %mul3A_257, %add3A_393 : i32
      %swap3A_395 = arith.index_cast %add3A_394 : i32 to index
      %swap3A_396 = arith.constant 0 : index
      %swap3A_397 = tpu.vector_load %arg12[%swap3A_395, %swap3A_396] {strides = array<i32>} : memref<128x64xf32, #tpu.memory_space<vmem>>, vector<1x16xf32>,
      %swap3A_398 = vector.shape_cast %swap3A_397 : vector<1x16xf32> to vector<16xf32>
      %swap3A_399 = vector.shape_cast %mul3A_392 : vector<16xf32> to vector<1x16xf32>
      tpu.vector_store %arg12[%swap3A_395, %swap3A_396], %swap3A_399 {strides = array<i32>} : memref<128x64xf32, #tpu.memory_space<vmem>>, vector<1x16xf32>,
      %add3A_400 = arith.constant 2 : i32
      %add3A_401 = arith.addi %mul3A_257, %add3A_400 : i32
      %get3A_402 = arith.index_cast %add3A_401 : i32 to index
      %get3A_403 = arith.constant 16 : index
      %get3A_404 = tpu.vector_load %arg8[%get3A_402, %get3A_403] {strides = array<i32>} : memref<128x64xf32, #tpu.memory_space<vmem>>, vector<1x16xf32>,
      %get3A_405 = vector.shape_cast %get3A_404 : vector<1x16xf32> to vector<16xf32>
      %mul3A_406 = arith.constant 8.000000e+00 : f32
      %mul3A_407 = vector.broadcast %mul3A_406 : f32 to vector<16xf32>
      %mul3A_408 = arith.mulf %get3A_405, %mul3A_407 : vector<16xf32>
      %add3A_409 = arith.constant 2 : i32
      %add3A_410 = arith.addi %mul3A_257, %add3A_409 : i32
      %swap3A_411 = arith.index_cast %add3A_410 : i32 to index
      %swap3A_412 = arith.constant 16 : index
      %swap3A_413 = tpu.vector_load %arg12[%swap3A_411, %swap3A_412] {strides = array<i32>} : memref<128x64xf32, #tpu.memory_space<vmem>>, vector<1x16xf32>,
      %swap3A_414 = vector.shape_cast %swap3A_413 : vector<1x16xf32> to vector<16xf32>
      %swap3A_415 = vector.shape_cast %mul3A_408 : vector<16xf32> to vector<1x16xf32>
      tpu.vector_store %arg12[%swap3A_411, %swap3A_412], %swap3A_415 {strides = array<i32>} : memref<128x64xf32, #tpu.memory_space<vmem>>, vector<1x16xf32>,
      %add3A_416 = arith.constant 2 : i32
      %add3A_417 = arith.addi %mul3A_257, %add3A_416 : i32
      %get3A_418 = arith.index_cast %add3A_417 : i32 to index
      %get3A_419 = arith.constant 32 : index
      %get3A_420 = tpu.vector_load %arg8[%get3A_418, %get3A_419] {strides = array<i32>} : memref<128x64xf32, #tpu.memory_space<vmem>>, vector<1x16xf32>,
      %get3A_421 = vector.shape_cast %get3A_420 : vector<1x16xf32> to vector<16xf32>
      %mul3A_422 = arith.constant 8.000000e+00 : f32
      %mul3A_423 = vector.broadcast %mul3A_422 : f32 to vector<16xf32>
      %mul3A_424 = arith.mulf %get3A_421, %mul3A_423 : vector<16xf32>
      %add3A_425 = arith.constant 2 : i32
      %add3A_426 = arith.addi %mul3A_257, %add3A_425 : i32
      %swap3A_427 = arith.index_cast %add3A_426 : i32 to index
      %swap3A_428 = arith.constant 32 : index
      %swap3A_429 = tpu.vector_load %arg12[%swap3A_427, %swap3A_428] {strides = array<i32>} : memref<128x64xf32, #tpu.memory_space<vmem>>, vector<1x16xf32>,
      %swap3A_430 = vector.shape_cast %swap3A_429 : vector<1x16xf32> to vector<16xf32>
      %swap3A_431 = vector.shape_cast %mul3A_424 : vector<16xf32> to vector<1x16xf32>
      tpu.vector_store %arg12[%swap3A_427, %swap3A_428], %swap3A_431 {strides = array<i32>} : memref<128x64xf32, #tpu.memory_space<vmem>>, vector<1x16xf32>,
      %add3A_432 = arith.constant 2 : i32
      %add3A_433 = arith.addi %mul3A_257, %add3A_432 : i32
      %get3A_434 = arith.index_cast %add3A_433 : i32 to index
      %get3A_435 = arith.constant 48 : index
      %get3A_436 = tpu.vector_load %arg8[%get3A_434, %get3A_435] {strides = array<i32>} : memref<128x64xf32, #tpu.memory_space<vmem>>, vector<1x16xf32>,
      %get3A_437 = vector.shape_cast %get3A_436 : vector<1x16xf32> to vector<16xf32>
      %mul3A_438 = arith.constant 8.000000e+00 : f32
      %mul3A_439 = vector.broadcast %mul3A_438 : f32 to vector<16xf32>
      %mul3A_440 = arith.mulf %get3A_437, %mul3A_439 : vector<16xf32>
      %add3A_441 = arith.constant 2 : i32
      %add3A_442 = arith.addi %mul3A_257, %add3A_441 : i32
      %swap3A_443 = arith.index_cast %add3A_442 : i32 to index
      %swap3A_444 = arith.constant 48 : index
      %swap3A_445 = tpu.vector_load %arg12[%swap3A_443, %swap3A_444] {strides = array<i32>} : memref<128x64xf32, #tpu.memory_space<vmem>>, vector<1x16xf32>,
      %swap3A_446 = vector.shape_cast %swap3A_445 : vector<1x16xf32> to vector<16xf32>
      %swap3A_447 = vector.shape_cast %mul3A_440 : vector<16xf32> to vector<1x16xf32>
      tpu.vector_store %arg12[%swap3A_443, %swap3A_444], %swap3A_447 {strides = array<i32>} : memref<128x64xf32, #tpu.memory_space<vmem>>, vector<1x16xf32>,
      %add3A_448 = arith.constant 3 : i32
      %add3A_449 = arith.addi %mul3A_257, %add3A_448 : i32
      %get3A_450 = arith.index_cast %add3A_449 : i32 to index
      %get3A_451 = arith.constant 0 : index
      %get3A_452 = tpu.vector_load %arg8[%get3A_450, %get3A_451] {strides = array<i32>} : memref<128x64xf32, #tpu.memory_space<vmem>>, vector<1x16xf32>,
      %get3A_453 = vector.shape_cast %get3A_452 : vector<1x16xf32> to vector<16xf32>
      %mul3A_454 = arith.constant 8.000000e+00 : f32
      %mul3A_455 = vector.broadcast %mul3A_454 : f32 to vector<16xf32>
      %mul3A_456 = arith.mulf %get3A_453, %mul3A_455 : vector<16xf32>
      %add3A_457 = arith.constant 3 : i32
      %add3A_458 = arith.addi %mul3A_257, %add3A_457 : i32
      %swap3A_459 = arith.index_cast %add3A_458 : i32 to index
      %swap3A_460 = arith.constant 0 : index
      %swap3A_461 = tpu.vector_load %arg12[%swap3A_459, %swap3A_460] {strides = array<i32>} : memref<128x64xf32, #tpu.memory_space<vmem>>, vector<1x16xf32>,
      %swap3A_462 = vector.shape_cast %swap3A_461 : vector<1x16xf32> to vector<16xf32>
      %swap3A_463 = vector.shape_cast %mul3A_456 : vector<16xf32> to vector<1x16xf32>
      tpu.vector_store %arg12[%swap3A_459, %swap3A_460], %swap3A_463 {strides = array<i32>} : memref<128x64xf32, #tpu.memory_space<vmem>>, vector<1x16xf32>,
      %add3A_464 = arith.constant 3 : i32
      %add3A_465 = arith.addi %mul3A_257, %add3A_464 : i32
      %get3A_466 = arith.index_cast %add3A_465 : i32 to index
      %get3A_467 = arith.constant 16 : index
      %get3A_468 = tpu.vector_load %arg8[%get3A_466, %get3A_467] {strides = array<i32>} : memref<128x64xf32, #tpu.memory_space<vmem>>, vector<1x16xf32>,
      %get3A_469 = vector.shape_cast %get3A_468 : vector<1x16xf32> to vector<16xf32>
      %mul3A_470 = arith.constant 8.000000e+00 : f32
      %mul3A_471 = vector.broadcast %mul3A_470 : f32 to vector<16xf32>
      %mul3A_472 = arith.mulf %get3A_469, %mul3A_471 : vector<16xf32>
      %add3A_473 = arith.constant 3 : i32
      %add3A_474 = arith.addi %mul3A_257, %add3A_473 : i32
      %swap3A_475 = arith.index_cast %add3A_474 : i32 to index
      %swap3A_476 = arith.constant 16 : index
      %swap3A_477 = tpu.vector_load %arg12[%swap3A_475, %swap3A_476] {strides = array<i32>} : memref<128x64xf32, #tpu.memory_space<vmem>>, vector<1x16xf32>,
      %swap3A_478 = vector.shape_cast %swap3A_477 : vector<1x16xf32> to vector<16xf32>
      %swap3A_479 = vector.shape_cast %mul3A_472 : vector<16xf32> to vector<1x16xf32>
      tpu.vector_store %arg12[%swap3A_475, %swap3A_476], %swap3A_479 {strides = array<i32>} : memref<128x64xf32, #tpu.memory_space<vmem>>, vector<1x16xf32>,
      %add3A_480 = arith.constant 3 : i32
      %add3A_481 = arith.addi %mul3A_257, %add3A_480 : i32
      %get3A_482 = arith.index_cast %add3A_481 : i32 to index
      %get3A_483 = arith.constant 32 : index
      %get3A_484 = tpu.vector_load %arg8[%get3A_482, %get3A_483] {strides = array<i32>} : memref<128x64xf32, #tpu.memory_space<vmem>>, vector<1x16xf32>,
      %get3A_485 = vector.shape_cast %get3A_484 : vector<1x16xf32> to vector<16xf32>
      %mul3A_486 = arith.constant 8.000000e+00 : f32
      %mul3A_487 = vector.broadcast %mul3A_486 : f32 to vector<16xf32>
      %mul3A_488 = arith.mulf %get3A_485, %mul3A_487 : vector<16xf32>
      %add3A_489 = arith.constant 3 : i32
      %add3A_490 = arith.addi %mul3A_257, %add3A_489 : i32
      %swap3A_491 = arith.index_cast %add3A_490 : i32 to index
      %swap3A_492 = arith.constant 32 : index
      %swap3A_493 = tpu.vector_load %arg12[%swap3A_491, %swap3A_492] {strides = array<i32>} : memref<128x64xf32, #tpu.memory_space<vmem>>, vector<1x16xf32>,
      %swap3A_494 = vector.shape_cast %swap3A_493 : vector<1x16xf32> to vector<16xf32>
      %swap3A_495 = vector.shape_cast %mul3A_488 : vector<16xf32> to vector<1x16xf32>
      tpu.vector_store %arg12[%swap3A_491, %swap3A_492], %swap3A_495 {strides = array<i32>} : memref<128x64xf32, #tpu.memory_space<vmem>>, vector<1x16xf32>,
      %add3A_496 = arith.constant 3 : i32
      %add3A_497 = arith.addi %mul3A_257, %add3A_496 : i32
      %get3A_498 = arith.index_cast %add3A_497 : i32 to index
      %get3A_499 = arith.constant 48 : index
      %get3A_500 = tpu.vector_load %arg8[%get3A_498, %get3A_499] {strides = array<i32>} : memref<128x64xf32, #tpu.memory_space<vmem>>, vector<1x16xf32>,
      %get3A_501 = vector.shape_cast %get3A_500 : vector<1x16xf32> to vector<16xf32>
      %mul3A_502 = arith.constant 8.000000e+00 : f32
      %mul3A_503 = vector.broadcast %mul3A_502 : f32 to vector<16xf32>
      %mul3A_504 = arith.mulf %get3A_501, %mul3A_503 : vector<16xf32>
      %add3A_505 = arith.constant 3 : i32
      %add3A_506 = arith.addi %mul3A_257, %add3A_505 : i32
      %swap3A_507 = arith.index_cast %add3A_506 : i32 to index
      %swap3A_508 = arith.constant 48 : index
      %swap3A_509 = tpu.vector_load %arg12[%swap3A_507, %swap3A_508] {strides = array<i32>} : memref<128x64xf32, #tpu.memory_space<vmem>>, vector<1x16xf32>,
      %swap3A_510 = vector.shape_cast %swap3A_509 : vector<1x16xf32> to vector<16xf32>
      %swap3A_511 = vector.shape_cast %mul3A_504 : vector<16xf32> to vector<1x16xf32>
      tpu.vector_store %arg12[%swap3A_507, %swap3A_508], %swap3A_511 {strides = array<i32>} : memref<128x64xf32, #tpu.memory_space<vmem>>, vector<1x16xf32>,
    }
    %scan3A_200 = arith.constant 32 : i32
    %add3A_201 = arith.constant 25344 : i32
    %add3A_202 = arith.addi %mul3A_2, %add3A_201 : i32
    %dma_start3A_203 = arith.constant 0 : i32
    %dma_start3A_204 = tpu.memref_slice %arg4[%add3A_202, %dma_start3A_203] : memref<819200x64xf32, #tpu.memory_space<hbm>> -> memref<128x64xf32, #tpu.memory_space<hbm>>
    %dma_start3A_205 = arith.constant 0 : i32
    %dma_start3A_206 = tpu.memref_slice %arg4[%add3A_202, %dma_start3A_205] : memref<819200x64xf32, #tpu.memory_space<hbm>> -> memref<128x64xf32, #tpu.memory_space<hbm>>
    tpu.enqueue_dma source(%arg12 : memref<128x64xf32, #tpu.memory_space<vmem>>) target(%dma_start3A_206 : memref<128x64xf32, #tpu.memory_space<hbm>>) target_semaphore(%arg20 : memref<!tpu.dma_semaphore, #tpu.memory_space<semaphore_mem>>)
    %dma_wait3A_207 = arith.constant 0 : i32
    %dma_wait3A_208 = arith.constant 0 : i32
    %dma_wait3A_209 = tpu.memref_slice %arg5[%dma_wait3A_207, %dma_wait3A_208] : memref<200x128xi32, #tpu.memory_space<vmem>> -> memref<1x128xi32, #tpu.memory_space<vmem>>
    %dma_wait3A_210 = tpu.memref_squeeze %dma_wait3A_209 : memref<1x128xi32, #tpu.memory_space<vmem>> -> memref<128xi32, #tpu.memory_space<vmem>>
    %dma_wait3A_211 = arith.constant 0 : i32
    %dma_wait3A_212 = arith.constant 0 : i32
    %dma_wait3A_213 = tpu.memref_slice %arg3[%dma_wait3A_211, %dma_wait3A_212] : memref<1000000x64xf32, #tpu.memory_space<hbm>> -> memref<1000000x64xf32, #tpu.memory_space<hbm>>
    tpu.wait_indirect_dma semaphore(%arg17 : memref<!tpu.dma_semaphore, #tpu.memory_space<semaphore_mem>>) src(%dma_wait3A_213 : memref<1000000x64xf32, #tpu.memory_space<hbm>>) dst(%arg9 : memref<128x64xf32, #tpu.memory_space<vmem>>)
    %dma_wait3A_214 = arith.constant 0 : i32
    %dma_wait3A_215 = arith.constant 0 : i32
    %dma_wait3A_216 = tpu.memref_slice %arg4[%dma_wait3A_214, %dma_wait3A_215] : memref<819200x64xf32, #tpu.memory_space<hbm>> -> memref<128x64xf32, #tpu.memory_space<hbm>>
    %dma_wait3A_217 = arith.constant 0 : i32
    %dma_wait3A_218 = arith.constant 0 : i32
    %dma_wait3A_219 = tpu.memref_slice %arg4[%dma_wait3A_217, %dma_wait3A_218] : memref<819200x64xf32, #tpu.memory_space<hbm>> -> memref<128x64xf32, #tpu.memory_space<hbm>>
    tpu.wait_dma2 semaphore(%arg21 : memref<!tpu.dma_semaphore, #tpu.memory_space<semaphore_mem>>) src(%arg13 : memref<128x64xf32, #tpu.memory_space<vmem>>) dst(%dma_wait3A_219 : memref<128x64xf32, #tpu.memory_space<hbm>>)
    %scan3A_220 = arith.constant 0 : i32
    %scan3A_221 = arith.constant 32 : i32
    %scan3A_222 = arith.addi %scan3A_220, %scan3A_221 : i32
    %scan3A_223 = arith.constant 1 : i32
    scf.for %scan3A_255 = %scan3A_220 to %scan3A_222 step %scan3A_223  : i32 {
      %mul3A_256 = arith.constant 4 : i32
      %mul3A_257 = arith.muli %scan3A_255, %mul3A_256 : i32
      %add3A_258 = arith.constant 0 : i32
      %add3A_259 = arith.addi %mul3A_257, %add3A_258 : i32
      %get3A = arith.index_cast %add3A_259 : i32 to index
      %get3A_260 = arith.constant 0 : index
      %get3A_261 = tpu.vector_load %arg9[%get3A, %get3A_260] {strides = array<i32>} : memref<128x64xf32, #tpu.memory_space<vmem>>, vector<1x16xf32>,
      %get3A_262 = vector.shape_cast %get3A_261 : vector<1x16xf32> to vector<16xf32>
      %mul3A_263 = arith.constant 8.000000e+00 : f32
      %mul3A_264 = vector.broadcast %mul3A_263 : f32 to vector<16xf32>
      %mul3A_265 = arith.mulf %get3A_262, %mul3A_264 : vector<16xf32>
      %add3A_266 = arith.constant 0 : i32
      %add3A_267 = arith.addi %mul3A_257, %add3A_266 : i32
      %swap3A = arith.index_cast %add3A_267 : i32 to index
      %swap3A_268 = arith.constant 0 : index
      %swap3A_269 = tpu.vector_load %arg13[%swap3A, %swap3A_268] {strides = array<i32>} : memref<128x64xf32, #tpu.memory_space<vmem>>, vector<1x16xf32>,
      %swap3A_270 = vector.shape_cast %swap3A_269 : vector<1x16xf32> to vector<16xf32>
      %swap3A_271 = vector.shape_cast %mul3A_265 : vector<16xf32> to vector<1x16xf32>
      tpu.vector_store %arg13[%swap3A, %swap3A_268], %swap3A_271 {strides = array<i32>} : memref<128x64xf32, #tpu.memory_space<vmem>>, vector<1x16xf32>,
      %add3A_272 = arith.constant 0 : i32
      %add3A_273 = arith.addi %mul3A_257, %add3A_272 : i32
      %get3A_274 = arith.index_cast %add3A_273 : i32 to index
      %get3A_275 = arith.constant 16 : index
      %get3A_276 = tpu.vector_load %arg9[%get3A_274, %get3A_275] {strides = array<i32>} : memref<128x64xf32, #tpu.memory_space<vmem>>, vector<1x16xf32>,
      %get3A_277 = vector.shape_cast %get3A_276 : vector<1x16xf32> to vector<16xf32>
      %mul3A_278 = arith.constant 8.000000e+00 : f32
      %mul3A_279 = vector.broadcast %mul3A_278 : f32 to vector<16xf32>
      %mul3A_280 = arith.mulf %get3A_277, %mul3A_279 : vector<16xf32>
      %add3A_281 = arith.constant 0 : i32
      %add3A_282 = arith.addi %mul3A_257, %add3A_281 : i32
      %swap3A_283 = arith.index_cast %add3A_282 : i32 to index
      %swap3A_284 = arith.constant 16 : index
      %swap3A_285 = tpu.vector_load %arg13[%swap3A_283, %swap3A_284] {strides = array<i32>} : memref<128x64xf32, #tpu.memory_space<vmem>>, vector<1x16xf32>,
      %swap3A_286 = vector.shape_cast %swap3A_285 : vector<1x16xf32> to vector<16xf32>
      %swap3A_287 = vector.shape_cast %mul3A_280 : vector<16xf32> to vector<1x16xf32>
      tpu.vector_store %arg13[%swap3A_283, %swap3A_284], %swap3A_287 {strides = array<i32>} : memref<128x64xf32, #tpu.memory_space<vmem>>, vector<1x16xf32>,
      %add3A_288 = arith.constant 0 : i32
      %add3A_289 = arith.addi %mul3A_257, %add3A_288 : i32
      %get3A_290 = arith.index_cast %add3A_289 : i32 to index
      %get3A_291 = arith.constant 32 : index
      %get3A_292 = tpu.vector_load %arg9[%get3A_290, %get3A_291] {strides = array<i32>} : memref<128x64xf32, #tpu.memory_space<vmem>>, vector<1x16xf32>,
      %get3A_293 = vector.shape_cast %get3A_292 : vector<1x16xf32> to vector<16xf32>
      %mul3A_294 = arith.constant 8.000000e+00 : f32
      %mul3A_295 = vector.broadcast %mul3A_294 : f32 to vector<16xf32>
      %mul3A_296 = arith.mulf %get3A_293, %mul3A_295 : vector<16xf32>
      %add3A_297 = arith.constant 0 : i32
      %add3A_298 = arith.addi %mul3A_257, %add3A_297 : i32
      %swap3A_299 = arith.index_cast %add3A_298 : i32 to index
      %swap3A_300 = arith.constant 32 : index
      %swap3A_301 = tpu.vector_load %arg13[%swap3A_299, %swap3A_300] {strides = array<i32>} : memref<128x64xf32, #tpu.memory_space<vmem>>, vector<1x16xf32>,
      %swap3A_302 = vector.shape_cast %swap3A_301 : vector<1x16xf32> to vector<16xf32>
      %swap3A_303 = vector.shape_cast %mul3A_296 : vector<16xf32> to vector<1x16xf32>
      tpu.vector_store %arg13[%swap3A_299, %swap3A_300], %swap3A_303 {strides = array<i32>} : memref<128x64xf32, #tpu.memory_space<vmem>>, vector<1x16xf32>,
      %add3A_304 = arith.constant 0 : i32
      %add3A_305 = arith.addi %mul3A_257, %add3A_304 : i32
      %get3A_306 = arith.index_cast %add3A_305 : i32 to index
      %get3A_307 = arith.constant 48 : index
      %get3A_308 = tpu.vector_load %arg9[%get3A_306, %get3A_307] {strides = array<i32>} : memref<128x64xf32, #tpu.memory_space<vmem>>, vector<1x16xf32>,
      %get3A_309 = vector.shape_cast %get3A_308 : vector<1x16xf32> to vector<16xf32>
      %mul3A_310 = arith.constant 8.000000e+00 : f32
      %mul3A_311 = vector.broadcast %mul3A_310 : f32 to vector<16xf32>
      %mul3A_312 = arith.mulf %get3A_309, %mul3A_311 : vector<16xf32>
      %add3A_313 = arith.constant 0 : i32
      %add3A_314 = arith.addi %mul3A_257, %add3A_313 : i32
      %swap3A_315 = arith.index_cast %add3A_314 : i32 to index
      %swap3A_316 = arith.constant 48 : index
      %swap3A_317 = tpu.vector_load %arg13[%swap3A_315, %swap3A_316] {strides = array<i32>} : memref<128x64xf32, #tpu.memory_space<vmem>>, vector<1x16xf32>,
      %swap3A_318 = vector.shape_cast %swap3A_317 : vector<1x16xf32> to vector<16xf32>
      %swap3A_319 = vector.shape_cast %mul3A_312 : vector<16xf32> to vector<1x16xf32>
      tpu.vector_store %arg13[%swap3A_315, %swap3A_316], %swap3A_319 {strides = array<i32>} : memref<128x64xf32, #tpu.memory_space<vmem>>, vector<1x16xf32>,
      %add3A_320 = arith.constant 1 : i32
      %add3A_321 = arith.addi %mul3A_257, %add3A_320 : i32
      %get3A_322 = arith.index_cast %add3A_321 : i32 to index
      %get3A_323 = arith.constant 0 : index
      %get3A_324 = tpu.vector_load %arg9[%get3A_322, %get3A_323] {strides = array<i32>} : memref<128x64xf32, #tpu.memory_space<vmem>>, vector<1x16xf32>,
      %get3A_325 = vector.shape_cast %get3A_324 : vector<1x16xf32> to vector<16xf32>
      %mul3A_326 = arith.constant 8.000000e+00 : f32
      %mul3A_327 = vector.broadcast %mul3A_326 : f32 to vector<16xf32>
      %mul3A_328 = arith.mulf %get3A_325, %mul3A_327 : vector<16xf32>
      %add3A_329 = arith.constant 1 : i32
      %add3A_330 = arith.addi %mul3A_257, %add3A_329 : i32
      %swap3A_331 = arith.index_cast %add3A_330 : i32 to index
      %swap3A_332 = arith.constant 0 : index
      %swap3A_333 = tpu.vector_load %arg13[%swap3A_331, %swap3A_332] {strides = array<i32>} : memref<128x64xf32, #tpu.memory_space<vmem>>, vector<1x16xf32>,
      %swap3A_334 = vector.shape_cast %swap3A_333 : vector<1x16xf32> to vector<16xf32>
      %swap3A_335 = vector.shape_cast %mul3A_328 : vector<16xf32> to vector<1x16xf32>
      tpu.vector_store %arg13[%swap3A_331, %swap3A_332], %swap3A_335 {strides = array<i32>} : memref<128x64xf32, #tpu.memory_space<vmem>>, vector<1x16xf32>,
      %add3A_336 = arith.constant 1 : i32
      %add3A_337 = arith.addi %mul3A_257, %add3A_336 : i32
      %get3A_338 = arith.index_cast %add3A_337 : i32 to index
      %get3A_339 = arith.constant 16 : index
      %get3A_340 = tpu.vector_load %arg9[%get3A_338, %get3A_339] {strides = array<i32>} : memref<128x64xf32, #tpu.memory_space<vmem>>, vector<1x16xf32>,
      %get3A_341 = vector.shape_cast %get3A_340 : vector<1x16xf32> to vector<16xf32>
      %mul3A_342 = arith.constant 8.000000e+00 : f32
      %mul3A_343 = vector.broadcast %mul3A_342 : f32 to vector<16xf32>
      %mul3A_344 = arith.mulf %get3A_341, %mul3A_343 : vector<16xf32>
      %add3A_345 = arith.constant 1 : i32
      %add3A_346 = arith.addi %mul3A_257, %add3A_345 : i32
      %swap3A_347 = arith.index_cast %add3A_346 : i32 to index
      %swap3A_348 = arith.constant 16 : index
      %swap3A_349 = tpu.vector_load %arg13[%swap3A_347, %swap3A_348] {strides = array<i32>} : memref<128x64xf32, #tpu.memory_space<vmem>>, vector<1x16xf32>,
      %swap3A_350 = vector.shape_cast %swap3A_349 : vector<1x16xf32> to vector<16xf32>
      %swap3A_351 = vector.shape_cast %mul3A_344 : vector<16xf32> to vector<1x16xf32>
      tpu.vector_store %arg13[%swap3A_347, %swap3A_348], %swap3A_351 {strides = array<i32>} : memref<128x64xf32, #tpu.memory_space<vmem>>, vector<1x16xf32>,
      %add3A_352 = arith.constant 1 : i32
      %add3A_353 = arith.addi %mul3A_257, %add3A_352 : i32
      %get3A_354 = arith.index_cast %add3A_353 : i32 to index
      %get3A_355 = arith.constant 32 : index
      %get3A_356 = tpu.vector_load %arg9[%get3A_354, %get3A_355] {strides = array<i32>} : memref<128x64xf32, #tpu.memory_space<vmem>>, vector<1x16xf32>,
      %get3A_357 = vector.shape_cast %get3A_356 : vector<1x16xf32> to vector<16xf32>
      %mul3A_358 = arith.constant 8.000000e+00 : f32
      %mul3A_359 = vector.broadcast %mul3A_358 : f32 to vector<16xf32>
      %mul3A_360 = arith.mulf %get3A_357, %mul3A_359 : vector<16xf32>
      %add3A_361 = arith.constant 1 : i32
      %add3A_362 = arith.addi %mul3A_257, %add3A_361 : i32
      %swap3A_363 = arith.index_cast %add3A_362 : i32 to index
      %swap3A_364 = arith.constant 32 : index
      %swap3A_365 = tpu.vector_load %arg13[%swap3A_363, %swap3A_364] {strides = array<i32>} : memref<128x64xf32, #tpu.memory_space<vmem>>, vector<1x16xf32>,
      %swap3A_366 = vector.shape_cast %swap3A_365 : vector<1x16xf32> to vector<16xf32>
      %swap3A_367 = vector.shape_cast %mul3A_360 : vector<16xf32> to vector<1x16xf32>
      tpu.vector_store %arg13[%swap3A_363, %swap3A_364], %swap3A_367 {strides = array<i32>} : memref<128x64xf32, #tpu.memory_space<vmem>>, vector<1x16xf32>,
      %add3A_368 = arith.constant 1 : i32
      %add3A_369 = arith.addi %mul3A_257, %add3A_368 : i32
      %get3A_370 = arith.index_cast %add3A_369 : i32 to index
      %get3A_371 = arith.constant 48 : index
      %get3A_372 = tpu.vector_load %arg9[%get3A_370, %get3A_371] {strides = array<i32>} : memref<128x64xf32, #tpu.memory_space<vmem>>, vector<1x16xf32>,
      %get3A_373 = vector.shape_cast %get3A_372 : vector<1x16xf32> to vector<16xf32>
      %mul3A_374 = arith.constant 8.000000e+00 : f32
      %mul3A_375 = vector.broadcast %mul3A_374 : f32 to vector<16xf32>
      %mul3A_376 = arith.mulf %get3A_373, %mul3A_375 : vector<16xf32>
      %add3A_377 = arith.constant 1 : i32
      %add3A_378 = arith.addi %mul3A_257, %add3A_377 : i32
      %swap3A_379 = arith.index_cast %add3A_378 : i32 to index
      %swap3A_380 = arith.constant 48 : index
      %swap3A_381 = tpu.vector_load %arg13[%swap3A_379, %swap3A_380] {strides = array<i32>} : memref<128x64xf32, #tpu.memory_space<vmem>>, vector<1x16xf32>,
      %swap3A_382 = vector.shape_cast %swap3A_381 : vector<1x16xf32> to vector<16xf32>
      %swap3A_383 = vector.shape_cast %mul3A_376 : vector<16xf32> to vector<1x16xf32>
      tpu.vector_store %arg13[%swap3A_379, %swap3A_380], %swap3A_383 {strides = array<i32>} : memref<128x64xf32, #tpu.memory_space<vmem>>, vector<1x16xf32>,
      %add3A_384 = arith.constant 2 : i32
      %add3A_385 = arith.addi %mul3A_257, %add3A_384 : i32
      %get3A_386 = arith.index_cast %add3A_385 : i32 to index
      %get3A_387 = arith.constant 0 : index
      %get3A_388 = tpu.vector_load %arg9[%get3A_386, %get3A_387] {strides = array<i32>} : memref<128x64xf32, #tpu.memory_space<vmem>>, vector<1x16xf32>,
      %get3A_389 = vector.shape_cast %get3A_388 : vector<1x16xf32> to vector<16xf32>
      %mul3A_390 = arith.constant 8.000000e+00 : f32
      %mul3A_391 = vector.broadcast %mul3A_390 : f32 to vector<16xf32>
      %mul3A_392 = arith.mulf %get3A_389, %mul3A_391 : vector<16xf32>
      %add3A_393 = arith.constant 2 : i32
      %add3A_394 = arith.addi %mul3A_257, %add3A_393 : i32
      %swap3A_395 = arith.index_cast %add3A_394 : i32 to index
      %swap3A_396 = arith.constant 0 : index
      %swap3A_397 = tpu.vector_load %arg13[%swap3A_395, %swap3A_396] {strides = array<i32>} : memref<128x64xf32, #tpu.memory_space<vmem>>, vector<1x16xf32>,
      %swap3A_398 = vector.shape_cast %swap3A_397 : vector<1x16xf32> to vector<16xf32>
      %swap3A_399 = vector.shape_cast %mul3A_392 : vector<16xf32> to vector<1x16xf32>
      tpu.vector_store %arg13[%swap3A_395, %swap3A_396], %swap3A_399 {strides = array<i32>} : memref<128x64xf32, #tpu.memory_space<vmem>>, vector<1x16xf32>,
      %add3A_400 = arith.constant 2 : i32
      %add3A_401 = arith.addi %mul3A_257, %add3A_400 : i32
      %get3A_402 = arith.index_cast %add3A_401 : i32 to index
      %get3A_403 = arith.constant 16 : index
      %get3A_404 = tpu.vector_load %arg9[%get3A_402, %get3A_403] {strides = array<i32>} : memref<128x64xf32, #tpu.memory_space<vmem>>, vector<1x16xf32>,
      %get3A_405 = vector.shape_cast %get3A_404 : vector<1x16xf32> to vector<16xf32>
      %mul3A_406 = arith.constant 8.000000e+00 : f32
      %mul3A_407 = vector.broadcast %mul3A_406 : f32 to vector<16xf32>
      %mul3A_408 = arith.mulf %get3A_405, %mul3A_407 : vector<16xf32>
      %add3A_409 = arith.constant 2 : i32
      %add3A_410 = arith.addi %mul3A_257, %add3A_409 : i32
      %swap3A_411 = arith.index_cast %add3A_410 : i32 to index
      %swap3A_412 = arith.constant 16 : index
      %swap3A_413 = tpu.vector_load %arg13[%swap3A_411, %swap3A_412] {strides = array<i32>} : memref<128x64xf32, #tpu.memory_space<vmem>>, vector<1x16xf32>,
      %swap3A_414 = vector.shape_cast %swap3A_413 : vector<1x16xf32> to vector<16xf32>
      %swap3A_415 = vector.shape_cast %mul3A_408 : vector<16xf32> to vector<1x16xf32>
      tpu.vector_store %arg13[%swap3A_411, %swap3A_412], %swap3A_415 {strides = array<i32>} : memref<128x64xf32, #tpu.memory_space<vmem>>, vector<1x16xf32>,
      %add3A_416 = arith.constant 2 : i32
      %add3A_417 = arith.addi %mul3A_257, %add3A_416 : i32
      %get3A_418 = arith.index_cast %add3A_417 : i32 to index
      %get3A_419 = arith.constant 32 : index
      %get3A_420 = tpu.vector_load %arg9[%get3A_418, %get3A_419] {strides = array<i32>} : memref<128x64xf32, #tpu.memory_space<vmem>>, vector<1x16xf32>,
      %get3A_421 = vector.shape_cast %get3A_420 : vector<1x16xf32> to vector<16xf32>
      %mul3A_422 = arith.constant 8.000000e+00 : f32
      %mul3A_423 = vector.broadcast %mul3A_422 : f32 to vector<16xf32>
      %mul3A_424 = arith.mulf %get3A_421, %mul3A_423 : vector<16xf32>
      %add3A_425 = arith.constant 2 : i32
      %add3A_426 = arith.addi %mul3A_257, %add3A_425 : i32
      %swap3A_427 = arith.index_cast %add3A_426 : i32 to index
      %swap3A_428 = arith.constant 32 : index
      %swap3A_429 = tpu.vector_load %arg13[%swap3A_427, %swap3A_428] {strides = array<i32>} : memref<128x64xf32, #tpu.memory_space<vmem>>, vector<1x16xf32>,
      %swap3A_430 = vector.shape_cast %swap3A_429 : vector<1x16xf32> to vector<16xf32>
      %swap3A_431 = vector.shape_cast %mul3A_424 : vector<16xf32> to vector<1x16xf32>
      tpu.vector_store %arg13[%swap3A_427, %swap3A_428], %swap3A_431 {strides = array<i32>} : memref<128x64xf32, #tpu.memory_space<vmem>>, vector<1x16xf32>,
      %add3A_432 = arith.constant 2 : i32
      %add3A_433 = arith.addi %mul3A_257, %add3A_432 : i32
      %get3A_434 = arith.index_cast %add3A_433 : i32 to index
      %get3A_435 = arith.constant 48 : index
      %get3A_436 = tpu.vector_load %arg9[%get3A_434, %get3A_435] {strides = array<i32>} : memref<128x64xf32, #tpu.memory_space<vmem>>, vector<1x16xf32>,
      %get3A_437 = vector.shape_cast %get3A_436 : vector<1x16xf32> to vector<16xf32>
      %mul3A_438 = arith.constant 8.000000e+00 : f32
      %mul3A_439 = vector.broadcast %mul3A_438 : f32 to vector<16xf32>
      %mul3A_440 = arith.mulf %get3A_437, %mul3A_439 : vector<16xf32>
      %add3A_441 = arith.constant 2 : i32
      %add3A_442 = arith.addi %mul3A_257, %add3A_441 : i32
      %swap3A_443 = arith.index_cast %add3A_442 : i32 to index
      %swap3A_444 = arith.constant 48 : index
      %swap3A_445 = tpu.vector_load %arg13[%swap3A_443, %swap3A_444] {strides = array<i32>} : memref<128x64xf32, #tpu.memory_space<vmem>>, vector<1x16xf32>,
      %swap3A_446 = vector.shape_cast %swap3A_445 : vector<1x16xf32> to vector<16xf32>
      %swap3A_447 = vector.shape_cast %mul3A_440 : vector<16xf32> to vector<1x16xf32>
      tpu.vector_store %arg13[%swap3A_443, %swap3A_444], %swap3A_447 {strides = array<i32>} : memref<128x64xf32, #tpu.memory_space<vmem>>, vector<1x16xf32>,
      %add3A_448 = arith.constant 3 : i32
      %add3A_449 = arith.addi %mul3A_257, %add3A_448 : i32
      %get3A_450 = arith.index_cast %add3A_449 : i32 to index
      %get3A_451 = arith.constant 0 : index
      %get3A_452 = tpu.vector_load %arg9[%get3A_450, %get3A_451] {strides = array<i32>} : memref<128x64xf32, #tpu.memory_space<vmem>>, vector<1x16xf32>,
      %get3A_453 = vector.shape_cast %get3A_452 : vector<1x16xf32> to vector<16xf32>
      %mul3A_454 = arith.constant 8.000000e+00 : f32
      %mul3A_455 = vector.broadcast %mul3A_454 : f32 to vector<16xf32>
      %mul3A_456 = arith.mulf %get3A_453, %mul3A_455 : vector<16xf32>
      %add3A_457 = arith.constant 3 : i32
      %add3A_458 = arith.addi %mul3A_257, %add3A_457 : i32
      %swap3A_459 = arith.index_cast %add3A_458 : i32 to index
      %swap3A_460 = arith.constant 0 : index
      %swap3A_461 = tpu.vector_load %arg13[%swap3A_459, %swap3A_460] {strides = array<i32>} : memref<128x64xf32, #tpu.memory_space<vmem>>, vector<1x16xf32>,
      %swap3A_462 = vector.shape_cast %swap3A_461 : vector<1x16xf32> to vector<16xf32>
      %swap3A_463 = vector.shape_cast %mul3A_456 : vector<16xf32> to vector<1x16xf32>
      tpu.vector_store %arg13[%swap3A_459, %swap3A_460], %swap3A_463 {strides = array<i32>} : memref<128x64xf32, #tpu.memory_space<vmem>>, vector<1x16xf32>,
      %add3A_464 = arith.constant 3 : i32
      %add3A_465 = arith.addi %mul3A_257, %add3A_464 : i32
      %get3A_466 = arith.index_cast %add3A_465 : i32 to index
      %get3A_467 = arith.constant 16 : index
      %get3A_468 = tpu.vector_load %arg9[%get3A_466, %get3A_467] {strides = array<i32>} : memref<128x64xf32, #tpu.memory_space<vmem>>, vector<1x16xf32>,
      %get3A_469 = vector.shape_cast %get3A_468 : vector<1x16xf32> to vector<16xf32>
      %mul3A_470 = arith.constant 8.000000e+00 : f32
      %mul3A_471 = vector.broadcast %mul3A_470 : f32 to vector<16xf32>
      %mul3A_472 = arith.mulf %get3A_469, %mul3A_471 : vector<16xf32>
      %add3A_473 = arith.constant 3 : i32
      %add3A_474 = arith.addi %mul3A_257, %add3A_473 : i32
      %swap3A_475 = arith.index_cast %add3A_474 : i32 to index
      %swap3A_476 = arith.constant 16 : index
      %swap3A_477 = tpu.vector_load %arg13[%swap3A_475, %swap3A_476] {strides = array<i32>} : memref<128x64xf32, #tpu.memory_space<vmem>>, vector<1x16xf32>,
      %swap3A_478 = vector.shape_cast %swap3A_477 : vector<1x16xf32> to vector<16xf32>
      %swap3A_479 = vector.shape_cast %mul3A_472 : vector<16xf32> to vector<1x16xf32>
      tpu.vector_store %arg13[%swap3A_475, %swap3A_476], %swap3A_479 {strides = array<i32>} : memref<128x64xf32, #tpu.memory_space<vmem>>, vector<1x16xf32>,
      %add3A_480 = arith.constant 3 : i32
      %add3A_481 = arith.addi %mul3A_257, %add3A_480 : i32
      %get3A_482 = arith.index_cast %add3A_481 : i32 to index
      %get3A_483 = arith.constant 32 : index
      %get3A_484 = tpu.vector_load %arg9[%get3A_482, %get3A_483] {strides = array<i32>} : memref<128x64xf32, #tpu.memory_space<vmem>>, vector<1x16xf32>,
      %get3A_485 = vector.shape_cast %get3A_484 : vector<1x16xf32> to vector<16xf32>
      %mul3A_486 = arith.constant 8.000000e+00 : f32
      %mul3A_487 = vector.broadcast %mul3A_486 : f32 to vector<16xf32>
      %mul3A_488 = arith.mulf %get3A_485, %mul3A_487 : vector<16xf32>
      %add3A_489 = arith.constant 3 : i32
      %add3A_490 = arith.addi %mul3A_257, %add3A_489 : i32
      %swap3A_491 = arith.index_cast %add3A_490 : i32 to index
      %swap3A_492 = arith.constant 32 : index
      %swap3A_493 = tpu.vector_load %arg13[%swap3A_491, %swap3A_492] {strides = array<i32>} : memref<128x64xf32, #tpu.memory_space<vmem>>, vector<1x16xf32>,
      %swap3A_494 = vector.shape_cast %swap3A_493 : vector<1x16xf32> to vector<16xf32>
      %swap3A_495 = vector.shape_cast %mul3A_488 : vector<16xf32> to vector<1x16xf32>
      tpu.vector_store %arg13[%swap3A_491, %swap3A_492], %swap3A_495 {strides = array<i32>} : memref<128x64xf32, #tpu.memory_space<vmem>>, vector<1x16xf32>,
      %add3A_496 = arith.constant 3 : i32
      %add3A_497 = arith.addi %mul3A_257, %add3A_496 : i32
      %get3A_498 = arith.index_cast %add3A_497 : i32 to index
      %get3A_499 = arith.constant 48 : index
      %get3A_500 = tpu.vector_load %arg9[%get3A_498, %get3A_499] {strides = array<i32>} : memref<128x64xf32, #tpu.memory_space<vmem>>, vector<1x16xf32>,
      %get3A_501 = vector.shape_cast %get3A_500 : vector<1x16xf32> to vector<16xf32>
      %mul3A_502 = arith.constant 8.000000e+00 : f32
      %mul3A_503 = vector.broadcast %mul3A_502 : f32 to vector<16xf32>
      %mul3A_504 = arith.mulf %get3A_501, %mul3A_503 : vector<16xf32>
      %add3A_505 = arith.constant 3 : i32
      %add3A_506 = arith.addi %mul3A_257, %add3A_505 : i32
      %swap3A_507 = arith.index_cast %add3A_506 : i32 to index
      %swap3A_508 = arith.constant 48 : index
      %swap3A_509 = tpu.vector_load %arg13[%swap3A_507, %swap3A_508] {strides = array<i32>} : memref<128x64xf32, #tpu.memory_space<vmem>>, vector<1x16xf32>,
      %swap3A_510 = vector.shape_cast %swap3A_509 : vector<1x16xf32> to vector<16xf32>
      %swap3A_511 = vector.shape_cast %mul3A_504 : vector<16xf32> to vector<1x16xf32>
      tpu.vector_store %arg13[%swap3A_507, %swap3A_508], %swap3A_511 {strides = array<i32>} : memref<128x64xf32, #tpu.memory_space<vmem>>, vector<1x16xf32>,
    }
    %scan3A_224 = arith.constant 32 : i32
    %add3A_225 = arith.constant 25472 : i32
    %add3A_226 = arith.addi %mul3A_2, %add3A_225 : i32
    %dma_start3A_227 = arith.constant 0 : i32
    %dma_start3A_228 = tpu.memref_slice %arg4[%add3A_226, %dma_start3A_227] : memref<819200x64xf32, #tpu.memory_space<hbm>> -> memref<128x64xf32, #tpu.memory_space<hbm>>
    %dma_start3A_229 = arith.constant 0 : i32
    %dma_start3A_230 = tpu.memref_slice %arg4[%add3A_226, %dma_start3A_229] : memref<819200x64xf32, #tpu.memory_space<hbm>> -> memref<128x64xf32, #tpu.memory_space<hbm>>
    tpu.enqueue_dma source(%arg13 : memref<128x64xf32, #tpu.memory_space<vmem>>) target(%dma_start3A_230 : memref<128x64xf32, #tpu.memory_space<hbm>>) target_semaphore(%arg21 : memref<!tpu.dma_semaphore, #tpu.memory_space<semaphore_mem>>)
    %dma_wait3A_231 = arith.constant 0 : i32
    %dma_wait3A_232 = arith.constant 0 : i32
    %dma_wait3A_233 = tpu.memref_slice %arg4[%dma_wait3A_231, %dma_wait3A_232] : memref<819200x64xf32, #tpu.memory_space<hbm>> -> memref<128x64xf32, #tpu.memory_space<hbm>>
    %dma_wait3A_234 = arith.constant 0 : i32
    %dma_wait3A_235 = arith.constant 0 : i32
    %dma_wait3A_236 = tpu.memref_slice %arg4[%dma_wait3A_234, %dma_wait3A_235] : memref<819200x64xf32, #tpu.memory_space<hbm>> -> memref<128x64xf32, #tpu.memory_space<hbm>>
    tpu.wait_dma2 semaphore(%arg18 : memref<!tpu.dma_semaphore, #tpu.memory_space<semaphore_mem>>) src(%arg10 : memref<128x64xf32, #tpu.memory_space<vmem>>) dst(%dma_wait3A_236 : memref<128x64xf32, #tpu.memory_space<hbm>>)
    %dma_wait3A_237 = arith.constant 0 : i32
    %dma_wait3A_238 = arith.constant 0 : i32
    %dma_wait3A_239 = tpu.memref_slice %arg4[%dma_wait3A_237, %dma_wait3A_238] : memref<819200x64xf32, #tpu.memory_space<hbm>> -> memref<128x64xf32, #tpu.memory_space<hbm>>
    %dma_wait3A_240 = arith.constant 0 : i32
    %dma_wait3A_241 = arith.constant 0 : i32
    %dma_wait3A_242 = tpu.memref_slice %arg4[%dma_wait3A_240, %dma_wait3A_241] : memref<819200x64xf32, #tpu.memory_space<hbm>> -> memref<128x64xf32, #tpu.memory_space<hbm>>
    tpu.wait_dma2 semaphore(%arg19 : memref<!tpu.dma_semaphore, #tpu.memory_space<semaphore_mem>>) src(%arg11 : memref<128x64xf32, #tpu.memory_space<vmem>>) dst(%dma_wait3A_242 : memref<128x64xf32, #tpu.memory_space<hbm>>)
    %dma_wait3A_243 = arith.constant 0 : i32
    %dma_wait3A_244 = arith.constant 0 : i32
    %dma_wait3A_245 = tpu.memref_slice %arg4[%dma_wait3A_243, %dma_wait3A_244] : memref<819200x64xf32, #tpu.memory_space<hbm>> -> memref<128x64xf32, #tpu.memory_space<hbm>>
    %dma_wait3A_246 = arith.constant 0 : i32
    %dma_wait3A_247 = arith.constant 0 : i32
    %dma_wait3A_248 = tpu.memref_slice %arg4[%dma_wait3A_246, %dma_wait3A_247] : memref<819200x64xf32, #tpu.memory_space<hbm>> -> memref<128x64xf32, #tpu.memory_space<hbm>>
    tpu.wait_dma2 semaphore(%arg20 : memref<!tpu.dma_semaphore, #tpu.memory_space<semaphore_mem>>) src(%arg12 : memref<128x64xf32, #tpu.memory_space<vmem>>) dst(%dma_wait3A_248 : memref<128x64xf32, #tpu.memory_space<hbm>>)
    %dma_wait3A_249 = arith.constant 0 : i32
    %dma_wait3A_250 = arith.constant 0 : i32
    %dma_wait3A_251 = tpu.memref_slice %arg4[%dma_wait3A_249, %dma_wait3A_250] : memref<819200x64xf32, #tpu.memory_space<hbm>> -> memref<128x64xf32, #tpu.memory_space<hbm>>
    %dma_wait3A_252 = arith.constant 0 : i32
    %dma_wait3A_253 = arith.constant 0 : i32
    %dma_wait3A_254 = tpu.memref_slice %arg4[%dma_wait3A_252, %dma_wait3A_253] : memref<819200x64xf32, #tpu.memory_space<hbm>> -> memref<128x64xf32, #tpu.memory_space<hbm>>
    tpu.wait_dma2 semaphore(%arg21 : memref<!tpu.dma_semaphore, #tpu.memory_space<semaphore_mem>>) src(%arg13 : memref<128x64xf32, #tpu.memory_space<vmem>>) dst(%dma_wait3A_254 : memref<128x64xf32, #tpu.memory_space<hbm>>)
    return
  }
}

</mosaic_0001>

<sc_bundles>
// kernel: kernel.3.cloned.1.call-start
scs
__scs_entry_jumppad:
0x0: {  	(pc) =	sbr.rel $0x88, $3  }
0x1: {  	(tag) =	ssettag $0x0;
	lr =	simm.s32 $0x1  }
0x2: {  	[smem:$0x3F9F] =	sst lr;
	_ =	strace $0xD0000000  }
0x3: {  	_ = 	snop  }
0x4: {  	_ = 	snop  }
0x5: {  	_ = 	snop  }
0x6: {  	_ = 	snop  }
0x7: {  	_ = 	snop  }
__scs_overlays_trampoline_lowered:
0x8: {  	[smem:$0x3FAE] =	sst s0  }
0x9: {  	[smem:$0x3FAF] =	sst s1  }
0xa: {  	[smem:$0x3FB0] =	sst s2  }
0xb: {  	[smem:$0x3FB1] =	sst s3  }
0xc: {  	[smem:$0x3FB2] =	sst s4  }
0xd: {  	[smem:$0x3FB3] =	sst s5  }
0xe: {  	[smem:$0x3FB4] =	sst s6  }
0xf: {  	[smem:$0x3FB5] =	sst s7  }
0x10: {  	[smem:$0x3FB6] =	sst s8  }
0x11: {  	[smem:$0x3FB7] =	sst s9;
	s0 =	simm.s32 @!p0 $0x0  }
0x12: {  	s1 =	sld [smem:$0x3F9D];
	s0 =	simm.s32 @p0 $0x1  }
0x13: {  	[smem:$0x3FB8] =	sst s0;
	s0 =	simm.s32 @!p1 $0x0  }
0x14: {  	s2 =	sld [smem:$0x3F9C];
	s0 =	simm.s32 @p1 $0x1  }
0x15: {  	[smem:$0x3FB9] =	sst s0;
	s0 =	simm.s32 @!p2 $0x0  }
0x16: {  	s3 =	sld [smem:$0x3FDB];
	s0 =	simm.s32 @p2 $0x1  }
0x17: {  	s4 =	simm.s32 $0x1BF5;
	[smem:$0x3FBB] =	sst s0  }
0x18: {  	s0 =	sld [smem:$0x3F9E];
	_ =	swait.ge [sflag:s4], $0x0  }
0x19: {  	s7 =	sld [smem:$0x3F9F]  }
0x1a: {  	s8 =	sadd.s32 $0xFFFFE003, lr  }
0x1b: {  	s9 =	sadd.s32 $0xFFFFFEF7, lr;
	s5 =	simm.s32 $0xFFFFFFFF;
	p2 =	slt.u32 s8, $0xFFFFF086  }
0x1c: {  	p1 =	slt.u32 s9, $0xF7A;
	s5 =	simm.s32 @!p2 $0x0  }
0x1d: {  	s5 =	simm.s32 @p1 $0x1;
	p0 =	seq.s32 s7, s2  }
0x1e: {  	s7 =	smul.u32 @!p0 $0xF7A, s2;
	p2 =	seq.s32 @!p0 s5, $0x0  }
0x1f: {  	s9 =	smul.u32 $0xF7A, s1;
	s8 =	simm.s32 @!p0 $0x1BF5;
	p2 =	por !p2, p0  }
0x20: {  	[sflag:s8] =	ssyncset.s32 @!p0 $0xFFFFF086;
	s6 =	sadd.s32 @!p0 s3, s7;
	s7 =	simm.s32 @!p0 $0x108  }
0x21: {  	s3 =	sadd.s32 s3, s9;
	s6 =	sadd.s32 @!p0 $0x88, s6;
	s7 =	simm.s32 @p2 $0x1082  }
0x22: {  	[simem:s7], [sflag:s8] =	dma.local @!p0 [hbm:s6], $0xF7A  }
0x23: {  	s9 =	sor.u32 $0xD0000000, s2;
	s6 =	simm.s32 $0x108;
	_ =	swait.ge @!p0 [sflag:s8], $0x0  }
0x24: {  	s3 =	sadd.s32 $0x88, s3;
	s6 =	simm.s32 @!p1 $0x1082;
	[sflag:s4] =	ssyncset.s32 $0xFFFFF086  }
0x25: {  	[simem:s6], [sflag:s4] =	dma.local [hbm:s3], $0xF7A  }
0x26: {  	[smem:$0x3F9F] =	sst s1;
	(tag) =	ssettag s2;
	_ =	strace s9  }
0x27: {  	s1 =	sld [smem:$0x3FAF]  }
0x28: {  	s2 =	sld [smem:$0x3FB0]  }
0x29: {  	s4 =	sld [smem:$0x3FB2]  }
0x2a: {  	p0 =	seq.s32 s5, $0x0;
	s5 =	sld [smem:$0x3FB3]  }
0x2b: {  	s6 =	sld [smem:$0x3FB4]  }
0x2c: {  	s7 =	sld [smem:$0x3FB5]  }
0x2d: {  	s3 =	simm.s32 $0x108;
	s8 =	sld [smem:$0x3FB6]  }
0x2e: {  	s3 =	simm.s32 @!p0 $0x1082;
	s9 =	sld [smem:$0x3FB7]  }
0x2f: {  	lr =	sadd.s32 s0, s3;
	s0 =	sld [smem:$0x3FAE]  }
0x30: {  	s3 =	sld [smem:$0x3FB1]  }
0x31: {  	[smem:$0x3FBA] =	sst s10  }
0x32: {  	s10 =	sld [smem:$0x3FB8];
	_ =	sdelay $0x3  }
0x33: {  	p0 =	seq.s32 s10, $0x1;
	s10 =	sld [smem:$0x3FBA];
	_ =	sdelay $0x3  }
0x34: {  	[smem:$0x3FBA] =	sst s10  }
0x35: {  	s10 =	sld [smem:$0x3FB9];
	_ =	sdelay $0x3  }
0x36: {  	p1 =	seq.s32 s10, $0x1;
	s10 =	sld [smem:$0x3FBA];
	_ =	sdelay $0x3  }
0x37: {  	[smem:$0x3FBA] =	sst s10  }
0x38: {  	s10 =	sld [smem:$0x3FBB]  }
0x39: {  	_ = 	snop;
	(pc) =	sbr.ind lr, $3  }
0x3a: {  	_ = 	snop  }
0x3b: {  	_ = 	snop  }
0x3c: {  	p2 =	seq.s32 s10, $0x1;
	s10 =	sld [smem:$0x3FBA]  }
0x3d: {  	_ =	shalt  }
0x3e: {  	_ =	shalt  }
0x3f: {  	_ =	shalt  }
0x40: {  	_ =	shalt  }
0x41: {  	_ =	shalt  }
0x42: {  	_ =	shalt  }
0x43: {  	_ =	shalt  }
0x44: {  	_ =	shalt  }
0x45: {  	_ =	shalt  }
0x46: {  	_ =	shalt  }
0x47: {  	_ =	shalt  }
0x48: {  	_ =	shalt  }
0x49: {  	_ =	shalt  }
0x4a: {  	_ =	shalt  }
0x4b: {  	_ =	shalt  }
0x4c: {  	_ =	shalt  }
0x4d: {  	_ =	shalt  }
0x4e: {  	_ =	shalt  }
0x4f: {  	_ =	shalt  }
0x50: {  	_ =	shalt  }
0x51: {  	_ =	shalt  }
0x52: {  	_ =	shalt  }
0x53: {  	_ =	shalt  }
0x54: {  	_ =	shalt  }
0x55: {  	_ =	shalt  }
0x56: {  	_ =	shalt  }
0x57: {  	_ =	shalt  }
0x58: {  	_ =	shalt  }
0x59: {  	_ =	shalt  }
0x5a: {  	_ =	shalt  }
0x5b: {  	_ =	shalt  }
0x5c: {  	_ =	shalt  }
0x5d: {  	_ =	shalt  }
0x5e: {  	_ =	shalt  }
0x5f: {  	_ =	shalt  }
0x60: {  	_ =	shalt  }
0x61: {  	_ =	shalt  }
0x62: {  	_ =	shalt  }
0x63: {  	_ =	shalt  }
0x64: {  	_ =	shalt  }
0x65: {  	_ =	shalt  }
0x66: {  	_ =	shalt  }
0x67: {  	_ =	shalt  }
0x68: {  	_ =	shalt  }
0x69: {  	_ =	shalt  }
0x6a: {  	_ =	shalt  }
0x6b: {  	_ =	shalt  }
0x6c: {  	_ =	shalt  }
0x6d: {  	_ =	shalt  }
0x6e: {  	_ =	shalt  }
0x6f: {  	_ =	shalt  }
0x70: {  	_ =	shalt  }
0x71: {  	_ =	shalt  }
0x72: {  	_ =	shalt  }
0x73: {  	_ =	shalt  }
0x74: {  	_ =	shalt  }
0x75: {  	_ =	shalt  }
0x76: {  	_ =	shalt  }
0x77: {  	_ =	shalt  }
0x78: {  	_ =	shalt  }
0x79: {  	_ =	shalt  }
0x7a: {  	_ =	shalt  }
0x7b: {  	_ =	shalt  }
0x7c: {  	_ =	shalt  }
0x7d: {  	_ =	shalt  }
0x7e: {  	_ =	shalt  }
0x7f: {  	_ =	shalt  }
0x80: {  	_ =	shalt  }
0x81: {  	_ =	shalt  }
0x82: {  	_ =	shalt  }
0x83: {  	_ =	shalt  }
0x84: {  	_ =	shalt  }
0x85: {  	_ =	shalt  }
0x86: {  	_ =	shalt  }
0x87: {  	_ =	shalt  }
.Lfunc_end0:
.L_simem_size_0:
called_computation.1_lowered:
.L_overlay_start_0:
0x88: {  	s2 =	sld [smem:$0x3FD9]  }
0x89: {  	s3 =	sld [smem:$0x3FFE];
	_ =	sdelay $0x1  }
0x8a: {  	s1 =	srdreg.scid  }
0x8b: {  	s0 =	sand.u32 $0x1, s1  }
0x8c: {  	s17 =	sshll.u32 s0, $0xA;
	s2 =	sadd.s32 s3, s2  }
0x8d: {  	s2 =	sadd.s32 s2, s17  }
0x8e: {  	[smem:$0x3FC6] =	sst s2  }
0x8f: {  	_ = 	snop  }
0x90: {  	s2 =	sld [smem:$0x3FD0];
	(tm) =	ssettm $0x1  }
0x91: {  	s18 =	sld [smem:$0x3FFB];
	_ =	sdelay $0x3  }
0x92: {  	_ =	strace s18  }
0x93: {  	s3 =	sld [smem:$0x3FFC];
	_ =	sdelay $0x3  }
0x94: {  	_ =	strace s3  }
0x95: {  	s3 =	sld [smem:$0x3FFD];
	_ =	sdelay $0x3  }
0x96: {  	_ =	strace s3  }
0x97: {  	_ =	strace $0x8FFFFFFF  }
0x98: {  	s19 =	sld [smem:$0x3FDB];
	_ =	sdelay $0x1  }
0x99: {  	s4 =	simm.s32 $_scs_section_size  }
0x9a: {  	s5 =	simm.s32 $_size__tile_overlayer_lowered;
	s6 =	simm.s32 $_tile_overlayer_lowered  }
0x9b: {  	s22 =	simm.s32 $0x1BFF;
	s21 =	sshll.u32 s6, $0x1;
	s3 =	sadd.s32 s4, s19  }
0x9c: {  	s7 =	simm.s32 $0x0;
	s20 =	sshll.u32 s5, $0x1;
	s5 =	sadd.s32 s21, s3  }
0x9d: {  	[timem:s7], [sflag:s22] =	dma.local [hbm:s5], s20  }
0x9e: {  	_ =	swait.ge [sflag:s22], s20  }
0x9f: {  	s4 =	ssub.s32 $0x0, s20;
	[sflag:s22] =	ssyncset.done $0x0  }
0xa0: {  	[sflag:s22] =	ssyncadd.s32 s4;
	_ =	sdelay $0x1  }
0xa1: {  	s23 =	simm.s32 $0x1B8B  }
0xa2: {  	_ =	swait.ge [sflag:s23], $0x1  }
0xa3: {  	[sflag:s23] =	ssyncset.done $0x0  }
0xa4: {  	s25 =	simm.s32 $0x1B8E;
	s24 =	sld [smem:$0x3FFE];
	[sflag:s23] =	ssyncadd.s32 $0xFFFFFFFF  }
0xa5: {  	s26 =	simm.s32 $execute0_lowered;
	[smem:$0x3FD2] =	sst s25  }
0xa6: {  	s5 =	sshll.u32 s26, $0x1;
	_ =	strace $0x80000046;
	[dreg:$0x1] =	wrdreg $0xFFFFFFFF  }
0xa7: {  	s28 =	simm.s32 $_size_execute0_lowered;
	s3 =	sadd.s32 s3, s5;
	[dreg:$0x0] =	wrdreg $0x0  }
0xa8: {  	s5 =	sshll.u32 s28, $0x1;
	[dreg:$0x2] =	wrdreg s3  }
0xa9: {  	[dreg:$0x3] =	wrdreg s5  }
0xaa: {  	[dreg:$0x4] =	wrdreg $0xC0  }
0xab: {  	_ =	task [dreg:s7], $0x5FFFF  }
0xac: {  	[dreg:$0x1] =	wrdreg $0xFFFFFFFF  }
0xad: {  	[dreg:$0x0] =	wrdreg $0x60  }
0xae: {  	[dreg:$0x2] =	wrdreg s24  }
0xaf: {  	[dreg:$0x3] =	wrdreg s2  }
0xb0: {  	[dreg:$0x4] =	wrdreg $0x9  }
0xb1: {  	_ =	task.clear_ibuf [dreg:s7], $0x5FFFF;
	_ =	strace $0x90000046  }
0xb2: {  	s29 =	simm.s32 $0x9;
	_ =	strace $0x80000048  }
0xb3: {  	_ =	swait.ge [sflag:s29], $0x1  }
0xb4: {  	[sflag:s29] =	ssyncadd.s32 $0xFFFFFFFF  }
0xb5: {  	_ =	strace $0x90000048  }
0xb6: {  	_ =	sfence  }
0xb7: {  	s30 =	sld [smem:$0x0];
	_ =	sdelay $0x2  }
0xb8: {  	s31 =	sshll.u32 s1, $0xD;
	s1 =	sshrl.u32 s1, $0x2  }
0xb9: {  	s3 =	sand.u32 $0x4000, s31;
	s1 =	sadd.s32 s1, s30  }
0xba: {  	s0 =	sor.u32 s3, s0;
	s1 =	sshll.u32 s1, $0x11  }
0xbb: {  	s0 =	sor.u32 s1, s0  }
0xbc: {  	s0 =	sadd.s32 $0x8F2B, s0  }
0xbd: {  	[sflag:s0] =	ssyncadd.remote.s32 $0x1  }
0xbe: {  	_ =	sfence.sel $0xFFFF  }
0xbf: {  	[dreg:$0x0] =	wrdreg $0xFFFFFFFF;
	(pc) =	sbr.abs _section_cstart, $3  }
0xc0: {  	[dreg:$0x1] =	wrdreg $0xFFFFFFFF  }
0xc1: {  	_ =	task.clear_ibuf [dreg:s7], $0x2FFFF;
	_ =	strace $0x9FFFFFFF  }
0xc2: {  	(tm) =	ssettm $0x7FFFFFFF  }
0xc3: {  	_ =	shalt  }
tec
execute0_lowered:
.L_overlay_start_1:
0x0: {  	(tag) =	ssettag $0x1  }
0x1: {  	s0 =	rddreg [dreg:$0x0];
	s1 =	srdreg.scid  }
0x2: {  	s3 =	stileid.u32;
	s2 =	rddreg [dreg:$0x1];
	s28 =	simm.s32 $0x1  }
0x3: {  	s29 =	simm.s32 $0xE400;
	s31 =	simm.s32 $0x2;
	s30 =	simm.s32 $0x14400  }
0x4: {  	s9 =	simm.s32 $0x7;
	s1 =	sand.u32 $0x1, s1;
	s4 =	sshll.u32 s3, $0x1  }
0x5: {  	s10 =	simm.s32 $0x8;
	s3 =	simm.s32 $0x0;
	s5 =	sor.u32 s1, s4  }
0x6: {  	s14 =	simm.s32 $0x0;
	[smem:$0x7FF] =	sst s3;
	s4 =	smul.u32 $0xC80, s5  }
0x7: {  	s1 =	ssub.s32 $0x2, s1;
	_ =	strace $0x80000047;
	s6 =	smul.u32 $0x32000, s5  }
0x8: {  	s18 =	sshrl.u32 s1, $0x1;
	s8 =	smul.u32 $0x6400, s5;
	s7 =	sadd.s32 s4, s0  }
0x9: {  	s4 =	sadd.s32 $0xF42E00, s0;
	s0 =	ssub.s32 s1, s18;
	s19 =	sadd.s32 s2, s6  }
0xa: {  	s6 =	smul.u32 $0x190000, s5;
	s11 =	sor.u32 $0x80, s8;
	s12 =	sor.u32 $0x100, s8  }
0xb: {  	s13 =	sor.u32 $0x180, s8;
	s20 =	sadd.s32 $0xA00, s7;
	[dreg:$0x3] =	wrdreg s19  }
0xc: {  	s8 =	simm.s32 $0x6;
	s21 =	sadd.s32 $0x400, s19;
	[dreg:$0x4] =	wrdreg s20  }
0xd: {  	s22 =	sadd.s32 $0x800, s19;
	s1 =	sadd.s32 $0xC00, s19;
	[dreg:$0x5] =	wrdreg s21  }
0xe: {  	s0 =	smax.u32 s0, $0x1;
	[dreg:$0x6] =	wrdreg s22;
	s23 =	sshrl.u32 s6, $0x3  }
0xf: {  	s7 =	simm.s32 $0x5;
	[dreg:$0x7] =	wrdreg s1;
	s1 =	sadd.s32 s2, s23  }
0x10: {  	[dreg:$0xc] =	wrdreg s0;
	s20 =	simm.s32 $0x80;
	s24 =	sadd.s32 $0x31000, s1  }
0x11: {  	s21 =	simm.s32 $0x6400;
	s25 =	sadd.s32 $0x31400, s1;
	[dreg:$0x8] =	wrdreg s24  }
0x12: {  	s22 =	simm.s32 $0x8400;
	s26 =	sadd.s32 $0x31800, s1;
	[dreg:$0x9] =	wrdreg s25  }
0x13: {  	s0 =	simm.s32 $0x4;
	s1 =	sadd.s32 $0x31C00, s1;
	[dreg:$0xa] =	wrdreg s26  }
0x14: {  	s23 =	simm.s32 $0x3;
	[dreg:$0xb] =	wrdreg s1;
	s24 =	simm.s32 $0xA400  }
0x15: {  	s26 =	simm.s32 $0xC400;
	s1 =	simm.s32 $0x10400;
	s25 =	simm.s32 $0x12400  }
.LBB2_1:
0x16: {  	s5 =	rddreg [dreg:$0x4];
	s17 =	simm.s32 $0x9  }
0x17: {  	[tilespmem:s3], [sflag:$0x9] =	stream.linear.gather [hbm4b:s5+s3], $0x6400, $0x38;
	[tilespmem:$0x16400] =	vst v63  }
0x18: {  	_ =	swait.ge [sflag:s17], $0x6400  }
0x19: {  	[sflag:s17] =	ssyncset.done $0x0  }
0x1a: {  	[sflag:s17] =	ssyncadd.s32 $0xFFFF9C00  }
0x1b: {  	[tilespmem:s21], [sflag:$0x1] =	stream.indirect.gather [hbm4b:s4+s20], $0x40, s3, s20, $0xb8;
	[tilespmem:$0x16400] =	vst v63  }
0x1c: {  	_ = 	snop  }
0x1d: {  	[tilespmem:s22], [sflag:$0x2] =	stream.indirect.gather [hbm4b:s4+s20], $0x40, s20, s20, $0xb8;
	[tilespmem:$0x16400] =	vst v63  }
0x1e: {  	s18 =	simm.s32 $0x100  }
0x1f: {  	[tilespmem:s24], [sflag:$0x3] =	stream.indirect.gather [hbm4b:s4+s20], $0x40, s18, s20, $0xb8;
	[tilespmem:$0x16400] =	vst v63  }
0x20: {  	s19 =	simm.s32 $0x180  }
0x21: {  	[tilespmem:s26], [sflag:$0x4] =	stream.indirect.gather [hbm4b:s4+s20], $0x40, s19, s20, $0xb8;
	[tilespmem:$0x16400] =	vst v63  }
0x22: {  	_ =	swait.ge [sflag:s28], $0x2000  }
0x23: {  	[sflag:s28] =	ssyncset.done $0x0  }
0x24: {  	s15 =	simm.s32 $0x0;
	[sflag:s28] =	ssyncadd.s32 $0xFFFFE000  }
0x25: {  	v0 =	vld [tilespmem:s15+$0x64F0]  }
0x26: {  	v1 =	vld [tilespmem:s15+$0x6400]  }
0x27: {  	v2 =	vld [tilespmem:s15+$0x6410]  }
0x28: {  	v3 =	vld [tilespmem:s15+$0x6420]  }
0x29: {  	v6 =	vld [tilespmem:s15+$0x6450]  }
0x2a: {  	v4 =	vld [tilespmem:s15+$0x6430];
	v0 =	vmul.f32 $8.000000000e+00, v0  }
0x2b: {  	v5 =	vld [tilespmem:s15+$0x6440];
	v1 =	vmul.f32 $8.000000000e+00, v1  }
0x2c: {  	v7 =	vld [tilespmem:s15+$0x6460];
	[tilespmem:s15+$0xE4F0] =	vst v0;
	v0 =	vmul.f32 $8.000000000e+00, v2  }
0x2d: {  	v8 =	vld [tilespmem:s15+$0x6470];
	[tilespmem:s15+$0xE400] =	vst v1;
	v1 =	vmul.f32 $8.000000000e+00, v3  }
0x2e: {  	v2 =	vmul.f32 $8.000000000e+00, v6;
	[tilespmem:s15+$0xE410] =	vst v0  }
0x2f: {  	v9 =	vld [tilespmem:s15+$0x6480];
	v0 =	vmul.f32 $8.000000000e+00, v4;
	[tilespmem:s15+$0xE420] =	vst v1  }
0x30: {  	v4 =	vld [tilespmem:s15+$0x6490];
	v1 =	vmul.f32 $8.000000000e+00, v5;
	[tilespmem:s15+$0xE450] =	vst v2  }
0x31: {  	v3 =	vmul.f32 $8.000000000e+00, v7;
	[tilespmem:s15+$0xE430] =	vst v0;
	v0 =	vld [tilespmem:s15+$0x64A0]  }
0x32: {  	v5 =	vmul.f32 $8.000000000e+00, v8;
	[tilespmem:s15+$0xE440] =	vst v1;
	v1 =	vld [tilespmem:s15+$0x64B0]  }
0x33: {  	v2 =	vld [tilespmem:s15+$0x64C0];
	[tilespmem:s15+$0xE460] =	vst v3  }
0x34: {  	v3 =	vld [tilespmem:s15+$0x64D0];
	[tilespmem:s15+$0xE470] =	vst v5;
	v5 =	vmul.f32 $8.000000000e+00, v9  }
0x35: {  	s16 =	simm.s32 $0x800;
	s5 =	simm.s32 $0x100;
	v6 =	vmul.f32 $8.000000000e+00, v4;
	v4 =	vld [tilespmem:s15+$0x64E0]  }
.LBB2_2:
0x36: {  	p0 =	sne.s32 s16, $0x7C00;
	v7 =	vld [tilespmem:s5+$0x64F0];
	[tilespmem:s15+$0xE480] =	vst v5;
	v0 =	vmul.f32 $8.000000000e+00, v0  }
0x37: {  	v5 =	vld [tilespmem:s5+$0x6400];
	[tilespmem:s15+$0xE490] =	vst v6;
	v1 =	vmul.f32 $8.000000000e+00, v1  }
0x38: {  	v6 =	vld [tilespmem:s5+$0x6410];
	[tilespmem:s15+$0xE4A0] =	vst v0;
	v0 =	vmul.f32 $8.000000000e+00, v2  }
0x39: {  	v2 =	vld [tilespmem:s5+$0x6420];
	[tilespmem:s15+$0xE4B0] =	vst v1;
	v1 =	vmul.f32 $8.000000000e+00, v3  }
0x3a: {  	v3 =	vld [tilespmem:s5+$0x6430];
	[tilespmem:s15+$0xE4C0] =	vst v0;
	v0 =	vmul.f32 $8.000000000e+00, v4  }
0x3b: {  	v4 =	vld [tilespmem:s5+$0x6440];
	v7 =	vmul.f32 $8.000000000e+00, v7;
	[tilespmem:s15+$0xE4D0] =	vst v1  }
0x3c: {  	v1 =	vmul.f32 $8.000000000e+00, v5;
	v5 =	vld [tilespmem:s5+$0x6450];
	[tilespmem:s15+$0xE4E0] =	vst v0;
	s15 =	smov.u32 s5  }
0x3d: {  	v0 =	vmul.f32 $8.000000000e+00, v6;
	v6 =	vld [tilespmem:s15+$0x6460];
	[tilespmem:s15+$0xE4F0] =	vst v7  }
0x3e: {  	[tilespmem:s15+$0xE400] =	vst v1;
	v1 =	vmul.f32 $8.000000000e+00, v2;
	v2 =	vld [tilespmem:s15+$0x6470]  }
0x3f: {  	[tilespmem:s15+$0xE410] =	vst v0;
	v0 =	vmul.f32 $8.000000000e+00, v3;
	v3 =	vld [tilespmem:s15+$0x6480]  }
0x40: {  	[tilespmem:s15+$0xE420] =	vst v1;
	v1 =	vmul.f32 $8.000000000e+00, v4;
	v4 =	vld [tilespmem:s15+$0x6490]  }
.Ltmp0:
0x41: {  	[tilespmem:s15+$0xE430] =	vst v0;
	v5 =	vmul.f32 $8.000000000e+00, v5;
	v0 =	vld [tilespmem:s15+$0x64A0];
	(pc) =	sbr.rel @p0 .LBB2_2-.Ltmp0, $4  }
0x42: {  	[tilespmem:s15+$0xE440] =	vst v1;
	v6 =	vmul.f32 $8.000000000e+00, v6;
	v1 =	vld [tilespmem:s15+$0x64B0]  }
0x43: {  	[tilespmem:s15+$0xE450] =	vst v5;
	v7 =	vmul.f32 $8.000000000e+00, v2;
	v2 =	vld [tilespmem:s15+$0x64C0]  }
0x44: {  	[tilespmem:s15+$0xE460] =	vst v6;
	v5 =	vmul.f32 $8.000000000e+00, v3;
	v3 =	vld [tilespmem:s15+$0x64D0]  }
0x45: {  	s5 =	sshra.s32 s16, $0x2;
	s16 =	sadd.s32 $0x400, s16;
	[tilespmem:s15+$0xE470] =	vst v7;
	v6 =	vmul.f32 $8.000000000e+00, v4;
	v4 =	vld [tilespmem:s15+$0x64E0]  }
0x46: {  	v7 =	vld [tilespmem:s5+$0x64F0];
	[tilespmem:s15+$0xE480] =	vst v5;
	v0 =	vmul.f32 $8.000000000e+00, v0  }
0x47: {  	v5 =	vld [tilespmem:s5+$0x6400];
	[tilespmem:s15+$0xE490] =	vst v6;
	v1 =	vmul.f32 $8.000000000e+00, v1  }
0x48: {  	v6 =	vld [tilespmem:s5+$0x6410];
	[tilespmem:s15+$0xE4A0] =	vst v0;
	v2 =	vmul.f32 $8.000000000e+00, v2  }
0x49: {  	v0 =	vld [tilespmem:s5+$0x6420];
	[tilespmem:s15+$0xE4B0] =	vst v1;
	v3 =	vmul.f32 $8.000000000e+00, v3  }
0x4a: {  	v1 =	vld [tilespmem:s5+$0x6430];
	[tilespmem:s15+$0xE4C0] =	vst v2;
	v4 =	vmul.f32 $8.000000000e+00, v4  }
0x4b: {  	v2 =	vld [tilespmem:s5+$0x6440];
	[tilespmem:s15+$0xE4D0] =	vst v3;
	v7 =	vmul.f32 $8.000000000e+00, v7  }
0x4c: {  	v3 =	vld [tilespmem:s5+$0x6450];
	[tilespmem:s15+$0xE4E0] =	vst v4;
	v4 =	vmul.f32 $8.000000000e+00, v5  }
0x4d: {  	v5 =	vld [tilespmem:s5+$0x6460];
	[tilespmem:s5+$0xE4F0] =	vst v7;
	v6 =	vmul.f32 $8.000000000e+00, v6  }
0x4e: {  	[tilespmem:s5+$0xE400] =	vst v4;
	v4 =	vld [tilespmem:s5+$0x6470];
	v0 =	vmul.f32 $8.000000000e+00, v0  }
0x4f: {  	[tilespmem:s5+$0xE410] =	vst v6;
	v6 =	vld [tilespmem:s5+$0x6480];
	v1 =	vmul.f32 $8.000000000e+00, v1  }
0x50: {  	[tilespmem:s5+$0xE420] =	vst v0;
	v0 =	vld [tilespmem:s5+$0x6490];
	v2 =	vmul.f32 $8.000000000e+00, v2  }
0x51: {  	[tilespmem:s5+$0xE430] =	vst v1;
	v1 =	vld [tilespmem:s5+$0x64A0];
	v3 =	vmul.f32 $8.000000000e+00, v3  }
0x52: {  	[tilespmem:s5+$0xE440] =	vst v2;
	v2 =	vld [tilespmem:s5+$0x64B0];
	v5 =	vmul.f32 $8.000000000e+00, v5  }
0x53: {  	[tilespmem:s5+$0xE450] =	vst v3;
	v3 =	vld [tilespmem:s5+$0x64C0];
	v4 =	vmul.f32 $8.000000000e+00, v4  }
0x54: {  	[tilespmem:s5+$0xE460] =	vst v5;
	v5 =	vld [tilespmem:s5+$0x64D0];
	v6 =	vmul.f32 $8.000000000e+00, v6  }
0x55: {  	[tilespmem:s5+$0xE470] =	vst v4;
	v0 =	vmul.f32 $8.000000000e+00, v0;
	v4 =	vld [tilespmem:s5+$0x64E0]  }
0x56: {  	[tilespmem:s5+$0xE480] =	vst v6;
	v1 =	vmul.f32 $8.000000000e+00, v1  }
0x57: {  	[tilespmem:s5+$0xE490] =	vst v0;
	v0 =	vmul.f32 $8.000000000e+00, v2  }
0x58: {  	[tilespmem:s5+$0xE4A0] =	vst v1;
	v1 =	vmul.f32 $8.000000000e+00, v3  }
0x59: {  	[tilespmem:s5+$0xE4B0] =	vst v0;
	v0 =	vmul.f32 $8.000000000e+00, v5  }
0x5a: {  	[tilespmem:s5+$0xE4C0] =	vst v1;
	v1 =	vmul.f32 $8.000000000e+00, v4  }
0x5b: {  	[tilespmem:s5+$0xE4D0] =	vst v0  }
0x5c: {  	s17 =	simm.s32 $0x0;
	s18 =	rddreg [dreg:$0x3];
	[tilespmem:s5+$0xE4E0] =	vst v1  }
0x5d: {  	[hbm4b:s18+s17] =	stream.linear.scatter [tilespmem:s29], [sflag:$0x5], $0x2000, $0x38;
	[tilespmem:$0x16400] =	vst v63  }
0x5e: {  	s19 =	simm.s32 $0x200  }
0x5f: {  	[tilespmem:s21], [sflag:$0x1] =	stream.indirect.gather [hbm4b:s4+s20], $0x40, s19, s20, $0xb8;
	[tilespmem:$0x16400] =	vst v63  }
0x60: {  	_ =	swait.ge [sflag:s31], $0x2000  }
0x61: {  	[sflag:s31] =	ssyncset.done $0x0  }
0x62: {  	s15 =	simm.s32 $0x0;
	[sflag:s31] =	ssyncadd.s32 $0xFFFFE000  }
0x63: {  	v0 =	vld [tilespmem:s15+$0x84F0]  }
0x64: {  	v1 =	vld [tilespmem:s15+$0x8400]  }
0x65: {  	v2 =	vld [tilespmem:s15+$0x8410]  }
0x66: {  	v3 =	vld [tilespmem:s15+$0x8420]  }
0x67: {  	v6 =	vld [tilespmem:s15+$0x8450]  }
0x68: {  	v4 =	vld [tilespmem:s15+$0x8430];
	v0 =	vmul.f32 $8.000000000e+00, v0  }
0x69: {  	v5 =	vld [tilespmem:s15+$0x8440];
	v1 =	vmul.f32 $8.000000000e+00, v1  }
0x6a: {  	v7 =	vld [tilespmem:s15+$0x8460];
	[tilespmem:s15+$0x104F0] =	vst v0;
	v0 =	vmul.f32 $8.000000000e+00, v2  }
0x6b: {  	v8 =	vld [tilespmem:s15+$0x8470];
	[tilespmem:s15+$0x10400] =	vst v1;
	v1 =	vmul.f32 $8.000000000e+00, v3  }
0x6c: {  	v2 =	vmul.f32 $8.000000000e+00, v6;
	[tilespmem:s15+$0x10410] =	vst v0  }
0x6d: {  	v9 =	vld [tilespmem:s15+$0x8480];
	v0 =	vmul.f32 $8.000000000e+00, v4;
	[tilespmem:s15+$0x10420] =	vst v1  }
0x6e: {  	v4 =	vld [tilespmem:s15+$0x8490];
	v1 =	vmul.f32 $8.000000000e+00, v5;
	[tilespmem:s15+$0x10450] =	vst v2  }
0x6f: {  	v3 =	vmul.f32 $8.000000000e+00, v7;
	[tilespmem:s15+$0x10430] =	vst v0;
	v0 =	vld [tilespmem:s15+$0x84A0]  }
0x70: {  	v5 =	vmul.f32 $8.000000000e+00, v8;
	[tilespmem:s15+$0x10440] =	vst v1;
	v1 =	vld [tilespmem:s15+$0x84B0]  }
0x71: {  	v2 =	vld [tilespmem:s15+$0x84C0];
	[tilespmem:s15+$0x10460] =	vst v3  }
0x72: {  	v3 =	vld [tilespmem:s15+$0x84D0];
	[tilespmem:s15+$0x10470] =	vst v5;
	v5 =	vmul.f32 $8.000000000e+00, v9  }
0x73: {  	s16 =	simm.s32 $0x800;
	s5 =	simm.s32 $0x100;
	v6 =	vmul.f32 $8.000000000e+00, v4;
	v4 =	vld [tilespmem:s15+$0x84E0]  }
.LBB2_4:
0x74: {  	p0 =	sne.s32 s16, $0x7C00;
	v7 =	vld [tilespmem:s5+$0x84F0];
	[tilespmem:s15+$0x10480] =	vst v5;
	v0 =	vmul.f32 $8.000000000e+00, v0  }
0x75: {  	v5 =	vld [tilespmem:s5+$0x8400];
	[tilespmem:s15+$0x10490] =	vst v6;
	v1 =	vmul.f32 $8.000000000e+00, v1  }
0x76: {  	v6 =	vld [tilespmem:s5+$0x8410];
	[tilespmem:s15+$0x104A0] =	vst v0;
	v0 =	vmul.f32 $8.000000000e+00, v2  }
0x77: {  	v2 =	vld [tilespmem:s5+$0x8420];
	[tilespmem:s15+$0x104B0] =	vst v1;
	v1 =	vmul.f32 $8.000000000e+00, v3  }
0x78: {  	v3 =	vld [tilespmem:s5+$0x8430];
	[tilespmem:s15+$0x104C0] =	vst v0;
	v0 =	vmul.f32 $8.000000000e+00, v4  }
0x79: {  	v4 =	vld [tilespmem:s5+$0x8440];
	v7 =	vmul.f32 $8.000000000e+00, v7;
	[tilespmem:s15+$0x104D0] =	vst v1  }
0x7a: {  	v1 =	vmul.f32 $8.000000000e+00, v5;
	v5 =	vld [tilespmem:s5+$0x8450];
	[tilespmem:s15+$0x104E0] =	vst v0;
	s15 =	smov.u32 s5  }
0x7b: {  	v0 =	vmul.f32 $8.000000000e+00, v6;
	v6 =	vld [tilespmem:s15+$0x8460];
	[tilespmem:s15+$0x104F0] =	vst v7  }
0x7c: {  	[tilespmem:s15+$0x10400] =	vst v1;
	v1 =	vmul.f32 $8.000000000e+00, v2;
	v2 =	vld [tilespmem:s15+$0x8470]  }
0x7d: {  	[tilespmem:s15+$0x10410] =	vst v0;
	v0 =	vmul.f32 $8.000000000e+00, v3;
	v3 =	vld [tilespmem:s15+$0x8480]  }
0x7e: {  	[tilespmem:s15+$0x10420] =	vst v1;
	v1 =	vmul.f32 $8.000000000e+00, v4;
	v4 =	vld [tilespmem:s15+$0x8490]  }
.Ltmp1:
0x7f: {  	[tilespmem:s15+$0x10430] =	vst v0;
	v5 =	vmul.f32 $8.000000000e+00, v5;
	v0 =	vld [tilespmem:s15+$0x84A0];
	(pc) =	sbr.rel @p0 .LBB2_4-.Ltmp1, $4  }
0x80: {  	[tilespmem:s15+$0x10440] =	vst v1;
	v6 =	vmul.f32 $8.000000000e+00, v6;
	v1 =	vld [tilespmem:s15+$0x84B0]  }
0x81: {  	[tilespmem:s15+$0x10450] =	vst v5;
	v7 =	vmul.f32 $8.000000000e+00, v2;
	v2 =	vld [tilespmem:s15+$0x84C0]  }
0x82: {  	[tilespmem:s15+$0x10460] =	vst v6;
	v5 =	vmul.f32 $8.000000000e+00, v3;
	v3 =	vld [tilespmem:s15+$0x84D0]  }
0x83: {  	s5 =	sshra.s32 s16, $0x2;
	s16 =	sadd.s32 $0x400, s16;
	[tilespmem:s15+$0x10470] =	vst v7;
	v6 =	vmul.f32 $8.000000000e+00, v4;
	v4 =	vld [tilespmem:s15+$0x84E0]  }
0x84: {  	v7 =	vld [tilespmem:s5+$0x84F0];
	[tilespmem:s15+$0x10480] =	vst v5;
	v0 =	vmul.f32 $8.000000000e+00, v0  }
0x85: {  	v5 =	vld [tilespmem:s5+$0x8400];
	[tilespmem:s15+$0x10490] =	vst v6;
	v1 =	vmul.f32 $8.000000000e+00, v1  }
0x86: {  	v6 =	vld [tilespmem:s5+$0x8410];
	[tilespmem:s15+$0x104A0] =	vst v0;
	v2 =	vmul.f32 $8.000000000e+00, v2  }
0x87: {  	v0 =	vld [tilespmem:s5+$0x8420];
	[tilespmem:s15+$0x104B0] =	vst v1;
	v3 =	vmul.f32 $8.000000000e+00, v3  }
0x88: {  	v1 =	vld [tilespmem:s5+$0x8430];
	[tilespmem:s15+$0x104C0] =	vst v2;
	v4 =	vmul.f32 $8.000000000e+00, v4  }
0x89: {  	v2 =	vld [tilespmem:s5+$0x8440];
	[tilespmem:s15+$0x104D0] =	vst v3;
	v7 =	vmul.f32 $8.000000000e+00, v7  }
0x8a: {  	v3 =	vld [tilespmem:s5+$0x8450];
	[tilespmem:s15+$0x104E0] =	vst v4;
	v4 =	vmul.f32 $8.000000000e+00, v5  }
0x8b: {  	v5 =	vld [tilespmem:s5+$0x8460];
	[tilespmem:s5+$0x104F0] =	vst v7;
	v6 =	vmul.f32 $8.000000000e+00, v6  }
0x8c: {  	[tilespmem:s5+$0x10400] =	vst v4;
	v4 =	vld [tilespmem:s5+$0x8470];
	v0 =	vmul.f32 $8.000000000e+00, v0  }
0x8d: {  	[tilespmem:s5+$0x10410] =	vst v6;
	v6 =	vld [tilespmem:s5+$0x8480];
	v1 =	vmul.f32 $8.000000000e+00, v1  }
0x8e: {  	[tilespmem:s5+$0x10420] =	vst v0;
	v0 =	vld [tilespmem:s5+$0x8490];
	v2 =	vmul.f32 $8.000000000e+00, v2  }
0x8f: {  	[tilespmem:s5+$0x10430] =	vst v1;
	v1 =	vld [tilespmem:s5+$0x84A0];
	v3 =	vmul.f32 $8.000000000e+00, v3  }
0x90: {  	[tilespmem:s5+$0x10440] =	vst v2;
	v2 =	vld [tilespmem:s5+$0x84B0];
	v5 =	vmul.f32 $8.000000000e+00, v5  }
0x91: {  	[tilespmem:s5+$0x10450] =	vst v3;
	v3 =	vld [tilespmem:s5+$0x84C0];
	v4 =	vmul.f32 $8.000000000e+00, v4  }
0x92: {  	[tilespmem:s5+$0x10460] =	vst v5;
	v5 =	vld [tilespmem:s5+$0x84D0];
	v6 =	vmul.f32 $8.000000000e+00, v6  }
0x93: {  	[tilespmem:s5+$0x10470] =	vst v4;
	v0 =	vmul.f32 $8.000000000e+00, v0;
	v4 =	vld [tilespmem:s5+$0x84E0]  }
0x94: {  	[tilespmem:s5+$0x10480] =	vst v6;
	v1 =	vmul.f32 $8.000000000e+00, v1  }
0x95: {  	[tilespmem:s5+$0x10490] =	vst v0;
	v0 =	vmul.f32 $8.000000000e+00, v2  }
0x96: {  	[tilespmem:s5+$0x104A0] =	vst v1;
	v1 =	vmul.f32 $8.000000000e+00, v3  }
0x97: {  	[tilespmem:s5+$0x104B0] =	vst v0;
	v0 =	vmul.f32 $8.000000000e+00, v5  }
0x98: {  	[tilespmem:s5+$0x104C0] =	vst v1;
	v1 =	vmul.f32 $8.000000000e+00, v4  }
0x99: {  	[tilespmem:s5+$0x104D0] =	vst v0  }
0x9a: {  	s17 =	simm.s32 $0x0;
	s18 =	rddreg [dreg:$0x5];
	[tilespmem:s5+$0x104E0] =	vst v1  }
0x9b: {  	[hbm4b:s18+s17] =	stream.linear.scatter [tilespmem:s1], [sflag:$0x6], $0x2000, $0x38;
	[tilespmem:$0x16400] =	vst v63  }
0x9c: {  	s19 =	simm.s32 $0x280  }
0x9d: {  	[tilespmem:s22], [sflag:$0x2] =	stream.indirect.gather [hbm4b:s4+s20], $0x40, s19, s20, $0xb8;
	[tilespmem:$0x16400] =	vst v63  }
0x9e: {  	_ =	swait.ge [sflag:s23], $0x2000  }
0x9f: {  	[sflag:s23] =	ssyncset.done $0x0  }
0xa0: {  	s15 =	simm.s32 $0x0;
	[sflag:s23] =	ssyncadd.s32 $0xFFFFE000  }
0xa1: {  	v0 =	vld [tilespmem:s15+$0xA4F0]  }
0xa2: {  	v1 =	vld [tilespmem:s15+$0xA400]  }
0xa3: {  	v2 =	vld [tilespmem:s15+$0xA410]  }
0xa4: {  	v3 =	vld [tilespmem:s15+$0xA420]  }
0xa5: {  	v6 =	vld [tilespmem:s15+$0xA450]  }
0xa6: {  	v4 =	vld [tilespmem:s15+$0xA430];
	v0 =	vmul.f32 $8.000000000e+00, v0  }
0xa7: {  	v5 =	vld [tilespmem:s15+$0xA440];
	v1 =	vmul.f32 $8.000000000e+00, v1  }
0xa8: {  	v7 =	vld [tilespmem:s15+$0xA460];
	[tilespmem:s15+$0x124F0] =	vst v0;
	v0 =	vmul.f32 $8.000000000e+00, v2  }
0xa9: {  	v8 =	vld [tilespmem:s15+$0xA470];
	[tilespmem:s15+$0x12400] =	vst v1;
	v1 =	vmul.f32 $8.000000000e+00, v3  }
0xaa: {  	v2 =	vmul.f32 $8.000000000e+00, v6;
	[tilespmem:s15+$0x12410] =	vst v0  }
0xab: {  	v9 =	vld [tilespmem:s15+$0xA480];
	v0 =	vmul.f32 $8.000000000e+00, v4;
	[tilespmem:s15+$0x12420] =	vst v1  }
0xac: {  	v4 =	vld [tilespmem:s15+$0xA490];
	v1 =	vmul.f32 $8.000000000e+00, v5;
	[tilespmem:s15+$0x12450] =	vst v2  }
0xad: {  	v3 =	vmul.f32 $8.000000000e+00, v7;
	[tilespmem:s15+$0x12430] =	vst v0;
	v0 =	vld [tilespmem:s15+$0xA4A0]  }
0xae: {  	v5 =	vmul.f32 $8.000000000e+00, v8;
	[tilespmem:s15+$0x12440] =	vst v1;
	v1 =	vld [tilespmem:s15+$0xA4B0]  }
0xaf: {  	v2 =	vld [tilespmem:s15+$0xA4C0];
	[tilespmem:s15+$0x12460] =	vst v3  }
0xb0: {  	v3 =	vld [tilespmem:s15+$0xA4D0];
	[tilespmem:s15+$0x12470] =	vst v5;
	v5 =	vmul.f32 $8.000000000e+00, v9  }
0xb1: {  	s16 =	simm.s32 $0x800;
	s5 =	simm.s32 $0x100;
	v6 =	vmul.f32 $8.000000000e+00, v4;
	v4 =	vld [tilespmem:s15+$0xA4E0]  }
.LBB2_6:
0xb2: {  	p0 =	sne.s32 s16, $0x7C00;
	v7 =	vld [tilespmem:s5+$0xA4F0];
	[tilespmem:s15+$0x12480] =	vst v5;
	v0 =	vmul.f32 $8.000000000e+00, v0  }
0xb3: {  	v5 =	vld [tilespmem:s5+$0xA400];
	[tilespmem:s15+$0x12490] =	vst v6;
	v1 =	vmul.f32 $8.000000000e+00, v1  }
0xb4: {  	v6 =	vld [tilespmem:s5+$0xA410];
	[tilespmem:s15+$0x124A0] =	vst v0;
	v0 =	vmul.f32 $8.000000000e+00, v2  }
0xb5: {  	v2 =	vld [tilespmem:s5+$0xA420];
	[tilespmem:s15+$0x124B0] =	vst v1;
	v1 =	vmul.f32 $8.000000000e+00, v3  }
0xb6: {  	v3 =	vld [tilespmem:s5+$0xA430];
	[tilespmem:s15+$0x124C0] =	vst v0;
	v0 =	vmul.f32 $8.000000000e+00, v4  }
0xb7: {  	v4 =	vld [tilespmem:s5+$0xA440];
	v7 =	vmul.f32 $8.000000000e+00, v7;
	[tilespmem:s15+$0x124D0] =	vst v1  }
0xb8: {  	v1 =	vmul.f32 $8.000000000e+00, v5;
	v5 =	vld [tilespmem:s5+$0xA450];
	[tilespmem:s15+$0x124E0] =	vst v0;
	s15 =	smov.u32 s5  }
0xb9: {  	v0 =	vmul.f32 $8.000000000e+00, v6;
	v6 =	vld [tilespmem:s15+$0xA460];
	[tilespmem:s15+$0x124F0] =	vst v7  }
0xba: {  	[tilespmem:s15+$0x12400] =	vst v1;
	v1 =	vmul.f32 $8.000000000e+00, v2;
	v2 =	vld [tilespmem:s15+$0xA470]  }
0xbb: {  	[tilespmem:s15+$0x12410] =	vst v0;
	v0 =	vmul.f32 $8.000000000e+00, v3;
	v3 =	vld [tilespmem:s15+$0xA480]  }
0xbc: {  	[tilespmem:s15+$0x12420] =	vst v1;
	v1 =	vmul.f32 $8.000000000e+00, v4;
	v4 =	vld [tilespmem:s15+$0xA490]  }
.Ltmp2:
0xbd: {  	[tilespmem:s15+$0x12430] =	vst v0;
	v5 =	vmul.f32 $8.000000000e+00, v5;
	v0 =	vld [tilespmem:s15+$0xA4A0];
	(pc) =	sbr.rel @p0 .LBB2_6-.Ltmp2, $4  }
0xbe: {  	[tilespmem:s15+$0x12440] =	vst v1;
	v6 =	vmul.f32 $8.000000000e+00, v6;
	v1 =	vld [tilespmem:s15+$0xA4B0]  }
0xbf: {  	[tilespmem:s15+$0x12450] =	vst v5;
	v7 =	vmul.f32 $8.000000000e+00, v2;
	v2 =	vld [tilespmem:s15+$0xA4C0]  }
0xc0: {  	[tilespmem:s15+$0x12460] =	vst v6;
	v5 =	vmul.f32 $8.000000000e+00, v3;
	v3 =	vld [tilespmem:s15+$0xA4D0]  }
0xc1: {  	s5 =	sshra.s32 s16, $0x2;
	s16 =	sadd.s32 $0x400, s16;
	[tilespmem:s15+$0x12470] =	vst v7;
	v6 =	vmul.f32 $8.000000000e+00, v4;
	v4 =	vld [tilespmem:s15+$0xA4E0]  }
0xc2: {  	v7 =	vld [tilespmem:s5+$0xA4F0];
	[tilespmem:s15+$0x12480] =	vst v5;
	v0 =	vmul.f32 $8.000000000e+00, v0  }
0xc3: {  	v5 =	vld [tilespmem:s5+$0xA400];
	[tilespmem:s15+$0x12490] =	vst v6;
	v1 =	vmul.f32 $8.000000000e+00, v1  }
0xc4: {  	v6 =	vld [tilespmem:s5+$0xA410];
	[tilespmem:s15+$0x124A0] =	vst v0;
	v2 =	vmul.f32 $8.000000000e+00, v2  }
0xc5: {  	v0 =	vld [tilespmem:s5+$0xA420];
	[tilespmem:s15+$0x124B0] =	vst v1;
	v3 =	vmul.f32 $8.000000000e+00, v3  }
0xc6: {  	v1 =	vld [tilespmem:s5+$0xA430];
	[tilespmem:s15+$0x124C0] =	vst v2;
	v4 =	vmul.f32 $8.000000000e+00, v4  }
0xc7: {  	v2 =	vld [tilespmem:s5+$0xA440];
	[tilespmem:s15+$0x124D0] =	vst v3;
	v7 =	vmul.f32 $8.000000000e+00, v7  }
0xc8: {  	v3 =	vld [tilespmem:s5+$0xA450];
	[tilespmem:s15+$0x124E0] =	vst v4;
	v4 =	vmul.f32 $8.000000000e+00, v5  }
0xc9: {  	v5 =	vld [tilespmem:s5+$0xA460];
	[tilespmem:s5+$0x124F0] =	vst v7;
	v6 =	vmul.f32 $8.000000000e+00, v6  }
0xca: {  	[tilespmem:s5+$0x12400] =	vst v4;
	v4 =	vld [tilespmem:s5+$0xA470];
	v0 =	vmul.f32 $8.000000000e+00, v0  }
0xcb: {  	[tilespmem:s5+$0x12410] =	vst v6;
	v6 =	vld [tilespmem:s5+$0xA480];
	v1 =	vmul.f32 $8.000000000e+00, v1  }
0xcc: {  	[tilespmem:s5+$0x12420] =	vst v0;
	v0 =	vld [tilespmem:s5+$0xA490];
	v2 =	vmul.f32 $8.000000000e+00, v2  }
0xcd: {  	[tilespmem:s5+$0x12430] =	vst v1;
	v1 =	vld [tilespmem:s5+$0xA4A0];
	v3 =	vmul.f32 $8.000000000e+00, v3  }
0xce: {  	[tilespmem:s5+$0x12440] =	vst v2;
	v2 =	vld [tilespmem:s5+$0xA4B0];
	v5 =	vmul.f32 $8.000000000e+00, v5  }
0xcf: {  	[tilespmem:s5+$0x12450] =	vst v3;
	v3 =	vld [tilespmem:s5+$0xA4C0];
	v4 =	vmul.f32 $8.000000000e+00, v4  }
0xd0: {  	[tilespmem:s5+$0x12460] =	vst v5;
	v5 =	vld [tilespmem:s5+$0xA4D0];
	v6 =	vmul.f32 $8.000000000e+00, v6  }
0xd1: {  	[tilespmem:s5+$0x12470] =	vst v4;
	v0 =	vmul.f32 $8.000000000e+00, v0;
	v4 =	vld [tilespmem:s5+$0xA4E0]  }
0xd2: {  	[tilespmem:s5+$0x12480] =	vst v6;
	v1 =	vmul.f32 $8.000000000e+00, v1  }
0xd3: {  	[tilespmem:s5+$0x12490] =	vst v0;
	v0 =	vmul.f32 $8.000000000e+00, v2  }
0xd4: {  	[tilespmem:s5+$0x124A0] =	vst v1;
	v1 =	vmul.f32 $8.000000000e+00, v3  }
0xd5: {  	[tilespmem:s5+$0x124B0] =	vst v0;
	v0 =	vmul.f32 $8.000000000e+00, v5  }
0xd6: {  	[tilespmem:s5+$0x124C0] =	vst v1;
	v1 =	vmul.f32 $8.000000000e+00, v4  }
0xd7: {  	[tilespmem:s5+$0x124D0] =	vst v0  }
0xd8: {  	s17 =	simm.s32 $0x0;
	s18 =	rddreg [dreg:$0x6];
	[tilespmem:s5+$0x124E0] =	vst v1  }
0xd9: {  	[hbm4b:s18+s17] =	stream.linear.scatter [tilespmem:s25], [sflag:$0x7], $0x2000, $0x38;
	[tilespmem:$0x16400] =	vst v63  }
0xda: {  	s19 =	simm.s32 $0x300  }
0xdb: {  	[tilespmem:s24], [sflag:$0x3] =	stream.indirect.gather [hbm4b:s4+s20], $0x40, s19, s20, $0xb8;
	[tilespmem:$0x16400] =	vst v63  }
0xdc: {  	_ =	swait.ge [sflag:s0], $0x2000  }
0xdd: {  	[sflag:s0] =	ssyncset.done $0x0  }
0xde: {  	s15 =	simm.s32 $0x0;
	[sflag:s0] =	ssyncadd.s32 $0xFFFFE000  }
0xdf: {  	v0 =	vld [tilespmem:s15+$0xC4F0]  }
0xe0: {  	v1 =	vld [tilespmem:s15+$0xC400]  }
0xe1: {  	v2 =	vld [tilespmem:s15+$0xC410]  }
0xe2: {  	v3 =	vld [tilespmem:s15+$0xC420]  }
0xe3: {  	v6 =	vld [tilespmem:s15+$0xC450]  }
0xe4: {  	v4 =	vld [tilespmem:s15+$0xC430];
	v0 =	vmul.f32 $8.000000000e+00, v0  }
0xe5: {  	v5 =	vld [tilespmem:s15+$0xC440];
	v1 =	vmul.f32 $8.000000000e+00, v1  }
0xe6: {  	v7 =	vld [tilespmem:s15+$0xC460];
	[tilespmem:s15+$0x144F0] =	vst v0;
	v0 =	vmul.f32 $8.000000000e+00, v2  }
0xe7: {  	v8 =	vld [tilespmem:s15+$0xC470];
	[tilespmem:s15+$0x14400] =	vst v1;
	v1 =	vmul.f32 $8.000000000e+00, v3  }
0xe8: {  	v2 =	vmul.f32 $8.000000000e+00, v6;
	[tilespmem:s15+$0x14410] =	vst v0  }
0xe9: {  	v9 =	vld [tilespmem:s15+$0xC480];
	v0 =	vmul.f32 $8.000000000e+00, v4;
	[tilespmem:s15+$0x14420] =	vst v1  }
0xea: {  	v4 =	vld [tilespmem:s15+$0xC490];
	v1 =	vmul.f32 $8.000000000e+00, v5;
	[tilespmem:s15+$0x14450] =	vst v2  }
0xeb: {  	v3 =	vmul.f32 $8.000000000e+00, v7;
	[tilespmem:s15+$0x14430] =	vst v0;
	v0 =	vld [tilespmem:s15+$0xC4A0]  }
0xec: {  	v5 =	vmul.f32 $8.000000000e+00, v8;
	[tilespmem:s15+$0x14440] =	vst v1;
	v1 =	vld [tilespmem:s15+$0xC4B0]  }
0xed: {  	v2 =	vld [tilespmem:s15+$0xC4C0];
	[tilespmem:s15+$0x14460] =	vst v3  }
0xee: {  	v3 =	vld [tilespmem:s15+$0xC4D0];
	[tilespmem:s15+$0x14470] =	vst v5;
	v5 =	vmul.f32 $8.000000000e+00, v9  }
0xef: {  	s16 =	simm.s32 $0x800;
	s5 =	simm.s32 $0x100;
	v6 =	vmul.f32 $8.000000000e+00, v4;
	v4 =	vld [tilespmem:s15+$0xC4E0]  }
.LBB2_8:
0xf0: {  	p0 =	sne.s32 s16, $0x7C00;
	v7 =	vld [tilespmem:s5+$0xC4F0];
	[tilespmem:s15+$0x14480] =	vst v5;
	v0 =	vmul.f32 $8.000000000e+00, v0  }
0xf1: {  	v5 =	vld [tilespmem:s5+$0xC400];
	[tilespmem:s15+$0x14490] =	vst v6;
	v1 =	vmul.f32 $8.000000000e+00, v1  }
0xf2: {  	v6 =	vld [tilespmem:s5+$0xC410];
	[tilespmem:s15+$0x144A0] =	vst v0;
	v0 =	vmul.f32 $8.000000000e+00, v2  }
0xf3: {  	v2 =	vld [tilespmem:s5+$0xC420];
	[tilespmem:s15+$0x144B0] =	vst v1;
	v1 =	vmul.f32 $8.000000000e+00, v3  }
0xf4: {  	v3 =	vld [tilespmem:s5+$0xC430];
	[tilespmem:s15+$0x144C0] =	vst v0;
	v0 =	vmul.f32 $8.000000000e+00, v4  }
0xf5: {  	v4 =	vld [tilespmem:s5+$0xC440];
	v7 =	vmul.f32 $8.000000000e+00, v7;
	[tilespmem:s15+$0x144D0] =	vst v1  }
0xf6: {  	v1 =	vmul.f32 $8.000000000e+00, v5;
	v5 =	vld [tilespmem:s5+$0xC450];
	[tilespmem:s15+$0x144E0] =	vst v0;
	s15 =	smov.u32 s5  }
0xf7: {  	v0 =	vmul.f32 $8.000000000e+00, v6;
	v6 =	vld [tilespmem:s15+$0xC460];
	[tilespmem:s15+$0x144F0] =	vst v7  }
0xf8: {  	[tilespmem:s15+$0x14400] =	vst v1;
	v1 =	vmul.f32 $8.000000000e+00, v2;
	v2 =	vld [tilespmem:s15+$0xC470]  }
0xf9: {  	[tilespmem:s15+$0x14410] =	vst v0;
	v0 =	vmul.f32 $8.000000000e+00, v3;
	v3 =	vld [tilespmem:s15+$0xC480]  }
0xfa: {  	[tilespmem:s15+$0x14420] =	vst v1;
	v1 =	vmul.f32 $8.000000000e+00, v4;
	v4 =	vld [tilespmem:s15+$0xC490]  }
.Ltmp3:
0xfb: {  	[tilespmem:s15+$0x14430] =	vst v0;
	v5 =	vmul.f32 $8.000000000e+00, v5;
	v0 =	vld [tilespmem:s15+$0xC4A0];
	(pc) =	sbr.rel @p0 .LBB2_8-.Ltmp3, $4  }
0xfc: {  	[tilespmem:s15+$0x14440] =	vst v1;
	v6 =	vmul.f32 $8.000000000e+00, v6;
	v1 =	vld [tilespmem:s15+$0xC4B0]  }
0xfd: {  	[tilespmem:s15+$0x14450] =	vst v5;
	v7 =	vmul.f32 $8.000000000e+00, v2;
	v2 =	vld [tilespmem:s15+$0xC4C0]  }
0xfe: {  	[tilespmem:s15+$0x14460] =	vst v6;
	v5 =	vmul.f32 $8.000000000e+00, v3;
	v3 =	vld [tilespmem:s15+$0xC4D0]  }
0xff: {  	s5 =	sshra.s32 s16, $0x2;
	s16 =	sadd.s32 $0x400, s16;
	[tilespmem:s15+$0x14470] =	vst v7;
	v6 =	vmul.f32 $8.000000000e+00, v4;
	v4 =	vld [tilespmem:s15+$0xC4E0]  }
0x100: {  	v7 =	vld [tilespmem:s5+$0xC4F0];
	[tilespmem:s15+$0x14480] =	vst v5;
	v0 =	vmul.f32 $8.000000000e+00, v0  }
0x101: {  	v5 =	vld [tilespmem:s5+$0xC400];
	[tilespmem:s15+$0x14490] =	vst v6;
	v1 =	vmul.f32 $8.000000000e+00, v1  }
0x102: {  	v6 =	vld [tilespmem:s5+$0xC410];
	[tilespmem:s15+$0x144A0] =	vst v0;
	v2 =	vmul.f32 $8.000000000e+00, v2  }
0x103: {  	v0 =	vld [tilespmem:s5+$0xC420];
	[tilespmem:s15+$0x144B0] =	vst v1;
	v3 =	vmul.f32 $8.000000000e+00, v3  }
0x104: {  	v1 =	vld [tilespmem:s5+$0xC430];
	[tilespmem:s15+$0x144C0] =	vst v2;
	v4 =	vmul.f32 $8.000000000e+00, v4  }
0x105: {  	v2 =	vld [tilespmem:s5+$0xC440];
	[tilespmem:s15+$0x144D0] =	vst v3;
	v7 =	vmul.f32 $8.000000000e+00, v7  }
0x106: {  	v3 =	vld [tilespmem:s5+$0xC450];
	[tilespmem:s15+$0x144E0] =	vst v4;
	v50 =	vmul.f32 $8.000000000e+00, v5  }
0x107: {  	v51 =	vld [tilespmem:s5+$0xC460];
	[tilespmem:s5+$0x144F0] =	vst v7;
	v6 =	vmul.f32 $8.000000000e+00, v6  }
0x108: {  	v52 =	vld [tilespmem:s5+$0xC470];
	[tilespmem:s5+$0x14400] =	vst v50;
	v0 =	vmul.f32 $8.000000000e+00, v0  }
0x109: {  	v53 =	vld [tilespmem:s5+$0xC480];
	[tilespmem:s5+$0x14410] =	vst v6;
	v1 =	vmul.f32 $8.000000000e+00, v1  }
0x10a: {  	v54 =	vld [tilespmem:s5+$0xC490];
	[tilespmem:s5+$0x14420] =	vst v0;
	v2 =	vmul.f32 $8.000000000e+00, v2  }
0x10b: {  	v55 =	vld [tilespmem:s5+$0xC4A0];
	[tilespmem:s5+$0x14430] =	vst v1;
	v3 =	vmul.f32 $8.000000000e+00, v3  }
0x10c: {  	v56 =	vld [tilespmem:s5+$0xC4B0];
	[tilespmem:s5+$0x14440] =	vst v2;
	v5 =	vmul.f32 $8.000000000e+00, v51  }
0x10d: {  	v57 =	vld [tilespmem:s5+$0xC4C0];
	v4 =	vmul.f32 $8.000000000e+00, v52;
	[tilespmem:s5+$0x14450] =	vst v3  }
0x10e: {  	v58 =	vld [tilespmem:s5+$0xC4D0];
	v6 =	vmul.f32 $8.000000000e+00, v53;
	[tilespmem:s5+$0x14460] =	vst v5  }
0x10f: {  	v59 =	vld [tilespmem:s5+$0xC4E0];
	v0 =	vmul.f32 $8.000000000e+00, v54;
	[tilespmem:s5+$0x14470] =	vst v4  }
0x110: {  	v1 =	vmul.f32 $8.000000000e+00, v55;
	[tilespmem:s5+$0x14480] =	vst v6  }
0x111: {  	v60 =	vmul.f32 $8.000000000e+00, v56;
	[tilespmem:s5+$0x14490] =	vst v0  }
0x112: {  	v61 =	vmul.f32 $8.000000000e+00, v57;
	[tilespmem:s5+$0x144A0] =	vst v1  }
0x113: {  	v62 =	vmul.f32 $8.000000000e+00, v58;
	[tilespmem:s5+$0x144B0] =	vst v60  }
0x114: {  	v63 =	vmul.f32 $8.000000000e+00, v59;
	[tilespmem:s5+$0x144C0] =	vst v61  }
0x115: {  	[tilespmem:s5+$0x144D0] =	vst v62  }
0x116: {  	s18 =	rddreg [dreg:$0x7];
	[tilespmem:s5+$0x144E0] =	vst v63  }
0x117: {  	[hbm4b:s18+s3] =	stream.linear.scatter [tilespmem:s30], [sflag:$0x8], $0x2000, $0x38;
	[tilespmem:$0x16400] =	vst v63  }
0x118: {  	s19 =	simm.s32 $0x380;
	s15 =	simm.s32 $0x1  }
0x119: {  	[tilespmem:s26], [sflag:$0x4] =	stream.indirect.gather [hbm4b:s4+s20], $0x40, s19, s20, $0xb8;
	[tilespmem:$0x16400] =	vst v63  }
.LBB2_10:
0x11a: {  	_ =	swait.ge [sflag:s28], $0x2000  }
0x11b: {  	[sflag:s28] =	ssyncset.done $0x0  }
0x11c: {  	[sflag:s28] =	ssyncadd.s32 $0xFFFFE000  }
0x11d: {  	_ =	swait.ge [sflag:s7], $0x2000  }
0x11e: {  	[sflag:s7] =	ssyncset.done $0x0  }
0x11f: {  	s16 =	simm.s32 $0x0;
	[sflag:s7] =	ssyncadd.s32 $0xFFFFE000  }
0x120: {  	v0 =	vld [tilespmem:s16+$0x64F0]  }
0x121: {  	v1 =	vld [tilespmem:s16+$0x6400]  }
0x122: {  	v2 =	vld [tilespmem:s16+$0x6410]  }
0x123: {  	v3 =	vld [tilespmem:s16+$0x6420]  }
0x124: {  	v6 =	vld [tilespmem:s16+$0x6450]  }
0x125: {  	v4 =	vld [tilespmem:s16+$0x6430];
	v0 =	vmul.f32 $8.000000000e+00, v0  }
0x126: {  	v5 =	vld [tilespmem:s16+$0x6440];
	v1 =	vmul.f32 $8.000000000e+00, v1  }
0x127: {  	v7 =	vld [tilespmem:s16+$0x6460];
	[tilespmem:s16+$0xE4F0] =	vst v0;
	v0 =	vmul.f32 $8.000000000e+00, v2  }
0x128: {  	v8 =	vld [tilespmem:s16+$0x6470];
	[tilespmem:s16+$0xE400] =	vst v1;
	v1 =	vmul.f32 $8.000000000e+00, v3  }
0x129: {  	v2 =	vmul.f32 $8.000000000e+00, v6;
	[tilespmem:s16+$0xE410] =	vst v0  }
0x12a: {  	v9 =	vld [tilespmem:s16+$0x6480];
	v0 =	vmul.f32 $8.000000000e+00, v4;
	[tilespmem:s16+$0xE420] =	vst v1  }
0x12b: {  	v4 =	vld [tilespmem:s16+$0x6490];
	v1 =	vmul.f32 $8.000000000e+00, v5;
	[tilespmem:s16+$0xE450] =	vst v2  }
0x12c: {  	v3 =	vmul.f32 $8.000000000e+00, v7;
	[tilespmem:s16+$0xE430] =	vst v0;
	v0 =	vld [tilespmem:s16+$0x64A0]  }
0x12d: {  	v5 =	vmul.f32 $8.000000000e+00, v8;
	[tilespmem:s16+$0xE440] =	vst v1;
	v1 =	vld [tilespmem:s16+$0x64B0]  }
0x12e: {  	v2 =	vld [tilespmem:s16+$0x64C0];
	[tilespmem:s16+$0xE460] =	vst v3  }
0x12f: {  	v3 =	vld [tilespmem:s16+$0x64D0];
	[tilespmem:s16+$0xE470] =	vst v5;
	v5 =	vmul.f32 $8.000000000e+00, v9  }
0x130: {  	s17 =	simm.s32 $0x100;
	s5 =	simm.s32 $0x800;
	v6 =	vmul.f32 $8.000000000e+00, v4;
	v4 =	vld [tilespmem:s16+$0x64E0]  }
.LBB2_11:
0x131: {  	p0 =	sne.s32 s5, $0x7C00;
	v7 =	vld [tilespmem:s17+$0x64F0];
	[tilespmem:s16+$0xE480] =	vst v5;
	v0 =	vmul.f32 $8.000000000e+00, v0  }
0x132: {  	v5 =	vld [tilespmem:s17+$0x6400];
	[tilespmem:s16+$0xE490] =	vst v6;
	v1 =	vmul.f32 $8.000000000e+00, v1  }
0x133: {  	v6 =	vld [tilespmem:s17+$0x6410];
	[tilespmem:s16+$0xE4A0] =	vst v0;
	v0 =	vmul.f32 $8.000000000e+00, v2  }
0x134: {  	v2 =	vld [tilespmem:s17+$0x6420];
	[tilespmem:s16+$0xE4B0] =	vst v1;
	v1 =	vmul.f32 $8.000000000e+00, v3  }
0x135: {  	v3 =	vld [tilespmem:s17+$0x6430];
	[tilespmem:s16+$0xE4C0] =	vst v0;
	v0 =	vmul.f32 $8.000000000e+00, v4  }
0x136: {  	v4 =	vld [tilespmem:s17+$0x6440];
	v7 =	vmul.f32 $8.000000000e+00, v7;
	[tilespmem:s16+$0xE4D0] =	vst v1  }
0x137: {  	v1 =	vmul.f32 $8.000000000e+00, v5;
	v5 =	vld [tilespmem:s17+$0x6450];
	[tilespmem:s16+$0xE4E0] =	vst v0;
	s16 =	smov.u32 s17  }
0x138: {  	v0 =	vmul.f32 $8.000000000e+00, v6;
	v6 =	vld [tilespmem:s16+$0x6460];
	[tilespmem:s16+$0xE4F0] =	vst v7  }
0x139: {  	[tilespmem:s16+$0xE400] =	vst v1;
	v1 =	vmul.f32 $8.000000000e+00, v2;
	v2 =	vld [tilespmem:s16+$0x6470]  }
0x13a: {  	[tilespmem:s16+$0xE410] =	vst v0;
	v0 =	vmul.f32 $8.000000000e+00, v3;
	v3 =	vld [tilespmem:s16+$0x6480]  }
0x13b: {  	[tilespmem:s16+$0xE420] =	vst v1;
	v1 =	vmul.f32 $8.000000000e+00, v4;
	v4 =	vld [tilespmem:s16+$0x6490]  }
.Ltmp4:
0x13c: {  	[tilespmem:s16+$0xE430] =	vst v0;
	v5 =	vmul.f32 $8.000000000e+00, v5;
	v0 =	vld [tilespmem:s16+$0x64A0];
	(pc) =	sbr.rel @p0 .LBB2_11-.Ltmp4, $4  }
0x13d: {  	[tilespmem:s16+$0xE440] =	vst v1;
	v6 =	vmul.f32 $8.000000000e+00, v6;
	v1 =	vld [tilespmem:s16+$0x64B0]  }
0x13e: {  	[tilespmem:s16+$0xE450] =	vst v5;
	v7 =	vmul.f32 $8.000000000e+00, v2;
	v2 =	vld [tilespmem:s16+$0x64C0]  }
0x13f: {  	[tilespmem:s16+$0xE460] =	vst v6;
	v5 =	vmul.f32 $8.000000000e+00, v3;
	v3 =	vld [tilespmem:s16+$0x64D0]  }
0x140: {  	s17 =	sshra.s32 s5, $0x2;
	s5 =	sadd.s32 $0x400, s5;
	[tilespmem:s16+$0xE470] =	vst v7;
	v6 =	vmul.f32 $8.000000000e+00, v4;
	v4 =	vld [tilespmem:s16+$0x64E0]  }
0x141: {  	v7 =	vld [tilespmem:s17+$0x64F0];
	[tilespmem:s16+$0xE480] =	vst v5;
	v0 =	vmul.f32 $8.000000000e+00, v0  }
0x142: {  	v5 =	vld [tilespmem:s17+$0x6400];
	[tilespmem:s16+$0xE490] =	vst v6;
	v1 =	vmul.f32 $8.000000000e+00, v1  }
0x143: {  	v6 =	vld [tilespmem:s17+$0x6410];
	[tilespmem:s16+$0xE4A0] =	vst v0;
	v2 =	vmul.f32 $8.000000000e+00, v2  }
0x144: {  	v0 =	vld [tilespmem:s17+$0x6420];
	[tilespmem:s16+$0xE4B0] =	vst v1;
	v3 =	vmul.f32 $8.000000000e+00, v3  }
0x145: {  	v1 =	vld [tilespmem:s17+$0x6430];
	[tilespmem:s16+$0xE4C0] =	vst v2;
	v4 =	vmul.f32 $8.000000000e+00, v4  }
0x146: {  	v2 =	vld [tilespmem:s17+$0x6440];
	[tilespmem:s16+$0xE4D0] =	vst v3;
	v7 =	vmul.f32 $8.000000000e+00, v7  }
0x147: {  	v3 =	vld [tilespmem:s17+$0x6450];
	[tilespmem:s16+$0xE4E0] =	vst v4;
	v4 =	vmul.f32 $8.000000000e+00, v5  }
0x148: {  	v5 =	vld [tilespmem:s17+$0x6460];
	[tilespmem:s17+$0xE4F0] =	vst v7;
	v6 =	vmul.f32 $8.000000000e+00, v6  }
0x149: {  	[tilespmem:s17+$0xE400] =	vst v4;
	v4 =	vld [tilespmem:s17+$0x6470];
	v0 =	vmul.f32 $8.000000000e+00, v0  }
0x14a: {  	[tilespmem:s17+$0xE410] =	vst v6;
	v6 =	vld [tilespmem:s17+$0x6480];
	v1 =	vmul.f32 $8.000000000e+00, v1  }
0x14b: {  	[tilespmem:s17+$0xE420] =	vst v0;
	v0 =	vld [tilespmem:s17+$0x6490];
	v2 =	vmul.f32 $8.000000000e+00, v2  }
0x14c: {  	[tilespmem:s17+$0xE430] =	vst v1;
	v1 =	vld [tilespmem:s17+$0x64A0];
	v3 =	vmul.f32 $8.000000000e+00, v3  }
0x14d: {  	[tilespmem:s17+$0xE440] =	vst v2;
	v2 =	vld [tilespmem:s17+$0x64B0];
	v5 =	vmul.f32 $8.000000000e+00, v5  }
0x14e: {  	[tilespmem:s17+$0xE450] =	vst v3;
	v3 =	vld [tilespmem:s17+$0x64C0];
	v4 =	vmul.f32 $8.000000000e+00, v4  }
0x14f: {  	[tilespmem:s17+$0xE460] =	vst v5;
	v5 =	vld [tilespmem:s17+$0x64D0];
	v6 =	vmul.f32 $8.000000000e+00, v6  }
0x150: {  	[tilespmem:s17+$0xE470] =	vst v4;
	v0 =	vmul.f32 $8.000000000e+00, v0;
	v4 =	vld [tilespmem:s17+$0x64E0]  }
0x151: {  	[tilespmem:s17+$0xE480] =	vst v6;
	v1 =	vmul.f32 $8.000000000e+00, v1  }
0x152: {  	[tilespmem:s17+$0xE490] =	vst v0;
	v0 =	vmul.f32 $8.000000000e+00, v2  }
0x153: {  	[tilespmem:s17+$0xE4A0] =	vst v1;
	v1 =	vmul.f32 $8.000000000e+00, v3  }
0x154: {  	s5 =	sshll.u32 s15, $0xF;
	[tilespmem:s17+$0xE4B0] =	vst v0;
	v0 =	vmul.f32 $8.000000000e+00, v5  }
0x155: {  	s5 =	sadd.s32 s6, s5;
	[tilespmem:s17+$0xE4C0] =	vst v1;
	v1 =	vmul.f32 $8.000000000e+00, v4  }
0x156: {  	s5 =	sshrl.u32 s5, $0x3;
	[tilespmem:s17+$0xE4D0] =	vst v0  }
0x157: {  	s18 =	simm.s32 $0x0;
	s5 =	sadd.s32 s2, s5;
	[tilespmem:s17+$0xE4E0] =	vst v1;
	s17 =	sshll.u32 s15, $0x9  }
0x158: {  	[hbm4b:s5+s18] =	stream.linear.scatter [tilespmem:s29], [sflag:$0x5], $0x2000, $0x38;
	[tilespmem:$0x16400] =	vst v63  }
0x159: {  	s16 =	sand.u32 $0x3FFFFE00, s17  }
0x15a: {  	s19 =	sadd.s32 $0x200, s16  }
0x15b: {  	[tilespmem:s21], [sflag:$0x1] =	stream.indirect.gather [hbm4b:s4+s20], $0x40, s19, s20, $0xb8;
	[tilespmem:$0x16400] =	vst v63  }
0x15c: {  	_ =	swait.ge [sflag:s31], $0x2000  }
0x15d: {  	[sflag:s31] =	ssyncset.done $0x0  }
0x15e: {  	[sflag:s31] =	ssyncadd.s32 $0xFFFFE000  }
0x15f: {  	_ =	swait.ge [sflag:s8], $0x2000  }
0x160: {  	[sflag:s8] =	ssyncset.done $0x0  }
0x161: {  	s18 =	simm.s32 $0x0;
	[sflag:s8] =	ssyncadd.s32 $0xFFFFE000  }
0x162: {  	v0 =	vld [tilespmem:s18+$0x84F0]  }
0x163: {  	v1 =	vld [tilespmem:s18+$0x8400]  }
0x164: {  	v2 =	vld [tilespmem:s18+$0x8410]  }
0x165: {  	v3 =	vld [tilespmem:s18+$0x8420]  }
0x166: {  	v6 =	vld [tilespmem:s18+$0x8450]  }
0x167: {  	v4 =	vld [tilespmem:s18+$0x8430];
	v0 =	vmul.f32 $8.000000000e+00, v0  }
0x168: {  	v5 =	vld [tilespmem:s18+$0x8440];
	v1 =	vmul.f32 $8.000000000e+00, v1  }
0x169: {  	v7 =	vld [tilespmem:s18+$0x8460];
	[tilespmem:s18+$0x104F0] =	vst v0;
	v0 =	vmul.f32 $8.000000000e+00, v2  }
0x16a: {  	v8 =	vld [tilespmem:s18+$0x8470];
	[tilespmem:s18+$0x10400] =	vst v1;
	v1 =	vmul.f32 $8.000000000e+00, v3  }
0x16b: {  	v2 =	vmul.f32 $8.000000000e+00, v6;
	[tilespmem:s18+$0x10410] =	vst v0  }
0x16c: {  	v9 =	vld [tilespmem:s18+$0x8480];
	v0 =	vmul.f32 $8.000000000e+00, v4;
	[tilespmem:s18+$0x10420] =	vst v1  }
0x16d: {  	v4 =	vld [tilespmem:s18+$0x8490];
	v1 =	vmul.f32 $8.000000000e+00, v5;
	[tilespmem:s18+$0x10450] =	vst v2  }
0x16e: {  	v3 =	vmul.f32 $8.000000000e+00, v7;
	[tilespmem:s18+$0x10430] =	vst v0;
	v0 =	vld [tilespmem:s18+$0x84A0]  }
0x16f: {  	v5 =	vmul.f32 $8.000000000e+00, v8;
	[tilespmem:s18+$0x10440] =	vst v1;
	v1 =	vld [tilespmem:s18+$0x84B0]  }
0x170: {  	v2 =	vld [tilespmem:s18+$0x84C0];
	[tilespmem:s18+$0x10460] =	vst v3  }
0x171: {  	v3 =	vld [tilespmem:s18+$0x84D0];
	[tilespmem:s18+$0x10470] =	vst v5;
	v5 =	vmul.f32 $8.000000000e+00, v9  }
0x172: {  	s5 =	simm.s32 $0x100;
	s19 =	simm.s32 $0x800;
	v6 =	vmul.f32 $8.000000000e+00, v4;
	v4 =	vld [tilespmem:s18+$0x84E0]  }
.LBB2_13:
0x173: {  	p0 =	sne.s32 s19, $0x7C00;
	v7 =	vld [tilespmem:s5+$0x84F0];
	[tilespmem:s18+$0x10480] =	vst v5;
	v0 =	vmul.f32 $8.000000000e+00, v0  }
0x174: {  	v5 =	vld [tilespmem:s5+$0x8400];
	[tilespmem:s18+$0x10490] =	vst v6;
	v1 =	vmul.f32 $8.000000000e+00, v1  }
0x175: {  	v6 =	vld [tilespmem:s5+$0x8410];
	[tilespmem:s18+$0x104A0] =	vst v0;
	v0 =	vmul.f32 $8.000000000e+00, v2  }
0x176: {  	v2 =	vld [tilespmem:s5+$0x8420];
	[tilespmem:s18+$0x104B0] =	vst v1;
	v1 =	vmul.f32 $8.000000000e+00, v3  }
0x177: {  	v3 =	vld [tilespmem:s5+$0x8430];
	[tilespmem:s18+$0x104C0] =	vst v0;
	v0 =	vmul.f32 $8.000000000e+00, v4  }
0x178: {  	v4 =	vld [tilespmem:s5+$0x8440];
	v7 =	vmul.f32 $8.000000000e+00, v7;
	[tilespmem:s18+$0x104D0] =	vst v1  }
0x179: {  	v1 =	vmul.f32 $8.000000000e+00, v5;
	v5 =	vld [tilespmem:s5+$0x8450];
	[tilespmem:s18+$0x104E0] =	vst v0;
	s18 =	smov.u32 s5  }
0x17a: {  	v0 =	vmul.f32 $8.000000000e+00, v6;
	v6 =	vld [tilespmem:s18+$0x8460];
	[tilespmem:s18+$0x104F0] =	vst v7  }
0x17b: {  	[tilespmem:s18+$0x10400] =	vst v1;
	v1 =	vmul.f32 $8.000000000e+00, v2;
	v2 =	vld [tilespmem:s18+$0x8470]  }
0x17c: {  	[tilespmem:s18+$0x10410] =	vst v0;
	v0 =	vmul.f32 $8.000000000e+00, v3;
	v3 =	vld [tilespmem:s18+$0x8480]  }
0x17d: {  	[tilespmem:s18+$0x10420] =	vst v1;
	v1 =	vmul.f32 $8.000000000e+00, v4;
	v4 =	vld [tilespmem:s18+$0x8490]  }
.Ltmp5:
0x17e: {  	[tilespmem:s18+$0x10430] =	vst v0;
	v5 =	vmul.f32 $8.000000000e+00, v5;
	v0 =	vld [tilespmem:s18+$0x84A0];
	(pc) =	sbr.rel @p0 .LBB2_13-.Ltmp5, $4  }
0x17f: {  	[tilespmem:s18+$0x10440] =	vst v1;
	v6 =	vmul.f32 $8.000000000e+00, v6;
	v1 =	vld [tilespmem:s18+$0x84B0]  }
0x180: {  	[tilespmem:s18+$0x10450] =	vst v5;
	v7 =	vmul.f32 $8.000000000e+00, v2;
	v2 =	vld [tilespmem:s18+$0x84C0]  }
0x181: {  	[tilespmem:s18+$0x10460] =	vst v6;
	v5 =	vmul.f32 $8.000000000e+00, v3;
	v3 =	vld [tilespmem:s18+$0x84D0]  }
0x182: {  	s5 =	sshra.s32 s19, $0x2;
	s19 =	sadd.s32 $0x400, s19;
	[tilespmem:s18+$0x10470] =	vst v7;
	v6 =	vmul.f32 $8.000000000e+00, v4;
	v4 =	vld [tilespmem:s18+$0x84E0]  }
0x183: {  	v7 =	vld [tilespmem:s5+$0x84F0];
	[tilespmem:s18+$0x10480] =	vst v5;
	v0 =	vmul.f32 $8.000000000e+00, v0  }
0x184: {  	v5 =	vld [tilespmem:s5+$0x8400];
	[tilespmem:s18+$0x10490] =	vst v6;
	v1 =	vmul.f32 $8.000000000e+00, v1  }
0x185: {  	v6 =	vld [tilespmem:s5+$0x8410];
	[tilespmem:s18+$0x104A0] =	vst v0;
	v2 =	vmul.f32 $8.000000000e+00, v2  }
0x186: {  	v0 =	vld [tilespmem:s5+$0x8420];
	[tilespmem:s18+$0x104B0] =	vst v1;
	v3 =	vmul.f32 $8.000000000e+00, v3  }
0x187: {  	v1 =	vld [tilespmem:s5+$0x8430];
	[tilespmem:s18+$0x104C0] =	vst v2;
	v4 =	vmul.f32 $8.000000000e+00, v4  }
0x188: {  	v2 =	vld [tilespmem:s5+$0x8440];
	[tilespmem:s18+$0x104D0] =	vst v3;
	v7 =	vmul.f32 $8.000000000e+00, v7  }
0x189: {  	v3 =	vld [tilespmem:s5+$0x8450];
	[tilespmem:s18+$0x104E0] =	vst v4;
	v4 =	vmul.f32 $8.000000000e+00, v5  }
0x18a: {  	v5 =	vld [tilespmem:s5+$0x8460];
	[tilespmem:s5+$0x104F0] =	vst v7;
	v6 =	vmul.f32 $8.000000000e+00, v6  }
0x18b: {  	[tilespmem:s5+$0x10400] =	vst v4;
	v4 =	vld [tilespmem:s5+$0x8470];
	v0 =	vmul.f32 $8.000000000e+00, v0  }
0x18c: {  	[tilespmem:s5+$0x10410] =	vst v6;
	v6 =	vld [tilespmem:s5+$0x8480];
	v1 =	vmul.f32 $8.000000000e+00, v1  }
0x18d: {  	[tilespmem:s5+$0x10420] =	vst v0;
	v0 =	vld [tilespmem:s5+$0x8490];
	v2 =	vmul.f32 $8.000000000e+00, v2  }
0x18e: {  	[tilespmem:s5+$0x10430] =	vst v1;
	v1 =	vld [tilespmem:s5+$0x84A0];
	v3 =	vmul.f32 $8.000000000e+00, v3  }
0x18f: {  	[tilespmem:s5+$0x10440] =	vst v2;
	v2 =	vld [tilespmem:s5+$0x84B0];
	v5 =	vmul.f32 $8.000000000e+00, v5  }
0x190: {  	[tilespmem:s5+$0x10450] =	vst v3;
	v3 =	vld [tilespmem:s5+$0x84C0];
	v4 =	vmul.f32 $8.000000000e+00, v4  }
0x191: {  	[tilespmem:s5+$0x10460] =	vst v5;
	v5 =	vld [tilespmem:s5+$0x84D0];
	v6 =	vmul.f32 $8.000000000e+00, v6  }
0x192: {  	[tilespmem:s5+$0x10470] =	vst v4;
	v0 =	vmul.f32 $8.000000000e+00, v0;
	v4 =	vld [tilespmem:s5+$0x84E0]  }
0x193: {  	[tilespmem:s5+$0x10480] =	vst v6;
	v1 =	vmul.f32 $8.000000000e+00, v1  }
0x194: {  	[tilespmem:s5+$0x10490] =	vst v0;
	v0 =	vmul.f32 $8.000000000e+00, v2  }
0x195: {  	[tilespmem:s5+$0x104A0] =	vst v1;
	v1 =	vmul.f32 $8.000000000e+00, v3  }
0x196: {  	s19 =	sadd.s32 s17, s11;
	[tilespmem:s5+$0x104B0] =	vst v0;
	v0 =	vmul.f32 $8.000000000e+00, v5  }
0x197: {  	s18 =	sshll.u32 s19, $0x3;
	[tilespmem:s5+$0x104C0] =	vst v1;
	v1 =	vmul.f32 $8.000000000e+00, v4  }
0x198: {  	s18 =	sand.u32 $0x1FFFF400, s18;
	[tilespmem:s5+$0x104D0] =	vst v0  }
0x199: {  	s19 =	simm.s32 $0x0;
	s18 =	sadd.s32 s2, s18;
	[tilespmem:s5+$0x104E0] =	vst v1  }
0x19a: {  	[hbm4b:s18+s19] =	stream.linear.scatter [tilespmem:s1], [sflag:$0x6], $0x2000, $0x38;
	[tilespmem:$0x16400] =	vst v63  }
0x19b: {  	s19 =	sadd.s32 $0x280, s16  }
0x19c: {  	[tilespmem:s22], [sflag:$0x2] =	stream.indirect.gather [hbm4b:s4+s20], $0x40, s19, s20, $0xb8;
	[tilespmem:$0x16400] =	vst v63  }
0x19d: {  	_ =	swait.ge [sflag:s23], $0x2000  }
0x19e: {  	[sflag:s23] =	ssyncset.done $0x0  }
0x19f: {  	[sflag:s23] =	ssyncadd.s32 $0xFFFFE000  }
0x1a0: {  	_ =	swait.ge [sflag:s9], $0x2000  }
0x1a1: {  	[sflag:s9] =	ssyncset.done $0x0  }
0x1a2: {  	s18 =	simm.s32 $0x0;
	[sflag:s9] =	ssyncadd.s32 $0xFFFFE000  }
0x1a3: {  	v0 =	vld [tilespmem:s18+$0xA4F0]  }
0x1a4: {  	v1 =	vld [tilespmem:s18+$0xA400]  }
0x1a5: {  	v2 =	vld [tilespmem:s18+$0xA410]  }
0x1a6: {  	v3 =	vld [tilespmem:s18+$0xA420]  }
0x1a7: {  	v6 =	vld [tilespmem:s18+$0xA450]  }
0x1a8: {  	v4 =	vld [tilespmem:s18+$0xA430];
	v0 =	vmul.f32 $8.000000000e+00, v0  }
0x1a9: {  	v5 =	vld [tilespmem:s18+$0xA440];
	v1 =	vmul.f32 $8.000000000e+00, v1  }
0x1aa: {  	v7 =	vld [tilespmem:s18+$0xA460];
	[tilespmem:s18+$0x124F0] =	vst v0;
	v0 =	vmul.f32 $8.000000000e+00, v2  }
0x1ab: {  	v8 =	vld [tilespmem:s18+$0xA470];
	[tilespmem:s18+$0x12400] =	vst v1;
	v1 =	vmul.f32 $8.000000000e+00, v3  }
0x1ac: {  	v2 =	vmul.f32 $8.000000000e+00, v6;
	[tilespmem:s18+$0x12410] =	vst v0  }
0x1ad: {  	v9 =	vld [tilespmem:s18+$0xA480];
	v0 =	vmul.f32 $8.000000000e+00, v4;
	[tilespmem:s18+$0x12420] =	vst v1  }
0x1ae: {  	v4 =	vld [tilespmem:s18+$0xA490];
	v1 =	vmul.f32 $8.000000000e+00, v5;
	[tilespmem:s18+$0x12450] =	vst v2  }
0x1af: {  	v3 =	vmul.f32 $8.000000000e+00, v7;
	[tilespmem:s18+$0x12430] =	vst v0;
	v0 =	vld [tilespmem:s18+$0xA4A0]  }
0x1b0: {  	v5 =	vmul.f32 $8.000000000e+00, v8;
	[tilespmem:s18+$0x12440] =	vst v1;
	v1 =	vld [tilespmem:s18+$0xA4B0]  }
0x1b1: {  	v2 =	vld [tilespmem:s18+$0xA4C0];
	[tilespmem:s18+$0x12460] =	vst v3  }
0x1b2: {  	v3 =	vld [tilespmem:s18+$0xA4D0];
	[tilespmem:s18+$0x12470] =	vst v5;
	v5 =	vmul.f32 $8.000000000e+00, v9  }
0x1b3: {  	s5 =	simm.s32 $0x100;
	s19 =	simm.s32 $0x800;
	v6 =	vmul.f32 $8.000000000e+00, v4;
	v4 =	vld [tilespmem:s18+$0xA4E0]  }
.LBB2_15:
0x1b4: {  	p0 =	sne.s32 s19, $0x7C00;
	v7 =	vld [tilespmem:s5+$0xA4F0];
	[tilespmem:s18+$0x12480] =	vst v5;
	v0 =	vmul.f32 $8.000000000e+00, v0  }
0x1b5: {  	v5 =	vld [tilespmem:s5+$0xA400];
	[tilespmem:s18+$0x12490] =	vst v6;
	v1 =	vmul.f32 $8.000000000e+00, v1  }
0x1b6: {  	v6 =	vld [tilespmem:s5+$0xA410];
	[tilespmem:s18+$0x124A0] =	vst v0;
	v0 =	vmul.f32 $8.000000000e+00, v2  }
0x1b7: {  	v2 =	vld [tilespmem:s5+$0xA420];
	[tilespmem:s18+$0x124B0] =	vst v1;
	v1 =	vmul.f32 $8.000000000e+00, v3  }
0x1b8: {  	v3 =	vld [tilespmem:s5+$0xA430];
	[tilespmem:s18+$0x124C0] =	vst v0;
	v0 =	vmul.f32 $8.000000000e+00, v4  }
0x1b9: {  	v4 =	vld [tilespmem:s5+$0xA440];
	v7 =	vmul.f32 $8.000000000e+00, v7;
	[tilespmem:s18+$0x124D0] =	vst v1  }
0x1ba: {  	v1 =	vmul.f32 $8.000000000e+00, v5;
	v5 =	vld [tilespmem:s5+$0xA450];
	[tilespmem:s18+$0x124E0] =	vst v0;
	s18 =	smov.u32 s5  }
0x1bb: {  	v0 =	vmul.f32 $8.000000000e+00, v6;
	v6 =	vld [tilespmem:s18+$0xA460];
	[tilespmem:s18+$0x124F0] =	vst v7  }
0x1bc: {  	[tilespmem:s18+$0x12400] =	vst v1;
	v1 =	vmul.f32 $8.000000000e+00, v2;
	v2 =	vld [tilespmem:s18+$0xA470]  }
0x1bd: {  	[tilespmem:s18+$0x12410] =	vst v0;
	v0 =	vmul.f32 $8.000000000e+00, v3;
	v3 =	vld [tilespmem:s18+$0xA480]  }
0x1be: {  	[tilespmem:s18+$0x12420] =	vst v1;
	v1 =	vmul.f32 $8.000000000e+00, v4;
	v4 =	vld [tilespmem:s18+$0xA490]  }
.Ltmp6:
0x1bf: {  	[tilespmem:s18+$0x12430] =	vst v0;
	v5 =	vmul.f32 $8.000000000e+00, v5;
	v0 =	vld [tilespmem:s18+$0xA4A0];
	(pc) =	sbr.rel @p0 .LBB2_15-.Ltmp6, $4  }
0x1c0: {  	[tilespmem:s18+$0x12440] =	vst v1;
	v6 =	vmul.f32 $8.000000000e+00, v6;
	v1 =	vld [tilespmem:s18+$0xA4B0]  }
0x1c1: {  	[tilespmem:s18+$0x12450] =	vst v5;
	v7 =	vmul.f32 $8.000000000e+00, v2;
	v2 =	vld [tilespmem:s18+$0xA4C0]  }
0x1c2: {  	[tilespmem:s18+$0x12460] =	vst v6;
	v5 =	vmul.f32 $8.000000000e+00, v3;
	v3 =	vld [tilespmem:s18+$0xA4D0]  }
0x1c3: {  	s5 =	sshra.s32 s19, $0x2;
	s19 =	sadd.s32 $0x400, s19;
	[tilespmem:s18+$0x12470] =	vst v7;
	v6 =	vmul.f32 $8.000000000e+00, v4;
	v4 =	vld [tilespmem:s18+$0xA4E0]  }
0x1c4: {  	v7 =	vld [tilespmem:s5+$0xA4F0];
	[tilespmem:s18+$0x12480] =	vst v5;
	v0 =	vmul.f32 $8.000000000e+00, v0  }
0x1c5: {  	v5 =	vld [tilespmem:s5+$0xA400];
	[tilespmem:s18+$0x12490] =	vst v6;
	v1 =	vmul.f32 $8.000000000e+00, v1  }
0x1c6: {  	v6 =	vld [tilespmem:s5+$0xA410];
	[tilespmem:s18+$0x124A0] =	vst v0;
	v2 =	vmul.f32 $8.000000000e+00, v2  }
0x1c7: {  	v0 =	vld [tilespmem:s5+$0xA420];
	[tilespmem:s18+$0x124B0] =	vst v1;
	v3 =	vmul.f32 $8.000000000e+00, v3  }
0x1c8: {  	v1 =	vld [tilespmem:s5+$0xA430];
	[tilespmem:s18+$0x124C0] =	vst v2;
	v4 =	vmul.f32 $8.000000000e+00, v4  }
0x1c9: {  	v2 =	vld [tilespmem:s5+$0xA440];
	[tilespmem:s18+$0x124D0] =	vst v3;
	v7 =	vmul.f32 $8.000000000e+00, v7  }
0x1ca: {  	v3 =	vld [tilespmem:s5+$0xA450];
	[tilespmem:s18+$0x124E0] =	vst v4;
	v4 =	vmul.f32 $8.000000000e+00, v5  }
0x1cb: {  	v5 =	vld [tilespmem:s5+$0xA460];
	[tilespmem:s5+$0x124F0] =	vst v7;
	v6 =	vmul.f32 $8.000000000e+00, v6  }
0x1cc: {  	[tilespmem:s5+$0x12400] =	vst v4;
	v4 =	vld [tilespmem:s5+$0xA470];
	v0 =	vmul.f32 $8.000000000e+00, v0  }
0x1cd: {  	[tilespmem:s5+$0x12410] =	vst v6;
	v6 =	vld [tilespmem:s5+$0xA480];
	v1 =	vmul.f32 $8.000000000e+00, v1  }
0x1ce: {  	[tilespmem:s5+$0x12420] =	vst v0;
	v0 =	vld [tilespmem:s5+$0xA490];
	v2 =	vmul.f32 $8.000000000e+00, v2  }
0x1cf: {  	[tilespmem:s5+$0x12430] =	vst v1;
	v1 =	vld [tilespmem:s5+$0xA4A0];
	v3 =	vmul.f32 $8.000000000e+00, v3  }
0x1d0: {  	[tilespmem:s5+$0x12440] =	vst v2;
	v2 =	vld [tilespmem:s5+$0xA4B0];
	v5 =	vmul.f32 $8.000000000e+00, v5  }
0x1d1: {  	[tilespmem:s5+$0x12450] =	vst v3;
	v3 =	vld [tilespmem:s5+$0xA4C0];
	v4 =	vmul.f32 $8.000000000e+00, v4  }
0x1d2: {  	[tilespmem:s5+$0x12460] =	vst v5;
	v5 =	vld [tilespmem:s5+$0xA4D0];
	v6 =	vmul.f32 $8.000000000e+00, v6  }
0x1d3: {  	[tilespmem:s5+$0x12470] =	vst v4;
	v0 =	vmul.f32 $8.000000000e+00, v0;
	v4 =	vld [tilespmem:s5+$0xA4E0]  }
0x1d4: {  	[tilespmem:s5+$0x12480] =	vst v6;
	v1 =	vmul.f32 $8.000000000e+00, v1  }
0x1d5: {  	[tilespmem:s5+$0x12490] =	vst v0;
	v0 =	vmul.f32 $8.000000000e+00, v2  }
0x1d6: {  	[tilespmem:s5+$0x124A0] =	vst v1;
	v1 =	vmul.f32 $8.000000000e+00, v3  }
0x1d7: {  	s19 =	sadd.s32 s17, s12;
	[tilespmem:s5+$0x124B0] =	vst v0;
	v0 =	vmul.f32 $8.000000000e+00, v5  }
0x1d8: {  	s18 =	sshll.u32 s19, $0x3;
	[tilespmem:s5+$0x124C0] =	vst v1;
	v1 =	vmul.f32 $8.000000000e+00, v4  }
0x1d9: {  	s18 =	sand.u32 $0x1FFFF800, s18;
	[tilespmem:s5+$0x124D0] =	vst v0  }
0x1da: {  	s19 =	simm.s32 $0x0;
	s18 =	sadd.s32 s2, s18;
	[tilespmem:s5+$0x124E0] =	vst v1  }
0x1db: {  	[hbm4b:s18+s19] =	stream.linear.scatter [tilespmem:s25], [sflag:$0x7], $0x2000, $0x38;
	[tilespmem:$0x16400] =	vst v63  }
0x1dc: {  	s19 =	sadd.s32 $0x300, s16  }
0x1dd: {  	[tilespmem:s24], [sflag:$0x3] =	stream.indirect.gather [hbm4b:s4+s20], $0x40, s19, s20, $0xb8;
	[tilespmem:$0x16400] =	vst v63  }
0x1de: {  	_ =	swait.ge [sflag:s0], $0x2000  }
0x1df: {  	[sflag:s0] =	ssyncset.done $0x0  }
0x1e0: {  	[sflag:s0] =	ssyncadd.s32 $0xFFFFE000  }
0x1e1: {  	_ =	swait.ge [sflag:s10], $0x2000  }
0x1e2: {  	[sflag:s10] =	ssyncset.done $0x0  }
0x1e3: {  	s18 =	simm.s32 $0x0;
	[sflag:s10] =	ssyncadd.s32 $0xFFFFE000  }
0x1e4: {  	v0 =	vld [tilespmem:s18+$0xC4F0]  }
0x1e5: {  	v1 =	vld [tilespmem:s18+$0xC400]  }
0x1e6: {  	v2 =	vld [tilespmem:s18+$0xC410]  }
0x1e7: {  	v3 =	vld [tilespmem:s18+$0xC420]  }
0x1e8: {  	v6 =	vld [tilespmem:s18+$0xC450]  }
0x1e9: {  	v4 =	vld [tilespmem:s18+$0xC430];
	v0 =	vmul.f32 $8.000000000e+00, v0  }
0x1ea: {  	v5 =	vld [tilespmem:s18+$0xC440];
	v1 =	vmul.f32 $8.000000000e+00, v1  }
0x1eb: {  	v7 =	vld [tilespmem:s18+$0xC460];
	[tilespmem:s18+$0x144F0] =	vst v0;
	v0 =	vmul.f32 $8.000000000e+00, v2  }
0x1ec: {  	v8 =	vld [tilespmem:s18+$0xC470];
	[tilespmem:s18+$0x14400] =	vst v1;
	v1 =	vmul.f32 $8.000000000e+00, v3  }
0x1ed: {  	v2 =	vmul.f32 $8.000000000e+00, v6;
	[tilespmem:s18+$0x14410] =	vst v0  }
0x1ee: {  	v9 =	vld [tilespmem:s18+$0xC480];
	v0 =	vmul.f32 $8.000000000e+00, v4;
	[tilespmem:s18+$0x14420] =	vst v1  }
0x1ef: {  	v4 =	vld [tilespmem:s18+$0xC490];
	v1 =	vmul.f32 $8.000000000e+00, v5;
	[tilespmem:s18+$0x14450] =	vst v2  }
0x1f0: {  	v3 =	vmul.f32 $8.000000000e+00, v7;
	[tilespmem:s18+$0x14430] =	vst v0;
	v0 =	vld [tilespmem:s18+$0xC4A0]  }
0x1f1: {  	v5 =	vmul.f32 $8.000000000e+00, v8;
	[tilespmem:s18+$0x14440] =	vst v1;
	v1 =	vld [tilespmem:s18+$0xC4B0]  }
0x1f2: {  	v2 =	vld [tilespmem:s18+$0xC4C0];
	[tilespmem:s18+$0x14460] =	vst v3  }
0x1f3: {  	v3 =	vld [tilespmem:s18+$0xC4D0];
	[tilespmem:s18+$0x14470] =	vst v5;
	v5 =	vmul.f32 $8.000000000e+00, v9  }
0x1f4: {  	s5 =	simm.s32 $0x100;
	s19 =	simm.s32 $0x800;
	v6 =	vmul.f32 $8.000000000e+00, v4;
	v4 =	vld [tilespmem:s18+$0xC4E0]  }
.LBB2_17:
0x1f5: {  	p0 =	sne.s32 s19, $0x7C00;
	v7 =	vld [tilespmem:s5+$0xC4F0];
	[tilespmem:s18+$0x14480] =	vst v5;
	v0 =	vmul.f32 $8.000000000e+00, v0  }
0x1f6: {  	v5 =	vld [tilespmem:s5+$0xC400];
	[tilespmem:s18+$0x14490] =	vst v6;
	v1 =	vmul.f32 $8.000000000e+00, v1  }
0x1f7: {  	v6 =	vld [tilespmem:s5+$0xC410];
	[tilespmem:s18+$0x144A0] =	vst v0;
	v0 =	vmul.f32 $8.000000000e+00, v2  }
0x1f8: {  	v2 =	vld [tilespmem:s5+$0xC420];
	[tilespmem:s18+$0x144B0] =	vst v1;
	v1 =	vmul.f32 $8.000000000e+00, v3  }
0x1f9: {  	v3 =	vld [tilespmem:s5+$0xC430];
	[tilespmem:s18+$0x144C0] =	vst v0;
	v0 =	vmul.f32 $8.000000000e+00, v4  }
0x1fa: {  	v4 =	vld [tilespmem:s5+$0xC440];
	v7 =	vmul.f32 $8.000000000e+00, v7;
	[tilespmem:s18+$0x144D0] =	vst v1  }
0x1fb: {  	v1 =	vmul.f32 $8.000000000e+00, v5;
	v5 =	vld [tilespmem:s5+$0xC450];
	[tilespmem:s18+$0x144E0] =	vst v0;
	s18 =	smov.u32 s5  }
0x1fc: {  	v0 =	vmul.f32 $8.000000000e+00, v6;
	v6 =	vld [tilespmem:s18+$0xC460];
	[tilespmem:s18+$0x144F0] =	vst v7  }
0x1fd: {  	[tilespmem:s18+$0x14400] =	vst v1;
	v1 =	vmul.f32 $8.000000000e+00, v2;
	v2 =	vld [tilespmem:s18+$0xC470]  }
0x1fe: {  	[tilespmem:s18+$0x14410] =	vst v0;
	v0 =	vmul.f32 $8.000000000e+00, v3;
	v3 =	vld [tilespmem:s18+$0xC480]  }
0x1ff: {  	[tilespmem:s18+$0x14420] =	vst v1;
	v1 =	vmul.f32 $8.000000000e+00, v4;
	v4 =	vld [tilespmem:s18+$0xC490]  }
.Ltmp7:
0x200: {  	[tilespmem:s18+$0x14430] =	vst v0;
	v5 =	vmul.f32 $8.000000000e+00, v5;
	v0 =	vld [tilespmem:s18+$0xC4A0];
	(pc) =	sbr.rel @p0 .LBB2_17-.Ltmp7, $4  }
0x201: {  	[tilespmem:s18+$0x14440] =	vst v1;
	v6 =	vmul.f32 $8.000000000e+00, v6;
	v1 =	vld [tilespmem:s18+$0xC4B0]  }
0x202: {  	[tilespmem:s18+$0x14450] =	vst v5;
	v7 =	vmul.f32 $8.000000000e+00, v2;
	v2 =	vld [tilespmem:s18+$0xC4C0]  }
0x203: {  	[tilespmem:s18+$0x14460] =	vst v6;
	v5 =	vmul.f32 $8.000000000e+00, v3;
	v3 =	vld [tilespmem:s18+$0xC4D0]  }
0x204: {  	s5 =	sshra.s32 s19, $0x2;
	s19 =	sadd.s32 $0x400, s19;
	[tilespmem:s18+$0x14470] =	vst v7;
	v6 =	vmul.f32 $8.000000000e+00, v4;
	v4 =	vld [tilespmem:s18+$0xC4E0]  }
0x205: {  	v7 =	vld [tilespmem:s5+$0xC4F0];
	[tilespmem:s18+$0x14480] =	vst v5;
	v0 =	vmul.f32 $8.000000000e+00, v0  }
0x206: {  	v5 =	vld [tilespmem:s5+$0xC400];
	[tilespmem:s18+$0x14490] =	vst v6;
	v1 =	vmul.f32 $8.000000000e+00, v1  }
0x207: {  	v6 =	vld [tilespmem:s5+$0xC410];
	[tilespmem:s18+$0x144A0] =	vst v0;
	v2 =	vmul.f32 $8.000000000e+00, v2  }
0x208: {  	v0 =	vld [tilespmem:s5+$0xC420];
	[tilespmem:s18+$0x144B0] =	vst v1;
	v3 =	vmul.f32 $8.000000000e+00, v3  }
0x209: {  	v1 =	vld [tilespmem:s5+$0xC430];
	[tilespmem:s18+$0x144C0] =	vst v2;
	v4 =	vmul.f32 $8.000000000e+00, v4  }
0x20a: {  	v2 =	vld [tilespmem:s5+$0xC440];
	[tilespmem:s18+$0x144D0] =	vst v3;
	v7 =	vmul.f32 $8.000000000e+00, v7  }
0x20b: {  	v3 =	vld [tilespmem:s5+$0xC450];
	[tilespmem:s18+$0x144E0] =	vst v4;
	v50 =	vmul.f32 $8.000000000e+00, v5  }
0x20c: {  	v51 =	vld [tilespmem:s5+$0xC460];
	[tilespmem:s5+$0x144F0] =	vst v7;
	v6 =	vmul.f32 $8.000000000e+00, v6  }
0x20d: {  	v52 =	vld [tilespmem:s5+$0xC470];
	[tilespmem:s5+$0x14400] =	vst v50;
	v0 =	vmul.f32 $8.000000000e+00, v0  }
0x20e: {  	v53 =	vld [tilespmem:s5+$0xC480];
	[tilespmem:s5+$0x14410] =	vst v6;
	v1 =	vmul.f32 $8.000000000e+00, v1  }
0x20f: {  	v54 =	vld [tilespmem:s5+$0xC490];
	[tilespmem:s5+$0x14420] =	vst v0;
	v2 =	vmul.f32 $8.000000000e+00, v2  }
0x210: {  	v55 =	vld [tilespmem:s5+$0xC4A0];
	[tilespmem:s5+$0x14430] =	vst v1;
	v3 =	vmul.f32 $8.000000000e+00, v3  }
0x211: {  	v56 =	vld [tilespmem:s5+$0xC4B0];
	[tilespmem:s5+$0x14440] =	vst v2;
	v5 =	vmul.f32 $8.000000000e+00, v51  }
0x212: {  	v57 =	vld [tilespmem:s5+$0xC4C0];
	v4 =	vmul.f32 $8.000000000e+00, v52;
	[tilespmem:s5+$0x14450] =	vst v3  }
0x213: {  	v58 =	vld [tilespmem:s5+$0xC4D0];
	v6 =	vmul.f32 $8.000000000e+00, v53;
	[tilespmem:s5+$0x14460] =	vst v5  }
0x214: {  	v59 =	vld [tilespmem:s5+$0xC4E0];
	v0 =	vmul.f32 $8.000000000e+00, v54;
	[tilespmem:s5+$0x14470] =	vst v4  }
0x215: {  	v1 =	vmul.f32 $8.000000000e+00, v55;
	[tilespmem:s5+$0x14480] =	vst v6  }
0x216: {  	v60 =	vmul.f32 $8.000000000e+00, v56;
	[tilespmem:s5+$0x14490] =	vst v0  }
0x217: {  	v61 =	vmul.f32 $8.000000000e+00, v57;
	[tilespmem:s5+$0x144A0] =	vst v1  }
0x218: {  	s17 =	sadd.s32 s17, s13;
	s15 =	sadd.s32 $0x1, s15;
	v62 =	vmul.f32 $8.000000000e+00, v58;
	[tilespmem:s5+$0x144B0] =	vst v60  }
0x219: {  	s17 =	sshll.u32 s17, $0x3;
	p0 =	sne.s32 s15, $0x31;
	v63 =	vmul.f32 $8.000000000e+00, v59;
	[tilespmem:s5+$0x144C0] =	vst v61  }
.Ltmp8:
0x21a: {  	s17 =	sand.u32 $0x1FFFFC00, s17;
	[tilespmem:s5+$0x144D0] =	vst v62;
	(pc) =	sbr.rel @p0 .LBB2_10-.Ltmp8, $4  }
0x21b: {  	s18 =	sadd.s32 s2, s17;
	[tilespmem:s5+$0x144E0] =	vst v63  }
0x21c: {  	[hbm4b:s18+s3] =	stream.linear.scatter [tilespmem:s30], [sflag:$0x8], $0x2000, $0x38;
	[tilespmem:$0x16400] =	vst v63  }
0x21d: {  	s19 =	sadd.s32 $0x380, s16  }
0x21e: {  	[tilespmem:s26], [sflag:$0x4] =	stream.indirect.gather [hbm4b:s4+s20], $0x40, s19, s20, $0xb8;
	[tilespmem:$0x16400] =	vst v63  }
0x21f: {  	_ =	swait.ge [sflag:s28], $0x2000  }
0x220: {  	[sflag:s28] =	ssyncset.done $0x0  }
0x221: {  	[sflag:s28] =	ssyncadd.s32 $0xFFFFE000  }
0x222: {  	_ =	swait.ge [sflag:s7], $0x2000  }
0x223: {  	[sflag:s7] =	ssyncset.done $0x0  }
0x224: {  	s15 =	simm.s32 $0x0;
	[sflag:s7] =	ssyncadd.s32 $0xFFFFE000  }
0x225: {  	v0 =	vld [tilespmem:s15+$0x64F0]  }
0x226: {  	v1 =	vld [tilespmem:s15+$0x6400]  }
0x227: {  	v2 =	vld [tilespmem:s15+$0x6410]  }
0x228: {  	v3 =	vld [tilespmem:s15+$0x6420]  }
0x229: {  	v6 =	vld [tilespmem:s15+$0x6450]  }
0x22a: {  	v4 =	vld [tilespmem:s15+$0x6430];
	v0 =	vmul.f32 $8.000000000e+00, v0  }
0x22b: {  	v5 =	vld [tilespmem:s15+$0x6440];
	v1 =	vmul.f32 $8.000000000e+00, v1  }
0x22c: {  	v7 =	vld [tilespmem:s15+$0x6460];
	[tilespmem:s15+$0xE4F0] =	vst v0;
	v0 =	vmul.f32 $8.000000000e+00, v2  }
0x22d: {  	v8 =	vld [tilespmem:s15+$0x6470];
	[tilespmem:s15+$0xE400] =	vst v1;
	v1 =	vmul.f32 $8.000000000e+00, v3  }
0x22e: {  	v2 =	vmul.f32 $8.000000000e+00, v6;
	[tilespmem:s15+$0xE410] =	vst v0  }
0x22f: {  	v9 =	vld [tilespmem:s15+$0x6480];
	v0 =	vmul.f32 $8.000000000e+00, v4;
	[tilespmem:s15+$0xE420] =	vst v1  }
0x230: {  	v4 =	vld [tilespmem:s15+$0x6490];
	v1 =	vmul.f32 $8.000000000e+00, v5;
	[tilespmem:s15+$0xE450] =	vst v2  }
0x231: {  	v3 =	vmul.f32 $8.000000000e+00, v7;
	[tilespmem:s15+$0xE430] =	vst v0;
	v0 =	vld [tilespmem:s15+$0x64A0]  }
0x232: {  	v5 =	vmul.f32 $8.000000000e+00, v8;
	[tilespmem:s15+$0xE440] =	vst v1;
	v1 =	vld [tilespmem:s15+$0x64B0]  }
0x233: {  	v2 =	vld [tilespmem:s15+$0x64C0];
	[tilespmem:s15+$0xE460] =	vst v3  }
0x234: {  	v3 =	vld [tilespmem:s15+$0x64D0];
	[tilespmem:s15+$0xE470] =	vst v5;
	v5 =	vmul.f32 $8.000000000e+00, v9  }
0x235: {  	s5 =	simm.s32 $0x100;
	s16 =	simm.s32 $0x800;
	v6 =	vmul.f32 $8.000000000e+00, v4;
	v4 =	vld [tilespmem:s15+$0x64E0]  }
.LBB2_20:
0x236: {  	p0 =	sne.s32 s16, $0x7C00;
	v7 =	vld [tilespmem:s5+$0x64F0];
	[tilespmem:s15+$0xE480] =	vst v5;
	v0 =	vmul.f32 $8.000000000e+00, v0  }
0x237: {  	v5 =	vld [tilespmem:s5+$0x6400];
	[tilespmem:s15+$0xE490] =	vst v6;
	v1 =	vmul.f32 $8.000000000e+00, v1  }
0x238: {  	v6 =	vld [tilespmem:s5+$0x6410];
	[tilespmem:s15+$0xE4A0] =	vst v0;
	v0 =	vmul.f32 $8.000000000e+00, v2  }
0x239: {  	v2 =	vld [tilespmem:s5+$0x6420];
	[tilespmem:s15+$0xE4B0] =	vst v1;
	v1 =	vmul.f32 $8.000000000e+00, v3  }
0x23a: {  	v3 =	vld [tilespmem:s5+$0x6430];
	[tilespmem:s15+$0xE4C0] =	vst v0;
	v0 =	vmul.f32 $8.000000000e+00, v4  }
0x23b: {  	v4 =	vld [tilespmem:s5+$0x6440];
	v7 =	vmul.f32 $8.000000000e+00, v7;
	[tilespmem:s15+$0xE4D0] =	vst v1  }
0x23c: {  	v1 =	vmul.f32 $8.000000000e+00, v5;
	v5 =	vld [tilespmem:s5+$0x6450];
	[tilespmem:s15+$0xE4E0] =	vst v0;
	s15 =	smov.u32 s5  }
0x23d: {  	v0 =	vmul.f32 $8.000000000e+00, v6;
	v6 =	vld [tilespmem:s15+$0x6460];
	[tilespmem:s15+$0xE4F0] =	vst v7  }
0x23e: {  	[tilespmem:s15+$0xE400] =	vst v1;
	v1 =	vmul.f32 $8.000000000e+00, v2;
	v2 =	vld [tilespmem:s15+$0x6470]  }
0x23f: {  	[tilespmem:s15+$0xE410] =	vst v0;
	v0 =	vmul.f32 $8.000000000e+00, v3;
	v3 =	vld [tilespmem:s15+$0x6480]  }
0x240: {  	[tilespmem:s15+$0xE420] =	vst v1;
	v1 =	vmul.f32 $8.000000000e+00, v4;
	v4 =	vld [tilespmem:s15+$0x6490]  }
.Ltmp9:
0x241: {  	[tilespmem:s15+$0xE430] =	vst v0;
	v5 =	vmul.f32 $8.000000000e+00, v5;
	v0 =	vld [tilespmem:s15+$0x64A0];
	(pc) =	sbr.rel @p0 .LBB2_20-.Ltmp9, $4  }
0x242: {  	[tilespmem:s15+$0xE440] =	vst v1;
	v6 =	vmul.f32 $8.000000000e+00, v6;
	v1 =	vld [tilespmem:s15+$0x64B0]  }
0x243: {  	[tilespmem:s15+$0xE450] =	vst v5;
	v7 =	vmul.f32 $8.000000000e+00, v2;
	v2 =	vld [tilespmem:s15+$0x64C0]  }
0x244: {  	[tilespmem:s15+$0xE460] =	vst v6;
	v5 =	vmul.f32 $8.000000000e+00, v3;
	v3 =	vld [tilespmem:s15+$0x64D0]  }
0x245: {  	s5 =	sshra.s32 s16, $0x2;
	s16 =	sadd.s32 $0x400, s16;
	[tilespmem:s15+$0xE470] =	vst v7;
	v6 =	vmul.f32 $8.000000000e+00, v4;
	v4 =	vld [tilespmem:s15+$0x64E0]  }
0x246: {  	v7 =	vld [tilespmem:s5+$0x64F0];
	[tilespmem:s15+$0xE480] =	vst v5;
	v0 =	vmul.f32 $8.000000000e+00, v0  }
0x247: {  	v5 =	vld [tilespmem:s5+$0x6400];
	[tilespmem:s15+$0xE490] =	vst v6;
	v1 =	vmul.f32 $8.000000000e+00, v1  }
0x248: {  	v6 =	vld [tilespmem:s5+$0x6410];
	[tilespmem:s15+$0xE4A0] =	vst v0;
	v2 =	vmul.f32 $8.000000000e+00, v2  }
0x249: {  	v0 =	vld [tilespmem:s5+$0x6420];
	[tilespmem:s15+$0xE4B0] =	vst v1;
	v3 =	vmul.f32 $8.000000000e+00, v3  }
0x24a: {  	v1 =	vld [tilespmem:s5+$0x6430];
	[tilespmem:s15+$0xE4C0] =	vst v2;
	v4 =	vmul.f32 $8.000000000e+00, v4  }
0x24b: {  	v2 =	vld [tilespmem:s5+$0x6440];
	[tilespmem:s15+$0xE4D0] =	vst v3;
	v7 =	vmul.f32 $8.000000000e+00, v7  }
0x24c: {  	v3 =	vld [tilespmem:s5+$0x6450];
	[tilespmem:s15+$0xE4E0] =	vst v4;
	v4 =	vmul.f32 $8.000000000e+00, v5  }
0x24d: {  	v5 =	vld [tilespmem:s5+$0x6460];
	[tilespmem:s5+$0xE4F0] =	vst v7;
	v6 =	vmul.f32 $8.000000000e+00, v6  }
0x24e: {  	[tilespmem:s5+$0xE400] =	vst v4;
	v4 =	vld [tilespmem:s5+$0x6470];
	v0 =	vmul.f32 $8.000000000e+00, v0  }
0x24f: {  	[tilespmem:s5+$0xE410] =	vst v6;
	v6 =	vld [tilespmem:s5+$0x6480];
	v1 =	vmul.f32 $8.000000000e+00, v1  }
0x250: {  	[tilespmem:s5+$0xE420] =	vst v0;
	v0 =	vld [tilespmem:s5+$0x6490];
	v2 =	vmul.f32 $8.000000000e+00, v2  }
0x251: {  	[tilespmem:s5+$0xE430] =	vst v1;
	v1 =	vld [tilespmem:s5+$0x64A0];
	v3 =	vmul.f32 $8.000000000e+00, v3  }
0x252: {  	[tilespmem:s5+$0xE440] =	vst v2;
	v2 =	vld [tilespmem:s5+$0x64B0];
	v5 =	vmul.f32 $8.000000000e+00, v5  }
0x253: {  	[tilespmem:s5+$0xE450] =	vst v3;
	v3 =	vld [tilespmem:s5+$0x64C0];
	v4 =	vmul.f32 $8.000000000e+00, v4  }
0x254: {  	[tilespmem:s5+$0xE460] =	vst v5;
	v5 =	vld [tilespmem:s5+$0x64D0];
	v6 =	vmul.f32 $8.000000000e+00, v6  }
0x255: {  	[tilespmem:s5+$0xE470] =	vst v4;
	v0 =	vmul.f32 $8.000000000e+00, v0;
	v4 =	vld [tilespmem:s5+$0x64E0]  }
0x256: {  	[tilespmem:s5+$0xE480] =	vst v6;
	v1 =	vmul.f32 $8.000000000e+00, v1  }
0x257: {  	[tilespmem:s5+$0xE490] =	vst v0;
	v0 =	vmul.f32 $8.000000000e+00, v2  }
0x258: {  	[tilespmem:s5+$0xE4A0] =	vst v1;
	v1 =	vmul.f32 $8.000000000e+00, v3  }
0x259: {  	[tilespmem:s5+$0xE4B0] =	vst v0;
	v0 =	vmul.f32 $8.000000000e+00, v5  }
0x25a: {  	[tilespmem:s5+$0xE4C0] =	vst v1;
	v1 =	vmul.f32 $8.000000000e+00, v4  }
0x25b: {  	[tilespmem:s5+$0xE4D0] =	vst v0  }
0x25c: {  	s18 =	simm.s32 $0x0;
	s19 =	rddreg [dreg:$0x8];
	[tilespmem:s5+$0xE4E0] =	vst v1  }
0x25d: {  	[hbm4b:s19+s18] =	stream.linear.scatter [tilespmem:s29], [sflag:$0x5], $0x2000, $0x38;
	[tilespmem:$0x16400] =	vst v63  }
0x25e: {  	_ =	swait.ge [sflag:s31], $0x2000  }
0x25f: {  	[sflag:s31] =	ssyncset.done $0x0  }
0x260: {  	[sflag:s31] =	ssyncadd.s32 $0xFFFFE000  }
0x261: {  	_ =	swait.ge [sflag:s8], $0x2000  }
0x262: {  	[sflag:s8] =	ssyncset.done $0x0  }
0x263: {  	s15 =	simm.s32 $0x0;
	[sflag:s8] =	ssyncadd.s32 $0xFFFFE000  }
0x264: {  	v0 =	vld [tilespmem:s15+$0x84F0]  }
0x265: {  	v1 =	vld [tilespmem:s15+$0x8400]  }
0x266: {  	v2 =	vld [tilespmem:s15+$0x8410]  }
0x267: {  	v3 =	vld [tilespmem:s15+$0x8420]  }
0x268: {  	v6 =	vld [tilespmem:s15+$0x8450]  }
0x269: {  	v4 =	vld [tilespmem:s15+$0x8430];
	v0 =	vmul.f32 $8.000000000e+00, v0  }
0x26a: {  	v5 =	vld [tilespmem:s15+$0x8440];
	v1 =	vmul.f32 $8.000000000e+00, v1  }
0x26b: {  	v7 =	vld [tilespmem:s15+$0x8460];
	[tilespmem:s15+$0x104F0] =	vst v0;
	v0 =	vmul.f32 $8.000000000e+00, v2  }
0x26c: {  	v8 =	vld [tilespmem:s15+$0x8470];
	[tilespmem:s15+$0x10400] =	vst v1;
	v1 =	vmul.f32 $8.000000000e+00, v3  }
0x26d: {  	v2 =	vmul.f32 $8.000000000e+00, v6;
	[tilespmem:s15+$0x10410] =	vst v0  }
0x26e: {  	v9 =	vld [tilespmem:s15+$0x8480];
	v0 =	vmul.f32 $8.000000000e+00, v4;
	[tilespmem:s15+$0x10420] =	vst v1  }
0x26f: {  	v4 =	vld [tilespmem:s15+$0x8490];
	v1 =	vmul.f32 $8.000000000e+00, v5;
	[tilespmem:s15+$0x10450] =	vst v2  }
0x270: {  	v3 =	vmul.f32 $8.000000000e+00, v7;
	[tilespmem:s15+$0x10430] =	vst v0;
	v0 =	vld [tilespmem:s15+$0x84A0]  }
0x271: {  	v5 =	vmul.f32 $8.000000000e+00, v8;
	[tilespmem:s15+$0x10440] =	vst v1;
	v1 =	vld [tilespmem:s15+$0x84B0]  }
0x272: {  	v2 =	vld [tilespmem:s15+$0x84C0];
	[tilespmem:s15+$0x10460] =	vst v3  }
0x273: {  	v3 =	vld [tilespmem:s15+$0x84D0];
	[tilespmem:s15+$0x10470] =	vst v5;
	v5 =	vmul.f32 $8.000000000e+00, v9  }
0x274: {  	s16 =	simm.s32 $0x800;
	s5 =	simm.s32 $0x100;
	v6 =	vmul.f32 $8.000000000e+00, v4;
	v4 =	vld [tilespmem:s15+$0x84E0]  }
.LBB2_22:
0x275: {  	p0 =	sne.s32 s16, $0x7C00;
	v7 =	vld [tilespmem:s5+$0x84F0];
	[tilespmem:s15+$0x10480] =	vst v5;
	v0 =	vmul.f32 $8.000000000e+00, v0  }
0x276: {  	v5 =	vld [tilespmem:s5+$0x8400];
	[tilespmem:s15+$0x10490] =	vst v6;
	v1 =	vmul.f32 $8.000000000e+00, v1  }
0x277: {  	v6 =	vld [tilespmem:s5+$0x8410];
	[tilespmem:s15+$0x104A0] =	vst v0;
	v0 =	vmul.f32 $8.000000000e+00, v2  }
0x278: {  	v2 =	vld [tilespmem:s5+$0x8420];
	[tilespmem:s15+$0x104B0] =	vst v1;
	v1 =	vmul.f32 $8.000000000e+00, v3  }
0x279: {  	v3 =	vld [tilespmem:s5+$0x8430];
	[tilespmem:s15+$0x104C0] =	vst v0;
	v0 =	vmul.f32 $8.000000000e+00, v4  }
0x27a: {  	v4 =	vld [tilespmem:s5+$0x8440];
	v7 =	vmul.f32 $8.000000000e+00, v7;
	[tilespmem:s15+$0x104D0] =	vst v1  }
0x27b: {  	v1 =	vmul.f32 $8.000000000e+00, v5;
	v5 =	vld [tilespmem:s5+$0x8450];
	[tilespmem:s15+$0x104E0] =	vst v0;
	s15 =	smov.u32 s5  }
0x27c: {  	v0 =	vmul.f32 $8.000000000e+00, v6;
	v6 =	vld [tilespmem:s15+$0x8460];
	[tilespmem:s15+$0x104F0] =	vst v7  }
0x27d: {  	[tilespmem:s15+$0x10400] =	vst v1;
	v1 =	vmul.f32 $8.000000000e+00, v2;
	v2 =	vld [tilespmem:s15+$0x8470]  }
0x27e: {  	[tilespmem:s15+$0x10410] =	vst v0;
	v0 =	vmul.f32 $8.000000000e+00, v3;
	v3 =	vld [tilespmem:s15+$0x8480]  }
0x27f: {  	[tilespmem:s15+$0x10420] =	vst v1;
	v1 =	vmul.f32 $8.000000000e+00, v4;
	v4 =	vld [tilespmem:s15+$0x8490]  }
.Ltmp10:
0x280: {  	[tilespmem:s15+$0x10430] =	vst v0;
	v5 =	vmul.f32 $8.000000000e+00, v5;
	v0 =	vld [tilespmem:s15+$0x84A0];
	(pc) =	sbr.rel @p0 .LBB2_22-.Ltmp10, $4  }
0x281: {  	[tilespmem:s15+$0x10440] =	vst v1;
	v6 =	vmul.f32 $8.000000000e+00, v6;
	v1 =	vld [tilespmem:s15+$0x84B0]  }
0x282: {  	[tilespmem:s15+$0x10450] =	vst v5;
	v7 =	vmul.f32 $8.000000000e+00, v2;
	v2 =	vld [tilespmem:s15+$0x84C0]  }
0x283: {  	[tilespmem:s15+$0x10460] =	vst v6;
	v5 =	vmul.f32 $8.000000000e+00, v3;
	v3 =	vld [tilespmem:s15+$0x84D0]  }
0x284: {  	s5 =	sshra.s32 s16, $0x2;
	s16 =	sadd.s32 $0x400, s16;
	[tilespmem:s15+$0x10470] =	vst v7;
	v6 =	vmul.f32 $8.000000000e+00, v4;
	v4 =	vld [tilespmem:s15+$0x84E0]  }
0x285: {  	v7 =	vld [tilespmem:s5+$0x84F0];
	[tilespmem:s15+$0x10480] =	vst v5;
	v0 =	vmul.f32 $8.000000000e+00, v0  }
0x286: {  	v5 =	vld [tilespmem:s5+$0x8400];
	[tilespmem:s15+$0x10490] =	vst v6;
	v1 =	vmul.f32 $8.000000000e+00, v1  }
0x287: {  	v6 =	vld [tilespmem:s5+$0x8410];
	[tilespmem:s15+$0x104A0] =	vst v0;
	v2 =	vmul.f32 $8.000000000e+00, v2  }
0x288: {  	v0 =	vld [tilespmem:s5+$0x8420];
	[tilespmem:s15+$0x104B0] =	vst v1;
	v3 =	vmul.f32 $8.000000000e+00, v3  }
0x289: {  	v1 =	vld [tilespmem:s5+$0x8430];
	[tilespmem:s15+$0x104C0] =	vst v2;
	v4 =	vmul.f32 $8.000000000e+00, v4  }
0x28a: {  	v2 =	vld [tilespmem:s5+$0x8440];
	[tilespmem:s15+$0x104D0] =	vst v3;
	v7 =	vmul.f32 $8.000000000e+00, v7  }
0x28b: {  	v3 =	vld [tilespmem:s5+$0x8450];
	[tilespmem:s15+$0x104E0] =	vst v4;
	v4 =	vmul.f32 $8.000000000e+00, v5  }
0x28c: {  	v5 =	vld [tilespmem:s5+$0x8460];
	[tilespmem:s5+$0x104F0] =	vst v7;
	v6 =	vmul.f32 $8.000000000e+00, v6  }
0x28d: {  	[tilespmem:s5+$0x10400] =	vst v4;
	v4 =	vld [tilespmem:s5+$0x8470];
	v0 =	vmul.f32 $8.000000000e+00, v0  }
0x28e: {  	[tilespmem:s5+$0x10410] =	vst v6;
	v6 =	vld [tilespmem:s5+$0x8480];
	v1 =	vmul.f32 $8.000000000e+00, v1  }
0x28f: {  	[tilespmem:s5+$0x10420] =	vst v0;
	v0 =	vld [tilespmem:s5+$0x8490];
	v2 =	vmul.f32 $8.000000000e+00, v2  }
0x290: {  	[tilespmem:s5+$0x10430] =	vst v1;
	v1 =	vld [tilespmem:s5+$0x84A0];
	v3 =	vmul.f32 $8.000000000e+00, v3  }
0x291: {  	[tilespmem:s5+$0x10440] =	vst v2;
	v2 =	vld [tilespmem:s5+$0x84B0];
	v5 =	vmul.f32 $8.000000000e+00, v5  }
0x292: {  	[tilespmem:s5+$0x10450] =	vst v3;
	v3 =	vld [tilespmem:s5+$0x84C0];
	v4 =	vmul.f32 $8.000000000e+00, v4  }
0x293: {  	[tilespmem:s5+$0x10460] =	vst v5;
	v5 =	vld [tilespmem:s5+$0x84D0];
	v6 =	vmul.f32 $8.000000000e+00, v6  }
0x294: {  	[tilespmem:s5+$0x10470] =	vst v4;
	v0 =	vmul.f32 $8.000000000e+00, v0;
	v4 =	vld [tilespmem:s5+$0x84E0]  }
0x295: {  	[tilespmem:s5+$0x10480] =	vst v6;
	v1 =	vmul.f32 $8.000000000e+00, v1  }
0x296: {  	[tilespmem:s5+$0x10490] =	vst v0;
	v0 =	vmul.f32 $8.000000000e+00, v2  }
0x297: {  	[tilespmem:s5+$0x104A0] =	vst v1;
	v1 =	vmul.f32 $8.000000000e+00, v3  }
0x298: {  	[tilespmem:s5+$0x104B0] =	vst v0;
	v0 =	vmul.f32 $8.000000000e+00, v5  }
0x299: {  	[tilespmem:s5+$0x104C0] =	vst v1;
	v1 =	vmul.f32 $8.000000000e+00, v4  }
0x29a: {  	[tilespmem:s5+$0x104D0] =	vst v0  }
0x29b: {  	s18 =	simm.s32 $0x0;
	s19 =	rddreg [dreg:$0x9];
	[tilespmem:s5+$0x104E0] =	vst v1  }
0x29c: {  	[hbm4b:s19+s18] =	stream.linear.scatter [tilespmem:s1], [sflag:$0x6], $0x2000, $0x38;
	[tilespmem:$0x16400] =	vst v63  }
0x29d: {  	_ =	swait.ge [sflag:s23], $0x2000  }
0x29e: {  	[sflag:s23] =	ssyncset.done $0x0  }
0x29f: {  	[sflag:s23] =	ssyncadd.s32 $0xFFFFE000  }
0x2a0: {  	_ =	swait.ge [sflag:s9], $0x2000  }
0x2a1: {  	[sflag:s9] =	ssyncset.done $0x0  }
0x2a2: {  	s15 =	simm.s32 $0x0;
	[sflag:s9] =	ssyncadd.s32 $0xFFFFE000  }
0x2a3: {  	v0 =	vld [tilespmem:s15+$0xA4F0]  }
0x2a4: {  	v1 =	vld [tilespmem:s15+$0xA400]  }
0x2a5: {  	v2 =	vld [tilespmem:s15+$0xA410]  }
0x2a6: {  	v3 =	vld [tilespmem:s15+$0xA420]  }
0x2a7: {  	v6 =	vld [tilespmem:s15+$0xA450]  }
0x2a8: {  	v4 =	vld [tilespmem:s15+$0xA430];
	v0 =	vmul.f32 $8.000000000e+00, v0  }
0x2a9: {  	v5 =	vld [tilespmem:s15+$0xA440];
	v1 =	vmul.f32 $8.000000000e+00, v1  }
0x2aa: {  	v7 =	vld [tilespmem:s15+$0xA460];
	[tilespmem:s15+$0x124F0] =	vst v0;
	v0 =	vmul.f32 $8.000000000e+00, v2  }
0x2ab: {  	v8 =	vld [tilespmem:s15+$0xA470];
	[tilespmem:s15+$0x12400] =	vst v1;
	v1 =	vmul.f32 $8.000000000e+00, v3  }
0x2ac: {  	v2 =	vmul.f32 $8.000000000e+00, v6;
	[tilespmem:s15+$0x12410] =	vst v0  }
0x2ad: {  	v9 =	vld [tilespmem:s15+$0xA480];
	v0 =	vmul.f32 $8.000000000e+00, v4;
	[tilespmem:s15+$0x12420] =	vst v1  }
0x2ae: {  	v4 =	vld [tilespmem:s15+$0xA490];
	v1 =	vmul.f32 $8.000000000e+00, v5;
	[tilespmem:s15+$0x12450] =	vst v2  }
0x2af: {  	v3 =	vmul.f32 $8.000000000e+00, v7;
	[tilespmem:s15+$0x12430] =	vst v0;
	v0 =	vld [tilespmem:s15+$0xA4A0]  }
0x2b0: {  	v5 =	vmul.f32 $8.000000000e+00, v8;
	[tilespmem:s15+$0x12440] =	vst v1;
	v1 =	vld [tilespmem:s15+$0xA4B0]  }
0x2b1: {  	v2 =	vld [tilespmem:s15+$0xA4C0];
	[tilespmem:s15+$0x12460] =	vst v3  }
0x2b2: {  	v3 =	vld [tilespmem:s15+$0xA4D0];
	[tilespmem:s15+$0x12470] =	vst v5;
	v5 =	vmul.f32 $8.000000000e+00, v9  }
0x2b3: {  	s16 =	simm.s32 $0x800;
	s5 =	simm.s32 $0x100;
	v6 =	vmul.f32 $8.000000000e+00, v4;
	v4 =	vld [tilespmem:s15+$0xA4E0]  }
.LBB2_24:
0x2b4: {  	p0 =	sne.s32 s16, $0x7C00;
	v7 =	vld [tilespmem:s5+$0xA4F0];
	[tilespmem:s15+$0x12480] =	vst v5;
	v0 =	vmul.f32 $8.000000000e+00, v0  }
0x2b5: {  	v5 =	vld [tilespmem:s5+$0xA400];
	[tilespmem:s15+$0x12490] =	vst v6;
	v1 =	vmul.f32 $8.000000000e+00, v1  }
0x2b6: {  	v6 =	vld [tilespmem:s5+$0xA410];
	[tilespmem:s15+$0x124A0] =	vst v0;
	v0 =	vmul.f32 $8.000000000e+00, v2  }
0x2b7: {  	v2 =	vld [tilespmem:s5+$0xA420];
	[tilespmem:s15+$0x124B0] =	vst v1;
	v1 =	vmul.f32 $8.000000000e+00, v3  }
0x2b8: {  	v3 =	vld [tilespmem:s5+$0xA430];
	[tilespmem:s15+$0x124C0] =	vst v0;
	v0 =	vmul.f32 $8.000000000e+00, v4  }
0x2b9: {  	v4 =	vld [tilespmem:s5+$0xA440];
	v7 =	vmul.f32 $8.000000000e+00, v7;
	[tilespmem:s15+$0x124D0] =	vst v1  }
0x2ba: {  	v1 =	vmul.f32 $8.000000000e+00, v5;
	v5 =	vld [tilespmem:s5+$0xA450];
	[tilespmem:s15+$0x124E0] =	vst v0;
	s15 =	smov.u32 s5  }
0x2bb: {  	v0 =	vmul.f32 $8.000000000e+00, v6;
	v6 =	vld [tilespmem:s15+$0xA460];
	[tilespmem:s15+$0x124F0] =	vst v7  }
0x2bc: {  	[tilespmem:s15+$0x12400] =	vst v1;
	v1 =	vmul.f32 $8.000000000e+00, v2;
	v2 =	vld [tilespmem:s15+$0xA470]  }
0x2bd: {  	[tilespmem:s15+$0x12410] =	vst v0;
	v0 =	vmul.f32 $8.000000000e+00, v3;
	v3 =	vld [tilespmem:s15+$0xA480]  }
0x2be: {  	[tilespmem:s15+$0x12420] =	vst v1;
	v1 =	vmul.f32 $8.000000000e+00, v4;
	v4 =	vld [tilespmem:s15+$0xA490]  }
.Ltmp11:
0x2bf: {  	[tilespmem:s15+$0x12430] =	vst v0;
	v5 =	vmul.f32 $8.000000000e+00, v5;
	v0 =	vld [tilespmem:s15+$0xA4A0];
	(pc) =	sbr.rel @p0 .LBB2_24-.Ltmp11, $4  }
0x2c0: {  	[tilespmem:s15+$0x12440] =	vst v1;
	v6 =	vmul.f32 $8.000000000e+00, v6;
	v1 =	vld [tilespmem:s15+$0xA4B0]  }
0x2c1: {  	[tilespmem:s15+$0x12450] =	vst v5;
	v7 =	vmul.f32 $8.000000000e+00, v2;
	v2 =	vld [tilespmem:s15+$0xA4C0]  }
0x2c2: {  	[tilespmem:s15+$0x12460] =	vst v6;
	v5 =	vmul.f32 $8.000000000e+00, v3;
	v3 =	vld [tilespmem:s15+$0xA4D0]  }
0x2c3: {  	s5 =	sshra.s32 s16, $0x2;
	s16 =	sadd.s32 $0x400, s16;
	[tilespmem:s15+$0x12470] =	vst v7;
	v6 =	vmul.f32 $8.000000000e+00, v4;
	v4 =	vld [tilespmem:s15+$0xA4E0]  }
0x2c4: {  	v7 =	vld [tilespmem:s5+$0xA4F0];
	[tilespmem:s15+$0x12480] =	vst v5;
	v0 =	vmul.f32 $8.000000000e+00, v0  }
0x2c5: {  	v5 =	vld [tilespmem:s5+$0xA400];
	[tilespmem:s15+$0x12490] =	vst v6;
	v1 =	vmul.f32 $8.000000000e+00, v1  }
0x2c6: {  	v6 =	vld [tilespmem:s5+$0xA410];
	[tilespmem:s15+$0x124A0] =	vst v0;
	v2 =	vmul.f32 $8.000000000e+00, v2  }
0x2c7: {  	v0 =	vld [tilespmem:s5+$0xA420];
	[tilespmem:s15+$0x124B0] =	vst v1;
	v3 =	vmul.f32 $8.000000000e+00, v3  }
0x2c8: {  	v1 =	vld [tilespmem:s5+$0xA430];
	[tilespmem:s15+$0x124C0] =	vst v2;
	v4 =	vmul.f32 $8.000000000e+00, v4  }
0x2c9: {  	v2 =	vld [tilespmem:s5+$0xA440];
	[tilespmem:s15+$0x124D0] =	vst v3;
	v7 =	vmul.f32 $8.000000000e+00, v7  }
0x2ca: {  	v3 =	vld [tilespmem:s5+$0xA450];
	[tilespmem:s15+$0x124E0] =	vst v4;
	v4 =	vmul.f32 $8.000000000e+00, v5  }
0x2cb: {  	v5 =	vld [tilespmem:s5+$0xA460];
	[tilespmem:s5+$0x124F0] =	vst v7;
	v6 =	vmul.f32 $8.000000000e+00, v6  }
0x2cc: {  	[tilespmem:s5+$0x12400] =	vst v4;
	v4 =	vld [tilespmem:s5+$0xA470];
	v0 =	vmul.f32 $8.000000000e+00, v0  }
0x2cd: {  	[tilespmem:s5+$0x12410] =	vst v6;
	v6 =	vld [tilespmem:s5+$0xA480];
	v1 =	vmul.f32 $8.000000000e+00, v1  }
0x2ce: {  	[tilespmem:s5+$0x12420] =	vst v0;
	v0 =	vld [tilespmem:s5+$0xA490];
	v2 =	vmul.f32 $8.000000000e+00, v2  }
0x2cf: {  	[tilespmem:s5+$0x12430] =	vst v1;
	v1 =	vld [tilespmem:s5+$0xA4A0];
	v3 =	vmul.f32 $8.000000000e+00, v3  }
0x2d0: {  	[tilespmem:s5+$0x12440] =	vst v2;
	v2 =	vld [tilespmem:s5+$0xA4B0];
	v5 =	vmul.f32 $8.000000000e+00, v5  }
0x2d1: {  	[tilespmem:s5+$0x12450] =	vst v3;
	v3 =	vld [tilespmem:s5+$0xA4C0];
	v4 =	vmul.f32 $8.000000000e+00, v4  }
0x2d2: {  	[tilespmem:s5+$0x12460] =	vst v5;
	v5 =	vld [tilespmem:s5+$0xA4D0];
	v6 =	vmul.f32 $8.000000000e+00, v6  }
0x2d3: {  	[tilespmem:s5+$0x12470] =	vst v4;
	v0 =	vmul.f32 $8.000000000e+00, v0;
	v4 =	vld [tilespmem:s5+$0xA4E0]  }
0x2d4: {  	[tilespmem:s5+$0x12480] =	vst v6;
	v1 =	vmul.f32 $8.000000000e+00, v1  }
0x2d5: {  	[tilespmem:s5+$0x12490] =	vst v0;
	v0 =	vmul.f32 $8.000000000e+00, v2  }
0x2d6: {  	[tilespmem:s5+$0x124A0] =	vst v1;
	v1 =	vmul.f32 $8.000000000e+00, v3  }
0x2d7: {  	[tilespmem:s5+$0x124B0] =	vst v0;
	v0 =	vmul.f32 $8.000000000e+00, v5  }
0x2d8: {  	[tilespmem:s5+$0x124C0] =	vst v1;
	v1 =	vmul.f32 $8.000000000e+00, v4  }
0x2d9: {  	[tilespmem:s5+$0x124D0] =	vst v0  }
0x2da: {  	s18 =	simm.s32 $0x0;
	s19 =	rddreg [dreg:$0xa];
	[tilespmem:s5+$0x124E0] =	vst v1  }
0x2db: {  	[hbm4b:s19+s18] =	stream.linear.scatter [tilespmem:s25], [sflag:$0x7], $0x2000, $0x38;
	[tilespmem:$0x16400] =	vst v63  }
0x2dc: {  	_ =	swait.ge [sflag:s0], $0x2000  }
0x2dd: {  	[sflag:s0] =	ssyncset.done $0x0  }
0x2de: {  	[sflag:s0] =	ssyncadd.s32 $0xFFFFE000  }
0x2df: {  	_ =	swait.ge [sflag:s10], $0x2000  }
0x2e0: {  	[sflag:s10] =	ssyncset.done $0x0  }
0x2e1: {  	s15 =	simm.s32 $0x0;
	[sflag:s10] =	ssyncadd.s32 $0xFFFFE000  }
0x2e2: {  	v0 =	vld [tilespmem:s15+$0xC4F0]  }
0x2e3: {  	v1 =	vld [tilespmem:s15+$0xC400]  }
0x2e4: {  	v2 =	vld [tilespmem:s15+$0xC410]  }
0x2e5: {  	v3 =	vld [tilespmem:s15+$0xC420]  }
0x2e6: {  	v6 =	vld [tilespmem:s15+$0xC450]  }
0x2e7: {  	v4 =	vld [tilespmem:s15+$0xC430];
	v0 =	vmul.f32 $8.000000000e+00, v0  }
0x2e8: {  	v5 =	vld [tilespmem:s15+$0xC440];
	v1 =	vmul.f32 $8.000000000e+00, v1  }
0x2e9: {  	v7 =	vld [tilespmem:s15+$0xC460];
	[tilespmem:s15+$0x144F0] =	vst v0;
	v0 =	vmul.f32 $8.000000000e+00, v2  }
0x2ea: {  	v8 =	vld [tilespmem:s15+$0xC470];
	[tilespmem:s15+$0x14400] =	vst v1;
	v1 =	vmul.f32 $8.000000000e+00, v3  }
0x2eb: {  	v2 =	vmul.f32 $8.000000000e+00, v6;
	[tilespmem:s15+$0x14410] =	vst v0  }
0x2ec: {  	v9 =	vld [tilespmem:s15+$0xC480];
	v0 =	vmul.f32 $8.000000000e+00, v4;
	[tilespmem:s15+$0x14420] =	vst v1  }
0x2ed: {  	v4 =	vld [tilespmem:s15+$0xC490];
	v1 =	vmul.f32 $8.000000000e+00, v5;
	[tilespmem:s15+$0x14450] =	vst v2  }
0x2ee: {  	v3 =	vmul.f32 $8.000000000e+00, v7;
	[tilespmem:s15+$0x14430] =	vst v0;
	v0 =	vld [tilespmem:s15+$0xC4A0]  }
0x2ef: {  	v5 =	vmul.f32 $8.000000000e+00, v8;
	[tilespmem:s15+$0x14440] =	vst v1;
	v1 =	vld [tilespmem:s15+$0xC4B0]  }
0x2f0: {  	v2 =	vld [tilespmem:s15+$0xC4C0];
	[tilespmem:s15+$0x14460] =	vst v3  }
0x2f1: {  	v3 =	vld [tilespmem:s15+$0xC4D0];
	[tilespmem:s15+$0x14470] =	vst v5;
	v5 =	vmul.f32 $8.000000000e+00, v9  }
0x2f2: {  	s16 =	simm.s32 $0x800;
	s5 =	simm.s32 $0x100;
	v6 =	vmul.f32 $8.000000000e+00, v4;
	v4 =	vld [tilespmem:s15+$0xC4E0]  }
.LBB2_26:
0x2f3: {  	p0 =	sne.s32 s16, $0x7C00;
	v7 =	vld [tilespmem:s5+$0xC4F0];
	[tilespmem:s15+$0x14480] =	vst v5;
	v0 =	vmul.f32 $8.000000000e+00, v0  }
0x2f4: {  	v5 =	vld [tilespmem:s5+$0xC400];
	[tilespmem:s15+$0x14490] =	vst v6;
	v1 =	vmul.f32 $8.000000000e+00, v1  }
0x2f5: {  	v6 =	vld [tilespmem:s5+$0xC410];
	[tilespmem:s15+$0x144A0] =	vst v0;
	v0 =	vmul.f32 $8.000000000e+00, v2  }
0x2f6: {  	v2 =	vld [tilespmem:s5+$0xC420];
	[tilespmem:s15+$0x144B0] =	vst v1;
	v1 =	vmul.f32 $8.000000000e+00, v3  }
0x2f7: {  	v3 =	vld [tilespmem:s5+$0xC430];
	[tilespmem:s15+$0x144C0] =	vst v0;
	v0 =	vmul.f32 $8.000000000e+00, v4  }
0x2f8: {  	v4 =	vld [tilespmem:s5+$0xC440];
	v7 =	vmul.f32 $8.000000000e+00, v7;
	[tilespmem:s15+$0x144D0] =	vst v1  }
0x2f9: {  	v1 =	vmul.f32 $8.000000000e+00, v5;
	v5 =	vld [tilespmem:s5+$0xC450];
	[tilespmem:s15+$0x144E0] =	vst v0;
	s15 =	smov.u32 s5  }
0x2fa: {  	v0 =	vmul.f32 $8.000000000e+00, v6;
	v6 =	vld [tilespmem:s15+$0xC460];
	[tilespmem:s15+$0x144F0] =	vst v7  }
0x2fb: {  	[tilespmem:s15+$0x14400] =	vst v1;
	v1 =	vmul.f32 $8.000000000e+00, v2;
	v2 =	vld [tilespmem:s15+$0xC470]  }
0x2fc: {  	[tilespmem:s15+$0x14410] =	vst v0;
	v0 =	vmul.f32 $8.000000000e+00, v3;
	v3 =	vld [tilespmem:s15+$0xC480]  }
0x2fd: {  	[tilespmem:s15+$0x14420] =	vst v1;
	v1 =	vmul.f32 $8.000000000e+00, v4;
	v4 =	vld [tilespmem:s15+$0xC490]  }
.Ltmp12:
0x2fe: {  	[tilespmem:s15+$0x14430] =	vst v0;
	v5 =	vmul.f32 $8.000000000e+00, v5;
	v0 =	vld [tilespmem:s15+$0xC4A0];
	(pc) =	sbr.rel @p0 .LBB2_26-.Ltmp12, $4  }
0x2ff: {  	[tilespmem:s15+$0x14440] =	vst v1;
	v6 =	vmul.f32 $8.000000000e+00, v6;
	v1 =	vld [tilespmem:s15+$0xC4B0]  }
0x300: {  	[tilespmem:s15+$0x14450] =	vst v5;
	v7 =	vmul.f32 $8.000000000e+00, v2;
	v2 =	vld [tilespmem:s15+$0xC4C0]  }
0x301: {  	[tilespmem:s15+$0x14460] =	vst v6;
	v5 =	vmul.f32 $8.000000000e+00, v3;
	v3 =	vld [tilespmem:s15+$0xC4D0]  }
0x302: {  	s5 =	sshra.s32 s16, $0x2;
	s16 =	sadd.s32 $0x400, s16;
	[tilespmem:s15+$0x14470] =	vst v7;
	v6 =	vmul.f32 $8.000000000e+00, v4;
	v4 =	vld [tilespmem:s15+$0xC4E0]  }
0x303: {  	v7 =	vld [tilespmem:s5+$0xC4F0];
	[tilespmem:s15+$0x14480] =	vst v5;
	v0 =	vmul.f32 $8.000000000e+00, v0  }
0x304: {  	v5 =	vld [tilespmem:s5+$0xC400];
	[tilespmem:s15+$0x14490] =	vst v6;
	v1 =	vmul.f32 $8.000000000e+00, v1  }
0x305: {  	v6 =	vld [tilespmem:s5+$0xC410];
	[tilespmem:s15+$0x144A0] =	vst v0;
	v2 =	vmul.f32 $8.000000000e+00, v2  }
0x306: {  	v0 =	vld [tilespmem:s5+$0xC420];
	[tilespmem:s15+$0x144B0] =	vst v1;
	v3 =	vmul.f32 $8.000000000e+00, v3  }
0x307: {  	v1 =	vld [tilespmem:s5+$0xC430];
	[tilespmem:s15+$0x144C0] =	vst v2;
	v4 =	vmul.f32 $8.000000000e+00, v4  }
0x308: {  	v2 =	vld [tilespmem:s5+$0xC440];
	[tilespmem:s15+$0x144D0] =	vst v3;
	v7 =	vmul.f32 $8.000000000e+00, v7  }
0x309: {  	v3 =	vld [tilespmem:s5+$0xC450];
	[tilespmem:s15+$0x144E0] =	vst v4;
	v50 =	vmul.f32 $8.000000000e+00, v5  }
0x30a: {  	v51 =	vld [tilespmem:s5+$0xC460];
	[tilespmem:s5+$0x144F0] =	vst v7;
	v6 =	vmul.f32 $8.000000000e+00, v6  }
0x30b: {  	v52 =	vld [tilespmem:s5+$0xC470];
	[tilespmem:s5+$0x14400] =	vst v50;
	v0 =	vmul.f32 $8.000000000e+00, v0  }
0x30c: {  	v53 =	vld [tilespmem:s5+$0xC480];
	[tilespmem:s5+$0x14410] =	vst v6;
	v1 =	vmul.f32 $8.000000000e+00, v1  }
0x30d: {  	v54 =	vld [tilespmem:s5+$0xC490];
	[tilespmem:s5+$0x14420] =	vst v0;
	v2 =	vmul.f32 $8.000000000e+00, v2  }
0x30e: {  	v55 =	vld [tilespmem:s5+$0xC4A0];
	[tilespmem:s5+$0x14430] =	vst v1;
	v3 =	vmul.f32 $8.000000000e+00, v3  }
0x30f: {  	v56 =	vld [tilespmem:s5+$0xC4B0];
	[tilespmem:s5+$0x14440] =	vst v2;
	v5 =	vmul.f32 $8.000000000e+00, v51  }
0x310: {  	v57 =	vld [tilespmem:s5+$0xC4C0];
	v4 =	vmul.f32 $8.000000000e+00, v52;
	[tilespmem:s5+$0x14450] =	vst v3  }
0x311: {  	v58 =	vld [tilespmem:s5+$0xC4D0];
	v6 =	vmul.f32 $8.000000000e+00, v53;
	[tilespmem:s5+$0x14460] =	vst v5  }
0x312: {  	v59 =	vld [tilespmem:s5+$0xC4E0];
	v0 =	vmul.f32 $8.000000000e+00, v54;
	[tilespmem:s5+$0x14470] =	vst v4  }
0x313: {  	v1 =	vmul.f32 $8.000000000e+00, v55;
	[tilespmem:s5+$0x14480] =	vst v6  }
0x314: {  	v60 =	vmul.f32 $8.000000000e+00, v56;
	[tilespmem:s5+$0x14490] =	vst v0  }
0x315: {  	v61 =	vmul.f32 $8.000000000e+00, v57;
	[tilespmem:s5+$0x144A0] =	vst v1  }
0x316: {  	v62 =	vmul.f32 $8.000000000e+00, v58;
	[tilespmem:s5+$0x144B0] =	vst v60  }
0x317: {  	v63 =	vmul.f32 $8.000000000e+00, v59;
	[tilespmem:s5+$0x144C0] =	vst v61  }
0x318: {  	[tilespmem:s5+$0x144D0] =	vst v62  }
0x319: {  	s18 =	rddreg [dreg:$0xb];
	[tilespmem:s5+$0x144E0] =	vst v63  }
0x31a: {  	[hbm4b:s18+s3] =	stream.linear.scatter [tilespmem:s30], [sflag:$0x8], $0x2000, $0x38;
	[tilespmem:$0x16400] =	vst v63  }
0x31b: {  	_ =	swait.ge [sflag:s7], $0x2000  }
0x31c: {  	[sflag:s7] =	ssyncset.done $0x0  }
0x31d: {  	[sflag:s7] =	ssyncadd.s32 $0xFFFFE000  }
0x31e: {  	_ =	swait.ge [sflag:s8], $0x2000  }
0x31f: {  	[sflag:s8] =	ssyncset.done $0x0  }
0x320: {  	[sflag:s8] =	ssyncadd.s32 $0xFFFFE000  }
0x321: {  	_ =	swait.ge [sflag:s9], $0x2000  }
0x322: {  	[sflag:s9] =	ssyncset.done $0x0  }
0x323: {  	[sflag:s9] =	ssyncadd.s32 $0xFFFFE000  }
0x324: {  	_ =	swait.ge [sflag:s10], $0x2000  }
0x325: {  	s14 =	sadd.s32 $0x1, s14;
	s19 =	rddreg [dreg:$0xc]  }
0x326: {  	p0 =	sne.s32 s14, s19  }
.Ltmp13:
0x327: {  	_ = 	snop;
	(pc) =	sbr.rel @p0 .LBB2_1-.Ltmp13, $3  }
0x328: {  	_ =	sdelay $0x1  }
0x329: {  	[sflag:s10] =	ssyncset.done $0x0  }
0x32a: {  	[sflag:s10] =	ssyncadd.s32 $0xFFFFE000  }
0x32b: {  	_ =	sfence.sel $0x180000  }
0x32c: {  	[bflag:$0x0] =	sbarrier.arrive $0xFFFF  }
0x32d: {  	_ =	strace $0x90000047  }
0x32e: {  	s0 =	stileid.u32;
	[bflag:$0x2] =	sbarrier.arrive $0xFFFF  }
0x32f: {  	p0 =	sne.s32 s0, $0x0;
	s0 =	rddreg [dreg:$0x2]  }
0x330: {  	s0 =	sadd.s32 @!p0 $0x100000, s0  }
0x331: {  	[sflag:s0] =	ssyncadd.tile.s32 @!p0 $0x1;
	_ =	shalt  }
.Lfunc_end2:
_tile_overlayer_lowered:
.L_overlay_start_2:
0x332: {  	(tag) =	ssettag $0x2  }
0x333: {  	s0 =	rddreg [dreg:$0x0];
	s2 =	stileid.u32  }
0x334: {  	s1 =	rddreg [dreg:$0x1];
	p0 =	sne.s32 s2, $0x0  }
0x335: {  	s3 =	rddreg [dreg:$0x2];
	[bflag:$0x3] =	sbarrier.arrive $0xFFFF;
	s2 =	simm.s32 @!p0 $0x1C09  }
0x336: {  	[timem:s3], [sflag:s2] =	dma.local @!p0 [hbm:s0], s1  }
0x337: {  	s0 =	simm.s32 @!p0 $0x9  }
0x338: {  	_ =	swait.ge @!p0 [sflag:s0], s1  }
0x339: {  	s1 =	ssub.s32 @!p0 $0x0, s1;
	[sflag:s0] =	ssyncset.done @!p0 $0x0  }
0x33a: {  	[sflag:s0] =	ssyncadd.s32 @!p0 s1  }
0x33b: {  	[bflag:$0x3] =	sbarrier.arrive $0xFFFF  }
0x33c: {  	_ =	shalt  }

// kernel: sparse-core-data-format-call.cloned.1.call-start
scs
called_computation_lowered:
.L_overlay_start_0:
0x0: {  	s2 =	sld [smem:$0x3FD9]  }
0x1: {  	s3 =	sld [smem:$0x3FFE];
	_ =	sdelay $0x1  }
0x2: {  	s1 =	srdreg.scid  }
0x3: {  	s0 =	sand.u32 $0x1, s1  }
0x4: {  	s18 =	sshll.u32 s0, $0xA;
	s2 =	sadd.s32 s3, s2  }
0x5: {  	s2 =	sadd.s32 s2, s18  }
0x6: {  	[smem:$0x3FC6] =	sst s2  }
0x7: {  	_ = 	snop  }
0x8: {  	s2 =	sld [smem:$0x3FD0];
	(tm) =	ssettm $0x1  }
0x9: {  	s19 =	sld [smem:$0x3FFB];
	_ =	sdelay $0x3  }
0xa: {  	_ =	strace s19  }
0xb: {  	s3 =	sld [smem:$0x3FFC];
	_ =	sdelay $0x3  }
0xc: {  	_ =	strace s3  }
0xd: {  	s3 =	sld [smem:$0x3FFD];
	_ =	sdelay $0x3  }
0xe: {  	_ =	strace s3  }
0xf: {  	_ =	strace $0x8FFFFFFF  }
0x10: {  	s20 =	sld [smem:$0x3FDB];
	_ =	sdelay $0x1  }
0x11: {  	s4 =	simm.s32 $_scs_section_size  }
0x12: {  	s5 =	simm.s32 $_size__tile_overlayer_lowered;
	s6 =	simm.s32 $_tile_overlayer_lowered  }
0x13: {  	s23 =	simm.s32 $0x1BFF;
	s22 =	sshll.u32 s6, $0x1;
	s3 =	sadd.s32 s4, s20  }
0x14: {  	s7 =	simm.s32 $0x0;
	s21 =	sshll.u32 s5, $0x1;
	s5 =	sadd.s32 s22, s3  }
0x15: {  	[timem:s7], [sflag:s23] =	dma.local [hbm:s5], s21  }
0x16: {  	_ =	swait.ge [sflag:s23], s21  }
0x17: {  	s4 =	ssub.s32 $0x0, s21;
	[sflag:s23] =	ssyncset.done $0x0  }
0x18: {  	[sflag:s23] =	ssyncadd.s32 s4;
	_ =	sdelay $0x1  }
0x19: {  	s24 =	simm.s32 $0x1B8B  }
0x1a: {  	_ =	swait.ge [sflag:s24], $0x1  }
0x1b: {  	[sflag:s24] =	ssyncset.done $0x0  }
0x1c: {  	s26 =	simm.s32 $0x1B8E;
	s25 =	sld [smem:$0x3FFE];
	[sflag:s24] =	ssyncadd.s32 $0xFFFFFFFF  }
0x1d: {  	s27 =	simm.s32 $execute0_lowered;
	[smem:$0x3FD2] =	sst s26  }
0x1e: {  	s5 =	sshll.u32 s27, $0x1;
	_ =	strace $0x80000049;
	[dreg:$0x1] =	wrdreg $0xFFFFFFFF  }
0x1f: {  	s28 =	simm.s32 $_size_execute0_lowered;
	s3 =	sadd.s32 s3, s5;
	[dreg:$0x0] =	wrdreg $0x0  }
0x20: {  	s5 =	sshll.u32 s28, $0x1;
	[dreg:$0x2] =	wrdreg s3  }
0x21: {  	[dreg:$0x3] =	wrdreg s5  }
0x22: {  	[dreg:$0x4] =	wrdreg $0xC0  }
0x23: {  	_ =	task [dreg:s7], $0x5FFFF  }
0x24: {  	[dreg:$0x1] =	wrdreg $0xFFFFFFFF  }
0x25: {  	[dreg:$0x0] =	wrdreg $0x60  }
0x26: {  	[dreg:$0x2] =	wrdreg s25  }
0x27: {  	[dreg:$0x3] =	wrdreg s2  }
0x28: {  	[dreg:$0x4] =	wrdreg $0x9  }
0x29: {  	_ =	task.clear_ibuf [dreg:s7], $0x5FFFF;
	_ =	strace $0x90000049  }
0x2a: {  	s29 =	simm.s32 $0x9;
	_ =	strace $0x8000004B  }
0x2b: {  	_ =	swait.ge [sflag:s29], $0x1  }
0x2c: {  	[sflag:s29] =	ssyncadd.s32 $0xFFFFFFFF  }
0x2d: {  	_ =	strace $0x9000004B  }
0x2e: {  	_ =	sfence  }
0x2f: {  	s30 =	sld [smem:$0x0];
	_ =	sdelay $0x2  }
0x30: {  	s31 =	sshll.u32 s1, $0xD;
	s1 =	sshrl.u32 s1, $0x2  }
0x31: {  	s3 =	sand.u32 $0x4000, s31;
	s1 =	sadd.s32 s1, s30  }
0x32: {  	s0 =	sor.u32 s3, s0;
	s1 =	sshll.u32 s1, $0x11  }
0x33: {  	s0 =	sor.u32 s1, s0  }
0x34: {  	s0 =	sadd.s32 $0x8F2B, s0  }
0x35: {  	[sflag:s0] =	ssyncadd.remote.s32 $0x1  }
0x36: {  	_ =	sfence.sel $0xFFFF  }
0x37: {  	[dreg:$0x0] =	wrdreg $0xFFFFFFFF;
	(pc) =	sbr.abs _section_cstart, $3  }
0x38: {  	[dreg:$0x1] =	wrdreg $0xFFFFFFFF  }
0x39: {  	_ =	task.clear_ibuf [dreg:s7], $0x2FFFF;
	_ =	strace $0x9FFFFFFF  }
0x3a: {  	(tm) =	ssettm $0x7FFFFFFF  }
0x3b: {  	_ =	shalt  }
tec
execute0_lowered:
.L_overlay_start_1:
0x0: {  	(tag) =	ssettag $0x1  }
0x1: {  	s0 =	srdreg.scid  }
0x2: {  	s1 =	sshll.u32 s0, $0x4  }
0x3: {  	s0 =	stileid.u32;
	s1 =	sand.u32 $0x10, s1  }
0x4: {  	s1 =	sor.u32 s0, s1  }
0x5: {  	s6 =	rddreg [dreg:$0x0];
	s4 =	simm.s32 $0x1;
	s2 =	sshll.u32 s1, $0x7  }
0x6: {  	s7 =	simm.s32 $0x2;
	s12 =	simm.s32 $0x0;
	s1 =	ssub.s32 $0x1000, s2  }
0x7: {  	s8 =	simm.s32 $0x8000;
	s13 =	simm.s32 $0x0;
	s3 =	sand.u32 $0xF80, s1  }
0x8: {  	s9 =	simm.s32 $0x0;
	s5 =	sshrl.u32 s1, $0xC;
	p0 =	sne.s32 s3, $0x0  }
.Ltmp0:
0x9: {  	s1 =	rddreg [dreg:$0x2];
	s4 =	simm.s32 @!p0 $0x0;
	(pc) =	sbr.rel .LBB1_1-.Ltmp0, $4  }
0xa: {  	s11 =	simm.s32 $0x0;
	s3 =	rddreg [dreg:$0x1];
	s5 =	sadd.s32 s4, s5  }
0xb: {  	_ =	strace $0x8000004A;
	s4 =	simm.s32 $0x1;
	s5 =	smul.u32 $0xC8, s5  }
0xc: {  	s6 =	sadd.s32 $0xA00, s6;
	s10 =	smov.u32 s2;
	[sflag:s4] =	ssyncpa.u1 $0x0  }
0xd: {  	p0 =	por $0x0, $0x0;
	[sflag:s7] =	ssyncpa.u1 $0x0;
	s7 =	sor.u32 $0x1, s5  }
.LBB1_4:
0xe: {  	s16 =	sshll.u32 s13, $0x3;
	s17 =	sand.u32 $0x78, s13  }
0xf: {  	s30 =	sand.u32 $0x7E00, s13;
	s12 =	sshll.u32 s12, $0xF;
	s16 =	sand.u32 $0xC00, s16  }
0x10: {  	[tilespmem:s15+$0x810 ss:$0x81] =	vst.msk $0xffff, v2;
	s31 =	sand.u32 $0x7, s13;
	s16 =	sor.u32 s17, s16;
	s17 =	sadd.s32 s3, s30  }
0x11: {  	[tilespmem:s15+$0x1020 ss:$0x81] =	vst.msk $0xffff, v0;
	s13 =	sshll.u32 s31, $0x12;
	s12 =	sadd.s32 s12, s17;
	s16 =	sshrl.u32 s16, $0x3  }
0x12: {  	[tilespmem:s15+$0x0 ss:$0x81] =	vst.msk $0xffff, v1;
	s13 =	sor.u32 $0x400, s13;
	s12 =	sadd.s32 s16, s12  }
0x13: {  	[hbm4b:s12+s13] =	stream.strided.scatter [tilespmem:s14], [sflag:$0x2], $0x2000, s8, s13, $0x20;
	[tilespmem:$0x8080] =	vst v63  }
.LBB1_5:
0x14: {  	s14 =	sadd.s32 $0x1, s9  }
0x15: {  	s12 =	sadd.s32 $0x1000, s10;
	s16 =	smov.u32 s10;
	p2 =	sgt.s32 s14, $0xC7  }
0x16: {  	s16 =	smov.u32 @p2 s12  }
0x17: {  	s14 =	simm.s32 @p2 $0x0;
	p2 =	sgt.s32 s16, $0xFFF  }
0x18: {  	s16 =	smov.u32 @p2 s2;
	p2 =	sne.s32 s11, s7  }
.Ltmp1:
0x19: {  	p1 =	slt.u32 s11, $0x2;
	(pc) =	sbr.rel @!p2 .LBB1_6-.Ltmp1, $4  }
0x1a: {  	s15 =	simm.s32 @!p1 $0x2  }
0x1b: {  	s13 =	smov.u32 s10;
	p0 =	por !p0, !p0;
	_ =	swait.ge @!p1 [sflag:s15], $0x2000  }
0x1c: {  	s12 =	smov.u32 s9;
	[sflag:s15] =	ssyncset.done @!p1 $0x0;
	s9 =	smov.u32 s14  }
0x1d: {  	s11 =	sadd.s32 $0x1, s11;
	[sflag:s15] =	ssyncadd.s32 @!p1 $0xFFFFE000;
	s10 =	smov.u32 s16  }
.LBB1_1:
0x1e: {  	p1 =	sge.u32 s11, s5  }
0x1f: {  	s14 =	sand.u32 @!p1 $0x1FFFFFF, s9  }
0x20: {  	s15 =	smulhi.u32 @!p1 $0x147AE15, s14;
	_ =	sdelay $0x1  }
0x21: {  	s15 =	smul.u32 @!p1 $0xC8, s15  }
0x22: {  	s16 =	sxor.u32 @!p1 $0xFFFFFFFF, s11;
	s17 =	smul.u32 @!p1 $0xC80, s10  }
0x23: {  	s31 =	sadd.s32 $0xFFFFFFFF, s11;
	s16 =	sshll.u32 @!p1 s16, $0xD;
	s14 =	ssub.s32 @!p1 s14, s15  }
0x24: {  	s15 =	sand.u32 @!p1 $0x2000, s16;
	s16 =	sadd.s32 @!p1 s6, s17;
	s14 =	sshll.u32 @!p1 s14, $0x4  }
0x25: {  	s17 =	simm.s32 @!p1 $0x6400;
	s14 =	sadd.s32 @!p1 s14, s16;
	s16 =	simm.s32 @!p1 $0x40  }
0x26: {  	[tilespmem:s15], [sflag:$0x1] =	stream.strided.gather @!p1 [hbm4b:s14+s16], $0x2000, s17, s16, $0x38;
	[tilespmem:$0x8080] =	vst v63  }
0x27: {  	p1 =	sge.u32 s31, s5  }
.Ltmp2:
0x28: {  	_ = 	snop;
	(pc) =	sbr.rel @p1 .LBB1_5-.Ltmp2, $1  }
0x29: {  	_ =	sdelay $0x3  }
0x2a: {  	s14 =	simm.s32 $0x1  }
0x2b: {  	_ =	swait.ge [sflag:s4], $0x2000;
	s14 =	simm.s32 @!p0 $0x0  }
0x2c: {  	[sflag:s4] =	ssyncset.done $0x0;
	s15 =	sshll.u32 s14, $0xD  }
0x2d: {  	[sflag:s4] =	ssyncadd.s32 $0xFFFFE000;
	s18 =	sor.u32 $0x20, s15  }
0x2e: {  	s14 =	smul.u32 $0x8100, s14;
	v3 =	vld [tilespmem:s18+$0x10]  }
0x2f: {  	s30 =	sand.u32 $0x1, s11;
	v2 =	vld [tilespmem:s18+$0xFFFFFFF0]  }
0x30: {  	s15 =	smul.u32 $0x8100, s30;
	s14 =	sshrl.u32 s14, $0x2;
	v0 =	vld [tilespmem:s18+$0x0]  }
0x31: {  	v1 =	vld [tilespmem:s18+$0xFFFFFFE0];
	s16 =	sor.u32 $0x4000, s14  }
0x32: {  	s31 =	sshrl.u32 s15, $0x2;
	s15 =	sadd.s32 $0x0, s16  }
0x33: {  	s17 =	simm.s32 $0x4;
	s18 =	sadd.s32 $0x40, s18;
	s14 =	sor.u32 $0x4000, s31;
	[tilespmem:s15+$0x1830 ss:$0x81] =	vst.msk $0xffff, v3  }
.LBB1_3:
0x34: {  	v3 =	vld [tilespmem:s18+$0x10];
	p1 =	sne.s32 s17, $0x1FC;
	[tilespmem:s15+$0x810 ss:$0x81] =	vst.msk $0xffff, v2;
	s19 =	smov.u32 s17;
	s17 =	sadd.s32 $0x4, s17  }
.Ltmp3:
0x35: {  	v2 =	vld [tilespmem:s18+$0xFFFFFFF0];
	[tilespmem:s15+$0x1020 ss:$0x81] =	vst.msk $0xffff, v0;
	(pc) =	sbr.rel @p1 .LBB1_3-.Ltmp3, $4  }
0x36: {  	v0 =	vld [tilespmem:s18+$0x0];
	[tilespmem:s15+$0x0 ss:$0x81] =	vst.msk $0xffff, v1  }
0x37: {  	s15 =	sshra.s32 s19, $0x2;
	v1 =	vld [tilespmem:s18+$0xFFFFFFE0]  }
0x38: {  	s15 =	sadd.s32 s15, s16  }
0x39: {  	s18 =	sadd.s32 $0x40, s18;
	[tilespmem:s15+$0x1830 ss:$0x81] =	vst.msk $0xffff, v3  }
.Ltmp4:
0x3a: {  	_ = 	snop;
	(pc) =	sbr.rel .LBB1_4-.Ltmp4, $1  }
0x3b: {  	_ =	sdelay $0x3  }
.LBB1_6:
0x3c: {  	_ =	sfence.sel $0x180000  }
0x3d: {  	s2 =	simm.s32 $0x1;
	[bflag:$0x0] =	sbarrier.arrive $0xFFFF  }
0x3e: {  	s31 =	simm.s32 $0x2;
	[sflag:s2] =	ssyncpa.u1 $0x1  }
0x3f: {  	[sflag:s31] =	ssyncpa.u1 $0x1  }
0x40: {  	p0 =	sne.s32 s0, $0x0;
	_ =	strace $0x9000004A  }
0x41: {  	s0 =	sadd.s32 @!p0 $0x100000, s1;
	[bflag:$0x2] =	sbarrier.arrive $0xFFFF  }
0x42: {  	[sflag:s0] =	ssyncadd.tile.s32 @!p0 $0x1;
	_ =	shalt  }
.Lfunc_end1:
_tile_overlayer_lowered:
.L_overlay_start_2:
0x43: {  	(tag) =	ssettag $0x2  }
0x44: {  	s0 =	rddreg [dreg:$0x0];
	s2 =	stileid.u32  }
0x45: {  	s1 =	rddreg [dreg:$0x1];
	p0 =	sne.s32 s2, $0x0  }
0x46: {  	s3 =	rddreg [dreg:$0x2];
	[bflag:$0x3] =	sbarrier.arrive $0xFFFF;
	s2 =	simm.s32 @!p0 $0x1C01  }
0x47: {  	[timem:s3], [sflag:s2] =	dma.local @!p0 [hbm:s0], s1  }
0x48: {  	s0 =	simm.s32 @!p0 $0x1  }
0x49: {  	_ =	swait.ge @!p0 [sflag:s0], s1  }
0x4a: {  	s1 =	ssub.s32 @!p0 $0x0, s1;
	[sflag:s0] =	ssyncset.done @!p0 $0x0  }
0x4b: {  	[sflag:s0] =	ssyncadd.s32 @!p0 s1  }
0x4c: {  	[bflag:$0x3] =	sbarrier.arrive $0xFFFF  }
0x4d: {  	_ =	shalt  }

</sc_bundles>
